<compile_context>
chip_gen: v7x
topology: tpu7x:2x2x1
jax: 0.10.2.dev20260603
libtpu: 0.0.44.dev20260713+nightly
codegen_flags: <defaults>
</compile_context>

<pallas_src>
import dataclasses
import functools

import jax
import jax.numpy as jnp
from jax import lax
from jax.experimental import pallas as pl
from jax.experimental.pallas import tpu as pltpu
from jax.experimental.pallas import tpu_sc as plsc

N = 10000
E = 320000
C_IN = 128
C_HID = 128
C_OUT = 64
HEADS = 4
CW = 64

NC = 2
NS = 16
NW = NC * NS

B = 128
NBUF = 8
PF = 4
J0 = 80
TOTB = NW * J0
E_PAD = TOTB * B
DEG_J = TOTB // NW
ACC_ROWS = 10240
ROWS_PER_TILE_Z = ACC_ROWS // NS
FLUSH_SMALL = 624
FLUSH_LAST = N - (NS - 1) * FLUSH_SMALL
DUMP = N


@functools.cache
def _mesh():
    return plsc.VectorSubcoreMesh(
        core_axis_name="c", subcore_axis_name="s", num_cores=NC, num_subcores=NS
    )


@functools.cache
def _mesh1():
    return plsc.VectorSubcoreMesh(
        core_axis_name="c", subcore_axis_name="s", num_cores=1, num_subcores=NS
    )


_SC_PARAMS = pltpu.CompilerParams(use_tc_tiling_on_sc=False)
_SC_PARAMS_NOLAYOUT = dataclasses.replace(_SC_PARAMS, needs_layout_passes=False)


def _zero_buf(buf):
    rows, cols = buf.shape

    @pl.loop(0, rows)
    def _(i):
        @pl.loop(0, cols, step=16)
        def _(k):
            buf[i, pl.ds(k, 16)] = jnp.zeros((16,), jnp.float32)


def _fill_ones(buf):
    rows, cols = buf.shape

    @pl.loop(0, rows)
    def _(i):
        @pl.loop(0, cols, step=16)
        def _(k):
            buf[i, pl.ds(k, 16)] = jnp.ones((16,), jnp.float32)


def _zero_acc(acc, zbuf, sid):
    nz = ROWS_PER_TILE_Z // B

    @pl.loop(0, nz)
    def _(r):
        pltpu.sync_copy(zbuf, acc.at[pl.ds(sid * ROWS_PER_TILE_Z + r * B, B)])


def _flush(acc, out_hbm, cid, sid):
    start = pl.multiple_of(sid * FLUSH_SMALL, 8)

    @pl.when(sid < NS - 1)
    def _():
        pltpu.sync_copy(
            acc.at[pl.ds(start, FLUSH_SMALL)],
            out_hbm.at[cid].at[pl.ds(start, FLUSH_SMALL)],
        )

    @pl.when(sid == NS - 1)
    def _():
        base = (NS - 1) * FLUSH_SMALL
        pltpu.sync_copy(
            acc.at[pl.ds(base, FLUSH_LAST)],
            out_hbm.at[cid].at[pl.ds(base, FLUSH_LAST)],
        )


@functools.cache
def _make_deg():
    return functools.partial(
        pl.kernel,
        out_type=jax.ShapeDtypeStruct((NC, N, 16), jnp.float32),
        mesh=_mesh(),
        scratch_types=[
            pltpu.VMEM((DEG_J, B), jnp.int32),
            pltpu.VMEM((B, 16), jnp.float32),
            pltpu.VMEM_SHARED((ACC_ROWS, 16), jnp.float32),
        ],
        compiler_params=_SC_PARAMS,
    )(_deg_body)


def _deg_body(dst_hbm, out_hbm, dst_v, ones_v, acc):
    cid = lax.axis_index("c")
    sid = lax.axis_index("s")
    wid = cid * NS + sid

    pltpu.sync_copy(dst_hbm.at[wid], dst_v)

    _zero_buf(ones_v)
    _zero_acc(acc, ones_v, sid)
    plsc.subcore_barrier()

    _fill_ones(ones_v)

    @pl.loop(0, DEG_J)
    def _(j):
        pltpu.sync_copy(ones_v, acc.at[dst_v.at[j]], add=True)

    plsc.subcore_barrier()
    _flush(acc, out_hbm, cid, sid)


@functools.cache
def _make_spmm(n_tab):

    @functools.partial(
        pl.kernel,
        out_type=[jax.ShapeDtypeStruct((NC, N, CW), jnp.float32)] * n_tab,
        mesh=_mesh(),
        scratch_types=(
            [
                pltpu.VMEM((DEG_J, B), jnp.int32),
                pltpu.VMEM((DEG_J, B), jnp.int32),
            ]
            + [pltpu.VMEM((B, CW), jnp.float32)] * NBUF
            + [pltpu.VMEM_SHARED((ACC_ROWS, CW), jnp.float32)]
            + [pltpu.SemaphoreType.DMA] * (2 * NBUF)
        ),
        compiler_params=_SC_PARAMS,
    )
    def spmm(src_hbm, dst_hbm, *rest):
        tabs = rest[:n_tab]
        outs = rest[n_tab : 2 * n_tab]
        sc = rest[2 * n_tab :]
        src_v, dst_v = sc[0], sc[1]
        bufs = sc[2 : 2 + NBUF]
        acc = sc[2 + NBUF]
        sem_g = sc[3 + NBUF : 3 + 2 * NBUF]
        sem_s = sc[3 + 2 * NBUF :]

        cid = lax.axis_index("c")
        sid = lax.axis_index("s")

        pltpu.sync_copy(src_hbm.at[sid + cid * NS], src_v)
        pltpu.sync_copy(dst_hbm.at[sid + cid * NS], dst_v)
        jbase = 0

        def gather(tab, m, b):
            pltpu.async_copy(tab.at[src_v.at[jbase + m]], bufs[b], sem_g[b])

        def wait_gather(tab, j, b):
            pltpu.make_async_copy(
                tab.at[src_v.at[jbase + j]], bufs[b], sem_g[b]
            ).wait()

        def scatter(j, b):
            pltpu.async_copy(
                bufs[b], acc.at[dst_v.at[jbase + j]], sem_s[b], add=True
            )

        def wait_scatter(j, b):
            pltpu.make_async_copy(
                bufs[b], acc.at[dst_v.at[jbase + j]], sem_s[b]
            ).wait()

        def run(tab):
            def sslot(j, b, do_issue):
                wait_gather(tab, j, b)
                pltpu.sync_copy(bufs[b], acc.at[dst_v.at[j]], add=True)
                if do_issue:
                    gather(tab, j + 2, b)

            gather(tab, 0, 0)
            gather(tab, 1, 1)

            @pl.loop(0, J0 // 2 - 1)
            def _(g):
                sslot(2 * g, 0, True)
                sslot(2 * g + 1, 1, True)

            sslot(J0 - 2, 0, False)
            sslot(J0 - 1, 1, False)

        for t in range(n_tab):
            tab = tabs[t]

            _zero_buf(bufs[0])
            _zero_acc(acc, bufs[0], sid)
            plsc.subcore_barrier()

            run(tab)

            plsc.subcore_barrier()
            _flush(acc, outs[t], cid, sid)
            plsc.subcore_barrier()

    return spmm


def _dinv_from_degp(degp):
    deg = degp[0] + degp[1] + 1.0
    return lax.rsqrt(deg[:, 0:1])


NT1 = C_HID // CW
NT2 = HEADS * C_OUT // CW


def _combine(pref):
    s = pref[0]
    for c in range(1, pref.shape[0]):
        s = s + pref[c]
    return s


def _tc1_body(x_ref, w1_ref, degp_ref, dinv_ref, *xs_refs):
    dinv = _dinv_from_degp(degp_ref[...])
    dinv_ref[...] = dinv
    xw = jnp.dot(x_ref[...], w1_ref[...], preferred_element_type=jnp.float32)
    xs = xw * dinv
    for k, xs_ref in enumerate(xs_refs):
        xs_ref[...] = xs[:, k * CW : (k + 1) * CW]


def _tc2_body(*refs):
    s1_refs = refs[:NT1]
    xs_refs = refs[NT1 : 2 * NT1]
    dinv_ref, b1_ref, wof_ref = refs[2 * NT1 : 2 * NT1 + 3]
    hs_refs = refs[2 * NT1 + 3 :]
    dinv = dinv_ref[...]
    hs = None
    for k in range(NT1):
        hk = jnp.maximum(
            (_combine(s1_refs[k]) + xs_refs[k][...]) * dinv
            + b1_ref[:, k * CW : (k + 1) * CW],
            0.0,
        )
        part = jnp.dot(
            hk,
            wof_ref[k * CW : (k + 1) * CW, :],
            preferred_element_type=jnp.float32,
        )
        hs = part if hs is None else hs + part
    hs = hs * dinv
    for k, hs_ref in enumerate(hs_refs):
        hs_ref[...] = hs[:, k * CW : (k + 1) * CW]


def _tc3_body(*refs):
    s2_refs = refs[:NT2]
    hs_refs = refs[NT2 : 2 * NT2]
    dinv_ref, bof_ref, o_ref = refs[2 * NT2 :]
    dinv = dinv_ref[...]
    for k in range(NT2):
        ok = (_combine(s2_refs[k]) + hs_refs[k][...]) * dinv
        o_ref[:, k * CW : (k + 1) * CW] = ok + bof_ref[:, k * CW : (k + 1) * CW]


def _row_block(shape, rb, row_axis):
    blk = list(shape)
    blk[row_axis] = rb
    nd = len(shape)

    def idx(i):
        return tuple(i if d == row_axis else 0 for d in range(nd))

    return pl.BlockSpec(tuple(blk), idx)


def kernel(x, edge_index, W1, b1, Wo, bo):
    src = edge_index[0].astype(jnp.int32)
    dst = edge_index[1].astype(jnp.int32)

    pad = E_PAD - E
    src_f = jnp.concatenate([src, jnp.zeros((pad,), jnp.int32)])
    dst_f = jnp.concatenate([dst, jnp.full((pad,), DUMP, jnp.int32)])
    src_t = src_f.reshape(NW, DEG_J, B)
    dst_deg = dst_f.reshape(NW, DEG_J, B)

    wof = Wo.transpose(1, 0, 2).reshape(C_HID, HEADS * C_OUT)
    bof = bo.reshape(1, HEADS * C_OUT)
    b1r = b1.reshape(1, C_HID)

    degp = _make_deg()(dst_deg)

    rb = 2000
    grid = (N // rb,)
    f32 = jnp.float32
    degp_spec = _row_block((NC, N, 16), rb, 1)
    dinv_spec = _row_block((N, 1), rb, 0)

    xs = pl.pallas_call(
        _tc1_body,
        grid=grid,
        in_specs=[
            _row_block((N, C_IN), rb, 0),
            pl.BlockSpec((C_IN, C_HID), lambda i: (0, 0)),
            degp_spec,
        ],
        out_specs=[dinv_spec] + [_row_block((N, CW), rb, 0)] * NT1,
        out_shape=[jax.ShapeDtypeStruct((N, 1), f32)]
        + [jax.ShapeDtypeStruct((N, CW), f32)] * NT1,
    )(x, W1, degp)
    dinv = xs[0]
    xs = xs[1:]

    s1 = _make_spmm(NT1)(src_t, dst_deg, *xs)

    hs = pl.pallas_call(
        _tc2_body,
        grid=grid,
        in_specs=[_row_block((NC, N, CW), rb, 1)] * NT1
        + [_row_block((N, CW), rb, 0)] * NT1
        + [
            dinv_spec,
            pl.BlockSpec((1, C_HID), lambda i: (0, 0)),
            pl.BlockSpec((C_HID, HEADS * C_OUT), lambda i: (0, 0)),
        ],
        out_specs=[_row_block((N, CW), rb, 0)] * NT2,
        out_shape=[jax.ShapeDtypeStruct((N, CW), f32)] * NT2,
    )(*s1, *xs, dinv, b1r, wof)

    s2 = _make_spmm(NT2)(src_t, dst_deg, *hs)

    out_flat = pl.pallas_call(
        _tc3_body,
        grid=grid,
        in_specs=[_row_block((NC, N, CW), rb, 1)] * NT2
        + [_row_block((N, CW), rb, 0)] * NT2
        + [
            dinv_spec,
            pl.BlockSpec((1, HEADS * C_OUT), lambda i: (0, 0)),
        ],
        out_specs=_row_block((N, HEADS * C_OUT), rb, 0),
        out_shape=jax.ShapeDtypeStruct((N, HEADS * C_OUT), f32),
    )(*s2, *hs, dinv, bof)

    return out_flat.reshape(N, HEADS, C_OUT).transpose(1, 0, 2)

# --- scband reference (transcript-rebuilt; emitter-appended) ---
"""Pipeline reference for scband-gnnmodel-33758442946626 (READ-ONLY COPY).

The authoritative reference and input builder live on the scoring server;
editing this copy changes nothing except your own understanding.
"""

import jax, jax.numpy as jnp
import numpy as np

N_NODES = 10000
N_EDGES = 320000
C_IN = 128
C_HIDDEN = 128
C_OUT = 64
M_HEADS = 4


def gcn_conv(x, src, dst, W, b, n):
    # PyG GCNConv with add_self_loops=True, normalize=True, bias=True
    xw = x @ W
    ones = jnp.ones(src.shape[0], dtype=x.dtype)
    deg = jax.ops.segment_sum(ones, dst, num_segments=n)
    dinv = jnp.where(deg > 0, 1.0 / jnp.sqrt(deg), 0.0)
    norm = dinv[src] * dinv[dst]
    msg = xw[src] * norm[:, None]
    out = jax.ops.segment_sum(msg, dst, num_segments=n)
    return out + b


def setup_inputs(seed: int = 0) -> dict:
    key = jax.random.key(seed)
    k1, k2, k3, k4, k5, k6 = jax.random.split(key, 6)
    x = jax.random.normal(k1, (N_NODES, C_IN), dtype=jnp.float32)
    edge_index = jax.random.randint(k2, (2, N_EDGES), 0, N_NODES, dtype=jnp.int64)
    W1 = jax.random.normal(k3, (C_IN, C_HIDDEN), dtype=jnp.float32) * (1.0 / np.sqrt(C_IN))
    b1 = jnp.zeros((C_HIDDEN,), dtype=jnp.float32)
    Wo = jax.random.normal(k4, (M_HEADS, C_HIDDEN, C_OUT), dtype=jnp.float32) * (1.0 / np.sqrt(C_HIDDEN))
    bo = jnp.zeros((M_HEADS, C_OUT), dtype=jnp.float32)
    return {"x": x, "edge_index": edge_index, "W1": W1, "b1": b1, "Wo": Wo, "bo": bo}


def reference(x, edge_index, W1, b1, Wo, bo):
    n = x.shape[0]
    # add self loops once, reused by all layers
    loop = jnp.arange(n, dtype=edge_index.dtype)
    src = jnp.concatenate([edge_index[0], loop])
    dst = jnp.concatenate([edge_index[1], loop])
    # hidden layer (num_layers=2 -> one hidden GCN + ReLU)
    h = gcn_conv(x, src, dst, W1, b1, n)
    h = jax.nn.relu(h)
    # m=4 output GCN layers, stacked
    outs = [gcn_conv(h, src, dst, Wo[i], bo[i], n) for i in range(Wo.shape[0])]
    return jnp.stack(outs, axis=0)

if __name__ == "__main__":
    import jax
    _d = setup_inputs()
    print(jax.jit(kernel)(*tuple(_d.values())))

</pallas_src>

<mosaic_0001>
#map = affine_map<(d0, d1) -> (0, 0, 0)>
#map1 = affine_map<(d0, d1) -> (0, 0)>
module attributes {stable_mosaic.version = 14 : i64} {
  func.func @spmm(%arg0: i32, %arg1: i32, %arg2: memref<32x80x128xi32, #tpu.memory_space<hbm>>, %arg3: memref<32x80x128xi32, #tpu.memory_space<hbm>>, %arg4: memref<10000x64xf32, #tpu.memory_space<hbm>>, %arg5: memref<10000x64xf32, #tpu.memory_space<hbm>>, %arg6: memref<10000x64xf32, #tpu.memory_space<hbm>>, %arg7: memref<10000x64xf32, #tpu.memory_space<hbm>>, %arg8: memref<2x10000x64xf32, #tpu.memory_space<hbm>>, %arg9: memref<2x10000x64xf32, #tpu.memory_space<hbm>>, %arg10: memref<2x10000x64xf32, #tpu.memory_space<hbm>>, %arg11: memref<2x10000x64xf32, #tpu.memory_space<hbm>>, %arg12: memref<80x128xi32, #tpu.memory_space<vmem>>, %arg13: memref<80x128xi32, #tpu.memory_space<vmem>>, %arg14: memref<128x64xf32, #tpu.memory_space<vmem>>, %arg15: memref<128x64xf32, #tpu.memory_space<vmem>>, %arg16: memref<128x64xf32, #tpu.memory_space<vmem>>, %arg17: memref<128x64xf32, #tpu.memory_space<vmem>>, %arg18: memref<128x64xf32, #tpu.memory_space<vmem>>, %arg19: memref<128x64xf32, #tpu.memory_space<vmem>>, %arg20: memref<128x64xf32, #tpu.memory_space<vmem>>, %arg21: memref<128x64xf32, #tpu.memory_space<vmem>>, %arg22: memref<10240x64xf32, #tpu.memory_space<vmem_shared>>, %arg23: memref<!tpu.dma_semaphore, #tpu.memory_space<semaphore_mem>>, %arg24: memref<!tpu.dma_semaphore, #tpu.memory_space<semaphore_mem>>, %arg25: memref<!tpu.dma_semaphore, #tpu.memory_space<semaphore_mem>>, %arg26: memref<!tpu.dma_semaphore, #tpu.memory_space<semaphore_mem>>, %arg27: memref<!tpu.dma_semaphore, #tpu.memory_space<semaphore_mem>>, %arg28: memref<!tpu.dma_semaphore, #tpu.memory_space<semaphore_mem>>, %arg29: memref<!tpu.dma_semaphore, #tpu.memory_space<semaphore_mem>>, %arg30: memref<!tpu.dma_semaphore, #tpu.memory_space<semaphore_mem>>, %arg31: memref<!tpu.dma_semaphore, #tpu.memory_space<semaphore_mem>>, %arg32: memref<!tpu.dma_semaphore, #tpu.memory_space<semaphore_mem>>, %arg33: memref<!tpu.dma_semaphore, #tpu.memory_space<semaphore_mem>>, %arg34: memref<!tpu.dma_semaphore, #tpu.memory_space<semaphore_mem>>, %arg35: memref<!tpu.dma_semaphore, #tpu.memory_space<semaphore_mem>>, %arg36: memref<!tpu.dma_semaphore, #tpu.memory_space<semaphore_mem>>, %arg37: memref<!tpu.dma_semaphore, #tpu.memory_space<semaphore_mem>>, %arg38: memref<!tpu.dma_semaphore, #tpu.memory_space<semaphore_mem>>) attributes {dimension_semantics = [#tpu.dimension_semantics<core_parallel>, #tpu.dimension_semantics<subcore_parallel>], iteration_bounds = array<i64: 2, 16>, scalar_prefetch = 0 : i64, scratch_operands = 27 : i64, tpu.core_type = #tpu.core_type<sc_vector_subcore>, window_params = [{transform_indices = #map}, {transform_indices = #map}, {transform_indices = #map1}, {transform_indices = #map1}, {transform_indices = #map1}, {transform_indices = #map1}, {transform_indices = #map}, {transform_indices = #map}, {transform_indices = #map}, {transform_indices = #map}]} {
    %mul3A = arith.constant 16 : i32
    %mul3A_0 = arith.muli %arg0, %mul3A : i32
    %add3A = arith.addi %arg1, %mul3A_0 : i32
    "tpu.region"() ({
      %run_scoped3A_238 = tpu.sem_alloc : memref<!tpu.dma_semaphore, #tpu.memory_space<semaphore_mem>>
      %dma_start3A_239 = arith.constant 0 : i32
      %dma_start3A_240 = arith.constant 0 : i32
      %dma_start3A_241 = tpu.memref_slice %arg2[%add3A, %dma_start3A_239, %dma_start3A_240] : memref<32x80x128xi32, #tpu.memory_space<hbm>> -> memref<1x80x128xi32, #tpu.memory_space<hbm>>
      %dma_start3A_242 = tpu.memref_squeeze %dma_start3A_241 : memref<1x80x128xi32, #tpu.memory_space<hbm>> -> memref<80x128xi32, #tpu.memory_space<hbm>>
      %dma_start3A_243 = arith.constant 0 : i32
      %dma_start3A_244 = arith.constant 0 : i32
      %dma_start3A_245 = tpu.memref_slice %arg2[%add3A, %dma_start3A_243, %dma_start3A_244] : memref<32x80x128xi32, #tpu.memory_space<hbm>> -> memref<1x80x128xi32, #tpu.memory_space<hbm>>
      %dma_start3A_246 = tpu.memref_squeeze %dma_start3A_245 : memref<1x80x128xi32, #tpu.memory_space<hbm>> -> memref<80x128xi32, #tpu.memory_space<hbm>>
      tpu.enqueue_dma source(%dma_start3A_246 : memref<80x128xi32, #tpu.memory_space<hbm>>) target(%arg12 : memref<80x128xi32, #tpu.memory_space<vmem>>) target_semaphore(%run_scoped3A_238 : memref<!tpu.dma_semaphore, #tpu.memory_space<semaphore_mem>>)
      %dma_wait3A_247 = arith.constant 0 : i32
      %dma_wait3A_248 = arith.constant 0 : i32
      %dma_wait3A_249 = tpu.memref_slice %arg2[%add3A, %dma_wait3A_247, %dma_wait3A_248] : memref<32x80x128xi32, #tpu.memory_space<hbm>> -> memref<1x80x128xi32, #tpu.memory_space<hbm>>
      %dma_wait3A_250 = tpu.memref_squeeze %dma_wait3A_249 : memref<1x80x128xi32, #tpu.memory_space<hbm>> -> memref<80x128xi32, #tpu.memory_space<hbm>>
      %dma_wait3A_251 = arith.constant 0 : i32
      %dma_wait3A_252 = arith.constant 0 : i32
      %dma_wait3A_253 = tpu.memref_slice %arg2[%add3A, %dma_wait3A_251, %dma_wait3A_252] : memref<32x80x128xi32, #tpu.memory_space<hbm>> -> memref<1x80x128xi32, #tpu.memory_space<hbm>>
      %dma_wait3A_254 = tpu.memref_squeeze %dma_wait3A_253 : memref<1x80x128xi32, #tpu.memory_space<hbm>> -> memref<80x128xi32, #tpu.memory_space<hbm>>
      tpu.wait_dma2 semaphore(%run_scoped3A_238 : memref<!tpu.dma_semaphore, #tpu.memory_space<semaphore_mem>>) src(%dma_wait3A_254 : memref<80x128xi32, #tpu.memory_space<hbm>>) dst(%arg12 : memref<80x128xi32, #tpu.memory_space<vmem>>)
      tpu.yield
    }) : () -> ()
    %mul3A_1 = arith.constant 16 : i32
    %mul3A_2 = arith.muli %arg0, %mul3A_1 : i32
    %add3A_3 = arith.addi %arg1, %mul3A_2 : i32
    "tpu.region"() ({
      %run_scoped3A_238 = tpu.sem_alloc : memref<!tpu.dma_semaphore, #tpu.memory_space<semaphore_mem>>
      %dma_start3A_239 = arith.constant 0 : i32
      %dma_start3A_240 = arith.constant 0 : i32
      %dma_start3A_241 = tpu.memref_slice %arg3[%add3A_3, %dma_start3A_239, %dma_start3A_240] : memref<32x80x128xi32, #tpu.memory_space<hbm>> -> memref<1x80x128xi32, #tpu.memory_space<hbm>>
      %dma_start3A_242 = tpu.memref_squeeze %dma_start3A_241 : memref<1x80x128xi32, #tpu.memory_space<hbm>> -> memref<80x128xi32, #tpu.memory_space<hbm>>
      %dma_start3A_243 = arith.constant 0 : i32
      %dma_start3A_244 = arith.constant 0 : i32
      %dma_start3A_245 = tpu.memref_slice %arg3[%add3A_3, %dma_start3A_243, %dma_start3A_244] : memref<32x80x128xi32, #tpu.memory_space<hbm>> -> memref<1x80x128xi32, #tpu.memory_space<hbm>>
      %dma_start3A_246 = tpu.memref_squeeze %dma_start3A_245 : memref<1x80x128xi32, #tpu.memory_space<hbm>> -> memref<80x128xi32, #tpu.memory_space<hbm>>
      tpu.enqueue_dma source(%dma_start3A_246 : memref<80x128xi32, #tpu.memory_space<hbm>>) target(%arg13 : memref<80x128xi32, #tpu.memory_space<vmem>>) target_semaphore(%run_scoped3A_238 : memref<!tpu.dma_semaphore, #tpu.memory_space<semaphore_mem>>)
      %dma_wait3A_247 = arith.constant 0 : i32
      %dma_wait3A_248 = arith.constant 0 : i32
      %dma_wait3A_249 = tpu.memref_slice %arg3[%add3A_3, %dma_wait3A_247, %dma_wait3A_248] : memref<32x80x128xi32, #tpu.memory_space<hbm>> -> memref<1x80x128xi32, #tpu.memory_space<hbm>>
      %dma_wait3A_250 = tpu.memref_squeeze %dma_wait3A_249 : memref<1x80x128xi32, #tpu.memory_space<hbm>> -> memref<80x128xi32, #tpu.memory_space<hbm>>
      %dma_wait3A_251 = arith.constant 0 : i32
      %dma_wait3A_252 = arith.constant 0 : i32
      %dma_wait3A_253 = tpu.memref_slice %arg3[%add3A_3, %dma_wait3A_251, %dma_wait3A_252] : memref<32x80x128xi32, #tpu.memory_space<hbm>> -> memref<1x80x128xi32, #tpu.memory_space<hbm>>
      %dma_wait3A_254 = tpu.memref_squeeze %dma_wait3A_253 : memref<1x80x128xi32, #tpu.memory_space<hbm>> -> memref<80x128xi32, #tpu.memory_space<hbm>>
      tpu.wait_dma2 semaphore(%run_scoped3A_238 : memref<!tpu.dma_semaphore, #tpu.memory_space<semaphore_mem>>) src(%dma_wait3A_254 : memref<80x128xi32, #tpu.memory_space<hbm>>) dst(%arg13 : memref<80x128xi32, #tpu.memory_space<vmem>>)
      tpu.yield
    }) : () -> ()
    %scan3A = arith.constant 0 : i32
    %scan3A_4 = arith.constant 128 : i32
    %scan3A_5 = arith.addi %scan3A, %scan3A_4 : i32
    %scan3A_6 = arith.constant 1 : i32
    scf.for %scan3A_238 = %scan3A to %scan3A_5 step %scan3A_6  : i32 {
      %mul3A_239 = arith.constant 1 : i32
      %mul3A_240 = arith.muli %scan3A_238, %mul3A_239 : i32
      %add3A_241 = arith.constant 0 : i32
      %add3A_242 = arith.addi %add3A_241, %mul3A_240 : i32
      %scan3A_243 = arith.constant 0 : i32
      %scan3A_244 = arith.constant 4 : i32
      %scan3A_245 = arith.addi %scan3A_243, %scan3A_244 : i32
      %scan3A_246 = arith.constant 1 : i32
      scf.for %scan3A_248 = %scan3A_243 to %scan3A_245 step %scan3A_246  : i32 {
        %mul3A_249 = arith.constant 16 : i32
        %mul3A_250 = arith.muli %scan3A_248, %mul3A_249 : i32
        %add3A_251 = arith.constant 0 : i32
        %add3A_252 = arith.addi %add3A_251, %mul3A_250 : i32
        %broadcast_in_dim3A = arith.constant 0.000000e+00 : f32
        %broadcast_in_dim3A_253 = vector.broadcast %broadcast_in_dim3A : f32 to vector<16xf32>
        %swap3A = arith.index_cast %add3A_242 : i32 to index
        %swap3A_254 = arith.index_cast %add3A_252 : i32 to index
        %swap3A_255 = tpu.vector_load %arg14[%swap3A, %swap3A_254] {strides = array<i32>} : memref<128x64xf32, #tpu.memory_space<vmem>>, vector<1x16xf32>,
        %swap3A_256 = vector.shape_cast %swap3A_255 : vector<1x16xf32> to vector<16xf32>
        %swap3A_257 = vector.shape_cast %broadcast_in_dim3A_253 : vector<16xf32> to vector<1x16xf32>
        tpu.vector_store %arg14[%swap3A, %swap3A_254], %swap3A_257 {strides = array<i32>} : memref<128x64xf32, #tpu.memory_space<vmem>>, vector<1x16xf32>,
      }
      %scan3A_247 = arith.constant 4 : i32
    }
    %scan3A_7 = arith.constant 128 : i32
    %scan3A_8 = arith.constant 0 : i32
    %scan3A_9 = arith.constant 5 : i32
    %scan3A_10 = arith.addi %scan3A_8, %scan3A_9 : i32
    %scan3A_11 = arith.constant 1 : i32
    scf.for %scan3A_238 = %scan3A_8 to %scan3A_10 step %scan3A_11  : i32 {
      %mul3A_239 = arith.constant 1 : i32
      %mul3A_240 = arith.muli %scan3A_238, %mul3A_239 : i32
      %add3A_241 = arith.constant 0 : i32
      %add3A_242 = arith.addi %add3A_241, %mul3A_240 : i32
      %mul3A_243 = arith.constant 640 : i32
      %mul3A_244 = arith.muli %arg1, %mul3A_243 : i32
      %mul3A_245 = arith.constant 128 : i32
      %mul3A_246 = arith.muli %add3A_242, %mul3A_245 : i32
      %add3A_247 = arith.addi %mul3A_244, %mul3A_246 : i32
      "tpu.region"() ({
        %run_scoped3A_248 = tpu.sem_alloc : memref<!tpu.dma_semaphore, #tpu.memory_space<semaphore_mem>>
        %dma_start3A_249 = arith.constant 0 : i32
        %dma_start3A_250 = tpu.memref_slice %arg22[%add3A_247, %dma_start3A_249] : memref<10240x64xf32, #tpu.memory_space<vmem_shared>> -> memref<128x64xf32, #tpu.memory_space<vmem_shared>>
        %dma_start3A_251 = arith.constant 0 : i32
        %dma_start3A_252 = tpu.memref_slice %arg22[%add3A_247, %dma_start3A_251] : memref<10240x64xf32, #tpu.memory_space<vmem_shared>> -> memref<128x64xf32, #tpu.memory_space<vmem_shared>>
        tpu.enqueue_dma source(%arg14 : memref<128x64xf32, #tpu.memory_space<vmem>>) target(%dma_start3A_252 : memref<128x64xf32, #tpu.memory_space<vmem_shared>>) target_semaphore(%run_scoped3A_248 : memref<!tpu.dma_semaphore, #tpu.memory_space<semaphore_mem>>)
        %dma_wait3A_253 = arith.constant 0 : i32
        %dma_wait3A_254 = tpu.memref_slice %arg22[%add3A_247, %dma_wait3A_253] : memref<10240x64xf32, #tpu.memory_space<vmem_shared>> -> memref<128x64xf32, #tpu.memory_space<vmem_shared>>
        %dma_wait3A_255 = arith.constant 0 : i32
        %dma_wait3A_256 = tpu.memref_slice %arg22[%add3A_247, %dma_wait3A_255] : memref<10240x64xf32, #tpu.memory_space<vmem_shared>> -> memref<128x64xf32, #tpu.memory_space<vmem_shared>>
        tpu.wait_dma2 semaphore(%run_scoped3A_248 : memref<!tpu.dma_semaphore, #tpu.memory_space<semaphore_mem>>) src(%arg14 : memref<128x64xf32, #tpu.memory_space<vmem>>) dst(%dma_wait3A_256 : memref<128x64xf32, #tpu.memory_space<vmem_shared>>)
        tpu.yield
      }) : () -> ()
    }
    %scan3A_12 = arith.constant 5 : i32
    %barrier3A = arith.constant 0 : index
    tpu.barrier barrier_id(%barrier3A)
    %dma_start3A = arith.constant 0 : i32
    %dma_start3A_13 = arith.constant 0 : i32
    %dma_start3A_14 = tpu.memref_slice %arg12[%dma_start3A, %dma_start3A_13] : memref<80x128xi32, #tpu.memory_space<vmem>> -> memref<1x128xi32, #tpu.memory_space<vmem>>
    %dma_start3A_15 = tpu.memref_squeeze %dma_start3A_14 : memref<1x128xi32, #tpu.memory_space<vmem>> -> memref<128xi32, #tpu.memory_space<vmem>>
    %dma_start3A_16 = arith.constant 0 : i32
    %dma_start3A_17 = arith.constant 0 : i32
    %dma_start3A_18 = tpu.memref_slice %arg4[%dma_start3A_16, %dma_start3A_17] : memref<10000x64xf32, #tpu.memory_space<hbm>> -> memref<10000x64xf32, #tpu.memory_space<hbm>>
    tpu.enqueue_indirect_dma source(%dma_start3A_18 : memref<10000x64xf32, #tpu.memory_space<hbm>>) target(%arg14 : memref<128x64xf32, #tpu.memory_space<vmem>>) offsets(%dma_start3A_15 : memref<128xi32, #tpu.memory_space<vmem>>) semaphore(%arg23 : memref<!tpu.dma_semaphore, #tpu.memory_space<semaphore_mem>>)
    %dma_start3A_19 = arith.constant 1 : i32
    %dma_start3A_20 = arith.constant 0 : i32
    %dma_start3A_21 = tpu.memref_slice %arg12[%dma_start3A_19, %dma_start3A_20] : memref<80x128xi32, #tpu.memory_space<vmem>> -> memref<1x128xi32, #tpu.memory_space<vmem>>
    %dma_start3A_22 = tpu.memref_squeeze %dma_start3A_21 : memref<1x128xi32, #tpu.memory_space<vmem>> -> memref<128xi32, #tpu.memory_space<vmem>>
    %dma_start3A_23 = arith.constant 0 : i32
    %dma_start3A_24 = arith.constant 0 : i32
    %dma_start3A_25 = tpu.memref_slice %arg4[%dma_start3A_23, %dma_start3A_24] : memref<10000x64xf32, #tpu.memory_space<hbm>> -> memref<10000x64xf32, #tpu.memory_space<hbm>>
    tpu.enqueue_indirect_dma source(%dma_start3A_25 : memref<10000x64xf32, #tpu.memory_space<hbm>>) target(%arg15 : memref<128x64xf32, #tpu.memory_space<vmem>>) offsets(%dma_start3A_22 : memref<128xi32, #tpu.memory_space<vmem>>) semaphore(%arg24 : memref<!tpu.dma_semaphore, #tpu.memory_space<semaphore_mem>>)
    %scan3A_26 = arith.constant 0 : i32
    %scan3A_27 = arith.constant 39 : i32
    %scan3A_28 = arith.addi %scan3A_26, %scan3A_27 : i32
    %scan3A_29 = arith.constant 1 : i32
    scf.for %scan3A_238 = %scan3A_26 to %scan3A_28 step %scan3A_29  : i32 {
      %mul3A_239 = arith.constant 1 : i32
      %mul3A_240 = arith.muli %scan3A_238, %mul3A_239 : i32
      %add3A_241 = arith.constant 0 : i32
      %add3A_242 = arith.addi %add3A_241, %mul3A_240 : i32
      %mul3A_243 = arith.constant 2 : i32
      %mul3A_244 = arith.muli %mul3A_243, %add3A_242 : i32
      %add3A_245 = arith.constant 0 : i32
      %add3A_246 = arith.addi %add3A_245, %mul3A_244 : i32
      %dma_wait3A_247 = arith.constant 0 : i32
      %dma_wait3A_248 = tpu.memref_slice %arg12[%add3A_246, %dma_wait3A_247] : memref<80x128xi32, #tpu.memory_space<vmem>> -> memref<1x128xi32, #tpu.memory_space<vmem>>
      %dma_wait3A_249 = tpu.memref_squeeze %dma_wait3A_248 : memref<1x128xi32, #tpu.memory_space<vmem>> -> memref<128xi32, #tpu.memory_space<vmem>>
      %dma_wait3A_250 = arith.constant 0 : i32
      %dma_wait3A_251 = arith.constant 0 : i32
      %dma_wait3A_252 = tpu.memref_slice %arg4[%dma_wait3A_250, %dma_wait3A_251] : memref<10000x64xf32, #tpu.memory_space<hbm>> -> memref<10000x64xf32, #tpu.memory_space<hbm>>
      tpu.wait_indirect_dma semaphore(%arg23 : memref<!tpu.dma_semaphore, #tpu.memory_space<semaphore_mem>>) src(%dma_wait3A_252 : memref<10000x64xf32, #tpu.memory_space<hbm>>) dst(%arg14 : memref<128x64xf32, #tpu.memory_space<vmem>>)
      "tpu.region"() ({
        %run_scoped3A_285 = tpu.sem_alloc : memref<!tpu.dma_semaphore, #tpu.memory_space<semaphore_mem>>
        %dma_start3A_286 = arith.constant 0 : i32
        %dma_start3A_287 = tpu.memref_slice %arg13[%mul3A_244, %dma_start3A_286] : memref<80x128xi32, #tpu.memory_space<vmem>> -> memref<1x128xi32, #tpu.memory_space<vmem>>
        %dma_start3A_288 = tpu.memref_squeeze %dma_start3A_287 : memref<1x128xi32, #tpu.memory_space<vmem>> -> memref<128xi32, #tpu.memory_space<vmem>>
        %dma_start3A_289 = arith.constant 0 : i32
        %dma_start3A_290 = arith.constant 0 : i32
        %dma_start3A_291 = tpu.memref_slice %arg22[%dma_start3A_289, %dma_start3A_290] : memref<10240x64xf32, #tpu.memory_space<vmem_shared>> -> memref<10240x64xf32, #tpu.memory_space<vmem_shared>>
        tpu.enqueue_indirect_dma source(%arg14 : memref<128x64xf32, #tpu.memory_space<vmem>>) target(%dma_start3A_291 : memref<10240x64xf32, #tpu.memory_space<vmem_shared>>) offsets(%dma_start3A_288 : memref<128xi32, #tpu.memory_space<vmem>>) semaphore(%run_scoped3A_285 : memref<!tpu.dma_semaphore, #tpu.memory_space<semaphore_mem>>) {add = true}
        %dma_wait3A_292 = arith.constant 0 : i32
        %dma_wait3A_293 = tpu.memref_slice %arg13[%mul3A_244, %dma_wait3A_292] : memref<80x128xi32, #tpu.memory_space<vmem>> -> memref<1x128xi32, #tpu.memory_space<vmem>>
        %dma_wait3A_294 = tpu.memref_squeeze %dma_wait3A_293 : memref<1x128xi32, #tpu.memory_space<vmem>> -> memref<128xi32, #tpu.memory_space<vmem>>
        %dma_wait3A_295 = arith.constant 0 : i32
        %dma_wait3A_296 = arith.constant 0 : i32
        %dma_wait3A_297 = tpu.memref_slice %arg22[%dma_wait3A_295, %dma_wait3A_296] : memref<10240x64xf32, #tpu.memory_space<vmem_shared>> -> memref<10240x64xf32, #tpu.memory_space<vmem_shared>>
        tpu.wait_indirect_dma semaphore(%run_scoped3A_285 : memref<!tpu.dma_semaphore, #tpu.memory_space<semaphore_mem>>) src(%arg14 : memref<128x64xf32, #tpu.memory_space<vmem>>) dst(%dma_wait3A_297 : memref<10240x64xf32, #tpu.memory_space<vmem_shared>>)
        tpu.yield
      }) : () -> ()
      %add3A_253 = arith.constant 2 : i32
      %add3A_254 = arith.addi %mul3A_244, %add3A_253 : i32
      %add3A_255 = arith.constant 0 : i32
      %add3A_256 = arith.addi %add3A_255, %add3A_254 : i32
      %dma_start3A_257 = arith.constant 0 : i32
      %dma_start3A_258 = tpu.memref_slice %arg12[%add3A_256, %dma_start3A_257] : memref<80x128xi32, #tpu.memory_space<vmem>> -> memref<1x128xi32, #tpu.memory_space<vmem>>
      %dma_start3A_259 = tpu.memref_squeeze %dma_start3A_258 : memref<1x128xi32, #tpu.memory_space<vmem>> -> memref<128xi32, #tpu.memory_space<vmem>>
      %dma_start3A_260 = arith.constant 0 : i32
      %dma_start3A_261 = arith.constant 0 : i32
      %dma_start3A_262 = tpu.memref_slice %arg4[%dma_start3A_260, %dma_start3A_261] : memref<10000x64xf32, #tpu.memory_space<hbm>> -> memref<10000x64xf32, #tpu.memory_space<hbm>>
      tpu.enqueue_indirect_dma source(%dma_start3A_262 : memref<10000x64xf32, #tpu.memory_space<hbm>>) target(%arg14 : memref<128x64xf32, #tpu.memory_space<vmem>>) offsets(%dma_start3A_259 : memref<128xi32, #tpu.memory_space<vmem>>) semaphore(%arg23 : memref<!tpu.dma_semaphore, #tpu.memory_space<semaphore_mem>>)
      %mul3A_263 = arith.constant 2 : i32
      %mul3A_264 = arith.muli %mul3A_263, %add3A_242 : i32
      %add3A_265 = arith.constant 1 : i32
      %add3A_266 = arith.addi %mul3A_264, %add3A_265 : i32
      %add3A_267 = arith.constant 0 : i32
      %add3A_268 = arith.addi %add3A_267, %add3A_266 : i32
      %dma_wait3A_269 = arith.constant 0 : i32
      %dma_wait3A_270 = tpu.memref_slice %arg12[%add3A_268, %dma_wait3A_269] : memref<80x128xi32, #tpu.memory_space<vmem>> -> memref<1x128xi32, #tpu.memory_space<vmem>>
      %dma_wait3A_271 = tpu.memref_squeeze %dma_wait3A_270 : memref<1x128xi32, #tpu.memory_space<vmem>> -> memref<128xi32, #tpu.memory_space<vmem>>
      %dma_wait3A_272 = arith.constant 0 : i32
      %dma_wait3A_273 = arith.constant 0 : i32
      %dma_wait3A_274 = tpu.memref_slice %arg4[%dma_wait3A_272, %dma_wait3A_273] : memref<10000x64xf32, #tpu.memory_space<hbm>> -> memref<10000x64xf32, #tpu.memory_space<hbm>>
      tpu.wait_indirect_dma semaphore(%arg24 : memref<!tpu.dma_semaphore, #tpu.memory_space<semaphore_mem>>) src(%dma_wait3A_274 : memref<10000x64xf32, #tpu.memory_space<hbm>>) dst(%arg15 : memref<128x64xf32, #tpu.memory_space<vmem>>)
      "tpu.region"() ({
        %run_scoped3A_285 = tpu.sem_alloc : memref<!tpu.dma_semaphore, #tpu.memory_space<semaphore_mem>>
        %dma_start3A_286 = arith.constant 0 : i32
        %dma_start3A_287 = tpu.memref_slice %arg13[%add3A_266, %dma_start3A_286] : memref<80x128xi32, #tpu.memory_space<vmem>> -> memref<1x128xi32, #tpu.memory_space<vmem>>
        %dma_start3A_288 = tpu.memref_squeeze %dma_start3A_287 : memref<1x128xi32, #tpu.memory_space<vmem>> -> memref<128xi32, #tpu.memory_space<vmem>>
        %dma_start3A_289 = arith.constant 0 : i32
        %dma_start3A_290 = arith.constant 0 : i32
        %dma_start3A_291 = tpu.memref_slice %arg22[%dma_start3A_289, %dma_start3A_290] : memref<10240x64xf32, #tpu.memory_space<vmem_shared>> -> memref<10240x64xf32, #tpu.memory_space<vmem_shared>>
        tpu.enqueue_indirect_dma source(%arg15 : memref<128x64xf32, #tpu.memory_space<vmem>>) target(%dma_start3A_291 : memref<10240x64xf32, #tpu.memory_space<vmem_shared>>) offsets(%dma_start3A_288 : memref<128xi32, #tpu.memory_space<vmem>>) semaphore(%run_scoped3A_285 : memref<!tpu.dma_semaphore, #tpu.memory_space<semaphore_mem>>) {add = true}
        %dma_wait3A_292 = arith.constant 0 : i32
        %dma_wait3A_293 = tpu.memref_slice %arg13[%add3A_266, %dma_wait3A_292] : memref<80x128xi32, #tpu.memory_space<vmem>> -> memref<1x128xi32, #tpu.memory_space<vmem>>
        %dma_wait3A_294 = tpu.memref_squeeze %dma_wait3A_293 : memref<1x128xi32, #tpu.memory_space<vmem>> -> memref<128xi32, #tpu.memory_space<vmem>>
        %dma_wait3A_295 = arith.constant 0 : i32
        %dma_wait3A_296 = arith.constant 0 : i32
        %dma_wait3A_297 = tpu.memref_slice %arg22[%dma_wait3A_295, %dma_wait3A_296] : memref<10240x64xf32, #tpu.memory_space<vmem_shared>> -> memref<10240x64xf32, #tpu.memory_space<vmem_shared>>
        tpu.wait_indirect_dma semaphore(%run_scoped3A_285 : memref<!tpu.dma_semaphore, #tpu.memory_space<semaphore_mem>>) src(%arg15 : memref<128x64xf32, #tpu.memory_space<vmem>>) dst(%dma_wait3A_297 : memref<10240x64xf32, #tpu.memory_space<vmem_shared>>)
        tpu.yield
      }) : () -> ()
      %add3A_275 = arith.constant 2 : i32
      %add3A_276 = arith.addi %add3A_266, %add3A_275 : i32
      %add3A_277 = arith.constant 0 : i32
      %add3A_278 = arith.addi %add3A_277, %add3A_276 : i32
      %dma_start3A_279 = arith.constant 0 : i32
      %dma_start3A_280 = tpu.memref_slice %arg12[%add3A_278, %dma_start3A_279] : memref<80x128xi32, #tpu.memory_space<vmem>> -> memref<1x128xi32, #tpu.memory_space<vmem>>
      %dma_start3A_281 = tpu.memref_squeeze %dma_start3A_280 : memref<1x128xi32, #tpu.memory_space<vmem>> -> memref<128xi32, #tpu.memory_space<vmem>>
      %dma_start3A_282 = arith.constant 0 : i32
      %dma_start3A_283 = arith.constant 0 : i32
      %dma_start3A_284 = tpu.memref_slice %arg4[%dma_start3A_282, %dma_start3A_283] : memref<10000x64xf32, #tpu.memory_space<hbm>> -> memref<10000x64xf32, #tpu.memory_space<hbm>>
      tpu.enqueue_indirect_dma source(%dma_start3A_284 : memref<10000x64xf32, #tpu.memory_space<hbm>>) target(%arg15 : memref<128x64xf32, #tpu.memory_space<vmem>>) offsets(%dma_start3A_281 : memref<128xi32, #tpu.memory_space<vmem>>) semaphore(%arg24 : memref<!tpu.dma_semaphore, #tpu.memory_space<semaphore_mem>>)
    }
    %scan3A_30 = arith.constant 39 : i32
    %dma_wait3A = arith.constant 78 : i32
    %dma_wait3A_31 = arith.constant 0 : i32
    %dma_wait3A_32 = tpu.memref_slice %arg12[%dma_wait3A, %dma_wait3A_31] : memref<80x128xi32, #tpu.memory_space<vmem>> -> memref<1x128xi32, #tpu.memory_space<vmem>>
    %dma_wait3A_33 = tpu.memref_squeeze %dma_wait3A_32 : memref<1x128xi32, #tpu.memory_space<vmem>> -> memref<128xi32, #tpu.memory_space<vmem>>
    %dma_wait3A_34 = arith.constant 0 : i32
    %dma_wait3A_35 = arith.constant 0 : i32
    %dma_wait3A_36 = tpu.memref_slice %arg4[%dma_wait3A_34, %dma_wait3A_35] : memref<10000x64xf32, #tpu.memory_space<hbm>> -> memref<10000x64xf32, #tpu.memory_space<hbm>>
    tpu.wait_indirect_dma semaphore(%arg23 : memref<!tpu.dma_semaphore, #tpu.memory_space<semaphore_mem>>) src(%dma_wait3A_36 : memref<10000x64xf32, #tpu.memory_space<hbm>>) dst(%arg14 : memref<128x64xf32, #tpu.memory_space<vmem>>)
    %run_scoped3A = arith.constant 78 : i32
    "tpu.region"() ({
      %run_scoped3A_238 = tpu.sem_alloc : memref<!tpu.dma_semaphore, #tpu.memory_space<semaphore_mem>>
      %dma_start3A_239 = arith.constant 0 : i32
      %dma_start3A_240 = tpu.memref_slice %arg13[%run_scoped3A, %dma_start3A_239] : memref<80x128xi32, #tpu.memory_space<vmem>> -> memref<1x128xi32, #tpu.memory_space<vmem>>
      %dma_start3A_241 = tpu.memref_squeeze %dma_start3A_240 : memref<1x128xi32, #tpu.memory_space<vmem>> -> memref<128xi32, #tpu.memory_space<vmem>>
      %dma_start3A_242 = arith.constant 0 : i32
      %dma_start3A_243 = arith.constant 0 : i32
      %dma_start3A_244 = tpu.memref_slice %arg22[%dma_start3A_242, %dma_start3A_243] : memref<10240x64xf32, #tpu.memory_space<vmem_shared>> -> memref<10240x64xf32, #tpu.memory_space<vmem_shared>>
      tpu.enqueue_indirect_dma source(%arg14 : memref<128x64xf32, #tpu.memory_space<vmem>>) target(%dma_start3A_244 : memref<10240x64xf32, #tpu.memory_space<vmem_shared>>) offsets(%dma_start3A_241 : memref<128xi32, #tpu.memory_space<vmem>>) semaphore(%run_scoped3A_238 : memref<!tpu.dma_semaphore, #tpu.memory_space<semaphore_mem>>) {add = true}
      %dma_wait3A_245 = arith.constant 0 : i32
      %dma_wait3A_246 = tpu.memref_slice %arg13[%run_scoped3A, %dma_wait3A_245] : memref<80x128xi32, #tpu.memory_space<vmem>> -> memref<1x128xi32, #tpu.memory_space<vmem>>
      %dma_wait3A_247 = tpu.memref_squeeze %dma_wait3A_246 : memref<1x128xi32, #tpu.memory_space<vmem>> -> memref<128xi32, #tpu.memory_space<vmem>>
      %dma_wait3A_248 = arith.constant 0 : i32
      %dma_wait3A_249 = arith.constant 0 : i32
      %dma_wait3A_250 = tpu.memref_slice %arg22[%dma_wait3A_248, %dma_wait3A_249] : memref<10240x64xf32, #tpu.memory_space<vmem_shared>> -> memref<10240x64xf32, #tpu.memory_space<vmem_shared>>
      tpu.wait_indirect_dma semaphore(%run_scoped3A_238 : memref<!tpu.dma_semaphore, #tpu.memory_space<semaphore_mem>>) src(%arg14 : memref<128x64xf32, #tpu.memory_space<vmem>>) dst(%dma_wait3A_250 : memref<10240x64xf32, #tpu.memory_space<vmem_shared>>)
      tpu.yield
    }) : () -> ()
    %dma_wait3A_37 = arith.constant 79 : i32
    %dma_wait3A_38 = arith.constant 0 : i32
    %dma_wait3A_39 = tpu.memref_slice %arg12[%dma_wait3A_37, %dma_wait3A_38] : memref<80x128xi32, #tpu.memory_space<vmem>> -> memref<1x128xi32, #tpu.memory_space<vmem>>
    %dma_wait3A_40 = tpu.memref_squeeze %dma_wait3A_39 : memref<1x128xi32, #tpu.memory_space<vmem>> -> memref<128xi32, #tpu.memory_space<vmem>>
    %dma_wait3A_41 = arith.constant 0 : i32
    %dma_wait3A_42 = arith.constant 0 : i32
    %dma_wait3A_43 = tpu.memref_slice %arg4[%dma_wait3A_41, %dma_wait3A_42] : memref<10000x64xf32, #tpu.memory_space<hbm>> -> memref<10000x64xf32, #tpu.memory_space<hbm>>
    tpu.wait_indirect_dma semaphore(%arg24 : memref<!tpu.dma_semaphore, #tpu.memory_space<semaphore_mem>>) src(%dma_wait3A_43 : memref<10000x64xf32, #tpu.memory_space<hbm>>) dst(%arg15 : memref<128x64xf32, #tpu.memory_space<vmem>>)
    %run_scoped3A_44 = arith.constant 79 : i32
    "tpu.region"() ({
      %run_scoped3A_238 = tpu.sem_alloc : memref<!tpu.dma_semaphore, #tpu.memory_space<semaphore_mem>>
      %dma_start3A_239 = arith.constant 0 : i32
      %dma_start3A_240 = tpu.memref_slice %arg13[%run_scoped3A_44, %dma_start3A_239] : memref<80x128xi32, #tpu.memory_space<vmem>> -> memref<1x128xi32, #tpu.memory_space<vmem>>
      %dma_start3A_241 = tpu.memref_squeeze %dma_start3A_240 : memref<1x128xi32, #tpu.memory_space<vmem>> -> memref<128xi32, #tpu.memory_space<vmem>>
      %dma_start3A_242 = arith.constant 0 : i32
      %dma_start3A_243 = arith.constant 0 : i32
      %dma_start3A_244 = tpu.memref_slice %arg22[%dma_start3A_242, %dma_start3A_243] : memref<10240x64xf32, #tpu.memory_space<vmem_shared>> -> memref<10240x64xf32, #tpu.memory_space<vmem_shared>>
      tpu.enqueue_indirect_dma source(%arg15 : memref<128x64xf32, #tpu.memory_space<vmem>>) target(%dma_start3A_244 : memref<10240x64xf32, #tpu.memory_space<vmem_shared>>) offsets(%dma_start3A_241 : memref<128xi32, #tpu.memory_space<vmem>>) semaphore(%run_scoped3A_238 : memref<!tpu.dma_semaphore, #tpu.memory_space<semaphore_mem>>) {add = true}
      %dma_wait3A_245 = arith.constant 0 : i32
      %dma_wait3A_246 = tpu.memref_slice %arg13[%run_scoped3A_44, %dma_wait3A_245] : memref<80x128xi32, #tpu.memory_space<vmem>> -> memref<1x128xi32, #tpu.memory_space<vmem>>
      %dma_wait3A_247 = tpu.memref_squeeze %dma_wait3A_246 : memref<1x128xi32, #tpu.memory_space<vmem>> -> memref<128xi32, #tpu.memory_space<vmem>>
      %dma_wait3A_248 = arith.constant 0 : i32
      %dma_wait3A_249 = arith.constant 0 : i32
      %dma_wait3A_250 = tpu.memref_slice %arg22[%dma_wait3A_248, %dma_wait3A_249] : memref<10240x64xf32, #tpu.memory_space<vmem_shared>> -> memref<10240x64xf32, #tpu.memory_space<vmem_shared>>
      tpu.wait_indirect_dma semaphore(%run_scoped3A_238 : memref<!tpu.dma_semaphore, #tpu.memory_space<semaphore_mem>>) src(%arg15 : memref<128x64xf32, #tpu.memory_space<vmem>>) dst(%dma_wait3A_250 : memref<10240x64xf32, #tpu.memory_space<vmem_shared>>)
      tpu.yield
    }) : () -> ()
    %barrier3A_45 = arith.constant 0 : index
    tpu.barrier barrier_id(%barrier3A_45)
    %mul3A_46 = arith.constant 624 : i32
    %mul3A_47 = arith.muli %arg1, %mul3A_46 : i32
    %multiple_of3A = tpu.assume_multiple %mul3A_47, 8 : i32
    %lt3A = arith.constant 15 : i32
    %lt3A_48 = arith.cmpi slt, %arg1, %lt3A : i32
    %convert_element_type3A = arith.extui %lt3A_48 : i1 to i32
    %cond3A = arith.constant 0 : i32
    %cond3A_49 = arith.cmpi ne, %convert_element_type3A, %cond3A : i32
    scf.if %cond3A_49 {
      "tpu.region"() ({
        %run_scoped3A_238 = tpu.sem_alloc : memref<!tpu.dma_semaphore, #tpu.memory_space<semaphore_mem>>
        %dma_start3A_239 = arith.constant 0 : i32
        %dma_start3A_240 = arith.constant 0 : i32
        %dma_start3A_241 = tpu.memref_slice %arg8[%arg0, %dma_start3A_239, %dma_start3A_240] : memref<2x10000x64xf32, #tpu.memory_space<hbm>> -> memref<1x10000x64xf32, #tpu.memory_space<hbm>>
        %dma_start3A_242 = tpu.memref_squeeze %dma_start3A_241 : memref<1x10000x64xf32, #tpu.memory_space<hbm>> -> memref<10000x64xf32, #tpu.memory_space<hbm>>
        %dma_start3A_243 = arith.constant 0 : i32
        %dma_start3A_244 = tpu.memref_slice %dma_start3A_242[%multiple_of3A, %dma_start3A_243] : memref<10000x64xf32, #tpu.memory_space<hbm>> -> memref<624x64xf32, #tpu.memory_space<hbm>>
        %dma_start3A_245 = arith.constant 0 : i32
        %dma_start3A_246 = tpu.memref_slice %arg22[%multiple_of3A, %dma_start3A_245] : memref<10240x64xf32, #tpu.memory_space<vmem_shared>> -> memref<624x64xf32, #tpu.memory_space<vmem_shared>>
        tpu.enqueue_dma source(%dma_start3A_246 : memref<624x64xf32, #tpu.memory_space<vmem_shared>>) target(%dma_start3A_244 : memref<624x64xf32, #tpu.memory_space<hbm>>) target_semaphore(%run_scoped3A_238 : memref<!tpu.dma_semaphore, #tpu.memory_space<semaphore_mem>>)
        %dma_wait3A_247 = arith.constant 0 : i32
        %dma_wait3A_248 = arith.constant 0 : i32
        %dma_wait3A_249 = tpu.memref_slice %arg8[%arg0, %dma_wait3A_247, %dma_wait3A_248] : memref<2x10000x64xf32, #tpu.memory_space<hbm>> -> memref<1x10000x64xf32, #tpu.memory_space<hbm>>
        %dma_wait3A_250 = tpu.memref_squeeze %dma_wait3A_249 : memref<1x10000x64xf32, #tpu.memory_space<hbm>> -> memref<10000x64xf32, #tpu.memory_space<hbm>>
        %dma_wait3A_251 = arith.constant 0 : i32
        %dma_wait3A_252 = tpu.memref_slice %dma_wait3A_250[%multiple_of3A, %dma_wait3A_251] : memref<10000x64xf32, #tpu.memory_space<hbm>> -> memref<624x64xf32, #tpu.memory_space<hbm>>
        %dma_wait3A_253 = arith.constant 0 : i32
        %dma_wait3A_254 = tpu.memref_slice %arg22[%multiple_of3A, %dma_wait3A_253] : memref<10240x64xf32, #tpu.memory_space<vmem_shared>> -> memref<624x64xf32, #tpu.memory_space<vmem_shared>>
        tpu.wait_dma2 semaphore(%run_scoped3A_238 : memref<!tpu.dma_semaphore, #tpu.memory_space<semaphore_mem>>) src(%dma_wait3A_254 : memref<624x64xf32, #tpu.memory_space<vmem_shared>>) dst(%dma_wait3A_252 : memref<624x64xf32, #tpu.memory_space<hbm>>)
        tpu.yield
      }) : () -> ()
    } else {
    }
    %eq3A = arith.constant 15 : i32
    %eq3A_50 = arith.cmpi eq, %arg1, %eq3A : i32
    %convert_element_type3A_51 = arith.extui %eq3A_50 : i1 to i32
    %cond3A_52 = arith.constant 0 : i32
    %cond3A_53 = arith.cmpi ne, %convert_element_type3A_51, %cond3A_52 : i32
    scf.if %cond3A_53 {
      "tpu.region"() ({
        %run_scoped3A_238 = tpu.sem_alloc : memref<!tpu.dma_semaphore, #tpu.memory_space<semaphore_mem>>
        %dma_start3A_239 = arith.constant 0 : i32
        %dma_start3A_240 = arith.constant 0 : i32
        %dma_start3A_241 = tpu.memref_slice %arg8[%arg0, %dma_start3A_239, %dma_start3A_240] : memref<2x10000x64xf32, #tpu.memory_space<hbm>> -> memref<1x10000x64xf32, #tpu.memory_space<hbm>>
        %dma_start3A_242 = tpu.memref_squeeze %dma_start3A_241 : memref<1x10000x64xf32, #tpu.memory_space<hbm>> -> memref<10000x64xf32, #tpu.memory_space<hbm>>
        %dma_start3A_243 = arith.constant 9360 : i32
        %dma_start3A_244 = arith.constant 0 : i32
        %dma_start3A_245 = tpu.memref_slice %dma_start3A_242[%dma_start3A_243, %dma_start3A_244] : memref<10000x64xf32, #tpu.memory_space<hbm>> -> memref<640x64xf32, #tpu.memory_space<hbm>>
        %dma_start3A_246 = arith.constant 9360 : i32
        %dma_start3A_247 = arith.constant 0 : i32
        %dma_start3A_248 = tpu.memref_slice %arg22[%dma_start3A_246, %dma_start3A_247] : memref<10240x64xf32, #tpu.memory_space<vmem_shared>> -> memref<640x64xf32, #tpu.memory_space<vmem_shared>>
        tpu.enqueue_dma source(%dma_start3A_248 : memref<640x64xf32, #tpu.memory_space<vmem_shared>>) target(%dma_start3A_245 : memref<640x64xf32, #tpu.memory_space<hbm>>) target_semaphore(%run_scoped3A_238 : memref<!tpu.dma_semaphore, #tpu.memory_space<semaphore_mem>>)
        %dma_wait3A_249 = arith.constant 0 : i32
        %dma_wait3A_250 = arith.constant 0 : i32
        %dma_wait3A_251 = tpu.memref_slice %arg8[%arg0, %dma_wait3A_249, %dma_wait3A_250] : memref<2x10000x64xf32, #tpu.memory_space<hbm>> -> memref<1x10000x64xf32, #tpu.memory_space<hbm>>
        %dma_wait3A_252 = tpu.memref_squeeze %dma_wait3A_251 : memref<1x10000x64xf32, #tpu.memory_space<hbm>> -> memref<10000x64xf32, #tpu.memory_space<hbm>>
        %dma_wait3A_253 = arith.constant 9360 : i32
        %dma_wait3A_254 = arith.constant 0 : i32
        %dma_wait3A_255 = tpu.memref_slice %dma_wait3A_252[%dma_wait3A_253, %dma_wait3A_254] : memref<10000x64xf32, #tpu.memory_space<hbm>> -> memref<640x64xf32, #tpu.memory_space<hbm>>
        %dma_wait3A_256 = arith.constant 9360 : i32
        %dma_wait3A_257 = arith.constant 0 : i32
        %dma_wait3A_258 = tpu.memref_slice %arg22[%dma_wait3A_256, %dma_wait3A_257] : memref<10240x64xf32, #tpu.memory_space<vmem_shared>> -> memref<640x64xf32, #tpu.memory_space<vmem_shared>>
        tpu.wait_dma2 semaphore(%run_scoped3A_238 : memref<!tpu.dma_semaphore, #tpu.memory_space<semaphore_mem>>) src(%dma_wait3A_258 : memref<640x64xf32, #tpu.memory_space<vmem_shared>>) dst(%dma_wait3A_255 : memref<640x64xf32, #tpu.memory_space<hbm>>)
        tpu.yield
      }) : () -> ()
    } else {
    }
    %barrier3A_54 = arith.constant 0 : index
    tpu.barrier barrier_id(%barrier3A_54)
    %scan3A_55 = arith.constant 0 : i32
    %scan3A_56 = arith.constant 128 : i32
    %scan3A_57 = arith.addi %scan3A_55, %scan3A_56 : i32
    %scan3A_58 = arith.constant 1 : i32
    scf.for %scan3A_238 = %scan3A_55 to %scan3A_57 step %scan3A_58  : i32 {
      %mul3A_239 = arith.constant 1 : i32
      %mul3A_240 = arith.muli %scan3A_238, %mul3A_239 : i32
      %add3A_241 = arith.constant 0 : i32
      %add3A_242 = arith.addi %add3A_241, %mul3A_240 : i32
      %scan3A_243 = arith.constant 0 : i32
      %scan3A_244 = arith.constant 4 : i32
      %scan3A_245 = arith.addi %scan3A_243, %scan3A_244 : i32
      %scan3A_246 = arith.constant 1 : i32
      scf.for %scan3A_248 = %scan3A_243 to %scan3A_245 step %scan3A_246  : i32 {
        %mul3A_249 = arith.constant 16 : i32
        %mul3A_250 = arith.muli %scan3A_248, %mul3A_249 : i32
        %add3A_251 = arith.constant 0 : i32
        %add3A_252 = arith.addi %add3A_251, %mul3A_250 : i32
        %broadcast_in_dim3A = arith.constant 0.000000e+00 : f32
        %broadcast_in_dim3A_253 = vector.broadcast %broadcast_in_dim3A : f32 to vector<16xf32>
        %swap3A = arith.index_cast %add3A_242 : i32 to index
        %swap3A_254 = arith.index_cast %add3A_252 : i32 to index
        %swap3A_255 = tpu.vector_load %arg14[%swap3A, %swap3A_254] {strides = array<i32>} : memref<128x64xf32, #tpu.memory_space<vmem>>, vector<1x16xf32>,
        %swap3A_256 = vector.shape_cast %swap3A_255 : vector<1x16xf32> to vector<16xf32>
        %swap3A_257 = vector.shape_cast %broadcast_in_dim3A_253 : vector<16xf32> to vector<1x16xf32>
        tpu.vector_store %arg14[%swap3A, %swap3A_254], %swap3A_257 {strides = array<i32>} : memref<128x64xf32, #tpu.memory_space<vmem>>, vector<1x16xf32>,
      }
      %scan3A_247 = arith.constant 4 : i32
    }
    %scan3A_59 = arith.constant 128 : i32
    %scan3A_60 = arith.constant 0 : i32
    %scan3A_61 = arith.constant 5 : i32
    %scan3A_62 = arith.addi %scan3A_60, %scan3A_61 : i32
    %scan3A_63 = arith.constant 1 : i32
    scf.for %scan3A_238 = %scan3A_60 to %scan3A_62 step %scan3A_63  : i32 {
      %mul3A_239 = arith.constant 1 : i32
      %mul3A_240 = arith.muli %scan3A_238, %mul3A_239 : i32
      %add3A_241 = arith.constant 0 : i32
      %add3A_242 = arith.addi %add3A_241, %mul3A_240 : i32
      %mul3A_243 = arith.constant 640 : i32
      %mul3A_244 = arith.muli %arg1, %mul3A_243 : i32
      %mul3A_245 = arith.constant 128 : i32
      %mul3A_246 = arith.muli %add3A_242, %mul3A_245 : i32
      %add3A_247 = arith.addi %mul3A_244, %mul3A_246 : i32
      "tpu.region"() ({
        %run_scoped3A_248 = tpu.sem_alloc : memref<!tpu.dma_semaphore, #tpu.memory_space<semaphore_mem>>
        %dma_start3A_249 = arith.constant 0 : i32
        %dma_start3A_250 = tpu.memref_slice %arg22[%add3A_247, %dma_start3A_249] : memref<10240x64xf32, #tpu.memory_space<vmem_shared>> -> memref<128x64xf32, #tpu.memory_space<vmem_shared>>
        %dma_start3A_251 = arith.constant 0 : i32
        %dma_start3A_252 = tpu.memref_slice %arg22[%add3A_247, %dma_start3A_251] : memref<10240x64xf32, #tpu.memory_space<vmem_shared>> -> memref<128x64xf32, #tpu.memory_space<vmem_shared>>
        tpu.enqueue_dma source(%arg14 : memref<128x64xf32, #tpu.memory_space<vmem>>) target(%dma_start3A_252 : memref<128x64xf32, #tpu.memory_space<vmem_shared>>) target_semaphore(%run_scoped3A_248 : memref<!tpu.dma_semaphore, #tpu.memory_space<semaphore_mem>>)
        %dma_wait3A_253 = arith.constant 0 : i32
        %dma_wait3A_254 = tpu.memref_slice %arg22[%add3A_247, %dma_wait3A_253] : memref<10240x64xf32, #tpu.memory_space<vmem_shared>> -> memref<128x64xf32, #tpu.memory_space<vmem_shared>>
        %dma_wait3A_255 = arith.constant 0 : i32
        %dma_wait3A_256 = tpu.memref_slice %arg22[%add3A_247, %dma_wait3A_255] : memref<10240x64xf32, #tpu.memory_space<vmem_shared>> -> memref<128x64xf32, #tpu.memory_space<vmem_shared>>
        tpu.wait_dma2 semaphore(%run_scoped3A_248 : memref<!tpu.dma_semaphore, #tpu.memory_space<semaphore_mem>>) src(%arg14 : memref<128x64xf32, #tpu.memory_space<vmem>>) dst(%dma_wait3A_256 : memref<128x64xf32, #tpu.memory_space<vmem_shared>>)
        tpu.yield
      }) : () -> ()
    }
    %scan3A_64 = arith.constant 5 : i32
    %barrier3A_65 = arith.constant 0 : index
    tpu.barrier barrier_id(%barrier3A_65)
    %dma_start3A_66 = arith.constant 0 : i32
    %dma_start3A_67 = arith.constant 0 : i32
    %dma_start3A_68 = tpu.memref_slice %arg12[%dma_start3A_66, %dma_start3A_67] : memref<80x128xi32, #tpu.memory_space<vmem>> -> memref<1x128xi32, #tpu.memory_space<vmem>>
    %dma_start3A_69 = tpu.memref_squeeze %dma_start3A_68 : memref<1x128xi32, #tpu.memory_space<vmem>> -> memref<128xi32, #tpu.memory_space<vmem>>
    %dma_start3A_70 = arith.constant 0 : i32
    %dma_start3A_71 = arith.constant 0 : i32
    %dma_start3A_72 = tpu.memref_slice %arg5[%dma_start3A_70, %dma_start3A_71] : memref<10000x64xf32, #tpu.memory_space<hbm>> -> memref<10000x64xf32, #tpu.memory_space<hbm>>
    tpu.enqueue_indirect_dma source(%dma_start3A_72 : memref<10000x64xf32, #tpu.memory_space<hbm>>) target(%arg14 : memref<128x64xf32, #tpu.memory_space<vmem>>) offsets(%dma_start3A_69 : memref<128xi32, #tpu.memory_space<vmem>>) semaphore(%arg23 : memref<!tpu.dma_semaphore, #tpu.memory_space<semaphore_mem>>)
    %dma_start3A_73 = arith.constant 1 : i32
    %dma_start3A_74 = arith.constant 0 : i32
    %dma_start3A_75 = tpu.memref_slice %arg12[%dma_start3A_73, %dma_start3A_74] : memref<80x128xi32, #tpu.memory_space<vmem>> -> memref<1x128xi32, #tpu.memory_space<vmem>>
    %dma_start3A_76 = tpu.memref_squeeze %dma_start3A_75 : memref<1x128xi32, #tpu.memory_space<vmem>> -> memref<128xi32, #tpu.memory_space<vmem>>
    %dma_start3A_77 = arith.constant 0 : i32
    %dma_start3A_78 = arith.constant 0 : i32
    %dma_start3A_79 = tpu.memref_slice %arg5[%dma_start3A_77, %dma_start3A_78] : memref<10000x64xf32, #tpu.memory_space<hbm>> -> memref<10000x64xf32, #tpu.memory_space<hbm>>
    tpu.enqueue_indirect_dma source(%dma_start3A_79 : memref<10000x64xf32, #tpu.memory_space<hbm>>) target(%arg15 : memref<128x64xf32, #tpu.memory_space<vmem>>) offsets(%dma_start3A_76 : memref<128xi32, #tpu.memory_space<vmem>>) semaphore(%arg24 : memref<!tpu.dma_semaphore, #tpu.memory_space<semaphore_mem>>)
    %scan3A_80 = arith.constant 0 : i32
    %scan3A_81 = arith.constant 39 : i32
    %scan3A_82 = arith.addi %scan3A_80, %scan3A_81 : i32
    %scan3A_83 = arith.constant 1 : i32
    scf.for %scan3A_238 = %scan3A_80 to %scan3A_82 step %scan3A_83  : i32 {
      %mul3A_239 = arith.constant 1 : i32
      %mul3A_240 = arith.muli %scan3A_238, %mul3A_239 : i32
      %add3A_241 = arith.constant 0 : i32
      %add3A_242 = arith.addi %add3A_241, %mul3A_240 : i32
      %mul3A_243 = arith.constant 2 : i32
      %mul3A_244 = arith.muli %mul3A_243, %add3A_242 : i32
      %add3A_245 = arith.constant 0 : i32
      %add3A_246 = arith.addi %add3A_245, %mul3A_244 : i32
      %dma_wait3A_247 = arith.constant 0 : i32
      %dma_wait3A_248 = tpu.memref_slice %arg12[%add3A_246, %dma_wait3A_247] : memref<80x128xi32, #tpu.memory_space<vmem>> -> memref<1x128xi32, #tpu.memory_space<vmem>>
      %dma_wait3A_249 = tpu.memref_squeeze %dma_wait3A_248 : memref<1x128xi32, #tpu.memory_space<vmem>> -> memref<128xi32, #tpu.memory_space<vmem>>
      %dma_wait3A_250 = arith.constant 0 : i32
      %dma_wait3A_251 = arith.constant 0 : i32
      %dma_wait3A_252 = tpu.memref_slice %arg5[%dma_wait3A_250, %dma_wait3A_251] : memref<10000x64xf32, #tpu.memory_space<hbm>> -> memref<10000x64xf32, #tpu.memory_space<hbm>>
      tpu.wait_indirect_dma semaphore(%arg23 : memref<!tpu.dma_semaphore, #tpu.memory_space<semaphore_mem>>) src(%dma_wait3A_252 : memref<10000x64xf32, #tpu.memory_space<hbm>>) dst(%arg14 : memref<128x64xf32, #tpu.memory_space<vmem>>)
      "tpu.region"() ({
        %run_scoped3A_285 = tpu.sem_alloc : memref<!tpu.dma_semaphore, #tpu.memory_space<semaphore_mem>>
        %dma_start3A_286 = arith.constant 0 : i32
        %dma_start3A_287 = tpu.memref_slice %arg13[%mul3A_244, %dma_start3A_286] : memref<80x128xi32, #tpu.memory_space<vmem>> -> memref<1x128xi32, #tpu.memory_space<vmem>>
        %dma_start3A_288 = tpu.memref_squeeze %dma_start3A_287 : memref<1x128xi32, #tpu.memory_space<vmem>> -> memref<128xi32, #tpu.memory_space<vmem>>
        %dma_start3A_289 = arith.constant 0 : i32
        %dma_start3A_290 = arith.constant 0 : i32
        %dma_start3A_291 = tpu.memref_slice %arg22[%dma_start3A_289, %dma_start3A_290] : memref<10240x64xf32, #tpu.memory_space<vmem_shared>> -> memref<10240x64xf32, #tpu.memory_space<vmem_shared>>
        tpu.enqueue_indirect_dma source(%arg14 : memref<128x64xf32, #tpu.memory_space<vmem>>) target(%dma_start3A_291 : memref<10240x64xf32, #tpu.memory_space<vmem_shared>>) offsets(%dma_start3A_288 : memref<128xi32, #tpu.memory_space<vmem>>) semaphore(%run_scoped3A_285 : memref<!tpu.dma_semaphore, #tpu.memory_space<semaphore_mem>>) {add = true}
        %dma_wait3A_292 = arith.constant 0 : i32
        %dma_wait3A_293 = tpu.memref_slice %arg13[%mul3A_244, %dma_wait3A_292] : memref<80x128xi32, #tpu.memory_space<vmem>> -> memref<1x128xi32, #tpu.memory_space<vmem>>
        %dma_wait3A_294 = tpu.memref_squeeze %dma_wait3A_293 : memref<1x128xi32, #tpu.memory_space<vmem>> -> memref<128xi32, #tpu.memory_space<vmem>>
        %dma_wait3A_295 = arith.constant 0 : i32
        %dma_wait3A_296 = arith.constant 0 : i32
        %dma_wait3A_297 = tpu.memref_slice %arg22[%dma_wait3A_295, %dma_wait3A_296] : memref<10240x64xf32, #tpu.memory_space<vmem_shared>> -> memref<10240x64xf32, #tpu.memory_space<vmem_shared>>
        tpu.wait_indirect_dma semaphore(%run_scoped3A_285 : memref<!tpu.dma_semaphore, #tpu.memory_space<semaphore_mem>>) src(%arg14 : memref<128x64xf32, #tpu.memory_space<vmem>>) dst(%dma_wait3A_297 : memref<10240x64xf32, #tpu.memory_space<vmem_shared>>)
        tpu.yield
      }) : () -> ()
      %add3A_253 = arith.constant 2 : i32
      %add3A_254 = arith.addi %mul3A_244, %add3A_253 : i32
      %add3A_255 = arith.constant 0 : i32
      %add3A_256 = arith.addi %add3A_255, %add3A_254 : i32
      %dma_start3A_257 = arith.constant 0 : i32
      %dma_start3A_258 = tpu.memref_slice %arg12[%add3A_256, %dma_start3A_257] : memref<80x128xi32, #tpu.memory_space<vmem>> -> memref<1x128xi32, #tpu.memory_space<vmem>>
      %dma_start3A_259 = tpu.memref_squeeze %dma_start3A_258 : memref<1x128xi32, #tpu.memory_space<vmem>> -> memref<128xi32, #tpu.memory_space<vmem>>
      %dma_start3A_260 = arith.constant 0 : i32
      %dma_start3A_261 = arith.constant 0 : i32
      %dma_start3A_262 = tpu.memref_slice %arg5[%dma_start3A_260, %dma_start3A_261] : memref<10000x64xf32, #tpu.memory_space<hbm>> -> memref<10000x64xf32, #tpu.memory_space<hbm>>
      tpu.enqueue_indirect_dma source(%dma_start3A_262 : memref<10000x64xf32, #tpu.memory_space<hbm>>) target(%arg14 : memref<128x64xf32, #tpu.memory_space<vmem>>) offsets(%dma_start3A_259 : memref<128xi32, #tpu.memory_space<vmem>>) semaphore(%arg23 : memref<!tpu.dma_semaphore, #tpu.memory_space<semaphore_mem>>)
      %mul3A_263 = arith.constant 2 : i32
      %mul3A_264 = arith.muli %mul3A_263, %add3A_242 : i32
      %add3A_265 = arith.constant 1 : i32
      %add3A_266 = arith.addi %mul3A_264, %add3A_265 : i32
      %add3A_267 = arith.constant 0 : i32
      %add3A_268 = arith.addi %add3A_267, %add3A_266 : i32
      %dma_wait3A_269 = arith.constant 0 : i32
      %dma_wait3A_270 = tpu.memref_slice %arg12[%add3A_268, %dma_wait3A_269] : memref<80x128xi32, #tpu.memory_space<vmem>> -> memref<1x128xi32, #tpu.memory_space<vmem>>
      %dma_wait3A_271 = tpu.memref_squeeze %dma_wait3A_270 : memref<1x128xi32, #tpu.memory_space<vmem>> -> memref<128xi32, #tpu.memory_space<vmem>>
      %dma_wait3A_272 = arith.constant 0 : i32
      %dma_wait3A_273 = arith.constant 0 : i32
      %dma_wait3A_274 = tpu.memref_slice %arg5[%dma_wait3A_272, %dma_wait3A_273] : memref<10000x64xf32, #tpu.memory_space<hbm>> -> memref<10000x64xf32, #tpu.memory_space<hbm>>
      tpu.wait_indirect_dma semaphore(%arg24 : memref<!tpu.dma_semaphore, #tpu.memory_space<semaphore_mem>>) src(%dma_wait3A_274 : memref<10000x64xf32, #tpu.memory_space<hbm>>) dst(%arg15 : memref<128x64xf32, #tpu.memory_space<vmem>>)
      "tpu.region"() ({
        %run_scoped3A_285 = tpu.sem_alloc : memref<!tpu.dma_semaphore, #tpu.memory_space<semaphore_mem>>
        %dma_start3A_286 = arith.constant 0 : i32
        %dma_start3A_287 = tpu.memref_slice %arg13[%add3A_266, %dma_start3A_286] : memref<80x128xi32, #tpu.memory_space<vmem>> -> memref<1x128xi32, #tpu.memory_space<vmem>>
        %dma_start3A_288 = tpu.memref_squeeze %dma_start3A_287 : memref<1x128xi32, #tpu.memory_space<vmem>> -> memref<128xi32, #tpu.memory_space<vmem>>
        %dma_start3A_289 = arith.constant 0 : i32
        %dma_start3A_290 = arith.constant 0 : i32
        %dma_start3A_291 = tpu.memref_slice %arg22[%dma_start3A_289, %dma_start3A_290] : memref<10240x64xf32, #tpu.memory_space<vmem_shared>> -> memref<10240x64xf32, #tpu.memory_space<vmem_shared>>
        tpu.enqueue_indirect_dma source(%arg15 : memref<128x64xf32, #tpu.memory_space<vmem>>) target(%dma_start3A_291 : memref<10240x64xf32, #tpu.memory_space<vmem_shared>>) offsets(%dma_start3A_288 : memref<128xi32, #tpu.memory_space<vmem>>) semaphore(%run_scoped3A_285 : memref<!tpu.dma_semaphore, #tpu.memory_space<semaphore_mem>>) {add = true}
        %dma_wait3A_292 = arith.constant 0 : i32
        %dma_wait3A_293 = tpu.memref_slice %arg13[%add3A_266, %dma_wait3A_292] : memref<80x128xi32, #tpu.memory_space<vmem>> -> memref<1x128xi32, #tpu.memory_space<vmem>>
        %dma_wait3A_294 = tpu.memref_squeeze %dma_wait3A_293 : memref<1x128xi32, #tpu.memory_space<vmem>> -> memref<128xi32, #tpu.memory_space<vmem>>
        %dma_wait3A_295 = arith.constant 0 : i32
        %dma_wait3A_296 = arith.constant 0 : i32
        %dma_wait3A_297 = tpu.memref_slice %arg22[%dma_wait3A_295, %dma_wait3A_296] : memref<10240x64xf32, #tpu.memory_space<vmem_shared>> -> memref<10240x64xf32, #tpu.memory_space<vmem_shared>>
        tpu.wait_indirect_dma semaphore(%run_scoped3A_285 : memref<!tpu.dma_semaphore, #tpu.memory_space<semaphore_mem>>) src(%arg15 : memref<128x64xf32, #tpu.memory_space<vmem>>) dst(%dma_wait3A_297 : memref<10240x64xf32, #tpu.memory_space<vmem_shared>>)
        tpu.yield
      }) : () -> ()
      %add3A_275 = arith.constant 2 : i32
      %add3A_276 = arith.addi %add3A_266, %add3A_275 : i32
      %add3A_277 = arith.constant 0 : i32
      %add3A_278 = arith.addi %add3A_277, %add3A_276 : i32
      %dma_start3A_279 = arith.constant 0 : i32
      %dma_start3A_280 = tpu.memref_slice %arg12[%add3A_278, %dma_start3A_279] : memref<80x128xi32, #tpu.memory_space<vmem>> -> memref<1x128xi32, #tpu.memory_space<vmem>>
      %dma_start3A_281 = tpu.memref_squeeze %dma_start3A_280 : memref<1x128xi32, #tpu.memory_space<vmem>> -> memref<128xi32, #tpu.memory_space<vmem>>
      %dma_start3A_282 = arith.constant 0 : i32
      %dma_start3A_283 = arith.constant 0 : i32
      %dma_start3A_284 = tpu.memref_slice %arg5[%dma_start3A_282, %dma_start3A_283] : memref<10000x64xf32, #tpu.memory_space<hbm>> -> memref<10000x64xf32, #tpu.memory_space<hbm>>
      tpu.enqueue_indirect_dma source(%dma_start3A_284 : memref<10000x64xf32, #tpu.memory_space<hbm>>) target(%arg15 : memref<128x64xf32, #tpu.memory_space<vmem>>) offsets(%dma_start3A_281 : memref<128xi32, #tpu.memory_space<vmem>>) semaphore(%arg24 : memref<!tpu.dma_semaphore, #tpu.memory_space<semaphore_mem>>)
    }
    %scan3A_84 = arith.constant 39 : i32
    %dma_wait3A_85 = arith.constant 78 : i32
    %dma_wait3A_86 = arith.constant 0 : i32
    %dma_wait3A_87 = tpu.memref_slice %arg12[%dma_wait3A_85, %dma_wait3A_86] : memref<80x128xi32, #tpu.memory_space<vmem>> -> memref<1x128xi32, #tpu.memory_space<vmem>>
    %dma_wait3A_88 = tpu.memref_squeeze %dma_wait3A_87 : memref<1x128xi32, #tpu.memory_space<vmem>> -> memref<128xi32, #tpu.memory_space<vmem>>
    %dma_wait3A_89 = arith.constant 0 : i32
    %dma_wait3A_90 = arith.constant 0 : i32
    %dma_wait3A_91 = tpu.memref_slice %arg5[%dma_wait3A_89, %dma_wait3A_90] : memref<10000x64xf32, #tpu.memory_space<hbm>> -> memref<10000x64xf32, #tpu.memory_space<hbm>>
    tpu.wait_indirect_dma semaphore(%arg23 : memref<!tpu.dma_semaphore, #tpu.memory_space<semaphore_mem>>) src(%dma_wait3A_91 : memref<10000x64xf32, #tpu.memory_space<hbm>>) dst(%arg14 : memref<128x64xf32, #tpu.memory_space<vmem>>)
    %run_scoped3A_92 = arith.constant 78 : i32
    "tpu.region"() ({
      %run_scoped3A_238 = tpu.sem_alloc : memref<!tpu.dma_semaphore, #tpu.memory_space<semaphore_mem>>
      %dma_start3A_239 = arith.constant 0 : i32
      %dma_start3A_240 = tpu.memref_slice %arg13[%run_scoped3A_92, %dma_start3A_239] : memref<80x128xi32, #tpu.memory_space<vmem>> -> memref<1x128xi32, #tpu.memory_space<vmem>>
      %dma_start3A_241 = tpu.memref_squeeze %dma_start3A_240 : memref<1x128xi32, #tpu.memory_space<vmem>> -> memref<128xi32, #tpu.memory_space<vmem>>
      %dma_start3A_242 = arith.constant 0 : i32
      %dma_start3A_243 = arith.constant 0 : i32
      %dma_start3A_244 = tpu.memref_slice %arg22[%dma_start3A_242, %dma_start3A_243] : memref<10240x64xf32, #tpu.memory_space<vmem_shared>> -> memref<10240x64xf32, #tpu.memory_space<vmem_shared>>
      tpu.enqueue_indirect_dma source(%arg14 : memref<128x64xf32, #tpu.memory_space<vmem>>) target(%dma_start3A_244 : memref<10240x64xf32, #tpu.memory_space<vmem_shared>>) offsets(%dma_start3A_241 : memref<128xi32, #tpu.memory_space<vmem>>) semaphore(%run_scoped3A_238 : memref<!tpu.dma_semaphore, #tpu.memory_space<semaphore_mem>>) {add = true}
      %dma_wait3A_245 = arith.constant 0 : i32
      %dma_wait3A_246 = tpu.memref_slice %arg13[%run_scoped3A_92, %dma_wait3A_245] : memref<80x128xi32, #tpu.memory_space<vmem>> -> memref<1x128xi32, #tpu.memory_space<vmem>>
      %dma_wait3A_247 = tpu.memref_squeeze %dma_wait3A_246 : memref<1x128xi32, #tpu.memory_space<vmem>> -> memref<128xi32, #tpu.memory_space<vmem>>
      %dma_wait3A_248 = arith.constant 0 : i32
      %dma_wait3A_249 = arith.constant 0 : i32
      %dma_wait3A_250 = tpu.memref_slice %arg22[%dma_wait3A_248, %dma_wait3A_249] : memref<10240x64xf32, #tpu.memory_space<vmem_shared>> -> memref<10240x64xf32, #tpu.memory_space<vmem_shared>>
      tpu.wait_indirect_dma semaphore(%run_scoped3A_238 : memref<!tpu.dma_semaphore, #tpu.memory_space<semaphore_mem>>) src(%arg14 : memref<128x64xf32, #tpu.memory_space<vmem>>) dst(%dma_wait3A_250 : memref<10240x64xf32, #tpu.memory_space<vmem_shared>>)
      tpu.yield
    }) : () -> ()
    %dma_wait3A_93 = arith.constant 79 : i32
    %dma_wait3A_94 = arith.constant 0 : i32
    %dma_wait3A_95 = tpu.memref_slice %arg12[%dma_wait3A_93, %dma_wait3A_94] : memref<80x128xi32, #tpu.memory_space<vmem>> -> memref<1x128xi32, #tpu.memory_space<vmem>>
    %dma_wait3A_96 = tpu.memref_squeeze %dma_wait3A_95 : memref<1x128xi32, #tpu.memory_space<vmem>> -> memref<128xi32, #tpu.memory_space<vmem>>
    %dma_wait3A_97 = arith.constant 0 : i32
    %dma_wait3A_98 = arith.constant 0 : i32
    %dma_wait3A_99 = tpu.memref_slice %arg5[%dma_wait3A_97, %dma_wait3A_98] : memref<10000x64xf32, #tpu.memory_space<hbm>> -> memref<10000x64xf32, #tpu.memory_space<hbm>>
    tpu.wait_indirect_dma semaphore(%arg24 : memref<!tpu.dma_semaphore, #tpu.memory_space<semaphore_mem>>) src(%dma_wait3A_99 : memref<10000x64xf32, #tpu.memory_space<hbm>>) dst(%arg15 : memref<128x64xf32, #tpu.memory_space<vmem>>)
    %run_scoped3A_100 = arith.constant 79 : i32
    "tpu.region"() ({
      %run_scoped3A_238 = tpu.sem_alloc : memref<!tpu.dma_semaphore, #tpu.memory_space<semaphore_mem>>
      %dma_start3A_239 = arith.constant 0 : i32
      %dma_start3A_240 = tpu.memref_slice %arg13[%run_scoped3A_100, %dma_start3A_239] : memref<80x128xi32, #tpu.memory_space<vmem>> -> memref<1x128xi32, #tpu.memory_space<vmem>>
      %dma_start3A_241 = tpu.memref_squeeze %dma_start3A_240 : memref<1x128xi32, #tpu.memory_space<vmem>> -> memref<128xi32, #tpu.memory_space<vmem>>
      %dma_start3A_242 = arith.constant 0 : i32
      %dma_start3A_243 = arith.constant 0 : i32
      %dma_start3A_244 = tpu.memref_slice %arg22[%dma_start3A_242, %dma_start3A_243] : memref<10240x64xf32, #tpu.memory_space<vmem_shared>> -> memref<10240x64xf32, #tpu.memory_space<vmem_shared>>
      tpu.enqueue_indirect_dma source(%arg15 : memref<128x64xf32, #tpu.memory_space<vmem>>) target(%dma_start3A_244 : memref<10240x64xf32, #tpu.memory_space<vmem_shared>>) offsets(%dma_start3A_241 : memref<128xi32, #tpu.memory_space<vmem>>) semaphore(%run_scoped3A_238 : memref<!tpu.dma_semaphore, #tpu.memory_space<semaphore_mem>>) {add = true}
      %dma_wait3A_245 = arith.constant 0 : i32
      %dma_wait3A_246 = tpu.memref_slice %arg13[%run_scoped3A_100, %dma_wait3A_245] : memref<80x128xi32, #tpu.memory_space<vmem>> -> memref<1x128xi32, #tpu.memory_space<vmem>>
      %dma_wait3A_247 = tpu.memref_squeeze %dma_wait3A_246 : memref<1x128xi32, #tpu.memory_space<vmem>> -> memref<128xi32, #tpu.memory_space<vmem>>
      %dma_wait3A_248 = arith.constant 0 : i32
      %dma_wait3A_249 = arith.constant 0 : i32
      %dma_wait3A_250 = tpu.memref_slice %arg22[%dma_wait3A_248, %dma_wait3A_249] : memref<10240x64xf32, #tpu.memory_space<vmem_shared>> -> memref<10240x64xf32, #tpu.memory_space<vmem_shared>>
      tpu.wait_indirect_dma semaphore(%run_scoped3A_238 : memref<!tpu.dma_semaphore, #tpu.memory_space<semaphore_mem>>) src(%arg15 : memref<128x64xf32, #tpu.memory_space<vmem>>) dst(%dma_wait3A_250 : memref<10240x64xf32, #tpu.memory_space<vmem_shared>>)
      tpu.yield
    }) : () -> ()
    %barrier3A_101 = arith.constant 0 : index
    tpu.barrier barrier_id(%barrier3A_101)
    %mul3A_102 = arith.constant 624 : i32
    %mul3A_103 = arith.muli %arg1, %mul3A_102 : i32
    %multiple_of3A_104 = tpu.assume_multiple %mul3A_103, 8 : i32
    %lt3A_105 = arith.constant 15 : i32
    %lt3A_106 = arith.cmpi slt, %arg1, %lt3A_105 : i32
    %convert_element_type3A_107 = arith.extui %lt3A_106 : i1 to i32
    %cond3A_108 = arith.constant 0 : i32
    %cond3A_109 = arith.cmpi ne, %convert_element_type3A_107, %cond3A_108 : i32
    scf.if %cond3A_109 {
      "tpu.region"() ({
        %run_scoped3A_238 = tpu.sem_alloc : memref<!tpu.dma_semaphore, #tpu.memory_space<semaphore_mem>>
        %dma_start3A_239 = arith.constant 0 : i32
        %dma_start3A_240 = arith.constant 0 : i32
        %dma_start3A_241 = tpu.memref_slice %arg9[%arg0, %dma_start3A_239, %dma_start3A_240] : memref<2x10000x64xf32, #tpu.memory_space<hbm>> -> memref<1x10000x64xf32, #tpu.memory_space<hbm>>
        %dma_start3A_242 = tpu.memref_squeeze %dma_start3A_241 : memref<1x10000x64xf32, #tpu.memory_space<hbm>> -> memref<10000x64xf32, #tpu.memory_space<hbm>>
        %dma_start3A_243 = arith.constant 0 : i32
        %dma_start3A_244 = tpu.memref_slice %dma_start3A_242[%multiple_of3A_104, %dma_start3A_243] : memref<10000x64xf32, #tpu.memory_space<hbm>> -> memref<624x64xf32, #tpu.memory_space<hbm>>
        %dma_start3A_245 = arith.constant 0 : i32
        %dma_start3A_246 = tpu.memref_slice %arg22[%multiple_of3A_104, %dma_start3A_245] : memref<10240x64xf32, #tpu.memory_space<vmem_shared>> -> memref<624x64xf32, #tpu.memory_space<vmem_shared>>
        tpu.enqueue_dma source(%dma_start3A_246 : memref<624x64xf32, #tpu.memory_space<vmem_shared>>) target(%dma_start3A_244 : memref<624x64xf32, #tpu.memory_space<hbm>>) target_semaphore(%run_scoped3A_238 : memref<!tpu.dma_semaphore, #tpu.memory_space<semaphore_mem>>)
        %dma_wait3A_247 = arith.constant 0 : i32
        %dma_wait3A_248 = arith.constant 0 : i32
        %dma_wait3A_249 = tpu.memref_slice %arg9[%arg0, %dma_wait3A_247, %dma_wait3A_248] : memref<2x10000x64xf32, #tpu.memory_space<hbm>> -> memref<1x10000x64xf32, #tpu.memory_space<hbm>>
        %dma_wait3A_250 = tpu.memref_squeeze %dma_wait3A_249 : memref<1x10000x64xf32, #tpu.memory_space<hbm>> -> memref<10000x64xf32, #tpu.memory_space<hbm>>
        %dma_wait3A_251 = arith.constant 0 : i32
        %dma_wait3A_252 = tpu.memref_slice %dma_wait3A_250[%multiple_of3A_104, %dma_wait3A_251] : memref<10000x64xf32, #tpu.memory_space<hbm>> -> memref<624x64xf32, #tpu.memory_space<hbm>>
        %dma_wait3A_253 = arith.constant 0 : i32
        %dma_wait3A_254 = tpu.memref_slice %arg22[%multiple_of3A_104, %dma_wait3A_253] : memref<10240x64xf32, #tpu.memory_space<vmem_shared>> -> memref<624x64xf32, #tpu.memory_space<vmem_shared>>
        tpu.wait_dma2 semaphore(%run_scoped3A_238 : memref<!tpu.dma_semaphore, #tpu.memory_space<semaphore_mem>>) src(%dma_wait3A_254 : memref<624x64xf32, #tpu.memory_space<vmem_shared>>) dst(%dma_wait3A_252 : memref<624x64xf32, #tpu.memory_space<hbm>>)
        tpu.yield
      }) : () -> ()
    } else {
    }
    %eq3A_110 = arith.constant 15 : i32
    %eq3A_111 = arith.cmpi eq, %arg1, %eq3A_110 : i32
    %convert_element_type3A_112 = arith.extui %eq3A_111 : i1 to i32
    %cond3A_113 = arith.constant 0 : i32
    %cond3A_114 = arith.cmpi ne, %convert_element_type3A_112, %cond3A_113 : i32
    scf.if %cond3A_114 {
      "tpu.region"() ({
        %run_scoped3A_238 = tpu.sem_alloc : memref<!tpu.dma_semaphore, #tpu.memory_space<semaphore_mem>>
        %dma_start3A_239 = arith.constant 0 : i32
        %dma_start3A_240 = arith.constant 0 : i32
        %dma_start3A_241 = tpu.memref_slice %arg9[%arg0, %dma_start3A_239, %dma_start3A_240] : memref<2x10000x64xf32, #tpu.memory_space<hbm>> -> memref<1x10000x64xf32, #tpu.memory_space<hbm>>
        %dma_start3A_242 = tpu.memref_squeeze %dma_start3A_241 : memref<1x10000x64xf32, #tpu.memory_space<hbm>> -> memref<10000x64xf32, #tpu.memory_space<hbm>>
        %dma_start3A_243 = arith.constant 9360 : i32
        %dma_start3A_244 = arith.constant 0 : i32
        %dma_start3A_245 = tpu.memref_slice %dma_start3A_242[%dma_start3A_243, %dma_start3A_244] : memref<10000x64xf32, #tpu.memory_space<hbm>> -> memref<640x64xf32, #tpu.memory_space<hbm>>
        %dma_start3A_246 = arith.constant 9360 : i32
        %dma_start3A_247 = arith.constant 0 : i32
        %dma_start3A_248 = tpu.memref_slice %arg22[%dma_start3A_246, %dma_start3A_247] : memref<10240x64xf32, #tpu.memory_space<vmem_shared>> -> memref<640x64xf32, #tpu.memory_space<vmem_shared>>
        tpu.enqueue_dma source(%dma_start3A_248 : memref<640x64xf32, #tpu.memory_space<vmem_shared>>) target(%dma_start3A_245 : memref<640x64xf32, #tpu.memory_space<hbm>>) target_semaphore(%run_scoped3A_238 : memref<!tpu.dma_semaphore, #tpu.memory_space<semaphore_mem>>)
        %dma_wait3A_249 = arith.constant 0 : i32
        %dma_wait3A_250 = arith.constant 0 : i32
        %dma_wait3A_251 = tpu.memref_slice %arg9[%arg0, %dma_wait3A_249, %dma_wait3A_250] : memref<2x10000x64xf32, #tpu.memory_space<hbm>> -> memref<1x10000x64xf32, #tpu.memory_space<hbm>>
        %dma_wait3A_252 = tpu.memref_squeeze %dma_wait3A_251 : memref<1x10000x64xf32, #tpu.memory_space<hbm>> -> memref<10000x64xf32, #tpu.memory_space<hbm>>
        %dma_wait3A_253 = arith.constant 9360 : i32
        %dma_wait3A_254 = arith.constant 0 : i32
        %dma_wait3A_255 = tpu.memref_slice %dma_wait3A_252[%dma_wait3A_253, %dma_wait3A_254] : memref<10000x64xf32, #tpu.memory_space<hbm>> -> memref<640x64xf32, #tpu.memory_space<hbm>>
        %dma_wait3A_256 = arith.constant 9360 : i32
        %dma_wait3A_257 = arith.constant 0 : i32
        %dma_wait3A_258 = tpu.memref_slice %arg22[%dma_wait3A_256, %dma_wait3A_257] : memref<10240x64xf32, #tpu.memory_space<vmem_shared>> -> memref<640x64xf32, #tpu.memory_space<vmem_shared>>
        tpu.wait_dma2 semaphore(%run_scoped3A_238 : memref<!tpu.dma_semaphore, #tpu.memory_space<semaphore_mem>>) src(%dma_wait3A_258 : memref<640x64xf32, #tpu.memory_space<vmem_shared>>) dst(%dma_wait3A_255 : memref<640x64xf32, #tpu.memory_space<hbm>>)
        tpu.yield
      }) : () -> ()
    } else {
    }
    %barrier3A_115 = arith.constant 0 : index
    tpu.barrier barrier_id(%barrier3A_115)
    %scan3A_116 = arith.constant 0 : i32
    %scan3A_117 = arith.constant 128 : i32
    %scan3A_118 = arith.addi %scan3A_116, %scan3A_117 : i32
    %scan3A_119 = arith.constant 1 : i32
    scf.for %scan3A_238 = %scan3A_116 to %scan3A_118 step %scan3A_119  : i32 {
      %mul3A_239 = arith.constant 1 : i32
      %mul3A_240 = arith.muli %scan3A_238, %mul3A_239 : i32
      %add3A_241 = arith.constant 0 : i32
      %add3A_242 = arith.addi %add3A_241, %mul3A_240 : i32
      %scan3A_243 = arith.constant 0 : i32
      %scan3A_244 = arith.constant 4 : i32
      %scan3A_245 = arith.addi %scan3A_243, %scan3A_244 : i32
      %scan3A_246 = arith.constant 1 : i32
      scf.for %scan3A_248 = %scan3A_243 to %scan3A_245 step %scan3A_246  : i32 {
        %mul3A_249 = arith.constant 16 : i32
        %mul3A_250 = arith.muli %scan3A_248, %mul3A_249 : i32
        %add3A_251 = arith.constant 0 : i32
        %add3A_252 = arith.addi %add3A_251, %mul3A_250 : i32
        %broadcast_in_dim3A = arith.constant 0.000000e+00 : f32
        %broadcast_in_dim3A_253 = vector.broadcast %broadcast_in_dim3A : f32 to vector<16xf32>
        %swap3A = arith.index_cast %add3A_242 : i32 to index
        %swap3A_254 = arith.index_cast %add3A_252 : i32 to index
        %swap3A_255 = tpu.vector_load %arg14[%swap3A, %swap3A_254] {strides = array<i32>} : memref<128x64xf32, #tpu.memory_space<vmem>>, vector<1x16xf32>,
        %swap3A_256 = vector.shape_cast %swap3A_255 : vector<1x16xf32> to vector<16xf32>
        %swap3A_257 = vector.shape_cast %broadcast_in_dim3A_253 : vector<16xf32> to vector<1x16xf32>
        tpu.vector_store %arg14[%swap3A, %swap3A_254], %swap3A_257 {strides = array<i32>} : memref<128x64xf32, #tpu.memory_space<vmem>>, vector<1x16xf32>,
      }
      %scan3A_247 = arith.constant 4 : i32
    }
    %scan3A_120 = arith.constant 128 : i32
    %scan3A_121 = arith.constant 0 : i32
    %scan3A_122 = arith.constant 5 : i32
    %scan3A_123 = arith.addi %scan3A_121, %scan3A_122 : i32
    %scan3A_124 = arith.constant 1 : i32
    scf.for %scan3A_238 = %scan3A_121 to %scan3A_123 step %scan3A_124  : i32 {
      %mul3A_239 = arith.constant 1 : i32
      %mul3A_240 = arith.muli %scan3A_238, %mul3A_239 : i32
      %add3A_241 = arith.constant 0 : i32
      %add3A_242 = arith.addi %add3A_241, %mul3A_240 : i32
      %mul3A_243 = arith.constant 640 : i32
      %mul3A_244 = arith.muli %arg1, %mul3A_243 : i32
      %mul3A_245 = arith.constant 128 : i32
      %mul3A_246 = arith.muli %add3A_242, %mul3A_245 : i32
      %add3A_247 = arith.addi %mul3A_244, %mul3A_246 : i32
      "tpu.region"() ({
        %run_scoped3A_248 = tpu.sem_alloc : memref<!tpu.dma_semaphore, #tpu.memory_space<semaphore_mem>>
        %dma_start3A_249 = arith.constant 0 : i32
        %dma_start3A_250 = tpu.memref_slice %arg22[%add3A_247, %dma_start3A_249] : memref<10240x64xf32, #tpu.memory_space<vmem_shared>> -> memref<128x64xf32, #tpu.memory_space<vmem_shared>>
        %dma_start3A_251 = arith.constant 0 : i32
        %dma_start3A_252 = tpu.memref_slice %arg22[%add3A_247, %dma_start3A_251] : memref<10240x64xf32, #tpu.memory_space<vmem_shared>> -> memref<128x64xf32, #tpu.memory_space<vmem_shared>>
        tpu.enqueue_dma source(%arg14 : memref<128x64xf32, #tpu.memory_space<vmem>>) target(%dma_start3A_252 : memref<128x64xf32, #tpu.memory_space<vmem_shared>>) target_semaphore(%run_scoped3A_248 : memref<!tpu.dma_semaphore, #tpu.memory_space<semaphore_mem>>)
        %dma_wait3A_253 = arith.constant 0 : i32
        %dma_wait3A_254 = tpu.memref_slice %arg22[%add3A_247, %dma_wait3A_253] : memref<10240x64xf32, #tpu.memory_space<vmem_shared>> -> memref<128x64xf32, #tpu.memory_space<vmem_shared>>
        %dma_wait3A_255 = arith.constant 0 : i32
        %dma_wait3A_256 = tpu.memref_slice %arg22[%add3A_247, %dma_wait3A_255] : memref<10240x64xf32, #tpu.memory_space<vmem_shared>> -> memref<128x64xf32, #tpu.memory_space<vmem_shared>>
        tpu.wait_dma2 semaphore(%run_scoped3A_248 : memref<!tpu.dma_semaphore, #tpu.memory_space<semaphore_mem>>) src(%arg14 : memref<128x64xf32, #tpu.memory_space<vmem>>) dst(%dma_wait3A_256 : memref<128x64xf32, #tpu.memory_space<vmem_shared>>)
        tpu.yield
      }) : () -> ()
    }
    %scan3A_125 = arith.constant 5 : i32
    %barrier3A_126 = arith.constant 0 : index
    tpu.barrier barrier_id(%barrier3A_126)
    %dma_start3A_127 = arith.constant 0 : i32
    %dma_start3A_128 = arith.constant 0 : i32
    %dma_start3A_129 = tpu.memref_slice %arg12[%dma_start3A_127, %dma_start3A_128] : memref<80x128xi32, #tpu.memory_space<vmem>> -> memref<1x128xi32, #tpu.memory_space<vmem>>
    %dma_start3A_130 = tpu.memref_squeeze %dma_start3A_129 : memref<1x128xi32, #tpu.memory_space<vmem>> -> memref<128xi32, #tpu.memory_space<vmem>>
    %dma_start3A_131 = arith.constant 0 : i32
    %dma_start3A_132 = arith.constant 0 : i32
    %dma_start3A_133 = tpu.memref_slice %arg6[%dma_start3A_131, %dma_start3A_132] : memref<10000x64xf32, #tpu.memory_space<hbm>> -> memref<10000x64xf32, #tpu.memory_space<hbm>>
    tpu.enqueue_indirect_dma source(%dma_start3A_133 : memref<10000x64xf32, #tpu.memory_space<hbm>>) target(%arg14 : memref<128x64xf32, #tpu.memory_space<vmem>>) offsets(%dma_start3A_130 : memref<128xi32, #tpu.memory_space<vmem>>) semaphore(%arg23 : memref<!tpu.dma_semaphore, #tpu.memory_space<semaphore_mem>>)
    %dma_start3A_134 = arith.constant 1 : i32
    %dma_start3A_135 = arith.constant 0 : i32
    %dma_start3A_136 = tpu.memref_slice %arg12[%dma_start3A_134, %dma_start3A_135] : memref<80x128xi32, #tpu.memory_space<vmem>> -> memref<1x128xi32, #tpu.memory_space<vmem>>
    %dma_start3A_137 = tpu.memref_squeeze %dma_start3A_136 : memref<1x128xi32, #tpu.memory_space<vmem>> -> memref<128xi32, #tpu.memory_space<vmem>>
    %dma_start3A_138 = arith.constant 0 : i32
    %dma_start3A_139 = arith.constant 0 : i32
    %dma_start3A_140 = tpu.memref_slice %arg6[%dma_start3A_138, %dma_start3A_139] : memref<10000x64xf32, #tpu.memory_space<hbm>> -> memref<10000x64xf32, #tpu.memory_space<hbm>>
    tpu.enqueue_indirect_dma source(%dma_start3A_140 : memref<10000x64xf32, #tpu.memory_space<hbm>>) target(%arg15 : memref<128x64xf32, #tpu.memory_space<vmem>>) offsets(%dma_start3A_137 : memref<128xi32, #tpu.memory_space<vmem>>) semaphore(%arg24 : memref<!tpu.dma_semaphore, #tpu.memory_space<semaphore_mem>>)
    %scan3A_141 = arith.constant 0 : i32
    %scan3A_142 = arith.constant 39 : i32
    %scan3A_143 = arith.addi %scan3A_141, %scan3A_142 : i32
    %scan3A_144 = arith.constant 1 : i32
    scf.for %scan3A_238 = %scan3A_141 to %scan3A_143 step %scan3A_144  : i32 {
      %mul3A_239 = arith.constant 1 : i32
      %mul3A_240 = arith.muli %scan3A_238, %mul3A_239 : i32
      %add3A_241 = arith.constant 0 : i32
      %add3A_242 = arith.addi %add3A_241, %mul3A_240 : i32
      %mul3A_243 = arith.constant 2 : i32
      %mul3A_244 = arith.muli %mul3A_243, %add3A_242 : i32
      %add3A_245 = arith.constant 0 : i32
      %add3A_246 = arith.addi %add3A_245, %mul3A_244 : i32
      %dma_wait3A_247 = arith.constant 0 : i32
      %dma_wait3A_248 = tpu.memref_slice %arg12[%add3A_246, %dma_wait3A_247] : memref<80x128xi32, #tpu.memory_space<vmem>> -> memref<1x128xi32, #tpu.memory_space<vmem>>
      %dma_wait3A_249 = tpu.memref_squeeze %dma_wait3A_248 : memref<1x128xi32, #tpu.memory_space<vmem>> -> memref<128xi32, #tpu.memory_space<vmem>>
      %dma_wait3A_250 = arith.constant 0 : i32
      %dma_wait3A_251 = arith.constant 0 : i32
      %dma_wait3A_252 = tpu.memref_slice %arg6[%dma_wait3A_250, %dma_wait3A_251] : memref<10000x64xf32, #tpu.memory_space<hbm>> -> memref<10000x64xf32, #tpu.memory_space<hbm>>
      tpu.wait_indirect_dma semaphore(%arg23 : memref<!tpu.dma_semaphore, #tpu.memory_space<semaphore_mem>>) src(%dma_wait3A_252 : memref<10000x64xf32, #tpu.memory_space<hbm>>) dst(%arg14 : memref<128x64xf32, #tpu.memory_space<vmem>>)
      "tpu.region"() ({
        %run_scoped3A_285 = tpu.sem_alloc : memref<!tpu.dma_semaphore, #tpu.memory_space<semaphore_mem>>
        %dma_start3A_286 = arith.constant 0 : i32
        %dma_start3A_287 = tpu.memref_slice %arg13[%mul3A_244, %dma_start3A_286] : memref<80x128xi32, #tpu.memory_space<vmem>> -> memref<1x128xi32, #tpu.memory_space<vmem>>
        %dma_start3A_288 = tpu.memref_squeeze %dma_start3A_287 : memref<1x128xi32, #tpu.memory_space<vmem>> -> memref<128xi32, #tpu.memory_space<vmem>>
        %dma_start3A_289 = arith.constant 0 : i32
        %dma_start3A_290 = arith.constant 0 : i32
        %dma_start3A_291 = tpu.memref_slice %arg22[%dma_start3A_289, %dma_start3A_290] : memref<10240x64xf32, #tpu.memory_space<vmem_shared>> -> memref<10240x64xf32, #tpu.memory_space<vmem_shared>>
        tpu.enqueue_indirect_dma source(%arg14 : memref<128x64xf32, #tpu.memory_space<vmem>>) target(%dma_start3A_291 : memref<10240x64xf32, #tpu.memory_space<vmem_shared>>) offsets(%dma_start3A_288 : memref<128xi32, #tpu.memory_space<vmem>>) semaphore(%run_scoped3A_285 : memref<!tpu.dma_semaphore, #tpu.memory_space<semaphore_mem>>) {add = true}
        %dma_wait3A_292 = arith.constant 0 : i32
        %dma_wait3A_293 = tpu.memref_slice %arg13[%mul3A_244, %dma_wait3A_292] : memref<80x128xi32, #tpu.memory_space<vmem>> -> memref<1x128xi32, #tpu.memory_space<vmem>>
        %dma_wait3A_294 = tpu.memref_squeeze %dma_wait3A_293 : memref<1x128xi32, #tpu.memory_space<vmem>> -> memref<128xi32, #tpu.memory_space<vmem>>
        %dma_wait3A_295 = arith.constant 0 : i32
        %dma_wait3A_296 = arith.constant 0 : i32
        %dma_wait3A_297 = tpu.memref_slice %arg22[%dma_wait3A_295, %dma_wait3A_296] : memref<10240x64xf32, #tpu.memory_space<vmem_shared>> -> memref<10240x64xf32, #tpu.memory_space<vmem_shared>>
        tpu.wait_indirect_dma semaphore(%run_scoped3A_285 : memref<!tpu.dma_semaphore, #tpu.memory_space<semaphore_mem>>) src(%arg14 : memref<128x64xf32, #tpu.memory_space<vmem>>) dst(%dma_wait3A_297 : memref<10240x64xf32, #tpu.memory_space<vmem_shared>>)
        tpu.yield
      }) : () -> ()
      %add3A_253 = arith.constant 2 : i32
      %add3A_254 = arith.addi %mul3A_244, %add3A_253 : i32
      %add3A_255 = arith.constant 0 : i32
      %add3A_256 = arith.addi %add3A_255, %add3A_254 : i32
      %dma_start3A_257 = arith.constant 0 : i32
      %dma_start3A_258 = tpu.memref_slice %arg12[%add3A_256, %dma_start3A_257] : memref<80x128xi32, #tpu.memory_space<vmem>> -> memref<1x128xi32, #tpu.memory_space<vmem>>
      %dma_start3A_259 = tpu.memref_squeeze %dma_start3A_258 : memref<1x128xi32, #tpu.memory_space<vmem>> -> memref<128xi32, #tpu.memory_space<vmem>>
      %dma_start3A_260 = arith.constant 0 : i32
      %dma_start3A_261 = arith.constant 0 : i32
      %dma_start3A_262 = tpu.memref_slice %arg6[%dma_start3A_260, %dma_start3A_261] : memref<10000x64xf32, #tpu.memory_space<hbm>> -> memref<10000x64xf32, #tpu.memory_space<hbm>>
      tpu.enqueue_indirect_dma source(%dma_start3A_262 : memref<10000x64xf32, #tpu.memory_space<hbm>>) target(%arg14 : memref<128x64xf32, #tpu.memory_space<vmem>>) offsets(%dma_start3A_259 : memref<128xi32, #tpu.memory_space<vmem>>) semaphore(%arg23 : memref<!tpu.dma_semaphore, #tpu.memory_space<semaphore_mem>>)
      %mul3A_263 = arith.constant 2 : i32
      %mul3A_264 = arith.muli %mul3A_263, %add3A_242 : i32
      %add3A_265 = arith.constant 1 : i32
      %add3A_266 = arith.addi %mul3A_264, %add3A_265 : i32
      %add3A_267 = arith.constant 0 : i32
      %add3A_268 = arith.addi %add3A_267, %add3A_266 : i32
      %dma_wait3A_269 = arith.constant 0 : i32
      %dma_wait3A_270 = tpu.memref_slice %arg12[%add3A_268, %dma_wait3A_269] : memref<80x128xi32, #tpu.memory_space<vmem>> -> memref<1x128xi32, #tpu.memory_space<vmem>>
      %dma_wait3A_271 = tpu.memref_squeeze %dma_wait3A_270 : memref<1x128xi32, #tpu.memory_space<vmem>> -> memref<128xi32, #tpu.memory_space<vmem>>
      %dma_wait3A_272 = arith.constant 0 : i32
      %dma_wait3A_273 = arith.constant 0 : i32
      %dma_wait3A_274 = tpu.memref_slice %arg6[%dma_wait3A_272, %dma_wait3A_273] : memref<10000x64xf32, #tpu.memory_space<hbm>> -> memref<10000x64xf32, #tpu.memory_space<hbm>>
      tpu.wait_indirect_dma semaphore(%arg24 : memref<!tpu.dma_semaphore, #tpu.memory_space<semaphore_mem>>) src(%dma_wait3A_274 : memref<10000x64xf32, #tpu.memory_space<hbm>>) dst(%arg15 : memref<128x64xf32, #tpu.memory_space<vmem>>)
      "tpu.region"() ({
        %run_scoped3A_285 = tpu.sem_alloc : memref<!tpu.dma_semaphore, #tpu.memory_space<semaphore_mem>>
        %dma_start3A_286 = arith.constant 0 : i32
        %dma_start3A_287 = tpu.memref_slice %arg13[%add3A_266, %dma_start3A_286] : memref<80x128xi32, #tpu.memory_space<vmem>> -> memref<1x128xi32, #tpu.memory_space<vmem>>
        %dma_start3A_288 = tpu.memref_squeeze %dma_start3A_287 : memref<1x128xi32, #tpu.memory_space<vmem>> -> memref<128xi32, #tpu.memory_space<vmem>>
        %dma_start3A_289 = arith.constant 0 : i32
        %dma_start3A_290 = arith.constant 0 : i32
        %dma_start3A_291 = tpu.memref_slice %arg22[%dma_start3A_289, %dma_start3A_290] : memref<10240x64xf32, #tpu.memory_space<vmem_shared>> -> memref<10240x64xf32, #tpu.memory_space<vmem_shared>>
        tpu.enqueue_indirect_dma source(%arg15 : memref<128x64xf32, #tpu.memory_space<vmem>>) target(%dma_start3A_291 : memref<10240x64xf32, #tpu.memory_space<vmem_shared>>) offsets(%dma_start3A_288 : memref<128xi32, #tpu.memory_space<vmem>>) semaphore(%run_scoped3A_285 : memref<!tpu.dma_semaphore, #tpu.memory_space<semaphore_mem>>) {add = true}
        %dma_wait3A_292 = arith.constant 0 : i32
        %dma_wait3A_293 = tpu.memref_slice %arg13[%add3A_266, %dma_wait3A_292] : memref<80x128xi32, #tpu.memory_space<vmem>> -> memref<1x128xi32, #tpu.memory_space<vmem>>
        %dma_wait3A_294 = tpu.memref_squeeze %dma_wait3A_293 : memref<1x128xi32, #tpu.memory_space<vmem>> -> memref<128xi32, #tpu.memory_space<vmem>>
        %dma_wait3A_295 = arith.constant 0 : i32
        %dma_wait3A_296 = arith.constant 0 : i32
        %dma_wait3A_297 = tpu.memref_slice %arg22[%dma_wait3A_295, %dma_wait3A_296] : memref<10240x64xf32, #tpu.memory_space<vmem_shared>> -> memref<10240x64xf32, #tpu.memory_space<vmem_shared>>
        tpu.wait_indirect_dma semaphore(%run_scoped3A_285 : memref<!tpu.dma_semaphore, #tpu.memory_space<semaphore_mem>>) src(%arg15 : memref<128x64xf32, #tpu.memory_space<vmem>>) dst(%dma_wait3A_297 : memref<10240x64xf32, #tpu.memory_space<vmem_shared>>)
        tpu.yield
      }) : () -> ()
      %add3A_275 = arith.constant 2 : i32
      %add3A_276 = arith.addi %add3A_266, %add3A_275 : i32
      %add3A_277 = arith.constant 0 : i32
      %add3A_278 = arith.addi %add3A_277, %add3A_276 : i32
      %dma_start3A_279 = arith.constant 0 : i32
      %dma_start3A_280 = tpu.memref_slice %arg12[%add3A_278, %dma_start3A_279] : memref<80x128xi32, #tpu.memory_space<vmem>> -> memref<1x128xi32, #tpu.memory_space<vmem>>
      %dma_start3A_281 = tpu.memref_squeeze %dma_start3A_280 : memref<1x128xi32, #tpu.memory_space<vmem>> -> memref<128xi32, #tpu.memory_space<vmem>>
      %dma_start3A_282 = arith.constant 0 : i32
      %dma_start3A_283 = arith.constant 0 : i32
      %dma_start3A_284 = tpu.memref_slice %arg6[%dma_start3A_282, %dma_start3A_283] : memref<10000x64xf32, #tpu.memory_space<hbm>> -> memref<10000x64xf32, #tpu.memory_space<hbm>>
      tpu.enqueue_indirect_dma source(%dma_start3A_284 : memref<10000x64xf32, #tpu.memory_space<hbm>>) target(%arg15 : memref<128x64xf32, #tpu.memory_space<vmem>>) offsets(%dma_start3A_281 : memref<128xi32, #tpu.memory_space<vmem>>) semaphore(%arg24 : memref<!tpu.dma_semaphore, #tpu.memory_space<semaphore_mem>>)
    }
    %scan3A_145 = arith.constant 39 : i32
    %dma_wait3A_146 = arith.constant 78 : i32
    %dma_wait3A_147 = arith.constant 0 : i32
    %dma_wait3A_148 = tpu.memref_slice %arg12[%dma_wait3A_146, %dma_wait3A_147] : memref<80x128xi32, #tpu.memory_space<vmem>> -> memref<1x128xi32, #tpu.memory_space<vmem>>
    %dma_wait3A_149 = tpu.memref_squeeze %dma_wait3A_148 : memref<1x128xi32, #tpu.memory_space<vmem>> -> memref<128xi32, #tpu.memory_space<vmem>>
    %dma_wait3A_150 = arith.constant 0 : i32
    %dma_wait3A_151 = arith.constant 0 : i32
    %dma_wait3A_152 = tpu.memref_slice %arg6[%dma_wait3A_150, %dma_wait3A_151] : memref<10000x64xf32, #tpu.memory_space<hbm>> -> memref<10000x64xf32, #tpu.memory_space<hbm>>
    tpu.wait_indirect_dma semaphore(%arg23 : memref<!tpu.dma_semaphore, #tpu.memory_space<semaphore_mem>>) src(%dma_wait3A_152 : memref<10000x64xf32, #tpu.memory_space<hbm>>) dst(%arg14 : memref<128x64xf32, #tpu.memory_space<vmem>>)
    %run_scoped3A_153 = arith.constant 78 : i32
    "tpu.region"() ({
      %run_scoped3A_238 = tpu.sem_alloc : memref<!tpu.dma_semaphore, #tpu.memory_space<semaphore_mem>>
      %dma_start3A_239 = arith.constant 0 : i32
      %dma_start3A_240 = tpu.memref_slice %arg13[%run_scoped3A_153, %dma_start3A_239] : memref<80x128xi32, #tpu.memory_space<vmem>> -> memref<1x128xi32, #tpu.memory_space<vmem>>
      %dma_start3A_241 = tpu.memref_squeeze %dma_start3A_240 : memref<1x128xi32, #tpu.memory_space<vmem>> -> memref<128xi32, #tpu.memory_space<vmem>>
      %dma_start3A_242 = arith.constant 0 : i32
      %dma_start3A_243 = arith.constant 0 : i32
      %dma_start3A_244 = tpu.memref_slice %arg22[%dma_start3A_242, %dma_start3A_243] : memref<10240x64xf32, #tpu.memory_space<vmem_shared>> -> memref<10240x64xf32, #tpu.memory_space<vmem_shared>>
      tpu.enqueue_indirect_dma source(%arg14 : memref<128x64xf32, #tpu.memory_space<vmem>>) target(%dma_start3A_244 : memref<10240x64xf32, #tpu.memory_space<vmem_shared>>) offsets(%dma_start3A_241 : memref<128xi32, #tpu.memory_space<vmem>>) semaphore(%run_scoped3A_238 : memref<!tpu.dma_semaphore, #tpu.memory_space<semaphore_mem>>) {add = true}
      %dma_wait3A_245 = arith.constant 0 : i32
      %dma_wait3A_246 = tpu.memref_slice %arg13[%run_scoped3A_153, %dma_wait3A_245] : memref<80x128xi32, #tpu.memory_space<vmem>> -> memref<1x128xi32, #tpu.memory_space<vmem>>
      %dma_wait3A_247 = tpu.memref_squeeze %dma_wait3A_246 : memref<1x128xi32, #tpu.memory_space<vmem>> -> memref<128xi32, #tpu.memory_space<vmem>>
      %dma_wait3A_248 = arith.constant 0 : i32
      %dma_wait3A_249 = arith.constant 0 : i32
      %dma_wait3A_250 = tpu.memref_slice %arg22[%dma_wait3A_248, %dma_wait3A_249] : memref<10240x64xf32, #tpu.memory_space<vmem_shared>> -> memref<10240x64xf32, #tpu.memory_space<vmem_shared>>
      tpu.wait_indirect_dma semaphore(%run_scoped3A_238 : memref<!tpu.dma_semaphore, #tpu.memory_space<semaphore_mem>>) src(%arg14 : memref<128x64xf32, #tpu.memory_space<vmem>>) dst(%dma_wait3A_250 : memref<10240x64xf32, #tpu.memory_space<vmem_shared>>)
      tpu.yield
    }) : () -> ()
    %dma_wait3A_154 = arith.constant 79 : i32
    %dma_wait3A_155 = arith.constant 0 : i32
    %dma_wait3A_156 = tpu.memref_slice %arg12[%dma_wait3A_154, %dma_wait3A_155] : memref<80x128xi32, #tpu.memory_space<vmem>> -> memref<1x128xi32, #tpu.memory_space<vmem>>
    %dma_wait3A_157 = tpu.memref_squeeze %dma_wait3A_156 : memref<1x128xi32, #tpu.memory_space<vmem>> -> memref<128xi32, #tpu.memory_space<vmem>>
    %dma_wait3A_158 = arith.constant 0 : i32
    %dma_wait3A_159 = arith.constant 0 : i32
    %dma_wait3A_160 = tpu.memref_slice %arg6[%dma_wait3A_158, %dma_wait3A_159] : memref<10000x64xf32, #tpu.memory_space<hbm>> -> memref<10000x64xf32, #tpu.memory_space<hbm>>
    tpu.wait_indirect_dma semaphore(%arg24 : memref<!tpu.dma_semaphore, #tpu.memory_space<semaphore_mem>>) src(%dma_wait3A_160 : memref<10000x64xf32, #tpu.memory_space<hbm>>) dst(%arg15 : memref<128x64xf32, #tpu.memory_space<vmem>>)
    %run_scoped3A_161 = arith.constant 79 : i32
    "tpu.region"() ({
      %run_scoped3A_238 = tpu.sem_alloc : memref<!tpu.dma_semaphore, #tpu.memory_space<semaphore_mem>>
      %dma_start3A_239 = arith.constant 0 : i32
      %dma_start3A_240 = tpu.memref_slice %arg13[%run_scoped3A_161, %dma_start3A_239] : memref<80x128xi32, #tpu.memory_space<vmem>> -> memref<1x128xi32, #tpu.memory_space<vmem>>
      %dma_start3A_241 = tpu.memref_squeeze %dma_start3A_240 : memref<1x128xi32, #tpu.memory_space<vmem>> -> memref<128xi32, #tpu.memory_space<vmem>>
      %dma_start3A_242 = arith.constant 0 : i32
      %dma_start3A_243 = arith.constant 0 : i32
      %dma_start3A_244 = tpu.memref_slice %arg22[%dma_start3A_242, %dma_start3A_243] : memref<10240x64xf32, #tpu.memory_space<vmem_shared>> -> memref<10240x64xf32, #tpu.memory_space<vmem_shared>>
      tpu.enqueue_indirect_dma source(%arg15 : memref<128x64xf32, #tpu.memory_space<vmem>>) target(%dma_start3A_244 : memref<10240x64xf32, #tpu.memory_space<vmem_shared>>) offsets(%dma_start3A_241 : memref<128xi32, #tpu.memory_space<vmem>>) semaphore(%run_scoped3A_238 : memref<!tpu.dma_semaphore, #tpu.memory_space<semaphore_mem>>) {add = true}
      %dma_wait3A_245 = arith.constant 0 : i32
      %dma_wait3A_246 = tpu.memref_slice %arg13[%run_scoped3A_161, %dma_wait3A_245] : memref<80x128xi32, #tpu.memory_space<vmem>> -> memref<1x128xi32, #tpu.memory_space<vmem>>
      %dma_wait3A_247 = tpu.memref_squeeze %dma_wait3A_246 : memref<1x128xi32, #tpu.memory_space<vmem>> -> memref<128xi32, #tpu.memory_space<vmem>>
      %dma_wait3A_248 = arith.constant 0 : i32
      %dma_wait3A_249 = arith.constant 0 : i32
      %dma_wait3A_250 = tpu.memref_slice %arg22[%dma_wait3A_248, %dma_wait3A_249] : memref<10240x64xf32, #tpu.memory_space<vmem_shared>> -> memref<10240x64xf32, #tpu.memory_space<vmem_shared>>
      tpu.wait_indirect_dma semaphore(%run_scoped3A_238 : memref<!tpu.dma_semaphore, #tpu.memory_space<semaphore_mem>>) src(%arg15 : memref<128x64xf32, #tpu.memory_space<vmem>>) dst(%dma_wait3A_250 : memref<10240x64xf32, #tpu.memory_space<vmem_shared>>)
      tpu.yield
    }) : () -> ()
    %barrier3A_162 = arith.constant 0 : index
    tpu.barrier barrier_id(%barrier3A_162)
    %mul3A_163 = arith.constant 624 : i32
    %mul3A_164 = arith.muli %arg1, %mul3A_163 : i32
    %multiple_of3A_165 = tpu.assume_multiple %mul3A_164, 8 : i32
    %lt3A_166 = arith.constant 15 : i32
    %lt3A_167 = arith.cmpi slt, %arg1, %lt3A_166 : i32
    %convert_element_type3A_168 = arith.extui %lt3A_167 : i1 to i32
    %cond3A_169 = arith.constant 0 : i32
    %cond3A_170 = arith.cmpi ne, %convert_element_type3A_168, %cond3A_169 : i32
    scf.if %cond3A_170 {
      "tpu.region"() ({
        %run_scoped3A_238 = tpu.sem_alloc : memref<!tpu.dma_semaphore, #tpu.memory_space<semaphore_mem>>
        %dma_start3A_239 = arith.constant 0 : i32
        %dma_start3A_240 = arith.constant 0 : i32
        %dma_start3A_241 = tpu.memref_slice %arg10[%arg0, %dma_start3A_239, %dma_start3A_240] : memref<2x10000x64xf32, #tpu.memory_space<hbm>> -> memref<1x10000x64xf32, #tpu.memory_space<hbm>>
        %dma_start3A_242 = tpu.memref_squeeze %dma_start3A_241 : memref<1x10000x64xf32, #tpu.memory_space<hbm>> -> memref<10000x64xf32, #tpu.memory_space<hbm>>
        %dma_start3A_243 = arith.constant 0 : i32
        %dma_start3A_244 = tpu.memref_slice %dma_start3A_242[%multiple_of3A_165, %dma_start3A_243] : memref<10000x64xf32, #tpu.memory_space<hbm>> -> memref<624x64xf32, #tpu.memory_space<hbm>>
        %dma_start3A_245 = arith.constant 0 : i32
        %dma_start3A_246 = tpu.memref_slice %arg22[%multiple_of3A_165, %dma_start3A_245] : memref<10240x64xf32, #tpu.memory_space<vmem_shared>> -> memref<624x64xf32, #tpu.memory_space<vmem_shared>>
        tpu.enqueue_dma source(%dma_start3A_246 : memref<624x64xf32, #tpu.memory_space<vmem_shared>>) target(%dma_start3A_244 : memref<624x64xf32, #tpu.memory_space<hbm>>) target_semaphore(%run_scoped3A_238 : memref<!tpu.dma_semaphore, #tpu.memory_space<semaphore_mem>>)
        %dma_wait3A_247 = arith.constant 0 : i32
        %dma_wait3A_248 = arith.constant 0 : i32
        %dma_wait3A_249 = tpu.memref_slice %arg10[%arg0, %dma_wait3A_247, %dma_wait3A_248] : memref<2x10000x64xf32, #tpu.memory_space<hbm>> -> memref<1x10000x64xf32, #tpu.memory_space<hbm>>
        %dma_wait3A_250 = tpu.memref_squeeze %dma_wait3A_249 : memref<1x10000x64xf32, #tpu.memory_space<hbm>> -> memref<10000x64xf32, #tpu.memory_space<hbm>>
        %dma_wait3A_251 = arith.constant 0 : i32
        %dma_wait3A_252 = tpu.memref_slice %dma_wait3A_250[%multiple_of3A_165, %dma_wait3A_251] : memref<10000x64xf32, #tpu.memory_space<hbm>> -> memref<624x64xf32, #tpu.memory_space<hbm>>
        %dma_wait3A_253 = arith.constant 0 : i32
        %dma_wait3A_254 = tpu.memref_slice %arg22[%multiple_of3A_165, %dma_wait3A_253] : memref<10240x64xf32, #tpu.memory_space<vmem_shared>> -> memref<624x64xf32, #tpu.memory_space<vmem_shared>>
        tpu.wait_dma2 semaphore(%run_scoped3A_238 : memref<!tpu.dma_semaphore, #tpu.memory_space<semaphore_mem>>) src(%dma_wait3A_254 : memref<624x64xf32, #tpu.memory_space<vmem_shared>>) dst(%dma_wait3A_252 : memref<624x64xf32, #tpu.memory_space<hbm>>)
        tpu.yield
      }) : () -> ()
    } else {
    }
    %eq3A_171 = arith.constant 15 : i32
    %eq3A_172 = arith.cmpi eq, %arg1, %eq3A_171 : i32
    %convert_element_type3A_173 = arith.extui %eq3A_172 : i1 to i32
    %cond3A_174 = arith.constant 0 : i32
    %cond3A_175 = arith.cmpi ne, %convert_element_type3A_173, %cond3A_174 : i32
    scf.if %cond3A_175 {
      "tpu.region"() ({
        %run_scoped3A_238 = tpu.sem_alloc : memref<!tpu.dma_semaphore, #tpu.memory_space<semaphore_mem>>
        %dma_start3A_239 = arith.constant 0 : i32
        %dma_start3A_240 = arith.constant 0 : i32
        %dma_start3A_241 = tpu.memref_slice %arg10[%arg0, %dma_start3A_239, %dma_start3A_240] : memref<2x10000x64xf32, #tpu.memory_space<hbm>> -> memref<1x10000x64xf32, #tpu.memory_space<hbm>>
        %dma_start3A_242 = tpu.memref_squeeze %dma_start3A_241 : memref<1x10000x64xf32, #tpu.memory_space<hbm>> -> memref<10000x64xf32, #tpu.memory_space<hbm>>
        %dma_start3A_243 = arith.constant 9360 : i32
        %dma_start3A_244 = arith.constant 0 : i32
        %dma_start3A_245 = tpu.memref_slice %dma_start3A_242[%dma_start3A_243, %dma_start3A_244] : memref<10000x64xf32, #tpu.memory_space<hbm>> -> memref<640x64xf32, #tpu.memory_space<hbm>>
        %dma_start3A_246 = arith.constant 9360 : i32
        %dma_start3A_247 = arith.constant 0 : i32
        %dma_start3A_248 = tpu.memref_slice %arg22[%dma_start3A_246, %dma_start3A_247] : memref<10240x64xf32, #tpu.memory_space<vmem_shared>> -> memref<640x64xf32, #tpu.memory_space<vmem_shared>>
        tpu.enqueue_dma source(%dma_start3A_248 : memref<640x64xf32, #tpu.memory_space<vmem_shared>>) target(%dma_start3A_245 : memref<640x64xf32, #tpu.memory_space<hbm>>) target_semaphore(%run_scoped3A_238 : memref<!tpu.dma_semaphore, #tpu.memory_space<semaphore_mem>>)
        %dma_wait3A_249 = arith.constant 0 : i32
        %dma_wait3A_250 = arith.constant 0 : i32
        %dma_wait3A_251 = tpu.memref_slice %arg10[%arg0, %dma_wait3A_249, %dma_wait3A_250] : memref<2x10000x64xf32, #tpu.memory_space<hbm>> -> memref<1x10000x64xf32, #tpu.memory_space<hbm>>
        %dma_wait3A_252 = tpu.memref_squeeze %dma_wait3A_251 : memref<1x10000x64xf32, #tpu.memory_space<hbm>> -> memref<10000x64xf32, #tpu.memory_space<hbm>>
        %dma_wait3A_253 = arith.constant 9360 : i32
        %dma_wait3A_254 = arith.constant 0 : i32
        %dma_wait3A_255 = tpu.memref_slice %dma_wait3A_252[%dma_wait3A_253, %dma_wait3A_254] : memref<10000x64xf32, #tpu.memory_space<hbm>> -> memref<640x64xf32, #tpu.memory_space<hbm>>
        %dma_wait3A_256 = arith.constant 9360 : i32
        %dma_wait3A_257 = arith.constant 0 : i32
        %dma_wait3A_258 = tpu.memref_slice %arg22[%dma_wait3A_256, %dma_wait3A_257] : memref<10240x64xf32, #tpu.memory_space<vmem_shared>> -> memref<640x64xf32, #tpu.memory_space<vmem_shared>>
        tpu.wait_dma2 semaphore(%run_scoped3A_238 : memref<!tpu.dma_semaphore, #tpu.memory_space<semaphore_mem>>) src(%dma_wait3A_258 : memref<640x64xf32, #tpu.memory_space<vmem_shared>>) dst(%dma_wait3A_255 : memref<640x64xf32, #tpu.memory_space<hbm>>)
        tpu.yield
      }) : () -> ()
    } else {
    }
    %barrier3A_176 = arith.constant 0 : index
    tpu.barrier barrier_id(%barrier3A_176)
    %scan3A_177 = arith.constant 0 : i32
    %scan3A_178 = arith.constant 128 : i32
    %scan3A_179 = arith.addi %scan3A_177, %scan3A_178 : i32
    %scan3A_180 = arith.constant 1 : i32
    scf.for %scan3A_238 = %scan3A_177 to %scan3A_179 step %scan3A_180  : i32 {
      %mul3A_239 = arith.constant 1 : i32
      %mul3A_240 = arith.muli %scan3A_238, %mul3A_239 : i32
      %add3A_241 = arith.constant 0 : i32
      %add3A_242 = arith.addi %add3A_241, %mul3A_240 : i32
      %scan3A_243 = arith.constant 0 : i32
      %scan3A_244 = arith.constant 4 : i32
      %scan3A_245 = arith.addi %scan3A_243, %scan3A_244 : i32
      %scan3A_246 = arith.constant 1 : i32
      scf.for %scan3A_248 = %scan3A_243 to %scan3A_245 step %scan3A_246  : i32 {
        %mul3A_249 = arith.constant 16 : i32
        %mul3A_250 = arith.muli %scan3A_248, %mul3A_249 : i32
        %add3A_251 = arith.constant 0 : i32
        %add3A_252 = arith.addi %add3A_251, %mul3A_250 : i32
        %broadcast_in_dim3A = arith.constant 0.000000e+00 : f32
        %broadcast_in_dim3A_253 = vector.broadcast %broadcast_in_dim3A : f32 to vector<16xf32>
        %swap3A = arith.index_cast %add3A_242 : i32 to index
        %swap3A_254 = arith.index_cast %add3A_252 : i32 to index
        %swap3A_255 = tpu.vector_load %arg14[%swap3A, %swap3A_254] {strides = array<i32>} : memref<128x64xf32, #tpu.memory_space<vmem>>, vector<1x16xf32>,
        %swap3A_256 = vector.shape_cast %swap3A_255 : vector<1x16xf32> to vector<16xf32>
        %swap3A_257 = vector.shape_cast %broadcast_in_dim3A_253 : vector<16xf32> to vector<1x16xf32>
        tpu.vector_store %arg14[%swap3A, %swap3A_254], %swap3A_257 {strides = array<i32>} : memref<128x64xf32, #tpu.memory_space<vmem>>, vector<1x16xf32>,
      }
      %scan3A_247 = arith.constant 4 : i32
    }
    %scan3A_181 = arith.constant 128 : i32
    %scan3A_182 = arith.constant 0 : i32
    %scan3A_183 = arith.constant 5 : i32
    %scan3A_184 = arith.addi %scan3A_182, %scan3A_183 : i32
    %scan3A_185 = arith.constant 1 : i32
    scf.for %scan3A_238 = %scan3A_182 to %scan3A_184 step %scan3A_185  : i32 {
      %mul3A_239 = arith.constant 1 : i32
      %mul3A_240 = arith.muli %scan3A_238, %mul3A_239 : i32
      %add3A_241 = arith.constant 0 : i32
      %add3A_242 = arith.addi %add3A_241, %mul3A_240 : i32
      %mul3A_243 = arith.constant 640 : i32
      %mul3A_244 = arith.muli %arg1, %mul3A_243 : i32
      %mul3A_245 = arith.constant 128 : i32
      %mul3A_246 = arith.muli %add3A_242, %mul3A_245 : i32
      %add3A_247 = arith.addi %mul3A_244, %mul3A_246 : i32
      "tpu.region"() ({
        %run_scoped3A_248 = tpu.sem_alloc : memref<!tpu.dma_semaphore, #tpu.memory_space<semaphore_mem>>
        %dma_start3A_249 = arith.constant 0 : i32
        %dma_start3A_250 = tpu.memref_slice %arg22[%add3A_247, %dma_start3A_249] : memref<10240x64xf32, #tpu.memory_space<vmem_shared>> -> memref<128x64xf32, #tpu.memory_space<vmem_shared>>
        %dma_start3A_251 = arith.constant 0 : i32
        %dma_start3A_252 = tpu.memref_slice %arg22[%add3A_247, %dma_start3A_251] : memref<10240x64xf32, #tpu.memory_space<vmem_shared>> -> memref<128x64xf32, #tpu.memory_space<vmem_shared>>
        tpu.enqueue_dma source(%arg14 : memref<128x64xf32, #tpu.memory_space<vmem>>) target(%dma_start3A_252 : memref<128x64xf32, #tpu.memory_space<vmem_shared>>) target_semaphore(%run_scoped3A_248 : memref<!tpu.dma_semaphore, #tpu.memory_space<semaphore_mem>>)
        %dma_wait3A_253 = arith.constant 0 : i32
        %dma_wait3A_254 = tpu.memref_slice %arg22[%add3A_247, %dma_wait3A_253] : memref<10240x64xf32, #tpu.memory_space<vmem_shared>> -> memref<128x64xf32, #tpu.memory_space<vmem_shared>>
        %dma_wait3A_255 = arith.constant 0 : i32
        %dma_wait3A_256 = tpu.memref_slice %arg22[%add3A_247, %dma_wait3A_255] : memref<10240x64xf32, #tpu.memory_space<vmem_shared>> -> memref<128x64xf32, #tpu.memory_space<vmem_shared>>
        tpu.wait_dma2 semaphore(%run_scoped3A_248 : memref<!tpu.dma_semaphore, #tpu.memory_space<semaphore_mem>>) src(%arg14 : memref<128x64xf32, #tpu.memory_space<vmem>>) dst(%dma_wait3A_256 : memref<128x64xf32, #tpu.memory_space<vmem_shared>>)
        tpu.yield
      }) : () -> ()
    }
    %scan3A_186 = arith.constant 5 : i32
    %barrier3A_187 = arith.constant 0 : index
    tpu.barrier barrier_id(%barrier3A_187)
    %dma_start3A_188 = arith.constant 0 : i32
    %dma_start3A_189 = arith.constant 0 : i32
    %dma_start3A_190 = tpu.memref_slice %arg12[%dma_start3A_188, %dma_start3A_189] : memref<80x128xi32, #tpu.memory_space<vmem>> -> memref<1x128xi32, #tpu.memory_space<vmem>>
    %dma_start3A_191 = tpu.memref_squeeze %dma_start3A_190 : memref<1x128xi32, #tpu.memory_space<vmem>> -> memref<128xi32, #tpu.memory_space<vmem>>
    %dma_start3A_192 = arith.constant 0 : i32
    %dma_start3A_193 = arith.constant 0 : i32
    %dma_start3A_194 = tpu.memref_slice %arg7[%dma_start3A_192, %dma_start3A_193] : memref<10000x64xf32, #tpu.memory_space<hbm>> -> memref<10000x64xf32, #tpu.memory_space<hbm>>
    tpu.enqueue_indirect_dma source(%dma_start3A_194 : memref<10000x64xf32, #tpu.memory_space<hbm>>) target(%arg14 : memref<128x64xf32, #tpu.memory_space<vmem>>) offsets(%dma_start3A_191 : memref<128xi32, #tpu.memory_space<vmem>>) semaphore(%arg23 : memref<!tpu.dma_semaphore, #tpu.memory_space<semaphore_mem>>)
    %dma_start3A_195 = arith.constant 1 : i32
    %dma_start3A_196 = arith.constant 0 : i32
    %dma_start3A_197 = tpu.memref_slice %arg12[%dma_start3A_195, %dma_start3A_196] : memref<80x128xi32, #tpu.memory_space<vmem>> -> memref<1x128xi32, #tpu.memory_space<vmem>>
    %dma_start3A_198 = tpu.memref_squeeze %dma_start3A_197 : memref<1x128xi32, #tpu.memory_space<vmem>> -> memref<128xi32, #tpu.memory_space<vmem>>
    %dma_start3A_199 = arith.constant 0 : i32
    %dma_start3A_200 = arith.constant 0 : i32
    %dma_start3A_201 = tpu.memref_slice %arg7[%dma_start3A_199, %dma_start3A_200] : memref<10000x64xf32, #tpu.memory_space<hbm>> -> memref<10000x64xf32, #tpu.memory_space<hbm>>
    tpu.enqueue_indirect_dma source(%dma_start3A_201 : memref<10000x64xf32, #tpu.memory_space<hbm>>) target(%arg15 : memref<128x64xf32, #tpu.memory_space<vmem>>) offsets(%dma_start3A_198 : memref<128xi32, #tpu.memory_space<vmem>>) semaphore(%arg24 : memref<!tpu.dma_semaphore, #tpu.memory_space<semaphore_mem>>)
    %scan3A_202 = arith.constant 0 : i32
    %scan3A_203 = arith.constant 39 : i32
    %scan3A_204 = arith.addi %scan3A_202, %scan3A_203 : i32
    %scan3A_205 = arith.constant 1 : i32
    scf.for %scan3A_238 = %scan3A_202 to %scan3A_204 step %scan3A_205  : i32 {
      %mul3A_239 = arith.constant 1 : i32
      %mul3A_240 = arith.muli %scan3A_238, %mul3A_239 : i32
      %add3A_241 = arith.constant 0 : i32
      %add3A_242 = arith.addi %add3A_241, %mul3A_240 : i32
      %mul3A_243 = arith.constant 2 : i32
      %mul3A_244 = arith.muli %mul3A_243, %add3A_242 : i32
      %add3A_245 = arith.constant 0 : i32
      %add3A_246 = arith.addi %add3A_245, %mul3A_244 : i32
      %dma_wait3A_247 = arith.constant 0 : i32
      %dma_wait3A_248 = tpu.memref_slice %arg12[%add3A_246, %dma_wait3A_247] : memref<80x128xi32, #tpu.memory_space<vmem>> -> memref<1x128xi32, #tpu.memory_space<vmem>>
      %dma_wait3A_249 = tpu.memref_squeeze %dma_wait3A_248 : memref<1x128xi32, #tpu.memory_space<vmem>> -> memref<128xi32, #tpu.memory_space<vmem>>
      %dma_wait3A_250 = arith.constant 0 : i32
      %dma_wait3A_251 = arith.constant 0 : i32
      %dma_wait3A_252 = tpu.memref_slice %arg7[%dma_wait3A_250, %dma_wait3A_251] : memref<10000x64xf32, #tpu.memory_space<hbm>> -> memref<10000x64xf32, #tpu.memory_space<hbm>>
      tpu.wait_indirect_dma semaphore(%arg23 : memref<!tpu.dma_semaphore, #tpu.memory_space<semaphore_mem>>) src(%dma_wait3A_252 : memref<10000x64xf32, #tpu.memory_space<hbm>>) dst(%arg14 : memref<128x64xf32, #tpu.memory_space<vmem>>)
      "tpu.region"() ({
        %run_scoped3A_285 = tpu.sem_alloc : memref<!tpu.dma_semaphore, #tpu.memory_space<semaphore_mem>>
        %dma_start3A_286 = arith.constant 0 : i32
        %dma_start3A_287 = tpu.memref_slice %arg13[%mul3A_244, %dma_start3A_286] : memref<80x128xi32, #tpu.memory_space<vmem>> -> memref<1x128xi32, #tpu.memory_space<vmem>>
        %dma_start3A_288 = tpu.memref_squeeze %dma_start3A_287 : memref<1x128xi32, #tpu.memory_space<vmem>> -> memref<128xi32, #tpu.memory_space<vmem>>
        %dma_start3A_289 = arith.constant 0 : i32
        %dma_start3A_290 = arith.constant 0 : i32
        %dma_start3A_291 = tpu.memref_slice %arg22[%dma_start3A_289, %dma_start3A_290] : memref<10240x64xf32, #tpu.memory_space<vmem_shared>> -> memref<10240x64xf32, #tpu.memory_space<vmem_shared>>
        tpu.enqueue_indirect_dma source(%arg14 : memref<128x64xf32, #tpu.memory_space<vmem>>) target(%dma_start3A_291 : memref<10240x64xf32, #tpu.memory_space<vmem_shared>>) offsets(%dma_start3A_288 : memref<128xi32, #tpu.memory_space<vmem>>) semaphore(%run_scoped3A_285 : memref<!tpu.dma_semaphore, #tpu.memory_space<semaphore_mem>>) {add = true}
        %dma_wait3A_292 = arith.constant 0 : i32
        %dma_wait3A_293 = tpu.memref_slice %arg13[%mul3A_244, %dma_wait3A_292] : memref<80x128xi32, #tpu.memory_space<vmem>> -> memref<1x128xi32, #tpu.memory_space<vmem>>
        %dma_wait3A_294 = tpu.memref_squeeze %dma_wait3A_293 : memref<1x128xi32, #tpu.memory_space<vmem>> -> memref<128xi32, #tpu.memory_space<vmem>>
        %dma_wait3A_295 = arith.constant 0 : i32
        %dma_wait3A_296 = arith.constant 0 : i32
        %dma_wait3A_297 = tpu.memref_slice %arg22[%dma_wait3A_295, %dma_wait3A_296] : memref<10240x64xf32, #tpu.memory_space<vmem_shared>> -> memref<10240x64xf32, #tpu.memory_space<vmem_shared>>
        tpu.wait_indirect_dma semaphore(%run_scoped3A_285 : memref<!tpu.dma_semaphore, #tpu.memory_space<semaphore_mem>>) src(%arg14 : memref<128x64xf32, #tpu.memory_space<vmem>>) dst(%dma_wait3A_297 : memref<10240x64xf32, #tpu.memory_space<vmem_shared>>)
        tpu.yield
      }) : () -> ()
      %add3A_253 = arith.constant 2 : i32
      %add3A_254 = arith.addi %mul3A_244, %add3A_253 : i32
      %add3A_255 = arith.constant 0 : i32
      %add3A_256 = arith.addi %add3A_255, %add3A_254 : i32
      %dma_start3A_257 = arith.constant 0 : i32
      %dma_start3A_258 = tpu.memref_slice %arg12[%add3A_256, %dma_start3A_257] : memref<80x128xi32, #tpu.memory_space<vmem>> -> memref<1x128xi32, #tpu.memory_space<vmem>>
      %dma_start3A_259 = tpu.memref_squeeze %dma_start3A_258 : memref<1x128xi32, #tpu.memory_space<vmem>> -> memref<128xi32, #tpu.memory_space<vmem>>
      %dma_start3A_260 = arith.constant 0 : i32
      %dma_start3A_261 = arith.constant 0 : i32
      %dma_start3A_262 = tpu.memref_slice %arg7[%dma_start3A_260, %dma_start3A_261] : memref<10000x64xf32, #tpu.memory_space<hbm>> -> memref<10000x64xf32, #tpu.memory_space<hbm>>
      tpu.enqueue_indirect_dma source(%dma_start3A_262 : memref<10000x64xf32, #tpu.memory_space<hbm>>) target(%arg14 : memref<128x64xf32, #tpu.memory_space<vmem>>) offsets(%dma_start3A_259 : memref<128xi32, #tpu.memory_space<vmem>>) semaphore(%arg23 : memref<!tpu.dma_semaphore, #tpu.memory_space<semaphore_mem>>)
      %mul3A_263 = arith.constant 2 : i32
      %mul3A_264 = arith.muli %mul3A_263, %add3A_242 : i32
      %add3A_265 = arith.constant 1 : i32
      %add3A_266 = arith.addi %mul3A_264, %add3A_265 : i32
      %add3A_267 = arith.constant 0 : i32
      %add3A_268 = arith.addi %add3A_267, %add3A_266 : i32
      %dma_wait3A_269 = arith.constant 0 : i32
      %dma_wait3A_270 = tpu.memref_slice %arg12[%add3A_268, %dma_wait3A_269] : memref<80x128xi32, #tpu.memory_space<vmem>> -> memref<1x128xi32, #tpu.memory_space<vmem>>
      %dma_wait3A_271 = tpu.memref_squeeze %dma_wait3A_270 : memref<1x128xi32, #tpu.memory_space<vmem>> -> memref<128xi32, #tpu.memory_space<vmem>>
      %dma_wait3A_272 = arith.constant 0 : i32
      %dma_wait3A_273 = arith.constant 0 : i32
      %dma_wait3A_274 = tpu.memref_slice %arg7[%dma_wait3A_272, %dma_wait3A_273] : memref<10000x64xf32, #tpu.memory_space<hbm>> -> memref<10000x64xf32, #tpu.memory_space<hbm>>
      tpu.wait_indirect_dma semaphore(%arg24 : memref<!tpu.dma_semaphore, #tpu.memory_space<semaphore_mem>>) src(%dma_wait3A_274 : memref<10000x64xf32, #tpu.memory_space<hbm>>) dst(%arg15 : memref<128x64xf32, #tpu.memory_space<vmem>>)
      "tpu.region"() ({
        %run_scoped3A_285 = tpu.sem_alloc : memref<!tpu.dma_semaphore, #tpu.memory_space<semaphore_mem>>
        %dma_start3A_286 = arith.constant 0 : i32
        %dma_start3A_287 = tpu.memref_slice %arg13[%add3A_266, %dma_start3A_286] : memref<80x128xi32, #tpu.memory_space<vmem>> -> memref<1x128xi32, #tpu.memory_space<vmem>>
        %dma_start3A_288 = tpu.memref_squeeze %dma_start3A_287 : memref<1x128xi32, #tpu.memory_space<vmem>> -> memref<128xi32, #tpu.memory_space<vmem>>
        %dma_start3A_289 = arith.constant 0 : i32
        %dma_start3A_290 = arith.constant 0 : i32
        %dma_start3A_291 = tpu.memref_slice %arg22[%dma_start3A_289, %dma_start3A_290] : memref<10240x64xf32, #tpu.memory_space<vmem_shared>> -> memref<10240x64xf32, #tpu.memory_space<vmem_shared>>
        tpu.enqueue_indirect_dma source(%arg15 : memref<128x64xf32, #tpu.memory_space<vmem>>) target(%dma_start3A_291 : memref<10240x64xf32, #tpu.memory_space<vmem_shared>>) offsets(%dma_start3A_288 : memref<128xi32, #tpu.memory_space<vmem>>) semaphore(%run_scoped3A_285 : memref<!tpu.dma_semaphore, #tpu.memory_space<semaphore_mem>>) {add = true}
        %dma_wait3A_292 = arith.constant 0 : i32
        %dma_wait3A_293 = tpu.memref_slice %arg13[%add3A_266, %dma_wait3A_292] : memref<80x128xi32, #tpu.memory_space<vmem>> -> memref<1x128xi32, #tpu.memory_space<vmem>>
        %dma_wait3A_294 = tpu.memref_squeeze %dma_wait3A_293 : memref<1x128xi32, #tpu.memory_space<vmem>> -> memref<128xi32, #tpu.memory_space<vmem>>
        %dma_wait3A_295 = arith.constant 0 : i32
        %dma_wait3A_296 = arith.constant 0 : i32
        %dma_wait3A_297 = tpu.memref_slice %arg22[%dma_wait3A_295, %dma_wait3A_296] : memref<10240x64xf32, #tpu.memory_space<vmem_shared>> -> memref<10240x64xf32, #tpu.memory_space<vmem_shared>>
        tpu.wait_indirect_dma semaphore(%run_scoped3A_285 : memref<!tpu.dma_semaphore, #tpu.memory_space<semaphore_mem>>) src(%arg15 : memref<128x64xf32, #tpu.memory_space<vmem>>) dst(%dma_wait3A_297 : memref<10240x64xf32, #tpu.memory_space<vmem_shared>>)
        tpu.yield
      }) : () -> ()
      %add3A_275 = arith.constant 2 : i32
      %add3A_276 = arith.addi %add3A_266, %add3A_275 : i32
      %add3A_277 = arith.constant 0 : i32
      %add3A_278 = arith.addi %add3A_277, %add3A_276 : i32
      %dma_start3A_279 = arith.constant 0 : i32
      %dma_start3A_280 = tpu.memref_slice %arg12[%add3A_278, %dma_start3A_279] : memref<80x128xi32, #tpu.memory_space<vmem>> -> memref<1x128xi32, #tpu.memory_space<vmem>>
      %dma_start3A_281 = tpu.memref_squeeze %dma_start3A_280 : memref<1x128xi32, #tpu.memory_space<vmem>> -> memref<128xi32, #tpu.memory_space<vmem>>
      %dma_start3A_282 = arith.constant 0 : i32
      %dma_start3A_283 = arith.constant 0 : i32
      %dma_start3A_284 = tpu.memref_slice %arg7[%dma_start3A_282, %dma_start3A_283] : memref<10000x64xf32, #tpu.memory_space<hbm>> -> memref<10000x64xf32, #tpu.memory_space<hbm>>
      tpu.enqueue_indirect_dma source(%dma_start3A_284 : memref<10000x64xf32, #tpu.memory_space<hbm>>) target(%arg15 : memref<128x64xf32, #tpu.memory_space<vmem>>) offsets(%dma_start3A_281 : memref<128xi32, #tpu.memory_space<vmem>>) semaphore(%arg24 : memref<!tpu.dma_semaphore, #tpu.memory_space<semaphore_mem>>)
    }
    %scan3A_206 = arith.constant 39 : i32
    %dma_wait3A_207 = arith.constant 78 : i32
    %dma_wait3A_208 = arith.constant 0 : i32
    %dma_wait3A_209 = tpu.memref_slice %arg12[%dma_wait3A_207, %dma_wait3A_208] : memref<80x128xi32, #tpu.memory_space<vmem>> -> memref<1x128xi32, #tpu.memory_space<vmem>>
    %dma_wait3A_210 = tpu.memref_squeeze %dma_wait3A_209 : memref<1x128xi32, #tpu.memory_space<vmem>> -> memref<128xi32, #tpu.memory_space<vmem>>
    %dma_wait3A_211 = arith.constant 0 : i32
    %dma_wait3A_212 = arith.constant 0 : i32
    %dma_wait3A_213 = tpu.memref_slice %arg7[%dma_wait3A_211, %dma_wait3A_212] : memref<10000x64xf32, #tpu.memory_space<hbm>> -> memref<10000x64xf32, #tpu.memory_space<hbm>>
    tpu.wait_indirect_dma semaphore(%arg23 : memref<!tpu.dma_semaphore, #tpu.memory_space<semaphore_mem>>) src(%dma_wait3A_213 : memref<10000x64xf32, #tpu.memory_space<hbm>>) dst(%arg14 : memref<128x64xf32, #tpu.memory_space<vmem>>)
    %run_scoped3A_214 = arith.constant 78 : i32
    "tpu.region"() ({
      %run_scoped3A_238 = tpu.sem_alloc : memref<!tpu.dma_semaphore, #tpu.memory_space<semaphore_mem>>
      %dma_start3A_239 = arith.constant 0 : i32
      %dma_start3A_240 = tpu.memref_slice %arg13[%run_scoped3A_214, %dma_start3A_239] : memref<80x128xi32, #tpu.memory_space<vmem>> -> memref<1x128xi32, #tpu.memory_space<vmem>>
      %dma_start3A_241 = tpu.memref_squeeze %dma_start3A_240 : memref<1x128xi32, #tpu.memory_space<vmem>> -> memref<128xi32, #tpu.memory_space<vmem>>
      %dma_start3A_242 = arith.constant 0 : i32
      %dma_start3A_243 = arith.constant 0 : i32
      %dma_start3A_244 = tpu.memref_slice %arg22[%dma_start3A_242, %dma_start3A_243] : memref<10240x64xf32, #tpu.memory_space<vmem_shared>> -> memref<10240x64xf32, #tpu.memory_space<vmem_shared>>
      tpu.enqueue_indirect_dma source(%arg14 : memref<128x64xf32, #tpu.memory_space<vmem>>) target(%dma_start3A_244 : memref<10240x64xf32, #tpu.memory_space<vmem_shared>>) offsets(%dma_start3A_241 : memref<128xi32, #tpu.memory_space<vmem>>) semaphore(%run_scoped3A_238 : memref<!tpu.dma_semaphore, #tpu.memory_space<semaphore_mem>>) {add = true}
      %dma_wait3A_245 = arith.constant 0 : i32
      %dma_wait3A_246 = tpu.memref_slice %arg13[%run_scoped3A_214, %dma_wait3A_245] : memref<80x128xi32, #tpu.memory_space<vmem>> -> memref<1x128xi32, #tpu.memory_space<vmem>>
      %dma_wait3A_247 = tpu.memref_squeeze %dma_wait3A_246 : memref<1x128xi32, #tpu.memory_space<vmem>> -> memref<128xi32, #tpu.memory_space<vmem>>
      %dma_wait3A_248 = arith.constant 0 : i32
      %dma_wait3A_249 = arith.constant 0 : i32
      %dma_wait3A_250 = tpu.memref_slice %arg22[%dma_wait3A_248, %dma_wait3A_249] : memref<10240x64xf32, #tpu.memory_space<vmem_shared>> -> memref<10240x64xf32, #tpu.memory_space<vmem_shared>>
      tpu.wait_indirect_dma semaphore(%run_scoped3A_238 : memref<!tpu.dma_semaphore, #tpu.memory_space<semaphore_mem>>) src(%arg14 : memref<128x64xf32, #tpu.memory_space<vmem>>) dst(%dma_wait3A_250 : memref<10240x64xf32, #tpu.memory_space<vmem_shared>>)
      tpu.yield
    }) : () -> ()
    %dma_wait3A_215 = arith.constant 79 : i32
    %dma_wait3A_216 = arith.constant 0 : i32
    %dma_wait3A_217 = tpu.memref_slice %arg12[%dma_wait3A_215, %dma_wait3A_216] : memref<80x128xi32, #tpu.memory_space<vmem>> -> memref<1x128xi32, #tpu.memory_space<vmem>>
    %dma_wait3A_218 = tpu.memref_squeeze %dma_wait3A_217 : memref<1x128xi32, #tpu.memory_space<vmem>> -> memref<128xi32, #tpu.memory_space<vmem>>
    %dma_wait3A_219 = arith.constant 0 : i32
    %dma_wait3A_220 = arith.constant 0 : i32
    %dma_wait3A_221 = tpu.memref_slice %arg7[%dma_wait3A_219, %dma_wait3A_220] : memref<10000x64xf32, #tpu.memory_space<hbm>> -> memref<10000x64xf32, #tpu.memory_space<hbm>>
    tpu.wait_indirect_dma semaphore(%arg24 : memref<!tpu.dma_semaphore, #tpu.memory_space<semaphore_mem>>) src(%dma_wait3A_221 : memref<10000x64xf32, #tpu.memory_space<hbm>>) dst(%arg15 : memref<128x64xf32, #tpu.memory_space<vmem>>)
    %run_scoped3A_222 = arith.constant 79 : i32
    "tpu.region"() ({
      %run_scoped3A_238 = tpu.sem_alloc : memref<!tpu.dma_semaphore, #tpu.memory_space<semaphore_mem>>
      %dma_start3A_239 = arith.constant 0 : i32
      %dma_start3A_240 = tpu.memref_slice %arg13[%run_scoped3A_222, %dma_start3A_239] : memref<80x128xi32, #tpu.memory_space<vmem>> -> memref<1x128xi32, #tpu.memory_space<vmem>>
      %dma_start3A_241 = tpu.memref_squeeze %dma_start3A_240 : memref<1x128xi32, #tpu.memory_space<vmem>> -> memref<128xi32, #tpu.memory_space<vmem>>
      %dma_start3A_242 = arith.constant 0 : i32
      %dma_start3A_243 = arith.constant 0 : i32
      %dma_start3A_244 = tpu.memref_slice %arg22[%dma_start3A_242, %dma_start3A_243] : memref<10240x64xf32, #tpu.memory_space<vmem_shared>> -> memref<10240x64xf32, #tpu.memory_space<vmem_shared>>
      tpu.enqueue_indirect_dma source(%arg15 : memref<128x64xf32, #tpu.memory_space<vmem>>) target(%dma_start3A_244 : memref<10240x64xf32, #tpu.memory_space<vmem_shared>>) offsets(%dma_start3A_241 : memref<128xi32, #tpu.memory_space<vmem>>) semaphore(%run_scoped3A_238 : memref<!tpu.dma_semaphore, #tpu.memory_space<semaphore_mem>>) {add = true}
      %dma_wait3A_245 = arith.constant 0 : i32
      %dma_wait3A_246 = tpu.memref_slice %arg13[%run_scoped3A_222, %dma_wait3A_245] : memref<80x128xi32, #tpu.memory_space<vmem>> -> memref<1x128xi32, #tpu.memory_space<vmem>>
      %dma_wait3A_247 = tpu.memref_squeeze %dma_wait3A_246 : memref<1x128xi32, #tpu.memory_space<vmem>> -> memref<128xi32, #tpu.memory_space<vmem>>
      %dma_wait3A_248 = arith.constant 0 : i32
      %dma_wait3A_249 = arith.constant 0 : i32
      %dma_wait3A_250 = tpu.memref_slice %arg22[%dma_wait3A_248, %dma_wait3A_249] : memref<10240x64xf32, #tpu.memory_space<vmem_shared>> -> memref<10240x64xf32, #tpu.memory_space<vmem_shared>>
      tpu.wait_indirect_dma semaphore(%run_scoped3A_238 : memref<!tpu.dma_semaphore, #tpu.memory_space<semaphore_mem>>) src(%arg15 : memref<128x64xf32, #tpu.memory_space<vmem>>) dst(%dma_wait3A_250 : memref<10240x64xf32, #tpu.memory_space<vmem_shared>>)
      tpu.yield
    }) : () -> ()
    %barrier3A_223 = arith.constant 0 : index
    tpu.barrier barrier_id(%barrier3A_223)
    %mul3A_224 = arith.constant 624 : i32
    %mul3A_225 = arith.muli %arg1, %mul3A_224 : i32
    %multiple_of3A_226 = tpu.assume_multiple %mul3A_225, 8 : i32
    %lt3A_227 = arith.constant 15 : i32
    %lt3A_228 = arith.cmpi slt, %arg1, %lt3A_227 : i32
    %convert_element_type3A_229 = arith.extui %lt3A_228 : i1 to i32
    %cond3A_230 = arith.constant 0 : i32
    %cond3A_231 = arith.cmpi ne, %convert_element_type3A_229, %cond3A_230 : i32
    scf.if %cond3A_231 {
      "tpu.region"() ({
        %run_scoped3A_238 = tpu.sem_alloc : memref<!tpu.dma_semaphore, #tpu.memory_space<semaphore_mem>>
        %dma_start3A_239 = arith.constant 0 : i32
        %dma_start3A_240 = arith.constant 0 : i32
        %dma_start3A_241 = tpu.memref_slice %arg11[%arg0, %dma_start3A_239, %dma_start3A_240] : memref<2x10000x64xf32, #tpu.memory_space<hbm>> -> memref<1x10000x64xf32, #tpu.memory_space<hbm>>
        %dma_start3A_242 = tpu.memref_squeeze %dma_start3A_241 : memref<1x10000x64xf32, #tpu.memory_space<hbm>> -> memref<10000x64xf32, #tpu.memory_space<hbm>>
        %dma_start3A_243 = arith.constant 0 : i32
        %dma_start3A_244 = tpu.memref_slice %dma_start3A_242[%multiple_of3A_226, %dma_start3A_243] : memref<10000x64xf32, #tpu.memory_space<hbm>> -> memref<624x64xf32, #tpu.memory_space<hbm>>
        %dma_start3A_245 = arith.constant 0 : i32
        %dma_start3A_246 = tpu.memref_slice %arg22[%multiple_of3A_226, %dma_start3A_245] : memref<10240x64xf32, #tpu.memory_space<vmem_shared>> -> memref<624x64xf32, #tpu.memory_space<vmem_shared>>
        tpu.enqueue_dma source(%dma_start3A_246 : memref<624x64xf32, #tpu.memory_space<vmem_shared>>) target(%dma_start3A_244 : memref<624x64xf32, #tpu.memory_space<hbm>>) target_semaphore(%run_scoped3A_238 : memref<!tpu.dma_semaphore, #tpu.memory_space<semaphore_mem>>)
        %dma_wait3A_247 = arith.constant 0 : i32
        %dma_wait3A_248 = arith.constant 0 : i32
        %dma_wait3A_249 = tpu.memref_slice %arg11[%arg0, %dma_wait3A_247, %dma_wait3A_248] : memref<2x10000x64xf32, #tpu.memory_space<hbm>> -> memref<1x10000x64xf32, #tpu.memory_space<hbm>>
        %dma_wait3A_250 = tpu.memref_squeeze %dma_wait3A_249 : memref<1x10000x64xf32, #tpu.memory_space<hbm>> -> memref<10000x64xf32, #tpu.memory_space<hbm>>
        %dma_wait3A_251 = arith.constant 0 : i32
        %dma_wait3A_252 = tpu.memref_slice %dma_wait3A_250[%multiple_of3A_226, %dma_wait3A_251] : memref<10000x64xf32, #tpu.memory_space<hbm>> -> memref<624x64xf32, #tpu.memory_space<hbm>>
        %dma_wait3A_253 = arith.constant 0 : i32
        %dma_wait3A_254 = tpu.memref_slice %arg22[%multiple_of3A_226, %dma_wait3A_253] : memref<10240x64xf32, #tpu.memory_space<vmem_shared>> -> memref<624x64xf32, #tpu.memory_space<vmem_shared>>
        tpu.wait_dma2 semaphore(%run_scoped3A_238 : memref<!tpu.dma_semaphore, #tpu.memory_space<semaphore_mem>>) src(%dma_wait3A_254 : memref<624x64xf32, #tpu.memory_space<vmem_shared>>) dst(%dma_wait3A_252 : memref<624x64xf32, #tpu.memory_space<hbm>>)
        tpu.yield
      }) : () -> ()
    } else {
    }
    %eq3A_232 = arith.constant 15 : i32
    %eq3A_233 = arith.cmpi eq, %arg1, %eq3A_232 : i32
    %convert_element_type3A_234 = arith.extui %eq3A_233 : i1 to i32
    %cond3A_235 = arith.constant 0 : i32
    %cond3A_236 = arith.cmpi ne, %convert_element_type3A_234, %cond3A_235 : i32
    scf.if %cond3A_236 {
      "tpu.region"() ({
        %run_scoped3A_238 = tpu.sem_alloc : memref<!tpu.dma_semaphore, #tpu.memory_space<semaphore_mem>>
        %dma_start3A_239 = arith.constant 0 : i32
        %dma_start3A_240 = arith.constant 0 : i32
        %dma_start3A_241 = tpu.memref_slice %arg11[%arg0, %dma_start3A_239, %dma_start3A_240] : memref<2x10000x64xf32, #tpu.memory_space<hbm>> -> memref<1x10000x64xf32, #tpu.memory_space<hbm>>
        %dma_start3A_242 = tpu.memref_squeeze %dma_start3A_241 : memref<1x10000x64xf32, #tpu.memory_space<hbm>> -> memref<10000x64xf32, #tpu.memory_space<hbm>>
        %dma_start3A_243 = arith.constant 9360 : i32
        %dma_start3A_244 = arith.constant 0 : i32
        %dma_start3A_245 = tpu.memref_slice %dma_start3A_242[%dma_start3A_243, %dma_start3A_244] : memref<10000x64xf32, #tpu.memory_space<hbm>> -> memref<640x64xf32, #tpu.memory_space<hbm>>
        %dma_start3A_246 = arith.constant 9360 : i32
        %dma_start3A_247 = arith.constant 0 : i32
        %dma_start3A_248 = tpu.memref_slice %arg22[%dma_start3A_246, %dma_start3A_247] : memref<10240x64xf32, #tpu.memory_space<vmem_shared>> -> memref<640x64xf32, #tpu.memory_space<vmem_shared>>
        tpu.enqueue_dma source(%dma_start3A_248 : memref<640x64xf32, #tpu.memory_space<vmem_shared>>) target(%dma_start3A_245 : memref<640x64xf32, #tpu.memory_space<hbm>>) target_semaphore(%run_scoped3A_238 : memref<!tpu.dma_semaphore, #tpu.memory_space<semaphore_mem>>)
        %dma_wait3A_249 = arith.constant 0 : i32
        %dma_wait3A_250 = arith.constant 0 : i32
        %dma_wait3A_251 = tpu.memref_slice %arg11[%arg0, %dma_wait3A_249, %dma_wait3A_250] : memref<2x10000x64xf32, #tpu.memory_space<hbm>> -> memref<1x10000x64xf32, #tpu.memory_space<hbm>>
        %dma_wait3A_252 = tpu.memref_squeeze %dma_wait3A_251 : memref<1x10000x64xf32, #tpu.memory_space<hbm>> -> memref<10000x64xf32, #tpu.memory_space<hbm>>
        %dma_wait3A_253 = arith.constant 9360 : i32
        %dma_wait3A_254 = arith.constant 0 : i32
        %dma_wait3A_255 = tpu.memref_slice %dma_wait3A_252[%dma_wait3A_253, %dma_wait3A_254] : memref<10000x64xf32, #tpu.memory_space<hbm>> -> memref<640x64xf32, #tpu.memory_space<hbm>>
        %dma_wait3A_256 = arith.constant 9360 : i32
        %dma_wait3A_257 = arith.constant 0 : i32
        %dma_wait3A_258 = tpu.memref_slice %arg22[%dma_wait3A_256, %dma_wait3A_257] : memref<10240x64xf32, #tpu.memory_space<vmem_shared>> -> memref<640x64xf32, #tpu.memory_space<vmem_shared>>
        tpu.wait_dma2 semaphore(%run_scoped3A_238 : memref<!tpu.dma_semaphore, #tpu.memory_space<semaphore_mem>>) src(%dma_wait3A_258 : memref<640x64xf32, #tpu.memory_space<vmem_shared>>) dst(%dma_wait3A_255 : memref<640x64xf32, #tpu.memory_space<hbm>>)
        tpu.yield
      }) : () -> ()
    } else {
    }
    %barrier3A_237 = arith.constant 0 : index
    tpu.barrier barrier_id(%barrier3A_237)
    return
  }
}

#map = affine_map<(d0, d1) -> (0, 0, 0)>
#map1 = affine_map<(d0, d1) -> (0, 0)>
module attributes {stable_mosaic.version = 14 : i64} {
  func.func @spmm(%arg0: i32, %arg1: i32, %arg2: memref<32x80x128xi32, #tpu.memory_space<hbm>>, %arg3: memref<32x80x128xi32, #tpu.memory_space<hbm>>, %arg4: memref<10000x64xf32, #tpu.memory_space<hbm>>, %arg5: memref<10000x64xf32, #tpu.memory_space<hbm>>, %arg6: memref<2x10000x64xf32, #tpu.memory_space<hbm>>, %arg7: memref<2x10000x64xf32, #tpu.memory_space<hbm>>, %arg8: memref<80x128xi32, #tpu.memory_space<vmem>>, %arg9: memref<80x128xi32, #tpu.memory_space<vmem>>, %arg10: memref<128x64xf32, #tpu.memory_space<vmem>>, %arg11: memref<128x64xf32, #tpu.memory_space<vmem>>, %arg12: memref<128x64xf32, #tpu.memory_space<vmem>>, %arg13: memref<128x64xf32, #tpu.memory_space<vmem>>, %arg14: memref<128x64xf32, #tpu.memory_space<vmem>>, %arg15: memref<128x64xf32, #tpu.memory_space<vmem>>, %arg16: memref<128x64xf32, #tpu.memory_space<vmem>>, %arg17: memref<128x64xf32, #tpu.memory_space<vmem>>, %arg18: memref<10240x64xf32, #tpu.memory_space<vmem_shared>>, %arg19: memref<!tpu.dma_semaphore, #tpu.memory_space<semaphore_mem>>, %arg20: memref<!tpu.dma_semaphore, #tpu.memory_space<semaphore_mem>>, %arg21: memref<!tpu.dma_semaphore, #tpu.memory_space<semaphore_mem>>, %arg22: memref<!tpu.dma_semaphore, #tpu.memory_space<semaphore_mem>>, %arg23: memref<!tpu.dma_semaphore, #tpu.memory_space<semaphore_mem>>, %arg24: memref<!tpu.dma_semaphore, #tpu.memory_space<semaphore_mem>>, %arg25: memref<!tpu.dma_semaphore, #tpu.memory_space<semaphore_mem>>, %arg26: memref<!tpu.dma_semaphore, #tpu.memory_space<semaphore_mem>>, %arg27: memref<!tpu.dma_semaphore, #tpu.memory_space<semaphore_mem>>, %arg28: memref<!tpu.dma_semaphore, #tpu.memory_space<semaphore_mem>>, %arg29: memref<!tpu.dma_semaphore, #tpu.memory_space<semaphore_mem>>, %arg30: memref<!tpu.dma_semaphore, #tpu.memory_space<semaphore_mem>>, %arg31: memref<!tpu.dma_semaphore, #tpu.memory_space<semaphore_mem>>, %arg32: memref<!tpu.dma_semaphore, #tpu.memory_space<semaphore_mem>>, %arg33: memref<!tpu.dma_semaphore, #tpu.memory_space<semaphore_mem>>, %arg34: memref<!tpu.dma_semaphore, #tpu.memory_space<semaphore_mem>>) attributes {dimension_semantics = [#tpu.dimension_semantics<core_parallel>, #tpu.dimension_semantics<subcore_parallel>], iteration_bounds = array<i64: 2, 16>, scalar_prefetch = 0 : i64, scratch_operands = 27 : i64, tpu.core_type = #tpu.core_type<sc_vector_subcore>, window_params = [{transform_indices = #map}, {transform_indices = #map}, {transform_indices = #map1}, {transform_indices = #map1}, {transform_indices = #map}, {transform_indices = #map}]} {
    %mul3A = arith.constant 16 : i32
    %mul3A_0 = arith.muli %arg0, %mul3A : i32
    %add3A = arith.addi %arg1, %mul3A_0 : i32
    "tpu.region"() ({
      %run_scoped3A_116 = tpu.sem_alloc : memref<!tpu.dma_semaphore, #tpu.memory_space<semaphore_mem>>
      %dma_start3A_117 = arith.constant 0 : i32
      %dma_start3A_118 = arith.constant 0 : i32
      %dma_start3A_119 = tpu.memref_slice %arg2[%add3A, %dma_start3A_117, %dma_start3A_118] : memref<32x80x128xi32, #tpu.memory_space<hbm>> -> memref<1x80x128xi32, #tpu.memory_space<hbm>>
      %dma_start3A_120 = tpu.memref_squeeze %dma_start3A_119 : memref<1x80x128xi32, #tpu.memory_space<hbm>> -> memref<80x128xi32, #tpu.memory_space<hbm>>
      %dma_start3A_121 = arith.constant 0 : i32
      %dma_start3A_122 = arith.constant 0 : i32
      %dma_start3A_123 = tpu.memref_slice %arg2[%add3A, %dma_start3A_121, %dma_start3A_122] : memref<32x80x128xi32, #tpu.memory_space<hbm>> -> memref<1x80x128xi32, #tpu.memory_space<hbm>>
      %dma_start3A_124 = tpu.memref_squeeze %dma_start3A_123 : memref<1x80x128xi32, #tpu.memory_space<hbm>> -> memref<80x128xi32, #tpu.memory_space<hbm>>
      tpu.enqueue_dma source(%dma_start3A_124 : memref<80x128xi32, #tpu.memory_space<hbm>>) target(%arg8 : memref<80x128xi32, #tpu.memory_space<vmem>>) target_semaphore(%run_scoped3A_116 : memref<!tpu.dma_semaphore, #tpu.memory_space<semaphore_mem>>)
      %dma_wait3A_125 = arith.constant 0 : i32
      %dma_wait3A_126 = arith.constant 0 : i32
      %dma_wait3A_127 = tpu.memref_slice %arg2[%add3A, %dma_wait3A_125, %dma_wait3A_126] : memref<32x80x128xi32, #tpu.memory_space<hbm>> -> memref<1x80x128xi32, #tpu.memory_space<hbm>>
      %dma_wait3A_128 = tpu.memref_squeeze %dma_wait3A_127 : memref<1x80x128xi32, #tpu.memory_space<hbm>> -> memref<80x128xi32, #tpu.memory_space<hbm>>
      %dma_wait3A_129 = arith.constant 0 : i32
      %dma_wait3A_130 = arith.constant 0 : i32
      %dma_wait3A_131 = tpu.memref_slice %arg2[%add3A, %dma_wait3A_129, %dma_wait3A_130] : memref<32x80x128xi32, #tpu.memory_space<hbm>> -> memref<1x80x128xi32, #tpu.memory_space<hbm>>
      %dma_wait3A_132 = tpu.memref_squeeze %dma_wait3A_131 : memref<1x80x128xi32, #tpu.memory_space<hbm>> -> memref<80x128xi32, #tpu.memory_space<hbm>>
      tpu.wait_dma2 semaphore(%run_scoped3A_116 : memref<!tpu.dma_semaphore, #tpu.memory_space<semaphore_mem>>) src(%dma_wait3A_132 : memref<80x128xi32, #tpu.memory_space<hbm>>) dst(%arg8 : memref<80x128xi32, #tpu.memory_space<vmem>>)
      tpu.yield
    }) : () -> ()
    %mul3A_1 = arith.constant 16 : i32
    %mul3A_2 = arith.muli %arg0, %mul3A_1 : i32
    %add3A_3 = arith.addi %arg1, %mul3A_2 : i32
    "tpu.region"() ({
      %run_scoped3A_116 = tpu.sem_alloc : memref<!tpu.dma_semaphore, #tpu.memory_space<semaphore_mem>>
      %dma_start3A_117 = arith.constant 0 : i32
      %dma_start3A_118 = arith.constant 0 : i32
      %dma_start3A_119 = tpu.memref_slice %arg3[%add3A_3, %dma_start3A_117, %dma_start3A_118] : memref<32x80x128xi32, #tpu.memory_space<hbm>> -> memref<1x80x128xi32, #tpu.memory_space<hbm>>
      %dma_start3A_120 = tpu.memref_squeeze %dma_start3A_119 : memref<1x80x128xi32, #tpu.memory_space<hbm>> -> memref<80x128xi32, #tpu.memory_space<hbm>>
      %dma_start3A_121 = arith.constant 0 : i32
      %dma_start3A_122 = arith.constant 0 : i32
      %dma_start3A_123 = tpu.memref_slice %arg3[%add3A_3, %dma_start3A_121, %dma_start3A_122] : memref<32x80x128xi32, #tpu.memory_space<hbm>> -> memref<1x80x128xi32, #tpu.memory_space<hbm>>
      %dma_start3A_124 = tpu.memref_squeeze %dma_start3A_123 : memref<1x80x128xi32, #tpu.memory_space<hbm>> -> memref<80x128xi32, #tpu.memory_space<hbm>>
      tpu.enqueue_dma source(%dma_start3A_124 : memref<80x128xi32, #tpu.memory_space<hbm>>) target(%arg9 : memref<80x128xi32, #tpu.memory_space<vmem>>) target_semaphore(%run_scoped3A_116 : memref<!tpu.dma_semaphore, #tpu.memory_space<semaphore_mem>>)
      %dma_wait3A_125 = arith.constant 0 : i32
      %dma_wait3A_126 = arith.constant 0 : i32
      %dma_wait3A_127 = tpu.memref_slice %arg3[%add3A_3, %dma_wait3A_125, %dma_wait3A_126] : memref<32x80x128xi32, #tpu.memory_space<hbm>> -> memref<1x80x128xi32, #tpu.memory_space<hbm>>
      %dma_wait3A_128 = tpu.memref_squeeze %dma_wait3A_127 : memref<1x80x128xi32, #tpu.memory_space<hbm>> -> memref<80x128xi32, #tpu.memory_space<hbm>>
      %dma_wait3A_129 = arith.constant 0 : i32
      %dma_wait3A_130 = arith.constant 0 : i32
      %dma_wait3A_131 = tpu.memref_slice %arg3[%add3A_3, %dma_wait3A_129, %dma_wait3A_130] : memref<32x80x128xi32, #tpu.memory_space<hbm>> -> memref<1x80x128xi32, #tpu.memory_space<hbm>>
      %dma_wait3A_132 = tpu.memref_squeeze %dma_wait3A_131 : memref<1x80x128xi32, #tpu.memory_space<hbm>> -> memref<80x128xi32, #tpu.memory_space<hbm>>
      tpu.wait_dma2 semaphore(%run_scoped3A_116 : memref<!tpu.dma_semaphore, #tpu.memory_space<semaphore_mem>>) src(%dma_wait3A_132 : memref<80x128xi32, #tpu.memory_space<hbm>>) dst(%arg9 : memref<80x128xi32, #tpu.memory_space<vmem>>)
      tpu.yield
    }) : () -> ()
    %scan3A = arith.constant 0 : i32
    %scan3A_4 = arith.constant 128 : i32
    %scan3A_5 = arith.addi %scan3A, %scan3A_4 : i32
    %scan3A_6 = arith.constant 1 : i32
    scf.for %scan3A_116 = %scan3A to %scan3A_5 step %scan3A_6  : i32 {
      %mul3A_117 = arith.constant 1 : i32
      %mul3A_118 = arith.muli %scan3A_116, %mul3A_117 : i32
      %add3A_119 = arith.constant 0 : i32
      %add3A_120 = arith.addi %add3A_119, %mul3A_118 : i32
      %scan3A_121 = arith.constant 0 : i32
      %scan3A_122 = arith.constant 4 : i32
      %scan3A_123 = arith.addi %scan3A_121, %scan3A_122 : i32
      %scan3A_124 = arith.constant 1 : i32
      scf.for %scan3A_126 = %scan3A_121 to %scan3A_123 step %scan3A_124  : i32 {
        %mul3A_127 = arith.constant 16 : i32
        %mul3A_128 = arith.muli %scan3A_126, %mul3A_127 : i32
        %add3A_129 = arith.constant 0 : i32
        %add3A_130 = arith.addi %add3A_129, %mul3A_128 : i32
        %broadcast_in_dim3A = arith.constant 0.000000e+00 : f32
        %broadcast_in_dim3A_131 = vector.broadcast %broadcast_in_dim3A : f32 to vector<16xf32>
        %swap3A = arith.index_cast %add3A_120 : i32 to index
        %swap3A_132 = arith.index_cast %add3A_130 : i32 to index
        %swap3A_133 = tpu.vector_load %arg10[%swap3A, %swap3A_132] {strides = array<i32>} : memref<128x64xf32, #tpu.memory_space<vmem>>, vector<1x16xf32>,
        %swap3A_134 = vector.shape_cast %swap3A_133 : vector<1x16xf32> to vector<16xf32>
        %swap3A_135 = vector.shape_cast %broadcast_in_dim3A_131 : vector<16xf32> to vector<1x16xf32>
        tpu.vector_store %arg10[%swap3A, %swap3A_132], %swap3A_135 {strides = array<i32>} : memref<128x64xf32, #tpu.memory_space<vmem>>, vector<1x16xf32>,
      }
      %scan3A_125 = arith.constant 4 : i32
    }
    %scan3A_7 = arith.constant 128 : i32
    %scan3A_8 = arith.constant 0 : i32
    %scan3A_9 = arith.constant 5 : i32
    %scan3A_10 = arith.addi %scan3A_8, %scan3A_9 : i32
    %scan3A_11 = arith.constant 1 : i32
    scf.for %scan3A_116 = %scan3A_8 to %scan3A_10 step %scan3A_11  : i32 {
      %mul3A_117 = arith.constant 1 : i32
      %mul3A_118 = arith.muli %scan3A_116, %mul3A_117 : i32
      %add3A_119 = arith.constant 0 : i32
      %add3A_120 = arith.addi %add3A_119, %mul3A_118 : i32
      %mul3A_121 = arith.constant 640 : i32
      %mul3A_122 = arith.muli %arg1, %mul3A_121 : i32
      %mul3A_123 = arith.constant 128 : i32
      %mul3A_124 = arith.muli %add3A_120, %mul3A_123 : i32
      %add3A_125 = arith.addi %mul3A_122, %mul3A_124 : i32
      "tpu.region"() ({
        %run_scoped3A_126 = tpu.sem_alloc : memref<!tpu.dma_semaphore, #tpu.memory_space<semaphore_mem>>
        %dma_start3A_127 = arith.constant 0 : i32
        %dma_start3A_128 = tpu.memref_slice %arg18[%add3A_125, %dma_start3A_127] : memref<10240x64xf32, #tpu.memory_space<vmem_shared>> -> memref<128x64xf32, #tpu.memory_space<vmem_shared>>
        %dma_start3A_129 = arith.constant 0 : i32
        %dma_start3A_130 = tpu.memref_slice %arg18[%add3A_125, %dma_start3A_129] : memref<10240x64xf32, #tpu.memory_space<vmem_shared>> -> memref<128x64xf32, #tpu.memory_space<vmem_shared>>
        tpu.enqueue_dma source(%arg10 : memref<128x64xf32, #tpu.memory_space<vmem>>) target(%dma_start3A_130 : memref<128x64xf32, #tpu.memory_space<vmem_shared>>) target_semaphore(%run_scoped3A_126 : memref<!tpu.dma_semaphore, #tpu.memory_space<semaphore_mem>>)
        %dma_wait3A_131 = arith.constant 0 : i32
        %dma_wait3A_132 = tpu.memref_slice %arg18[%add3A_125, %dma_wait3A_131] : memref<10240x64xf32, #tpu.memory_space<vmem_shared>> -> memref<128x64xf32, #tpu.memory_space<vmem_shared>>
        %dma_wait3A_133 = arith.constant 0 : i32
        %dma_wait3A_134 = tpu.memref_slice %arg18[%add3A_125, %dma_wait3A_133] : memref<10240x64xf32, #tpu.memory_space<vmem_shared>> -> memref<128x64xf32, #tpu.memory_space<vmem_shared>>
        tpu.wait_dma2 semaphore(%run_scoped3A_126 : memref<!tpu.dma_semaphore, #tpu.memory_space<semaphore_mem>>) src(%arg10 : memref<128x64xf32, #tpu.memory_space<vmem>>) dst(%dma_wait3A_134 : memref<128x64xf32, #tpu.memory_space<vmem_shared>>)
        tpu.yield
      }) : () -> ()
    }
    %scan3A_12 = arith.constant 5 : i32
    %barrier3A = arith.constant 0 : index
    tpu.barrier barrier_id(%barrier3A)
    %dma_start3A = arith.constant 0 : i32
    %dma_start3A_13 = arith.constant 0 : i32
    %dma_start3A_14 = tpu.memref_slice %arg8[%dma_start3A, %dma_start3A_13] : memref<80x128xi32, #tpu.memory_space<vmem>> -> memref<1x128xi32, #tpu.memory_space<vmem>>
    %dma_start3A_15 = tpu.memref_squeeze %dma_start3A_14 : memref<1x128xi32, #tpu.memory_space<vmem>> -> memref<128xi32, #tpu.memory_space<vmem>>
    %dma_start3A_16 = arith.constant 0 : i32
    %dma_start3A_17 = arith.constant 0 : i32
    %dma_start3A_18 = tpu.memref_slice %arg4[%dma_start3A_16, %dma_start3A_17] : memref<10000x64xf32, #tpu.memory_space<hbm>> -> memref<10000x64xf32, #tpu.memory_space<hbm>>
    tpu.enqueue_indirect_dma source(%dma_start3A_18 : memref<10000x64xf32, #tpu.memory_space<hbm>>) target(%arg10 : memref<128x64xf32, #tpu.memory_space<vmem>>) offsets(%dma_start3A_15 : memref<128xi32, #tpu.memory_space<vmem>>) semaphore(%arg19 : memref<!tpu.dma_semaphore, #tpu.memory_space<semaphore_mem>>)
    %dma_start3A_19 = arith.constant 1 : i32
    %dma_start3A_20 = arith.constant 0 : i32
    %dma_start3A_21 = tpu.memref_slice %arg8[%dma_start3A_19, %dma_start3A_20] : memref<80x128xi32, #tpu.memory_space<vmem>> -> memref<1x128xi32, #tpu.memory_space<vmem>>
    %dma_start3A_22 = tpu.memref_squeeze %dma_start3A_21 : memref<1x128xi32, #tpu.memory_space<vmem>> -> memref<128xi32, #tpu.memory_space<vmem>>
    %dma_start3A_23 = arith.constant 0 : i32
    %dma_start3A_24 = arith.constant 0 : i32
    %dma_start3A_25 = tpu.memref_slice %arg4[%dma_start3A_23, %dma_start3A_24] : memref<10000x64xf32, #tpu.memory_space<hbm>> -> memref<10000x64xf32, #tpu.memory_space<hbm>>
    tpu.enqueue_indirect_dma source(%dma_start3A_25 : memref<10000x64xf32, #tpu.memory_space<hbm>>) target(%arg11 : memref<128x64xf32, #tpu.memory_space<vmem>>) offsets(%dma_start3A_22 : memref<128xi32, #tpu.memory_space<vmem>>) semaphore(%arg20 : memref<!tpu.dma_semaphore, #tpu.memory_space<semaphore_mem>>)
    %scan3A_26 = arith.constant 0 : i32
    %scan3A_27 = arith.constant 39 : i32
    %scan3A_28 = arith.addi %scan3A_26, %scan3A_27 : i32
    %scan3A_29 = arith.constant 1 : i32
    scf.for %scan3A_116 = %scan3A_26 to %scan3A_28 step %scan3A_29  : i32 {
      %mul3A_117 = arith.constant 1 : i32
      %mul3A_118 = arith.muli %scan3A_116, %mul3A_117 : i32
      %add3A_119 = arith.constant 0 : i32
      %add3A_120 = arith.addi %add3A_119, %mul3A_118 : i32
      %mul3A_121 = arith.constant 2 : i32
      %mul3A_122 = arith.muli %mul3A_121, %add3A_120 : i32
      %add3A_123 = arith.constant 0 : i32
      %add3A_124 = arith.addi %add3A_123, %mul3A_122 : i32
      %dma_wait3A_125 = arith.constant 0 : i32
      %dma_wait3A_126 = tpu.memref_slice %arg8[%add3A_124, %dma_wait3A_125] : memref<80x128xi32, #tpu.memory_space<vmem>> -> memref<1x128xi32, #tpu.memory_space<vmem>>
      %dma_wait3A_127 = tpu.memref_squeeze %dma_wait3A_126 : memref<1x128xi32, #tpu.memory_space<vmem>> -> memref<128xi32, #tpu.memory_space<vmem>>
      %dma_wait3A_128 = arith.constant 0 : i32
      %dma_wait3A_129 = arith.constant 0 : i32
      %dma_wait3A_130 = tpu.memref_slice %arg4[%dma_wait3A_128, %dma_wait3A_129] : memref<10000x64xf32, #tpu.memory_space<hbm>> -> memref<10000x64xf32, #tpu.memory_space<hbm>>
      tpu.wait_indirect_dma semaphore(%arg19 : memref<!tpu.dma_semaphore, #tpu.memory_space<semaphore_mem>>) src(%dma_wait3A_130 : memref<10000x64xf32, #tpu.memory_space<hbm>>) dst(%arg10 : memref<128x64xf32, #tpu.memory_space<vmem>>)
      "tpu.region"() ({
        %run_scoped3A_163 = tpu.sem_alloc : memref<!tpu.dma_semaphore, #tpu.memory_space<semaphore_mem>>
        %dma_start3A_164 = arith.constant 0 : i32
        %dma_start3A_165 = tpu.memref_slice %arg9[%mul3A_122, %dma_start3A_164] : memref<80x128xi32, #tpu.memory_space<vmem>> -> memref<1x128xi32, #tpu.memory_space<vmem>>
        %dma_start3A_166 = tpu.memref_squeeze %dma_start3A_165 : memref<1x128xi32, #tpu.memory_space<vmem>> -> memref<128xi32, #tpu.memory_space<vmem>>
        %dma_start3A_167 = arith.constant 0 : i32
        %dma_start3A_168 = arith.constant 0 : i32
        %dma_start3A_169 = tpu.memref_slice %arg18[%dma_start3A_167, %dma_start3A_168] : memref<10240x64xf32, #tpu.memory_space<vmem_shared>> -> memref<10240x64xf32, #tpu.memory_space<vmem_shared>>
        tpu.enqueue_indirect_dma source(%arg10 : memref<128x64xf32, #tpu.memory_space<vmem>>) target(%dma_start3A_169 : memref<10240x64xf32, #tpu.memory_space<vmem_shared>>) offsets(%dma_start3A_166 : memref<128xi32, #tpu.memory_space<vmem>>) semaphore(%run_scoped3A_163 : memref<!tpu.dma_semaphore, #tpu.memory_space<semaphore_mem>>) {add = true}
        %dma_wait3A_170 = arith.constant 0 : i32
        %dma_wait3A_171 = tpu.memref_slice %arg9[%mul3A_122, %dma_wait3A_170] : memref<80x128xi32, #tpu.memory_space<vmem>> -> memref<1x128xi32, #tpu.memory_space<vmem>>
        %dma_wait3A_172 = tpu.memref_squeeze %dma_wait3A_171 : memref<1x128xi32, #tpu.memory_space<vmem>> -> memref<128xi32, #tpu.memory_space<vmem>>
        %dma_wait3A_173 = arith.constant 0 : i32
        %dma_wait3A_174 = arith.constant 0 : i32
        %dma_wait3A_175 = tpu.memref_slice %arg18[%dma_wait3A_173, %dma_wait3A_174] : memref<10240x64xf32, #tpu.memory_space<vmem_shared>> -> memref<10240x64xf32, #tpu.memory_space<vmem_shared>>
        tpu.wait_indirect_dma semaphore(%run_scoped3A_163 : memref<!tpu.dma_semaphore, #tpu.memory_space<semaphore_mem>>) src(%arg10 : memref<128x64xf32, #tpu.memory_space<vmem>>) dst(%dma_wait3A_175 : memref<10240x64xf32, #tpu.memory_space<vmem_shared>>)
        tpu.yield
      }) : () -> ()
      %add3A_131 = arith.constant 2 : i32
      %add3A_132 = arith.addi %mul3A_122, %add3A_131 : i32
      %add3A_133 = arith.constant 0 : i32
      %add3A_134 = arith.addi %add3A_133, %add3A_132 : i32
      %dma_start3A_135 = arith.constant 0 : i32
      %dma_start3A_136 = tpu.memref_slice %arg8[%add3A_134, %dma_start3A_135] : memref<80x128xi32, #tpu.memory_space<vmem>> -> memref<1x128xi32, #tpu.memory_space<vmem>>
      %dma_start3A_137 = tpu.memref_squeeze %dma_start3A_136 : memref<1x128xi32, #tpu.memory_space<vmem>> -> memref<128xi32, #tpu.memory_space<vmem>>
      %dma_start3A_138 = arith.constant 0 : i32
      %dma_start3A_139 = arith.constant 0 : i32
      %dma_start3A_140 = tpu.memref_slice %arg4[%dma_start3A_138, %dma_start3A_139] : memref<10000x64xf32, #tpu.memory_space<hbm>> -> memref<10000x64xf32, #tpu.memory_space<hbm>>
      tpu.enqueue_indirect_dma source(%dma_start3A_140 : memref<10000x64xf32, #tpu.memory_space<hbm>>) target(%arg10 : memref<128x64xf32, #tpu.memory_space<vmem>>) offsets(%dma_start3A_137 : memref<128xi32, #tpu.memory_space<vmem>>) semaphore(%arg19 : memref<!tpu.dma_semaphore, #tpu.memory_space<semaphore_mem>>)
      %mul3A_141 = arith.constant 2 : i32
      %mul3A_142 = arith.muli %mul3A_141, %add3A_120 : i32
      %add3A_143 = arith.constant 1 : i32
      %add3A_144 = arith.addi %mul3A_142, %add3A_143 : i32
      %add3A_145 = arith.constant 0 : i32
      %add3A_146 = arith.addi %add3A_145, %add3A_144 : i32
      %dma_wait3A_147 = arith.constant 0 : i32
      %dma_wait3A_148 = tpu.memref_slice %arg8[%add3A_146, %dma_wait3A_147] : memref<80x128xi32, #tpu.memory_space<vmem>> -> memref<1x128xi32, #tpu.memory_space<vmem>>
      %dma_wait3A_149 = tpu.memref_squeeze %dma_wait3A_148 : memref<1x128xi32, #tpu.memory_space<vmem>> -> memref<128xi32, #tpu.memory_space<vmem>>
      %dma_wait3A_150 = arith.constant 0 : i32
      %dma_wait3A_151 = arith.constant 0 : i32
      %dma_wait3A_152 = tpu.memref_slice %arg4[%dma_wait3A_150, %dma_wait3A_151] : memref<10000x64xf32, #tpu.memory_space<hbm>> -> memref<10000x64xf32, #tpu.memory_space<hbm>>
      tpu.wait_indirect_dma semaphore(%arg20 : memref<!tpu.dma_semaphore, #tpu.memory_space<semaphore_mem>>) src(%dma_wait3A_152 : memref<10000x64xf32, #tpu.memory_space<hbm>>) dst(%arg11 : memref<128x64xf32, #tpu.memory_space<vmem>>)
      "tpu.region"() ({
        %run_scoped3A_163 = tpu.sem_alloc : memref<!tpu.dma_semaphore, #tpu.memory_space<semaphore_mem>>
        %dma_start3A_164 = arith.constant 0 : i32
        %dma_start3A_165 = tpu.memref_slice %arg9[%add3A_144, %dma_start3A_164] : memref<80x128xi32, #tpu.memory_space<vmem>> -> memref<1x128xi32, #tpu.memory_space<vmem>>
        %dma_start3A_166 = tpu.memref_squeeze %dma_start3A_165 : memref<1x128xi32, #tpu.memory_space<vmem>> -> memref<128xi32, #tpu.memory_space<vmem>>
        %dma_start3A_167 = arith.constant 0 : i32
        %dma_start3A_168 = arith.constant 0 : i32
        %dma_start3A_169 = tpu.memref_slice %arg18[%dma_start3A_167, %dma_start3A_168] : memref<10240x64xf32, #tpu.memory_space<vmem_shared>> -> memref<10240x64xf32, #tpu.memory_space<vmem_shared>>
        tpu.enqueue_indirect_dma source(%arg11 : memref<128x64xf32, #tpu.memory_space<vmem>>) target(%dma_start3A_169 : memref<10240x64xf32, #tpu.memory_space<vmem_shared>>) offsets(%dma_start3A_166 : memref<128xi32, #tpu.memory_space<vmem>>) semaphore(%run_scoped3A_163 : memref<!tpu.dma_semaphore, #tpu.memory_space<semaphore_mem>>) {add = true}
        %dma_wait3A_170 = arith.constant 0 : i32
        %dma_wait3A_171 = tpu.memref_slice %arg9[%add3A_144, %dma_wait3A_170] : memref<80x128xi32, #tpu.memory_space<vmem>> -> memref<1x128xi32, #tpu.memory_space<vmem>>
        %dma_wait3A_172 = tpu.memref_squeeze %dma_wait3A_171 : memref<1x128xi32, #tpu.memory_space<vmem>> -> memref<128xi32, #tpu.memory_space<vmem>>
        %dma_wait3A_173 = arith.constant 0 : i32
        %dma_wait3A_174 = arith.constant 0 : i32
        %dma_wait3A_175 = tpu.memref_slice %arg18[%dma_wait3A_173, %dma_wait3A_174] : memref<10240x64xf32, #tpu.memory_space<vmem_shared>> -> memref<10240x64xf32, #tpu.memory_space<vmem_shared>>
        tpu.wait_indirect_dma semaphore(%run_scoped3A_163 : memref<!tpu.dma_semaphore, #tpu.memory_space<semaphore_mem>>) src(%arg11 : memref<128x64xf32, #tpu.memory_space<vmem>>) dst(%dma_wait3A_175 : memref<10240x64xf32, #tpu.memory_space<vmem_shared>>)
        tpu.yield
      }) : () -> ()
      %add3A_153 = arith.constant 2 : i32
      %add3A_154 = arith.addi %add3A_144, %add3A_153 : i32
      %add3A_155 = arith.constant 0 : i32
      %add3A_156 = arith.addi %add3A_155, %add3A_154 : i32
      %dma_start3A_157 = arith.constant 0 : i32
      %dma_start3A_158 = tpu.memref_slice %arg8[%add3A_156, %dma_start3A_157] : memref<80x128xi32, #tpu.memory_space<vmem>> -> memref<1x128xi32, #tpu.memory_space<vmem>>
      %dma_start3A_159 = tpu.memref_squeeze %dma_start3A_158 : memref<1x128xi32, #tpu.memory_space<vmem>> -> memref<128xi32, #tpu.memory_space<vmem>>
      %dma_start3A_160 = arith.constant 0 : i32
      %dma_start3A_161 = arith.constant 0 : i32
      %dma_start3A_162 = tpu.memref_slice %arg4[%dma_start3A_160, %dma_start3A_161] : memref<10000x64xf32, #tpu.memory_space<hbm>> -> memref<10000x64xf32, #tpu.memory_space<hbm>>
      tpu.enqueue_indirect_dma source(%dma_start3A_162 : memref<10000x64xf32, #tpu.memory_space<hbm>>) target(%arg11 : memref<128x64xf32, #tpu.memory_space<vmem>>) offsets(%dma_start3A_159 : memref<128xi32, #tpu.memory_space<vmem>>) semaphore(%arg20 : memref<!tpu.dma_semaphore, #tpu.memory_space<semaphore_mem>>)
    }
    %scan3A_30 = arith.constant 39 : i32
    %dma_wait3A = arith.constant 78 : i32
    %dma_wait3A_31 = arith.constant 0 : i32
    %dma_wait3A_32 = tpu.memref_slice %arg8[%dma_wait3A, %dma_wait3A_31] : memref<80x128xi32, #tpu.memory_space<vmem>> -> memref<1x128xi32, #tpu.memory_space<vmem>>
    %dma_wait3A_33 = tpu.memref_squeeze %dma_wait3A_32 : memref<1x128xi32, #tpu.memory_space<vmem>> -> memref<128xi32, #tpu.memory_space<vmem>>
    %dma_wait3A_34 = arith.constant 0 : i32
    %dma_wait3A_35 = arith.constant 0 : i32
    %dma_wait3A_36 = tpu.memref_slice %arg4[%dma_wait3A_34, %dma_wait3A_35] : memref<10000x64xf32, #tpu.memory_space<hbm>> -> memref<10000x64xf32, #tpu.memory_space<hbm>>
    tpu.wait_indirect_dma semaphore(%arg19 : memref<!tpu.dma_semaphore, #tpu.memory_space<semaphore_mem>>) src(%dma_wait3A_36 : memref<10000x64xf32, #tpu.memory_space<hbm>>) dst(%arg10 : memref<128x64xf32, #tpu.memory_space<vmem>>)
    %run_scoped3A = arith.constant 78 : i32
    "tpu.region"() ({
      %run_scoped3A_116 = tpu.sem_alloc : memref<!tpu.dma_semaphore, #tpu.memory_space<semaphore_mem>>
      %dma_start3A_117 = arith.constant 0 : i32
      %dma_start3A_118 = tpu.memref_slice %arg9[%run_scoped3A, %dma_start3A_117] : memref<80x128xi32, #tpu.memory_space<vmem>> -> memref<1x128xi32, #tpu.memory_space<vmem>>
      %dma_start3A_119 = tpu.memref_squeeze %dma_start3A_118 : memref<1x128xi32, #tpu.memory_space<vmem>> -> memref<128xi32, #tpu.memory_space<vmem>>
      %dma_start3A_120 = arith.constant 0 : i32
      %dma_start3A_121 = arith.constant 0 : i32
      %dma_start3A_122 = tpu.memref_slice %arg18[%dma_start3A_120, %dma_start3A_121] : memref<10240x64xf32, #tpu.memory_space<vmem_shared>> -> memref<10240x64xf32, #tpu.memory_space<vmem_shared>>
      tpu.enqueue_indirect_dma source(%arg10 : memref<128x64xf32, #tpu.memory_space<vmem>>) target(%dma_start3A_122 : memref<10240x64xf32, #tpu.memory_space<vmem_shared>>) offsets(%dma_start3A_119 : memref<128xi32, #tpu.memory_space<vmem>>) semaphore(%run_scoped3A_116 : memref<!tpu.dma_semaphore, #tpu.memory_space<semaphore_mem>>) {add = true}
      %dma_wait3A_123 = arith.constant 0 : i32
      %dma_wait3A_124 = tpu.memref_slice %arg9[%run_scoped3A, %dma_wait3A_123] : memref<80x128xi32, #tpu.memory_space<vmem>> -> memref<1x128xi32, #tpu.memory_space<vmem>>
      %dma_wait3A_125 = tpu.memref_squeeze %dma_wait3A_124 : memref<1x128xi32, #tpu.memory_space<vmem>> -> memref<128xi32, #tpu.memory_space<vmem>>
      %dma_wait3A_126 = arith.constant 0 : i32
      %dma_wait3A_127 = arith.constant 0 : i32
      %dma_wait3A_128 = tpu.memref_slice %arg18[%dma_wait3A_126, %dma_wait3A_127] : memref<10240x64xf32, #tpu.memory_space<vmem_shared>> -> memref<10240x64xf32, #tpu.memory_space<vmem_shared>>
      tpu.wait_indirect_dma semaphore(%run_scoped3A_116 : memref<!tpu.dma_semaphore, #tpu.memory_space<semaphore_mem>>) src(%arg10 : memref<128x64xf32, #tpu.memory_space<vmem>>) dst(%dma_wait3A_128 : memref<10240x64xf32, #tpu.memory_space<vmem_shared>>)
      tpu.yield
    }) : () -> ()
    %dma_wait3A_37 = arith.constant 79 : i32
    %dma_wait3A_38 = arith.constant 0 : i32
    %dma_wait3A_39 = tpu.memref_slice %arg8[%dma_wait3A_37, %dma_wait3A_38] : memref<80x128xi32, #tpu.memory_space<vmem>> -> memref<1x128xi32, #tpu.memory_space<vmem>>
    %dma_wait3A_40 = tpu.memref_squeeze %dma_wait3A_39 : memref<1x128xi32, #tpu.memory_space<vmem>> -> memref<128xi32, #tpu.memory_space<vmem>>
    %dma_wait3A_41 = arith.constant 0 : i32
    %dma_wait3A_42 = arith.constant 0 : i32
    %dma_wait3A_43 = tpu.memref_slice %arg4[%dma_wait3A_41, %dma_wait3A_42] : memref<10000x64xf32, #tpu.memory_space<hbm>> -> memref<10000x64xf32, #tpu.memory_space<hbm>>
    tpu.wait_indirect_dma semaphore(%arg20 : memref<!tpu.dma_semaphore, #tpu.memory_space<semaphore_mem>>) src(%dma_wait3A_43 : memref<10000x64xf32, #tpu.memory_space<hbm>>) dst(%arg11 : memref<128x64xf32, #tpu.memory_space<vmem>>)
    %run_scoped3A_44 = arith.constant 79 : i32
    "tpu.region"() ({
      %run_scoped3A_116 = tpu.sem_alloc : memref<!tpu.dma_semaphore, #tpu.memory_space<semaphore_mem>>
      %dma_start3A_117 = arith.constant 0 : i32
      %dma_start3A_118 = tpu.memref_slice %arg9[%run_scoped3A_44, %dma_start3A_117] : memref<80x128xi32, #tpu.memory_space<vmem>> -> memref<1x128xi32, #tpu.memory_space<vmem>>
      %dma_start3A_119 = tpu.memref_squeeze %dma_start3A_118 : memref<1x128xi32, #tpu.memory_space<vmem>> -> memref<128xi32, #tpu.memory_space<vmem>>
      %dma_start3A_120 = arith.constant 0 : i32
      %dma_start3A_121 = arith.constant 0 : i32
      %dma_start3A_122 = tpu.memref_slice %arg18[%dma_start3A_120, %dma_start3A_121] : memref<10240x64xf32, #tpu.memory_space<vmem_shared>> -> memref<10240x64xf32, #tpu.memory_space<vmem_shared>>
      tpu.enqueue_indirect_dma source(%arg11 : memref<128x64xf32, #tpu.memory_space<vmem>>) target(%dma_start3A_122 : memref<10240x64xf32, #tpu.memory_space<vmem_shared>>) offsets(%dma_start3A_119 : memref<128xi32, #tpu.memory_space<vmem>>) semaphore(%run_scoped3A_116 : memref<!tpu.dma_semaphore, #tpu.memory_space<semaphore_mem>>) {add = true}
      %dma_wait3A_123 = arith.constant 0 : i32
      %dma_wait3A_124 = tpu.memref_slice %arg9[%run_scoped3A_44, %dma_wait3A_123] : memref<80x128xi32, #tpu.memory_space<vmem>> -> memref<1x128xi32, #tpu.memory_space<vmem>>
      %dma_wait3A_125 = tpu.memref_squeeze %dma_wait3A_124 : memref<1x128xi32, #tpu.memory_space<vmem>> -> memref<128xi32, #tpu.memory_space<vmem>>
      %dma_wait3A_126 = arith.constant 0 : i32
      %dma_wait3A_127 = arith.constant 0 : i32
      %dma_wait3A_128 = tpu.memref_slice %arg18[%dma_wait3A_126, %dma_wait3A_127] : memref<10240x64xf32, #tpu.memory_space<vmem_shared>> -> memref<10240x64xf32, #tpu.memory_space<vmem_shared>>
      tpu.wait_indirect_dma semaphore(%run_scoped3A_116 : memref<!tpu.dma_semaphore, #tpu.memory_space<semaphore_mem>>) src(%arg11 : memref<128x64xf32, #tpu.memory_space<vmem>>) dst(%dma_wait3A_128 : memref<10240x64xf32, #tpu.memory_space<vmem_shared>>)
      tpu.yield
    }) : () -> ()
    %barrier3A_45 = arith.constant 0 : index
    tpu.barrier barrier_id(%barrier3A_45)
    %mul3A_46 = arith.constant 624 : i32
    %mul3A_47 = arith.muli %arg1, %mul3A_46 : i32
    %multiple_of3A = tpu.assume_multiple %mul3A_47, 8 : i32
    %lt3A = arith.constant 15 : i32
    %lt3A_48 = arith.cmpi slt, %arg1, %lt3A : i32
    %convert_element_type3A = arith.extui %lt3A_48 : i1 to i32
    %cond3A = arith.constant 0 : i32
    %cond3A_49 = arith.cmpi ne, %convert_element_type3A, %cond3A : i32
    scf.if %cond3A_49 {
      "tpu.region"() ({
        %run_scoped3A_116 = tpu.sem_alloc : memref<!tpu.dma_semaphore, #tpu.memory_space<semaphore_mem>>
        %dma_start3A_117 = arith.constant 0 : i32
        %dma_start3A_118 = arith.constant 0 : i32
        %dma_start3A_119 = tpu.memref_slice %arg6[%arg0, %dma_start3A_117, %dma_start3A_118] : memref<2x10000x64xf32, #tpu.memory_space<hbm>> -> memref<1x10000x64xf32, #tpu.memory_space<hbm>>
        %dma_start3A_120 = tpu.memref_squeeze %dma_start3A_119 : memref<1x10000x64xf32, #tpu.memory_space<hbm>> -> memref<10000x64xf32, #tpu.memory_space<hbm>>
        %dma_start3A_121 = arith.constant 0 : i32
        %dma_start3A_122 = tpu.memref_slice %dma_start3A_120[%multiple_of3A, %dma_start3A_121] : memref<10000x64xf32, #tpu.memory_space<hbm>> -> memref<624x64xf32, #tpu.memory_space<hbm>>
        %dma_start3A_123 = arith.constant 0 : i32
        %dma_start3A_124 = tpu.memref_slice %arg18[%multiple_of3A, %dma_start3A_123] : memref<10240x64xf32, #tpu.memory_space<vmem_shared>> -> memref<624x64xf32, #tpu.memory_space<vmem_shared>>
        tpu.enqueue_dma source(%dma_start3A_124 : memref<624x64xf32, #tpu.memory_space<vmem_shared>>) target(%dma_start3A_122 : memref<624x64xf32, #tpu.memory_space<hbm>>) target_semaphore(%run_scoped3A_116 : memref<!tpu.dma_semaphore, #tpu.memory_space<semaphore_mem>>)
        %dma_wait3A_125 = arith.constant 0 : i32
        %dma_wait3A_126 = arith.constant 0 : i32
        %dma_wait3A_127 = tpu.memref_slice %arg6[%arg0, %dma_wait3A_125, %dma_wait3A_126] : memref<2x10000x64xf32, #tpu.memory_space<hbm>> -> memref<1x10000x64xf32, #tpu.memory_space<hbm>>
        %dma_wait3A_128 = tpu.memref_squeeze %dma_wait3A_127 : memref<1x10000x64xf32, #tpu.memory_space<hbm>> -> memref<10000x64xf32, #tpu.memory_space<hbm>>
        %dma_wait3A_129 = arith.constant 0 : i32
        %dma_wait3A_130 = tpu.memref_slice %dma_wait3A_128[%multiple_of3A, %dma_wait3A_129] : memref<10000x64xf32, #tpu.memory_space<hbm>> -> memref<624x64xf32, #tpu.memory_space<hbm>>
        %dma_wait3A_131 = arith.constant 0 : i32
        %dma_wait3A_132 = tpu.memref_slice %arg18[%multiple_of3A, %dma_wait3A_131] : memref<10240x64xf32, #tpu.memory_space<vmem_shared>> -> memref<624x64xf32, #tpu.memory_space<vmem_shared>>
        tpu.wait_dma2 semaphore(%run_scoped3A_116 : memref<!tpu.dma_semaphore, #tpu.memory_space<semaphore_mem>>) src(%dma_wait3A_132 : memref<624x64xf32, #tpu.memory_space<vmem_shared>>) dst(%dma_wait3A_130 : memref<624x64xf32, #tpu.memory_space<hbm>>)
        tpu.yield
      }) : () -> ()
    } else {
    }
    %eq3A = arith.constant 15 : i32
    %eq3A_50 = arith.cmpi eq, %arg1, %eq3A : i32
    %convert_element_type3A_51 = arith.extui %eq3A_50 : i1 to i32
    %cond3A_52 = arith.constant 0 : i32
    %cond3A_53 = arith.cmpi ne, %convert_element_type3A_51, %cond3A_52 : i32
    scf.if %cond3A_53 {
      "tpu.region"() ({
        %run_scoped3A_116 = tpu.sem_alloc : memref<!tpu.dma_semaphore, #tpu.memory_space<semaphore_mem>>
        %dma_start3A_117 = arith.constant 0 : i32
        %dma_start3A_118 = arith.constant 0 : i32
        %dma_start3A_119 = tpu.memref_slice %arg6[%arg0, %dma_start3A_117, %dma_start3A_118] : memref<2x10000x64xf32, #tpu.memory_space<hbm>> -> memref<1x10000x64xf32, #tpu.memory_space<hbm>>
        %dma_start3A_120 = tpu.memref_squeeze %dma_start3A_119 : memref<1x10000x64xf32, #tpu.memory_space<hbm>> -> memref<10000x64xf32, #tpu.memory_space<hbm>>
        %dma_start3A_121 = arith.constant 9360 : i32
        %dma_start3A_122 = arith.constant 0 : i32
        %dma_start3A_123 = tpu.memref_slice %dma_start3A_120[%dma_start3A_121, %dma_start3A_122] : memref<10000x64xf32, #tpu.memory_space<hbm>> -> memref<640x64xf32, #tpu.memory_space<hbm>>
        %dma_start3A_124 = arith.constant 9360 : i32
        %dma_start3A_125 = arith.constant 0 : i32
        %dma_start3A_126 = tpu.memref_slice %arg18[%dma_start3A_124, %dma_start3A_125] : memref<10240x64xf32, #tpu.memory_space<vmem_shared>> -> memref<640x64xf32, #tpu.memory_space<vmem_shared>>
        tpu.enqueue_dma source(%dma_start3A_126 : memref<640x64xf32, #tpu.memory_space<vmem_shared>>) target(%dma_start3A_123 : memref<640x64xf32, #tpu.memory_space<hbm>>) target_semaphore(%run_scoped3A_116 : memref<!tpu.dma_semaphore, #tpu.memory_space<semaphore_mem>>)
        %dma_wait3A_127 = arith.constant 0 : i32
        %dma_wait3A_128 = arith.constant 0 : i32
        %dma_wait3A_129 = tpu.memref_slice %arg6[%arg0, %dma_wait3A_127, %dma_wait3A_128] : memref<2x10000x64xf32, #tpu.memory_space<hbm>> -> memref<1x10000x64xf32, #tpu.memory_space<hbm>>
        %dma_wait3A_130 = tpu.memref_squeeze %dma_wait3A_129 : memref<1x10000x64xf32, #tpu.memory_space<hbm>> -> memref<10000x64xf32, #tpu.memory_space<hbm>>
        %dma_wait3A_131 = arith.constant 9360 : i32
        %dma_wait3A_132 = arith.constant 0 : i32
        %dma_wait3A_133 = tpu.memref_slice %dma_wait3A_130[%dma_wait3A_131, %dma_wait3A_132] : memref<10000x64xf32, #tpu.memory_space<hbm>> -> memref<640x64xf32, #tpu.memory_space<hbm>>
        %dma_wait3A_134 = arith.constant 9360 : i32
        %dma_wait3A_135 = arith.constant 0 : i32
        %dma_wait3A_136 = tpu.memref_slice %arg18[%dma_wait3A_134, %dma_wait3A_135] : memref<10240x64xf32, #tpu.memory_space<vmem_shared>> -> memref<640x64xf32, #tpu.memory_space<vmem_shared>>
        tpu.wait_dma2 semaphore(%run_scoped3A_116 : memref<!tpu.dma_semaphore, #tpu.memory_space<semaphore_mem>>) src(%dma_wait3A_136 : memref<640x64xf32, #tpu.memory_space<vmem_shared>>) dst(%dma_wait3A_133 : memref<640x64xf32, #tpu.memory_space<hbm>>)
        tpu.yield
      }) : () -> ()
    } else {
    }
    %barrier3A_54 = arith.constant 0 : index
    tpu.barrier barrier_id(%barrier3A_54)
    %scan3A_55 = arith.constant 0 : i32
    %scan3A_56 = arith.constant 128 : i32
    %scan3A_57 = arith.addi %scan3A_55, %scan3A_56 : i32
    %scan3A_58 = arith.constant 1 : i32
    scf.for %scan3A_116 = %scan3A_55 to %scan3A_57 step %scan3A_58  : i32 {
      %mul3A_117 = arith.constant 1 : i32
      %mul3A_118 = arith.muli %scan3A_116, %mul3A_117 : i32
      %add3A_119 = arith.constant 0 : i32
      %add3A_120 = arith.addi %add3A_119, %mul3A_118 : i32
      %scan3A_121 = arith.constant 0 : i32
      %scan3A_122 = arith.constant 4 : i32
      %scan3A_123 = arith.addi %scan3A_121, %scan3A_122 : i32
      %scan3A_124 = arith.constant 1 : i32
      scf.for %scan3A_126 = %scan3A_121 to %scan3A_123 step %scan3A_124  : i32 {
        %mul3A_127 = arith.constant 16 : i32
        %mul3A_128 = arith.muli %scan3A_126, %mul3A_127 : i32
        %add3A_129 = arith.constant 0 : i32
        %add3A_130 = arith.addi %add3A_129, %mul3A_128 : i32
        %broadcast_in_dim3A = arith.constant 0.000000e+00 : f32
        %broadcast_in_dim3A_131 = vector.broadcast %broadcast_in_dim3A : f32 to vector<16xf32>
        %swap3A = arith.index_cast %add3A_120 : i32 to index
        %swap3A_132 = arith.index_cast %add3A_130 : i32 to index
        %swap3A_133 = tpu.vector_load %arg10[%swap3A, %swap3A_132] {strides = array<i32>} : memref<128x64xf32, #tpu.memory_space<vmem>>, vector<1x16xf32>,
        %swap3A_134 = vector.shape_cast %swap3A_133 : vector<1x16xf32> to vector<16xf32>
        %swap3A_135 = vector.shape_cast %broadcast_in_dim3A_131 : vector<16xf32> to vector<1x16xf32>
        tpu.vector_store %arg10[%swap3A, %swap3A_132], %swap3A_135 {strides = array<i32>} : memref<128x64xf32, #tpu.memory_space<vmem>>, vector<1x16xf32>,
      }
      %scan3A_125 = arith.constant 4 : i32
    }
    %scan3A_59 = arith.constant 128 : i32
    %scan3A_60 = arith.constant 0 : i32
    %scan3A_61 = arith.constant 5 : i32
    %scan3A_62 = arith.addi %scan3A_60, %scan3A_61 : i32
    %scan3A_63 = arith.constant 1 : i32
    scf.for %scan3A_116 = %scan3A_60 to %scan3A_62 step %scan3A_63  : i32 {
      %mul3A_117 = arith.constant 1 : i32
      %mul3A_118 = arith.muli %scan3A_116, %mul3A_117 : i32
      %add3A_119 = arith.constant 0 : i32
      %add3A_120 = arith.addi %add3A_119, %mul3A_118 : i32
      %mul3A_121 = arith.constant 640 : i32
      %mul3A_122 = arith.muli %arg1, %mul3A_121 : i32
      %mul3A_123 = arith.constant 128 : i32
      %mul3A_124 = arith.muli %add3A_120, %mul3A_123 : i32
      %add3A_125 = arith.addi %mul3A_122, %mul3A_124 : i32
      "tpu.region"() ({
        %run_scoped3A_126 = tpu.sem_alloc : memref<!tpu.dma_semaphore, #tpu.memory_space<semaphore_mem>>
        %dma_start3A_127 = arith.constant 0 : i32
        %dma_start3A_128 = tpu.memref_slice %arg18[%add3A_125, %dma_start3A_127] : memref<10240x64xf32, #tpu.memory_space<vmem_shared>> -> memref<128x64xf32, #tpu.memory_space<vmem_shared>>
        %dma_start3A_129 = arith.constant 0 : i32
        %dma_start3A_130 = tpu.memref_slice %arg18[%add3A_125, %dma_start3A_129] : memref<10240x64xf32, #tpu.memory_space<vmem_shared>> -> memref<128x64xf32, #tpu.memory_space<vmem_shared>>
        tpu.enqueue_dma source(%arg10 : memref<128x64xf32, #tpu.memory_space<vmem>>) target(%dma_start3A_130 : memref<128x64xf32, #tpu.memory_space<vmem_shared>>) target_semaphore(%run_scoped3A_126 : memref<!tpu.dma_semaphore, #tpu.memory_space<semaphore_mem>>)
        %dma_wait3A_131 = arith.constant 0 : i32
        %dma_wait3A_132 = tpu.memref_slice %arg18[%add3A_125, %dma_wait3A_131] : memref<10240x64xf32, #tpu.memory_space<vmem_shared>> -> memref<128x64xf32, #tpu.memory_space<vmem_shared>>
        %dma_wait3A_133 = arith.constant 0 : i32
        %dma_wait3A_134 = tpu.memref_slice %arg18[%add3A_125, %dma_wait3A_133] : memref<10240x64xf32, #tpu.memory_space<vmem_shared>> -> memref<128x64xf32, #tpu.memory_space<vmem_shared>>
        tpu.wait_dma2 semaphore(%run_scoped3A_126 : memref<!tpu.dma_semaphore, #tpu.memory_space<semaphore_mem>>) src(%arg10 : memref<128x64xf32, #tpu.memory_space<vmem>>) dst(%dma_wait3A_134 : memref<128x64xf32, #tpu.memory_space<vmem_shared>>)
        tpu.yield
      }) : () -> ()
    }
    %scan3A_64 = arith.constant 5 : i32
    %barrier3A_65 = arith.constant 0 : index
    tpu.barrier barrier_id(%barrier3A_65)
    %dma_start3A_66 = arith.constant 0 : i32
    %dma_start3A_67 = arith.constant 0 : i32
    %dma_start3A_68 = tpu.memref_slice %arg8[%dma_start3A_66, %dma_start3A_67] : memref<80x128xi32, #tpu.memory_space<vmem>> -> memref<1x128xi32, #tpu.memory_space<vmem>>
    %dma_start3A_69 = tpu.memref_squeeze %dma_start3A_68 : memref<1x128xi32, #tpu.memory_space<vmem>> -> memref<128xi32, #tpu.memory_space<vmem>>
    %dma_start3A_70 = arith.constant 0 : i32
    %dma_start3A_71 = arith.constant 0 : i32
    %dma_start3A_72 = tpu.memref_slice %arg5[%dma_start3A_70, %dma_start3A_71] : memref<10000x64xf32, #tpu.memory_space<hbm>> -> memref<10000x64xf32, #tpu.memory_space<hbm>>
    tpu.enqueue_indirect_dma source(%dma_start3A_72 : memref<10000x64xf32, #tpu.memory_space<hbm>>) target(%arg10 : memref<128x64xf32, #tpu.memory_space<vmem>>) offsets(%dma_start3A_69 : memref<128xi32, #tpu.memory_space<vmem>>) semaphore(%arg19 : memref<!tpu.dma_semaphore, #tpu.memory_space<semaphore_mem>>)
    %dma_start3A_73 = arith.constant 1 : i32
    %dma_start3A_74 = arith.constant 0 : i32
    %dma_start3A_75 = tpu.memref_slice %arg8[%dma_start3A_73, %dma_start3A_74] : memref<80x128xi32, #tpu.memory_space<vmem>> -> memref<1x128xi32, #tpu.memory_space<vmem>>
    %dma_start3A_76 = tpu.memref_squeeze %dma_start3A_75 : memref<1x128xi32, #tpu.memory_space<vmem>> -> memref<128xi32, #tpu.memory_space<vmem>>
    %dma_start3A_77 = arith.constant 0 : i32
    %dma_start3A_78 = arith.constant 0 : i32
    %dma_start3A_79 = tpu.memref_slice %arg5[%dma_start3A_77, %dma_start3A_78] : memref<10000x64xf32, #tpu.memory_space<hbm>> -> memref<10000x64xf32, #tpu.memory_space<hbm>>
    tpu.enqueue_indirect_dma source(%dma_start3A_79 : memref<10000x64xf32, #tpu.memory_space<hbm>>) target(%arg11 : memref<128x64xf32, #tpu.memory_space<vmem>>) offsets(%dma_start3A_76 : memref<128xi32, #tpu.memory_space<vmem>>) semaphore(%arg20 : memref<!tpu.dma_semaphore, #tpu.memory_space<semaphore_mem>>)
    %scan3A_80 = arith.constant 0 : i32
    %scan3A_81 = arith.constant 39 : i32
    %scan3A_82 = arith.addi %scan3A_80, %scan3A_81 : i32
    %scan3A_83 = arith.constant 1 : i32
    scf.for %scan3A_116 = %scan3A_80 to %scan3A_82 step %scan3A_83  : i32 {
      %mul3A_117 = arith.constant 1 : i32
      %mul3A_118 = arith.muli %scan3A_116, %mul3A_117 : i32
      %add3A_119 = arith.constant 0 : i32
      %add3A_120 = arith.addi %add3A_119, %mul3A_118 : i32
      %mul3A_121 = arith.constant 2 : i32
      %mul3A_122 = arith.muli %mul3A_121, %add3A_120 : i32
      %add3A_123 = arith.constant 0 : i32
      %add3A_124 = arith.addi %add3A_123, %mul3A_122 : i32
      %dma_wait3A_125 = arith.constant 0 : i32
      %dma_wait3A_126 = tpu.memref_slice %arg8[%add3A_124, %dma_wait3A_125] : memref<80x128xi32, #tpu.memory_space<vmem>> -> memref<1x128xi32, #tpu.memory_space<vmem>>
      %dma_wait3A_127 = tpu.memref_squeeze %dma_wait3A_126 : memref<1x128xi32, #tpu.memory_space<vmem>> -> memref<128xi32, #tpu.memory_space<vmem>>
      %dma_wait3A_128 = arith.constant 0 : i32
      %dma_wait3A_129 = arith.constant 0 : i32
      %dma_wait3A_130 = tpu.memref_slice %arg5[%dma_wait3A_128, %dma_wait3A_129] : memref<10000x64xf32, #tpu.memory_space<hbm>> -> memref<10000x64xf32, #tpu.memory_space<hbm>>
      tpu.wait_indirect_dma semaphore(%arg19 : memref<!tpu.dma_semaphore, #tpu.memory_space<semaphore_mem>>) src(%dma_wait3A_130 : memref<10000x64xf32, #tpu.memory_space<hbm>>) dst(%arg10 : memref<128x64xf32, #tpu.memory_space<vmem>>)
      "tpu.region"() ({
        %run_scoped3A_163 = tpu.sem_alloc : memref<!tpu.dma_semaphore, #tpu.memory_space<semaphore_mem>>
        %dma_start3A_164 = arith.constant 0 : i32
        %dma_start3A_165 = tpu.memref_slice %arg9[%mul3A_122, %dma_start3A_164] : memref<80x128xi32, #tpu.memory_space<vmem>> -> memref<1x128xi32, #tpu.memory_space<vmem>>
        %dma_start3A_166 = tpu.memref_squeeze %dma_start3A_165 : memref<1x128xi32, #tpu.memory_space<vmem>> -> memref<128xi32, #tpu.memory_space<vmem>>
        %dma_start3A_167 = arith.constant 0 : i32
        %dma_start3A_168 = arith.constant 0 : i32
        %dma_start3A_169 = tpu.memref_slice %arg18[%dma_start3A_167, %dma_start3A_168] : memref<10240x64xf32, #tpu.memory_space<vmem_shared>> -> memref<10240x64xf32, #tpu.memory_space<vmem_shared>>
        tpu.enqueue_indirect_dma source(%arg10 : memref<128x64xf32, #tpu.memory_space<vmem>>) target(%dma_start3A_169 : memref<10240x64xf32, #tpu.memory_space<vmem_shared>>) offsets(%dma_start3A_166 : memref<128xi32, #tpu.memory_space<vmem>>) semaphore(%run_scoped3A_163 : memref<!tpu.dma_semaphore, #tpu.memory_space<semaphore_mem>>) {add = true}
        %dma_wait3A_170 = arith.constant 0 : i32
        %dma_wait3A_171 = tpu.memref_slice %arg9[%mul3A_122, %dma_wait3A_170] : memref<80x128xi32, #tpu.memory_space<vmem>> -> memref<1x128xi32, #tpu.memory_space<vmem>>
        %dma_wait3A_172 = tpu.memref_squeeze %dma_wait3A_171 : memref<1x128xi32, #tpu.memory_space<vmem>> -> memref<128xi32, #tpu.memory_space<vmem>>
        %dma_wait3A_173 = arith.constant 0 : i32
        %dma_wait3A_174 = arith.constant 0 : i32
        %dma_wait3A_175 = tpu.memref_slice %arg18[%dma_wait3A_173, %dma_wait3A_174] : memref<10240x64xf32, #tpu.memory_space<vmem_shared>> -> memref<10240x64xf32, #tpu.memory_space<vmem_shared>>
        tpu.wait_indirect_dma semaphore(%run_scoped3A_163 : memref<!tpu.dma_semaphore, #tpu.memory_space<semaphore_mem>>) src(%arg10 : memref<128x64xf32, #tpu.memory_space<vmem>>) dst(%dma_wait3A_175 : memref<10240x64xf32, #tpu.memory_space<vmem_shared>>)
        tpu.yield
      }) : () -> ()
      %add3A_131 = arith.constant 2 : i32
      %add3A_132 = arith.addi %mul3A_122, %add3A_131 : i32
      %add3A_133 = arith.constant 0 : i32
      %add3A_134 = arith.addi %add3A_133, %add3A_132 : i32
      %dma_start3A_135 = arith.constant 0 : i32
      %dma_start3A_136 = tpu.memref_slice %arg8[%add3A_134, %dma_start3A_135] : memref<80x128xi32, #tpu.memory_space<vmem>> -> memref<1x128xi32, #tpu.memory_space<vmem>>
      %dma_start3A_137 = tpu.memref_squeeze %dma_start3A_136 : memref<1x128xi32, #tpu.memory_space<vmem>> -> memref<128xi32, #tpu.memory_space<vmem>>
      %dma_start3A_138 = arith.constant 0 : i32
      %dma_start3A_139 = arith.constant 0 : i32
      %dma_start3A_140 = tpu.memref_slice %arg5[%dma_start3A_138, %dma_start3A_139] : memref<10000x64xf32, #tpu.memory_space<hbm>> -> memref<10000x64xf32, #tpu.memory_space<hbm>>
      tpu.enqueue_indirect_dma source(%dma_start3A_140 : memref<10000x64xf32, #tpu.memory_space<hbm>>) target(%arg10 : memref<128x64xf32, #tpu.memory_space<vmem>>) offsets(%dma_start3A_137 : memref<128xi32, #tpu.memory_space<vmem>>) semaphore(%arg19 : memref<!tpu.dma_semaphore, #tpu.memory_space<semaphore_mem>>)
      %mul3A_141 = arith.constant 2 : i32
      %mul3A_142 = arith.muli %mul3A_141, %add3A_120 : i32
      %add3A_143 = arith.constant 1 : i32
      %add3A_144 = arith.addi %mul3A_142, %add3A_143 : i32
      %add3A_145 = arith.constant 0 : i32
      %add3A_146 = arith.addi %add3A_145, %add3A_144 : i32
      %dma_wait3A_147 = arith.constant 0 : i32
      %dma_wait3A_148 = tpu.memref_slice %arg8[%add3A_146, %dma_wait3A_147] : memref<80x128xi32, #tpu.memory_space<vmem>> -> memref<1x128xi32, #tpu.memory_space<vmem>>
      %dma_wait3A_149 = tpu.memref_squeeze %dma_wait3A_148 : memref<1x128xi32, #tpu.memory_space<vmem>> -> memref<128xi32, #tpu.memory_space<vmem>>
      %dma_wait3A_150 = arith.constant 0 : i32
      %dma_wait3A_151 = arith.constant 0 : i32
      %dma_wait3A_152 = tpu.memref_slice %arg5[%dma_wait3A_150, %dma_wait3A_151] : memref<10000x64xf32, #tpu.memory_space<hbm>> -> memref<10000x64xf32, #tpu.memory_space<hbm>>
      tpu.wait_indirect_dma semaphore(%arg20 : memref<!tpu.dma_semaphore, #tpu.memory_space<semaphore_mem>>) src(%dma_wait3A_152 : memref<10000x64xf32, #tpu.memory_space<hbm>>) dst(%arg11 : memref<128x64xf32, #tpu.memory_space<vmem>>)
      "tpu.region"() ({
        %run_scoped3A_163 = tpu.sem_alloc : memref<!tpu.dma_semaphore, #tpu.memory_space<semaphore_mem>>
        %dma_start3A_164 = arith.constant 0 : i32
        %dma_start3A_165 = tpu.memref_slice %arg9[%add3A_144, %dma_start3A_164] : memref<80x128xi32, #tpu.memory_space<vmem>> -> memref<1x128xi32, #tpu.memory_space<vmem>>
        %dma_start3A_166 = tpu.memref_squeeze %dma_start3A_165 : memref<1x128xi32, #tpu.memory_space<vmem>> -> memref<128xi32, #tpu.memory_space<vmem>>
        %dma_start3A_167 = arith.constant 0 : i32
        %dma_start3A_168 = arith.constant 0 : i32
        %dma_start3A_169 = tpu.memref_slice %arg18[%dma_start3A_167, %dma_start3A_168] : memref<10240x64xf32, #tpu.memory_space<vmem_shared>> -> memref<10240x64xf32, #tpu.memory_space<vmem_shared>>
        tpu.enqueue_indirect_dma source(%arg11 : memref<128x64xf32, #tpu.memory_space<vmem>>) target(%dma_start3A_169 : memref<10240x64xf32, #tpu.memory_space<vmem_shared>>) offsets(%dma_start3A_166 : memref<128xi32, #tpu.memory_space<vmem>>) semaphore(%run_scoped3A_163 : memref<!tpu.dma_semaphore, #tpu.memory_space<semaphore_mem>>) {add = true}
        %dma_wait3A_170 = arith.constant 0 : i32
        %dma_wait3A_171 = tpu.memref_slice %arg9[%add3A_144, %dma_wait3A_170] : memref<80x128xi32, #tpu.memory_space<vmem>> -> memref<1x128xi32, #tpu.memory_space<vmem>>
        %dma_wait3A_172 = tpu.memref_squeeze %dma_wait3A_171 : memref<1x128xi32, #tpu.memory_space<vmem>> -> memref<128xi32, #tpu.memory_space<vmem>>
        %dma_wait3A_173 = arith.constant 0 : i32
        %dma_wait3A_174 = arith.constant 0 : i32
        %dma_wait3A_175 = tpu.memref_slice %arg18[%dma_wait3A_173, %dma_wait3A_174] : memref<10240x64xf32, #tpu.memory_space<vmem_shared>> -> memref<10240x64xf32, #tpu.memory_space<vmem_shared>>
        tpu.wait_indirect_dma semaphore(%run_scoped3A_163 : memref<!tpu.dma_semaphore, #tpu.memory_space<semaphore_mem>>) src(%arg11 : memref<128x64xf32, #tpu.memory_space<vmem>>) dst(%dma_wait3A_175 : memref<10240x64xf32, #tpu.memory_space<vmem_shared>>)
        tpu.yield
      }) : () -> ()
      %add3A_153 = arith.constant 2 : i32
      %add3A_154 = arith.addi %add3A_144, %add3A_153 : i32
      %add3A_155 = arith.constant 0 : i32
      %add3A_156 = arith.addi %add3A_155, %add3A_154 : i32
      %dma_start3A_157 = arith.constant 0 : i32
      %dma_start3A_158 = tpu.memref_slice %arg8[%add3A_156, %dma_start3A_157] : memref<80x128xi32, #tpu.memory_space<vmem>> -> memref<1x128xi32, #tpu.memory_space<vmem>>
      %dma_start3A_159 = tpu.memref_squeeze %dma_start3A_158 : memref<1x128xi32, #tpu.memory_space<vmem>> -> memref<128xi32, #tpu.memory_space<vmem>>
      %dma_start3A_160 = arith.constant 0 : i32
      %dma_start3A_161 = arith.constant 0 : i32
      %dma_start3A_162 = tpu.memref_slice %arg5[%dma_start3A_160, %dma_start3A_161] : memref<10000x64xf32, #tpu.memory_space<hbm>> -> memref<10000x64xf32, #tpu.memory_space<hbm>>
      tpu.enqueue_indirect_dma source(%dma_start3A_162 : memref<10000x64xf32, #tpu.memory_space<hbm>>) target(%arg11 : memref<128x64xf32, #tpu.memory_space<vmem>>) offsets(%dma_start3A_159 : memref<128xi32, #tpu.memory_space<vmem>>) semaphore(%arg20 : memref<!tpu.dma_semaphore, #tpu.memory_space<semaphore_mem>>)
    }
    %scan3A_84 = arith.constant 39 : i32
    %dma_wait3A_85 = arith.constant 78 : i32
    %dma_wait3A_86 = arith.constant 0 : i32
    %dma_wait3A_87 = tpu.memref_slice %arg8[%dma_wait3A_85, %dma_wait3A_86] : memref<80x128xi32, #tpu.memory_space<vmem>> -> memref<1x128xi32, #tpu.memory_space<vmem>>
    %dma_wait3A_88 = tpu.memref_squeeze %dma_wait3A_87 : memref<1x128xi32, #tpu.memory_space<vmem>> -> memref<128xi32, #tpu.memory_space<vmem>>
    %dma_wait3A_89 = arith.constant 0 : i32
    %dma_wait3A_90 = arith.constant 0 : i32
    %dma_wait3A_91 = tpu.memref_slice %arg5[%dma_wait3A_89, %dma_wait3A_90] : memref<10000x64xf32, #tpu.memory_space<hbm>> -> memref<10000x64xf32, #tpu.memory_space<hbm>>
    tpu.wait_indirect_dma semaphore(%arg19 : memref<!tpu.dma_semaphore, #tpu.memory_space<semaphore_mem>>) src(%dma_wait3A_91 : memref<10000x64xf32, #tpu.memory_space<hbm>>) dst(%arg10 : memref<128x64xf32, #tpu.memory_space<vmem>>)
    %run_scoped3A_92 = arith.constant 78 : i32
    "tpu.region"() ({
      %run_scoped3A_116 = tpu.sem_alloc : memref<!tpu.dma_semaphore, #tpu.memory_space<semaphore_mem>>
      %dma_start3A_117 = arith.constant 0 : i32
      %dma_start3A_118 = tpu.memref_slice %arg9[%run_scoped3A_92, %dma_start3A_117] : memref<80x128xi32, #tpu.memory_space<vmem>> -> memref<1x128xi32, #tpu.memory_space<vmem>>
      %dma_start3A_119 = tpu.memref_squeeze %dma_start3A_118 : memref<1x128xi32, #tpu.memory_space<vmem>> -> memref<128xi32, #tpu.memory_space<vmem>>
      %dma_start3A_120 = arith.constant 0 : i32
      %dma_start3A_121 = arith.constant 0 : i32
      %dma_start3A_122 = tpu.memref_slice %arg18[%dma_start3A_120, %dma_start3A_121] : memref<10240x64xf32, #tpu.memory_space<vmem_shared>> -> memref<10240x64xf32, #tpu.memory_space<vmem_shared>>
      tpu.enqueue_indirect_dma source(%arg10 : memref<128x64xf32, #tpu.memory_space<vmem>>) target(%dma_start3A_122 : memref<10240x64xf32, #tpu.memory_space<vmem_shared>>) offsets(%dma_start3A_119 : memref<128xi32, #tpu.memory_space<vmem>>) semaphore(%run_scoped3A_116 : memref<!tpu.dma_semaphore, #tpu.memory_space<semaphore_mem>>) {add = true}
      %dma_wait3A_123 = arith.constant 0 : i32
      %dma_wait3A_124 = tpu.memref_slice %arg9[%run_scoped3A_92, %dma_wait3A_123] : memref<80x128xi32, #tpu.memory_space<vmem>> -> memref<1x128xi32, #tpu.memory_space<vmem>>
      %dma_wait3A_125 = tpu.memref_squeeze %dma_wait3A_124 : memref<1x128xi32, #tpu.memory_space<vmem>> -> memref<128xi32, #tpu.memory_space<vmem>>
      %dma_wait3A_126 = arith.constant 0 : i32
      %dma_wait3A_127 = arith.constant 0 : i32
      %dma_wait3A_128 = tpu.memref_slice %arg18[%dma_wait3A_126, %dma_wait3A_127] : memref<10240x64xf32, #tpu.memory_space<vmem_shared>> -> memref<10240x64xf32, #tpu.memory_space<vmem_shared>>
      tpu.wait_indirect_dma semaphore(%run_scoped3A_116 : memref<!tpu.dma_semaphore, #tpu.memory_space<semaphore_mem>>) src(%arg10 : memref<128x64xf32, #tpu.memory_space<vmem>>) dst(%dma_wait3A_128 : memref<10240x64xf32, #tpu.memory_space<vmem_shared>>)
      tpu.yield
    }) : () -> ()
    %dma_wait3A_93 = arith.constant 79 : i32
    %dma_wait3A_94 = arith.constant 0 : i32
    %dma_wait3A_95 = tpu.memref_slice %arg8[%dma_wait3A_93, %dma_wait3A_94] : memref<80x128xi32, #tpu.memory_space<vmem>> -> memref<1x128xi32, #tpu.memory_space<vmem>>
    %dma_wait3A_96 = tpu.memref_squeeze %dma_wait3A_95 : memref<1x128xi32, #tpu.memory_space<vmem>> -> memref<128xi32, #tpu.memory_space<vmem>>
    %dma_wait3A_97 = arith.constant 0 : i32
    %dma_wait3A_98 = arith.constant 0 : i32
    %dma_wait3A_99 = tpu.memref_slice %arg5[%dma_wait3A_97, %dma_wait3A_98] : memref<10000x64xf32, #tpu.memory_space<hbm>> -> memref<10000x64xf32, #tpu.memory_space<hbm>>
    tpu.wait_indirect_dma semaphore(%arg20 : memref<!tpu.dma_semaphore, #tpu.memory_space<semaphore_mem>>) src(%dma_wait3A_99 : memref<10000x64xf32, #tpu.memory_space<hbm>>) dst(%arg11 : memref<128x64xf32, #tpu.memory_space<vmem>>)
    %run_scoped3A_100 = arith.constant 79 : i32
    "tpu.region"() ({
      %run_scoped3A_116 = tpu.sem_alloc : memref<!tpu.dma_semaphore, #tpu.memory_space<semaphore_mem>>
      %dma_start3A_117 = arith.constant 0 : i32
      %dma_start3A_118 = tpu.memref_slice %arg9[%run_scoped3A_100, %dma_start3A_117] : memref<80x128xi32, #tpu.memory_space<vmem>> -> memref<1x128xi32, #tpu.memory_space<vmem>>
      %dma_start3A_119 = tpu.memref_squeeze %dma_start3A_118 : memref<1x128xi32, #tpu.memory_space<vmem>> -> memref<128xi32, #tpu.memory_space<vmem>>
      %dma_start3A_120 = arith.constant 0 : i32
      %dma_start3A_121 = arith.constant 0 : i32
      %dma_start3A_122 = tpu.memref_slice %arg18[%dma_start3A_120, %dma_start3A_121] : memref<10240x64xf32, #tpu.memory_space<vmem_shared>> -> memref<10240x64xf32, #tpu.memory_space<vmem_shared>>
      tpu.enqueue_indirect_dma source(%arg11 : memref<128x64xf32, #tpu.memory_space<vmem>>) target(%dma_start3A_122 : memref<10240x64xf32, #tpu.memory_space<vmem_shared>>) offsets(%dma_start3A_119 : memref<128xi32, #tpu.memory_space<vmem>>) semaphore(%run_scoped3A_116 : memref<!tpu.dma_semaphore, #tpu.memory_space<semaphore_mem>>) {add = true}
      %dma_wait3A_123 = arith.constant 0 : i32
      %dma_wait3A_124 = tpu.memref_slice %arg9[%run_scoped3A_100, %dma_wait3A_123] : memref<80x128xi32, #tpu.memory_space<vmem>> -> memref<1x128xi32, #tpu.memory_space<vmem>>
      %dma_wait3A_125 = tpu.memref_squeeze %dma_wait3A_124 : memref<1x128xi32, #tpu.memory_space<vmem>> -> memref<128xi32, #tpu.memory_space<vmem>>
      %dma_wait3A_126 = arith.constant 0 : i32
      %dma_wait3A_127 = arith.constant 0 : i32
      %dma_wait3A_128 = tpu.memref_slice %arg18[%dma_wait3A_126, %dma_wait3A_127] : memref<10240x64xf32, #tpu.memory_space<vmem_shared>> -> memref<10240x64xf32, #tpu.memory_space<vmem_shared>>
      tpu.wait_indirect_dma semaphore(%run_scoped3A_116 : memref<!tpu.dma_semaphore, #tpu.memory_space<semaphore_mem>>) src(%arg11 : memref<128x64xf32, #tpu.memory_space<vmem>>) dst(%dma_wait3A_128 : memref<10240x64xf32, #tpu.memory_space<vmem_shared>>)
      tpu.yield
    }) : () -> ()
    %barrier3A_101 = arith.constant 0 : index
    tpu.barrier barrier_id(%barrier3A_101)
    %mul3A_102 = arith.constant 624 : i32
    %mul3A_103 = arith.muli %arg1, %mul3A_102 : i32
    %multiple_of3A_104 = tpu.assume_multiple %mul3A_103, 8 : i32
    %lt3A_105 = arith.constant 15 : i32
    %lt3A_106 = arith.cmpi slt, %arg1, %lt3A_105 : i32
    %convert_element_type3A_107 = arith.extui %lt3A_106 : i1 to i32
    %cond3A_108 = arith.constant 0 : i32
    %cond3A_109 = arith.cmpi ne, %convert_element_type3A_107, %cond3A_108 : i32
    scf.if %cond3A_109 {
      "tpu.region"() ({
        %run_scoped3A_116 = tpu.sem_alloc : memref<!tpu.dma_semaphore, #tpu.memory_space<semaphore_mem>>
        %dma_start3A_117 = arith.constant 0 : i32
        %dma_start3A_118 = arith.constant 0 : i32
        %dma_start3A_119 = tpu.memref_slice %arg7[%arg0, %dma_start3A_117, %dma_start3A_118] : memref<2x10000x64xf32, #tpu.memory_space<hbm>> -> memref<1x10000x64xf32, #tpu.memory_space<hbm>>
        %dma_start3A_120 = tpu.memref_squeeze %dma_start3A_119 : memref<1x10000x64xf32, #tpu.memory_space<hbm>> -> memref<10000x64xf32, #tpu.memory_space<hbm>>
        %dma_start3A_121 = arith.constant 0 : i32
        %dma_start3A_122 = tpu.memref_slice %dma_start3A_120[%multiple_of3A_104, %dma_start3A_121] : memref<10000x64xf32, #tpu.memory_space<hbm>> -> memref<624x64xf32, #tpu.memory_space<hbm>>
        %dma_start3A_123 = arith.constant 0 : i32
        %dma_start3A_124 = tpu.memref_slice %arg18[%multiple_of3A_104, %dma_start3A_123] : memref<10240x64xf32, #tpu.memory_space<vmem_shared>> -> memref<624x64xf32, #tpu.memory_space<vmem_shared>>
        tpu.enqueue_dma source(%dma_start3A_124 : memref<624x64xf32, #tpu.memory_space<vmem_shared>>) target(%dma_start3A_122 : memref<624x64xf32, #tpu.memory_space<hbm>>) target_semaphore(%run_scoped3A_116 : memref<!tpu.dma_semaphore, #tpu.memory_space<semaphore_mem>>)
        %dma_wait3A_125 = arith.constant 0 : i32
        %dma_wait3A_126 = arith.constant 0 : i32
        %dma_wait3A_127 = tpu.memref_slice %arg7[%arg0, %dma_wait3A_125, %dma_wait3A_126] : memref<2x10000x64xf32, #tpu.memory_space<hbm>> -> memref<1x10000x64xf32, #tpu.memory_space<hbm>>
        %dma_wait3A_128 = tpu.memref_squeeze %dma_wait3A_127 : memref<1x10000x64xf32, #tpu.memory_space<hbm>> -> memref<10000x64xf32, #tpu.memory_space<hbm>>
        %dma_wait3A_129 = arith.constant 0 : i32
        %dma_wait3A_130 = tpu.memref_slice %dma_wait3A_128[%multiple_of3A_104, %dma_wait3A_129] : memref<10000x64xf32, #tpu.memory_space<hbm>> -> memref<624x64xf32, #tpu.memory_space<hbm>>
        %dma_wait3A_131 = arith.constant 0 : i32
        %dma_wait3A_132 = tpu.memref_slice %arg18[%multiple_of3A_104, %dma_wait3A_131] : memref<10240x64xf32, #tpu.memory_space<vmem_shared>> -> memref<624x64xf32, #tpu.memory_space<vmem_shared>>
        tpu.wait_dma2 semaphore(%run_scoped3A_116 : memref<!tpu.dma_semaphore, #tpu.memory_space<semaphore_mem>>) src(%dma_wait3A_132 : memref<624x64xf32, #tpu.memory_space<vmem_shared>>) dst(%dma_wait3A_130 : memref<624x64xf32, #tpu.memory_space<hbm>>)
        tpu.yield
      }) : () -> ()
    } else {
    }
    %eq3A_110 = arith.constant 15 : i32
    %eq3A_111 = arith.cmpi eq, %arg1, %eq3A_110 : i32
    %convert_element_type3A_112 = arith.extui %eq3A_111 : i1 to i32
    %cond3A_113 = arith.constant 0 : i32
    %cond3A_114 = arith.cmpi ne, %convert_element_type3A_112, %cond3A_113 : i32
    scf.if %cond3A_114 {
      "tpu.region"() ({
        %run_scoped3A_116 = tpu.sem_alloc : memref<!tpu.dma_semaphore, #tpu.memory_space<semaphore_mem>>
        %dma_start3A_117 = arith.constant 0 : i32
        %dma_start3A_118 = arith.constant 0 : i32
        %dma_start3A_119 = tpu.memref_slice %arg7[%arg0, %dma_start3A_117, %dma_start3A_118] : memref<2x10000x64xf32, #tpu.memory_space<hbm>> -> memref<1x10000x64xf32, #tpu.memory_space<hbm>>
        %dma_start3A_120 = tpu.memref_squeeze %dma_start3A_119 : memref<1x10000x64xf32, #tpu.memory_space<hbm>> -> memref<10000x64xf32, #tpu.memory_space<hbm>>
        %dma_start3A_121 = arith.constant 9360 : i32
        %dma_start3A_122 = arith.constant 0 : i32
        %dma_start3A_123 = tpu.memref_slice %dma_start3A_120[%dma_start3A_121, %dma_start3A_122] : memref<10000x64xf32, #tpu.memory_space<hbm>> -> memref<640x64xf32, #tpu.memory_space<hbm>>
        %dma_start3A_124 = arith.constant 9360 : i32
        %dma_start3A_125 = arith.constant 0 : i32
        %dma_start3A_126 = tpu.memref_slice %arg18[%dma_start3A_124, %dma_start3A_125] : memref<10240x64xf32, #tpu.memory_space<vmem_shared>> -> memref<640x64xf32, #tpu.memory_space<vmem_shared>>
        tpu.enqueue_dma source(%dma_start3A_126 : memref<640x64xf32, #tpu.memory_space<vmem_shared>>) target(%dma_start3A_123 : memref<640x64xf32, #tpu.memory_space<hbm>>) target_semaphore(%run_scoped3A_116 : memref<!tpu.dma_semaphore, #tpu.memory_space<semaphore_mem>>)
        %dma_wait3A_127 = arith.constant 0 : i32
        %dma_wait3A_128 = arith.constant 0 : i32
        %dma_wait3A_129 = tpu.memref_slice %arg7[%arg0, %dma_wait3A_127, %dma_wait3A_128] : memref<2x10000x64xf32, #tpu.memory_space<hbm>> -> memref<1x10000x64xf32, #tpu.memory_space<hbm>>
        %dma_wait3A_130 = tpu.memref_squeeze %dma_wait3A_129 : memref<1x10000x64xf32, #tpu.memory_space<hbm>> -> memref<10000x64xf32, #tpu.memory_space<hbm>>
        %dma_wait3A_131 = arith.constant 9360 : i32
        %dma_wait3A_132 = arith.constant 0 : i32
        %dma_wait3A_133 = tpu.memref_slice %dma_wait3A_130[%dma_wait3A_131, %dma_wait3A_132] : memref<10000x64xf32, #tpu.memory_space<hbm>> -> memref<640x64xf32, #tpu.memory_space<hbm>>
        %dma_wait3A_134 = arith.constant 9360 : i32
        %dma_wait3A_135 = arith.constant 0 : i32
        %dma_wait3A_136 = tpu.memref_slice %arg18[%dma_wait3A_134, %dma_wait3A_135] : memref<10240x64xf32, #tpu.memory_space<vmem_shared>> -> memref<640x64xf32, #tpu.memory_space<vmem_shared>>
        tpu.wait_dma2 semaphore(%run_scoped3A_116 : memref<!tpu.dma_semaphore, #tpu.memory_space<semaphore_mem>>) src(%dma_wait3A_136 : memref<640x64xf32, #tpu.memory_space<vmem_shared>>) dst(%dma_wait3A_133 : memref<640x64xf32, #tpu.memory_space<hbm>>)
        tpu.yield
      }) : () -> ()
    } else {
    }
    %barrier3A_115 = arith.constant 0 : index
    tpu.barrier barrier_id(%barrier3A_115)
    return
  }
}

#map = affine_map<(d0, d1) -> (0, 0, 0)>
module attributes {stable_mosaic.version = 14 : i64} {
  func.func @_deg_body(%arg0: i32, %arg1: i32, %arg2: memref<32x80x128xi32, #tpu.memory_space<hbm>>, %arg3: memref<2x10000x16xf32, #tpu.memory_space<hbm>>, %arg4: memref<80x128xi32, #tpu.memory_space<vmem>>, %arg5: memref<128x16xf32, #tpu.memory_space<vmem>>, %arg6: memref<10240x16xf32, #tpu.memory_space<vmem_shared>>) attributes {dimension_semantics = [#tpu.dimension_semantics<core_parallel>, #tpu.dimension_semantics<subcore_parallel>], iteration_bounds = array<i64: 2, 16>, scalar_prefetch = 0 : i64, scratch_operands = 3 : i64, tpu.core_type = #tpu.core_type<sc_vector_subcore>, window_params = [{transform_indices = #map}, {transform_indices = #map}]} {
    %mul3A = arith.constant 16 : i32
    %mul3A_0 = arith.muli %arg0, %mul3A : i32
    %add3A = arith.addi %mul3A_0, %arg1 : i32
    "tpu.region"() ({
      %run_scoped3A = tpu.sem_alloc : memref<!tpu.dma_semaphore, #tpu.memory_space<semaphore_mem>>
      %dma_start3A = arith.constant 0 : i32
      %dma_start3A_29 = arith.constant 0 : i32
      %dma_start3A_30 = tpu.memref_slice %arg2[%add3A, %dma_start3A, %dma_start3A_29] : memref<32x80x128xi32, #tpu.memory_space<hbm>> -> memref<1x80x128xi32, #tpu.memory_space<hbm>>
      %dma_start3A_31 = tpu.memref_squeeze %dma_start3A_30 : memref<1x80x128xi32, #tpu.memory_space<hbm>> -> memref<80x128xi32, #tpu.memory_space<hbm>>
      %dma_start3A_32 = arith.constant 0 : i32
      %dma_start3A_33 = arith.constant 0 : i32
      %dma_start3A_34 = tpu.memref_slice %arg2[%add3A, %dma_start3A_32, %dma_start3A_33] : memref<32x80x128xi32, #tpu.memory_space<hbm>> -> memref<1x80x128xi32, #tpu.memory_space<hbm>>
      %dma_start3A_35 = tpu.memref_squeeze %dma_start3A_34 : memref<1x80x128xi32, #tpu.memory_space<hbm>> -> memref<80x128xi32, #tpu.memory_space<hbm>>
      tpu.enqueue_dma source(%dma_start3A_35 : memref<80x128xi32, #tpu.memory_space<hbm>>) target(%arg4 : memref<80x128xi32, #tpu.memory_space<vmem>>) target_semaphore(%run_scoped3A : memref<!tpu.dma_semaphore, #tpu.memory_space<semaphore_mem>>)
      %dma_wait3A = arith.constant 0 : i32
      %dma_wait3A_36 = arith.constant 0 : i32
      %dma_wait3A_37 = tpu.memref_slice %arg2[%add3A, %dma_wait3A, %dma_wait3A_36] : memref<32x80x128xi32, #tpu.memory_space<hbm>> -> memref<1x80x128xi32, #tpu.memory_space<hbm>>
      %dma_wait3A_38 = tpu.memref_squeeze %dma_wait3A_37 : memref<1x80x128xi32, #tpu.memory_space<hbm>> -> memref<80x128xi32, #tpu.memory_space<hbm>>
      %dma_wait3A_39 = arith.constant 0 : i32
      %dma_wait3A_40 = arith.constant 0 : i32
      %dma_wait3A_41 = tpu.memref_slice %arg2[%add3A, %dma_wait3A_39, %dma_wait3A_40] : memref<32x80x128xi32, #tpu.memory_space<hbm>> -> memref<1x80x128xi32, #tpu.memory_space<hbm>>
      %dma_wait3A_42 = tpu.memref_squeeze %dma_wait3A_41 : memref<1x80x128xi32, #tpu.memory_space<hbm>> -> memref<80x128xi32, #tpu.memory_space<hbm>>
      tpu.wait_dma2 semaphore(%run_scoped3A : memref<!tpu.dma_semaphore, #tpu.memory_space<semaphore_mem>>) src(%dma_wait3A_42 : memref<80x128xi32, #tpu.memory_space<hbm>>) dst(%arg4 : memref<80x128xi32, #tpu.memory_space<vmem>>)
      tpu.yield
    }) : () -> ()
    %scan3A = arith.constant 0 : i32
    %scan3A_1 = arith.constant 128 : i32
    %scan3A_2 = arith.addi %scan3A, %scan3A_1 : i32
    %scan3A_3 = arith.constant 1 : i32
    scf.for %scan3A_29 = %scan3A to %scan3A_2 step %scan3A_3  : i32 {
      %mul3A_30 = arith.constant 1 : i32
      %mul3A_31 = arith.muli %scan3A_29, %mul3A_30 : i32
      %add3A_32 = arith.constant 0 : i32
      %add3A_33 = arith.addi %add3A_32, %mul3A_31 : i32
      %scan3A_34 = arith.constant 0 : i32
      %mul3A_35 = arith.constant 16 : i32
      %mul3A_36 = arith.muli %scan3A_34, %mul3A_35 : i32
      %add3A_37 = arith.constant 0 : i32
      %add3A_38 = arith.addi %add3A_37, %mul3A_36 : i32
      %broadcast_in_dim3A = arith.constant 0.000000e+00 : f32
      %broadcast_in_dim3A_39 = vector.broadcast %broadcast_in_dim3A : f32 to vector<16xf32>
      %swap3A = arith.index_cast %add3A_33 : i32 to index
      %swap3A_40 = arith.index_cast %add3A_38 : i32 to index
      %swap3A_41 = tpu.vector_load %arg5[%swap3A, %swap3A_40] {strides = array<i32>} : memref<128x16xf32, #tpu.memory_space<vmem>>, vector<1x16xf32>,
      %swap3A_42 = vector.shape_cast %swap3A_41 : vector<1x16xf32> to vector<16xf32>
      %swap3A_43 = vector.shape_cast %broadcast_in_dim3A_39 : vector<16xf32> to vector<1x16xf32>
      tpu.vector_store %arg5[%swap3A, %swap3A_40], %swap3A_43 {strides = array<i32>} : memref<128x16xf32, #tpu.memory_space<vmem>>, vector<1x16xf32>,
      %scan3A_44 = arith.constant 1 : i32
    }
    %scan3A_4 = arith.constant 128 : i32
    %scan3A_5 = arith.constant 0 : i32
    %scan3A_6 = arith.constant 5 : i32
    %scan3A_7 = arith.addi %scan3A_5, %scan3A_6 : i32
    %scan3A_8 = arith.constant 1 : i32
    scf.for %scan3A_29 = %scan3A_5 to %scan3A_7 step %scan3A_8  : i32 {
      %mul3A_30 = arith.constant 1 : i32
      %mul3A_31 = arith.muli %scan3A_29, %mul3A_30 : i32
      %add3A_32 = arith.constant 0 : i32
      %add3A_33 = arith.addi %add3A_32, %mul3A_31 : i32
      %mul3A_34 = arith.constant 640 : i32
      %mul3A_35 = arith.muli %arg1, %mul3A_34 : i32
      %mul3A_36 = arith.constant 128 : i32
      %mul3A_37 = arith.muli %add3A_33, %mul3A_36 : i32
      %add3A_38 = arith.addi %mul3A_35, %mul3A_37 : i32
      "tpu.region"() ({
        %run_scoped3A = tpu.sem_alloc : memref<!tpu.dma_semaphore, #tpu.memory_space<semaphore_mem>>
        %dma_start3A = arith.constant 0 : i32
        %dma_start3A_39 = tpu.memref_slice %arg6[%add3A_38, %dma_start3A] : memref<10240x16xf32, #tpu.memory_space<vmem_shared>> -> memref<128x16xf32, #tpu.memory_space<vmem_shared>>
        %dma_start3A_40 = arith.constant 0 : i32
        %dma_start3A_41 = tpu.memref_slice %arg6[%add3A_38, %dma_start3A_40] : memref<10240x16xf32, #tpu.memory_space<vmem_shared>> -> memref<128x16xf32, #tpu.memory_space<vmem_shared>>
        tpu.enqueue_dma source(%arg5 : memref<128x16xf32, #tpu.memory_space<vmem>>) target(%dma_start3A_41 : memref<128x16xf32, #tpu.memory_space<vmem_shared>>) target_semaphore(%run_scoped3A : memref<!tpu.dma_semaphore, #tpu.memory_space<semaphore_mem>>)
        %dma_wait3A = arith.constant 0 : i32
        %dma_wait3A_42 = tpu.memref_slice %arg6[%add3A_38, %dma_wait3A] : memref<10240x16xf32, #tpu.memory_space<vmem_shared>> -> memref<128x16xf32, #tpu.memory_space<vmem_shared>>
        %dma_wait3A_43 = arith.constant 0 : i32
        %dma_wait3A_44 = tpu.memref_slice %arg6[%add3A_38, %dma_wait3A_43] : memref<10240x16xf32, #tpu.memory_space<vmem_shared>> -> memref<128x16xf32, #tpu.memory_space<vmem_shared>>
        tpu.wait_dma2 semaphore(%run_scoped3A : memref<!tpu.dma_semaphore, #tpu.memory_space<semaphore_mem>>) src(%arg5 : memref<128x16xf32, #tpu.memory_space<vmem>>) dst(%dma_wait3A_44 : memref<128x16xf32, #tpu.memory_space<vmem_shared>>)
        tpu.yield
      }) : () -> ()
    }
    %scan3A_9 = arith.constant 5 : i32
    %barrier3A = arith.constant 0 : index
    tpu.barrier barrier_id(%barrier3A)
    %scan3A_10 = arith.constant 0 : i32
    %scan3A_11 = arith.constant 128 : i32
    %scan3A_12 = arith.addi %scan3A_10, %scan3A_11 : i32
    %scan3A_13 = arith.constant 1 : i32
    scf.for %scan3A_29 = %scan3A_10 to %scan3A_12 step %scan3A_13  : i32 {
      %mul3A_30 = arith.constant 1 : i32
      %mul3A_31 = arith.muli %scan3A_29, %mul3A_30 : i32
      %add3A_32 = arith.constant 0 : i32
      %add3A_33 = arith.addi %add3A_32, %mul3A_31 : i32
      %scan3A_34 = arith.constant 0 : i32
      %mul3A_35 = arith.constant 16 : i32
      %mul3A_36 = arith.muli %scan3A_34, %mul3A_35 : i32
      %add3A_37 = arith.constant 0 : i32
      %add3A_38 = arith.addi %add3A_37, %mul3A_36 : i32
      %broadcast_in_dim3A = arith.constant 1.000000e+00 : f32
      %broadcast_in_dim3A_39 = vector.broadcast %broadcast_in_dim3A : f32 to vector<16xf32>
      %swap3A = arith.index_cast %add3A_33 : i32 to index
      %swap3A_40 = arith.index_cast %add3A_38 : i32 to index
      %swap3A_41 = tpu.vector_load %arg5[%swap3A, %swap3A_40] {strides = array<i32>} : memref<128x16xf32, #tpu.memory_space<vmem>>, vector<1x16xf32>,
      %swap3A_42 = vector.shape_cast %swap3A_41 : vector<1x16xf32> to vector<16xf32>
      %swap3A_43 = vector.shape_cast %broadcast_in_dim3A_39 : vector<16xf32> to vector<1x16xf32>
      tpu.vector_store %arg5[%swap3A, %swap3A_40], %swap3A_43 {strides = array<i32>} : memref<128x16xf32, #tpu.memory_space<vmem>>, vector<1x16xf32>,
      %scan3A_44 = arith.constant 1 : i32
    }
    %scan3A_14 = arith.constant 128 : i32
    %scan3A_15 = arith.constant 0 : i32
    %scan3A_16 = arith.constant 80 : i32
    %scan3A_17 = arith.addi %scan3A_15, %scan3A_16 : i32
    %scan3A_18 = arith.constant 1 : i32
    scf.for %scan3A_29 = %scan3A_15 to %scan3A_17 step %scan3A_18  : i32 {
      %mul3A_30 = arith.constant 1 : i32
      %mul3A_31 = arith.muli %scan3A_29, %mul3A_30 : i32
      %add3A_32 = arith.constant 0 : i32
      %add3A_33 = arith.addi %add3A_32, %mul3A_31 : i32
      "tpu.region"() ({
        %run_scoped3A = tpu.sem_alloc : memref<!tpu.dma_semaphore, #tpu.memory_space<semaphore_mem>>
        %dma_start3A = arith.constant 0 : i32
        %dma_start3A_34 = tpu.memref_slice %arg4[%add3A_33, %dma_start3A] : memref<80x128xi32, #tpu.memory_space<vmem>> -> memref<1x128xi32, #tpu.memory_space<vmem>>
        %dma_start3A_35 = tpu.memref_squeeze %dma_start3A_34 : memref<1x128xi32, #tpu.memory_space<vmem>> -> memref<128xi32, #tpu.memory_space<vmem>>
        %dma_start3A_36 = arith.constant 0 : i32
        %dma_start3A_37 = arith.constant 0 : i32
        %dma_start3A_38 = tpu.memref_slice %arg6[%dma_start3A_36, %dma_start3A_37] : memref<10240x16xf32, #tpu.memory_space<vmem_shared>> -> memref<10240x16xf32, #tpu.memory_space<vmem_shared>>
        tpu.enqueue_indirect_dma source(%arg5 : memref<128x16xf32, #tpu.memory_space<vmem>>) target(%dma_start3A_38 : memref<10240x16xf32, #tpu.memory_space<vmem_shared>>) offsets(%dma_start3A_35 : memref<128xi32, #tpu.memory_space<vmem>>) semaphore(%run_scoped3A : memref<!tpu.dma_semaphore, #tpu.memory_space<semaphore_mem>>) {add = true}
        %dma_wait3A = arith.constant 0 : i32
        %dma_wait3A_39 = tpu.memref_slice %arg4[%add3A_33, %dma_wait3A] : memref<80x128xi32, #tpu.memory_space<vmem>> -> memref<1x128xi32, #tpu.memory_space<vmem>>
        %dma_wait3A_40 = tpu.memref_squeeze %dma_wait3A_39 : memref<1x128xi32, #tpu.memory_space<vmem>> -> memref<128xi32, #tpu.memory_space<vmem>>
        %dma_wait3A_41 = arith.constant 0 : i32
        %dma_wait3A_42 = arith.constant 0 : i32
        %dma_wait3A_43 = tpu.memref_slice %arg6[%dma_wait3A_41, %dma_wait3A_42] : memref<10240x16xf32, #tpu.memory_space<vmem_shared>> -> memref<10240x16xf32, #tpu.memory_space<vmem_shared>>
        tpu.wait_indirect_dma semaphore(%run_scoped3A : memref<!tpu.dma_semaphore, #tpu.memory_space<semaphore_mem>>) src(%arg5 : memref<128x16xf32, #tpu.memory_space<vmem>>) dst(%dma_wait3A_43 : memref<10240x16xf32, #tpu.memory_space<vmem_shared>>)
        tpu.yield
      }) : () -> ()
    }
    %scan3A_19 = arith.constant 80 : i32
    %barrier3A_20 = arith.constant 0 : index
    tpu.barrier barrier_id(%barrier3A_20)
    %mul3A_21 = arith.constant 624 : i32
    %mul3A_22 = arith.muli %arg1, %mul3A_21 : i32
    %multiple_of3A = tpu.assume_multiple %mul3A_22, 8 : i32
    %lt3A = arith.constant 15 : i32
    %lt3A_23 = arith.cmpi slt, %arg1, %lt3A : i32
    %convert_element_type3A = arith.extui %lt3A_23 : i1 to i32
    %cond3A = arith.constant 0 : i32
    %cond3A_24 = arith.cmpi ne, %convert_element_type3A, %cond3A : i32
    scf.if %cond3A_24 {
      "tpu.region"() ({
        %run_scoped3A = tpu.sem_alloc : memref<!tpu.dma_semaphore, #tpu.memory_space<semaphore_mem>>
        %dma_start3A = arith.constant 0 : i32
        %dma_start3A_29 = arith.constant 0 : i32
        %dma_start3A_30 = tpu.memref_slice %arg3[%arg0, %dma_start3A, %dma_start3A_29] : memref<2x10000x16xf32, #tpu.memory_space<hbm>> -> memref<1x10000x16xf32, #tpu.memory_space<hbm>>
        %dma_start3A_31 = tpu.memref_squeeze %dma_start3A_30 : memref<1x10000x16xf32, #tpu.memory_space<hbm>> -> memref<10000x16xf32, #tpu.memory_space<hbm>>
        %dma_start3A_32 = arith.constant 0 : i32
        %dma_start3A_33 = tpu.memref_slice %dma_start3A_31[%multiple_of3A, %dma_start3A_32] : memref<10000x16xf32, #tpu.memory_space<hbm>> -> memref<624x16xf32, #tpu.memory_space<hbm>>
        %dma_start3A_34 = arith.constant 0 : i32
        %dma_start3A_35 = tpu.memref_slice %arg6[%multiple_of3A, %dma_start3A_34] : memref<10240x16xf32, #tpu.memory_space<vmem_shared>> -> memref<624x16xf32, #tpu.memory_space<vmem_shared>>
        tpu.enqueue_dma source(%dma_start3A_35 : memref<624x16xf32, #tpu.memory_space<vmem_shared>>) target(%dma_start3A_33 : memref<624x16xf32, #tpu.memory_space<hbm>>) target_semaphore(%run_scoped3A : memref<!tpu.dma_semaphore, #tpu.memory_space<semaphore_mem>>)
        %dma_wait3A = arith.constant 0 : i32
        %dma_wait3A_36 = arith.constant 0 : i32
        %dma_wait3A_37 = tpu.memref_slice %arg3[%arg0, %dma_wait3A, %dma_wait3A_36] : memref<2x10000x16xf32, #tpu.memory_space<hbm>> -> memref<1x10000x16xf32, #tpu.memory_space<hbm>>
        %dma_wait3A_38 = tpu.memref_squeeze %dma_wait3A_37 : memref<1x10000x16xf32, #tpu.memory_space<hbm>> -> memref<10000x16xf32, #tpu.memory_space<hbm>>
        %dma_wait3A_39 = arith.constant 0 : i32
        %dma_wait3A_40 = tpu.memref_slice %dma_wait3A_38[%multiple_of3A, %dma_wait3A_39] : memref<10000x16xf32, #tpu.memory_space<hbm>> -> memref<624x16xf32, #tpu.memory_space<hbm>>
        %dma_wait3A_41 = arith.constant 0 : i32
        %dma_wait3A_42 = tpu.memref_slice %arg6[%multiple_of3A, %dma_wait3A_41] : memref<10240x16xf32, #tpu.memory_space<vmem_shared>> -> memref<624x16xf32, #tpu.memory_space<vmem_shared>>
        tpu.wait_dma2 semaphore(%run_scoped3A : memref<!tpu.dma_semaphore, #tpu.memory_space<semaphore_mem>>) src(%dma_wait3A_42 : memref<624x16xf32, #tpu.memory_space<vmem_shared>>) dst(%dma_wait3A_40 : memref<624x16xf32, #tpu.memory_space<hbm>>)
        tpu.yield
      }) : () -> ()
    } else {
    }
    %eq3A = arith.constant 15 : i32
    %eq3A_25 = arith.cmpi eq, %arg1, %eq3A : i32
    %convert_element_type3A_26 = arith.extui %eq3A_25 : i1 to i32
    %cond3A_27 = arith.constant 0 : i32
    %cond3A_28 = arith.cmpi ne, %convert_element_type3A_26, %cond3A_27 : i32
    scf.if %cond3A_28 {
      "tpu.region"() ({
        %run_scoped3A = tpu.sem_alloc : memref<!tpu.dma_semaphore, #tpu.memory_space<semaphore_mem>>
        %dma_start3A = arith.constant 0 : i32
        %dma_start3A_29 = arith.constant 0 : i32
        %dma_start3A_30 = tpu.memref_slice %arg3[%arg0, %dma_start3A, %dma_start3A_29] : memref<2x10000x16xf32, #tpu.memory_space<hbm>> -> memref<1x10000x16xf32, #tpu.memory_space<hbm>>
        %dma_start3A_31 = tpu.memref_squeeze %dma_start3A_30 : memref<1x10000x16xf32, #tpu.memory_space<hbm>> -> memref<10000x16xf32, #tpu.memory_space<hbm>>
        %dma_start3A_32 = arith.constant 9360 : i32
        %dma_start3A_33 = arith.constant 0 : i32
        %dma_start3A_34 = tpu.memref_slice %dma_start3A_31[%dma_start3A_32, %dma_start3A_33] : memref<10000x16xf32, #tpu.memory_space<hbm>> -> memref<640x16xf32, #tpu.memory_space<hbm>>
        %dma_start3A_35 = arith.constant 9360 : i32
        %dma_start3A_36 = arith.constant 0 : i32
        %dma_start3A_37 = tpu.memref_slice %arg6[%dma_start3A_35, %dma_start3A_36] : memref<10240x16xf32, #tpu.memory_space<vmem_shared>> -> memref<640x16xf32, #tpu.memory_space<vmem_shared>>
        tpu.enqueue_dma source(%dma_start3A_37 : memref<640x16xf32, #tpu.memory_space<vmem_shared>>) target(%dma_start3A_34 : memref<640x16xf32, #tpu.memory_space<hbm>>) target_semaphore(%run_scoped3A : memref<!tpu.dma_semaphore, #tpu.memory_space<semaphore_mem>>)
        %dma_wait3A = arith.constant 0 : i32
        %dma_wait3A_38 = arith.constant 0 : i32
        %dma_wait3A_39 = tpu.memref_slice %arg3[%arg0, %dma_wait3A, %dma_wait3A_38] : memref<2x10000x16xf32, #tpu.memory_space<hbm>> -> memref<1x10000x16xf32, #tpu.memory_space<hbm>>
        %dma_wait3A_40 = tpu.memref_squeeze %dma_wait3A_39 : memref<1x10000x16xf32, #tpu.memory_space<hbm>> -> memref<10000x16xf32, #tpu.memory_space<hbm>>
        %dma_wait3A_41 = arith.constant 9360 : i32
        %dma_wait3A_42 = arith.constant 0 : i32
        %dma_wait3A_43 = tpu.memref_slice %dma_wait3A_40[%dma_wait3A_41, %dma_wait3A_42] : memref<10000x16xf32, #tpu.memory_space<hbm>> -> memref<640x16xf32, #tpu.memory_space<hbm>>
        %dma_wait3A_44 = arith.constant 9360 : i32
        %dma_wait3A_45 = arith.constant 0 : i32
        %dma_wait3A_46 = tpu.memref_slice %arg6[%dma_wait3A_44, %dma_wait3A_45] : memref<10240x16xf32, #tpu.memory_space<vmem_shared>> -> memref<640x16xf32, #tpu.memory_space<vmem_shared>>
        tpu.wait_dma2 semaphore(%run_scoped3A : memref<!tpu.dma_semaphore, #tpu.memory_space<semaphore_mem>>) src(%dma_wait3A_46 : memref<640x16xf32, #tpu.memory_space<vmem_shared>>) dst(%dma_wait3A_43 : memref<640x16xf32, #tpu.memory_space<hbm>>)
        tpu.yield
      }) : () -> ()
    } else {
    }
    return
  }
}

module attributes {stable_mosaic.version = 14 : i64} {
  func.func @_tc1_body(%arg0: i32, %arg1: memref<2000x128xf32, #tpu.memory_space<vmem>>, %arg2: memref<128x128xf32, #tpu.memory_space<vmem>>, %arg3: memref<2x2000x16xf32, #tpu.memory_space<vmem>>, %arg4: memref<2000x1xf32, #tpu.memory_space<vmem>>, %arg5: memref<2000x64xf32, #tpu.memory_space<vmem>>, %arg6: memref<2000x64xf32, #tpu.memory_space<vmem>>) attributes {dimension_semantics = [#tpu.dimension_semantics<arbitrary>], iteration_bounds = array<i64: 5>, scalar_prefetch = 0 : i64, scratch_operands = 0 : i64, tpu.core_type = #tpu.core_type<tc>, window_params = [{transform_indices = @transform_0, window_bounds = array<i64: 2000, 128>}, {pipeline_mode = #tpu.pipeline_mode<synchronous>, transform_indices = @transform_1, window_bounds = array<i64: 128, 128>}, {transform_indices = @transform_2, window_bounds = array<i64: 2, 2000, 16>}, {transform_indices = @transform_3, window_bounds = array<i64: 2000, 1>}, {transform_indices = @transform_4, window_bounds = array<i64: 2000, 64>}, {transform_indices = @transform_5, window_bounds = array<i64: 2000, 64>}]} {
    %get3A = arith.constant 0 : index
    %get3A_0 = arith.constant 0 : index
    %get3A_1 = arith.constant 0 : index
    %get3A_2 = vector.load %arg3[%get3A, %get3A_0, %get3A_1] : memref<2x2000x16xf32, #tpu.memory_space<vmem>>, vector<2x2000x16xf32>
    %slice3A = vector.extract_strided_slice %get3A_2 {offsets = [0, 0, 0], sizes = [1, 2000, 16], strides = [1, 1, 1]} : vector<2x2000x16xf32> to vector<1x2000x16xf32>
    %squeeze3A = vector.shape_cast %slice3A : vector<1x2000x16xf32> to vector<2000x16xf32>
    %slice3A_3 = vector.extract_strided_slice %get3A_2 {offsets = [1, 0, 0], sizes = [1, 2000, 16], strides = [1, 1, 1]} : vector<2x2000x16xf32> to vector<1x2000x16xf32>
    %squeeze3A_4 = vector.shape_cast %slice3A_3 : vector<1x2000x16xf32> to vector<2000x16xf32>
    %add3A = arith.addf %squeeze3A, %squeeze3A_4 : vector<2000x16xf32>
    %add3A_5 = arith.constant 1.000000e+00 : f32
    %add3A_6 = vector.broadcast %add3A_5 : f32 to vector<2000x16xf32>
    %add3A_7 = arith.addf %add3A, %add3A_6 : vector<2000x16xf32>
    %slice3A_8 = vector.extract_strided_slice %add3A_7 {offsets = [0, 0], sizes = [2000, 1], strides = [1, 1]} : vector<2000x16xf32> to vector<2000x1xf32>
    %rsqrt3A = math.rsqrt %slice3A_8 : vector<2000x1xf32>
    %swap3A = arith.constant 0 : index
    %swap3A_9 = arith.constant 0 : index
    %swap3A_10 = vector.load %arg4[%swap3A, %swap3A_9] : memref<2000x1xf32, #tpu.memory_space<vmem>>, vector<2000x1xf32>
    tpu.vector_store %arg4[%swap3A, %swap3A_9], %rsqrt3A {strides = array<i32>} : memref<2000x1xf32, #tpu.memory_space<vmem>>, vector<2000x1xf32>,
    %get3A_11 = arith.constant 0 : index
    %get3A_12 = arith.constant 0 : index
    %get3A_13 = vector.load %arg1[%get3A_11, %get3A_12] : memref<2000x128xf32, #tpu.memory_space<vmem>>, vector<2000x128xf32>
    %get3A_14 = arith.constant 0 : index
    %get3A_15 = arith.constant 0 : index
    %get3A_16 = vector.load %arg2[%get3A_14, %get3A_15] : memref<128x128xf32, #tpu.memory_space<vmem>>, vector<128x128xf32>
    %dot_general3A = arith.constant dense<0.000000e+00> : vector<2000x128xf32>
    %dot_general3A_17 = tpu.matmul %get3A_13, %get3A_16, %dot_general3A {dimension_numbers = #tpu.dot_dimension_numbers<[1], [0], [0], [1], [0, 0, 1, 1], [], []>, transpose_lhs_hint = false} : vector<2000x128xf32>, vector<128x128xf32>, vector<2000x128xf32> -> vector<2000x128xf32>
    %mul3A = vector.broadcast %rsqrt3A : vector<2000x1xf32> to vector<2000x128xf32>
    %mul3A_18 = arith.mulf %dot_general3A_17, %mul3A : vector<2000x128xf32>
    %slice3A_19 = vector.extract_strided_slice %mul3A_18 {offsets = [0, 0], sizes = [2000, 64], strides = [1, 1]} : vector<2000x128xf32> to vector<2000x64xf32>
    %swap3A_20 = arith.constant 0 : index
    %swap3A_21 = arith.constant 0 : index
    %swap3A_22 = vector.load %arg5[%swap3A_20, %swap3A_21] : memref<2000x64xf32, #tpu.memory_space<vmem>>, vector<2000x64xf32>
    tpu.vector_store %arg5[%swap3A_20, %swap3A_21], %slice3A_19 {strides = array<i32>} : memref<2000x64xf32, #tpu.memory_space<vmem>>, vector<2000x64xf32>,
    %slice3A_23 = vector.extract_strided_slice %mul3A_18 {offsets = [0, 64], sizes = [2000, 64], strides = [1, 1]} : vector<2000x128xf32> to vector<2000x64xf32>
    %swap3A_24 = arith.constant 0 : index
    %swap3A_25 = arith.constant 0 : index
    %swap3A_26 = vector.load %arg6[%swap3A_24, %swap3A_25] : memref<2000x64xf32, #tpu.memory_space<vmem>>, vector<2000x64xf32>
    tpu.vector_store %arg6[%swap3A_24, %swap3A_25], %slice3A_23 {strides = array<i32>} : memref<2000x64xf32, #tpu.memory_space<vmem>>, vector<2000x64xf32>,
    return
  }
  func.func @transform_0(%arg0: i32) -> (i32, i32) {
    %c0_i32 = arith.constant 0 : i32
    %c0_i32_0 = arith.constant 0 : i32
    return %arg0, %c0_i32 : i32, i32
  }
  func.func @transform_1(%arg0: i32) -> (i32, i32) {
    %c0_i32 = arith.constant 0 : i32
    %c0_i32_0 = arith.constant 0 : i32
    %c0_i32_1 = arith.constant 0 : i32
    return %c0_i32, %c0_i32_0 : i32, i32
  }
  func.func @transform_2(%arg0: i32) -> (i32, i32, i32) {
    %c0_i32 = arith.constant 0 : i32
    %c0_i32_0 = arith.constant 0 : i32
    %c0_i32_1 = arith.constant 0 : i32
    return %c0_i32, %arg0, %c0_i32_0 : i32, i32, i32
  }
  func.func @transform_3(%arg0: i32) -> (i32, i32) {
    %c0_i32 = arith.constant 0 : i32
    %c0_i32_0 = arith.constant 0 : i32
    return %arg0, %c0_i32 : i32, i32
  }
  func.func @transform_4(%arg0: i32) -> (i32, i32) {
    %c0_i32 = arith.constant 0 : i32
    %c0_i32_0 = arith.constant 0 : i32
    return %arg0, %c0_i32 : i32, i32
  }
  func.func @transform_5(%arg0: i32) -> (i32, i32) {
    %c0_i32 = arith.constant 0 : i32
    %c0_i32_0 = arith.constant 0 : i32
    return %arg0, %c0_i32 : i32, i32
  }
}

module attributes {stable_mosaic.version = 14 : i64} {
  func.func @_tc2_body(%arg0: i32, %arg1: memref<2x2000x64xf32, #tpu.memory_space<vmem>>, %arg2: memref<2x2000x64xf32, #tpu.memory_space<vmem>>, %arg3: memref<2000x64xf32, #tpu.memory_space<vmem>>, %arg4: memref<2000x64xf32, #tpu.memory_space<vmem>>, %arg5: memref<2000x1xf32, #tpu.memory_space<vmem>>, %arg6: memref<1x128xf32, #tpu.memory_space<vmem>>, %arg7: memref<128x256xf32, #tpu.memory_space<vmem>>, %arg8: memref<2000x64xf32, #tpu.memory_space<vmem>>, %arg9: memref<2000x64xf32, #tpu.memory_space<vmem>>, %arg10: memref<2000x64xf32, #tpu.memory_space<vmem>>, %arg11: memref<2000x64xf32, #tpu.memory_space<vmem>>) attributes {dimension_semantics = [#tpu.dimension_semantics<arbitrary>], iteration_bounds = array<i64: 5>, scalar_prefetch = 0 : i64, scratch_operands = 0 : i64, tpu.core_type = #tpu.core_type<tc>, window_params = [{transform_indices = @transform_0, window_bounds = array<i64: 2, 2000, 64>}, {transform_indices = @transform_1, window_bounds = array<i64: 2, 2000, 64>}, {transform_indices = @transform_2, window_bounds = array<i64: 2000, 64>}, {transform_indices = @transform_3, window_bounds = array<i64: 2000, 64>}, {transform_indices = @transform_4, window_bounds = array<i64: 2000, 1>}, {pipeline_mode = #tpu.pipeline_mode<synchronous>, transform_indices = @transform_5, window_bounds = array<i64: 1, 128>}, {pipeline_mode = #tpu.pipeline_mode<synchronous>, transform_indices = @transform_6, window_bounds = array<i64: 128, 256>}, {transform_indices = @transform_7, window_bounds = array<i64: 2000, 64>}, {transform_indices = @transform_8, window_bounds = array<i64: 2000, 64>}, {transform_indices = @transform_9, window_bounds = array<i64: 2000, 64>}, {transform_indices = @transform_10, window_bounds = array<i64: 2000, 64>}]} {
    %get3A = arith.constant 0 : index
    %get3A_0 = arith.constant 0 : index
    %get3A_1 = vector.load %arg5[%get3A, %get3A_0] : memref<2000x1xf32, #tpu.memory_space<vmem>>, vector<2000x1xf32>
    %get3A_2 = arith.constant 0 : index
    %get3A_3 = arith.constant 0 : index
    %get3A_4 = arith.constant 0 : index
    %get3A_5 = vector.load %arg1[%get3A_2, %get3A_3, %get3A_4] : memref<2x2000x64xf32, #tpu.memory_space<vmem>>, vector<1x2000x64xf32>
    %get3A_6 = vector.shape_cast %get3A_5 : vector<1x2000x64xf32> to vector<2000x64xf32>
    %get3A_7 = arith.constant 1 : index
    %get3A_8 = arith.constant 0 : index
    %get3A_9 = arith.constant 0 : index
    %get3A_10 = vector.load %arg1[%get3A_7, %get3A_8, %get3A_9] : memref<2x2000x64xf32, #tpu.memory_space<vmem>>, vector<1x2000x64xf32>
    %get3A_11 = vector.shape_cast %get3A_10 : vector<1x2000x64xf32> to vector<2000x64xf32>
    %add3A = arith.addf %get3A_6, %get3A_11 : vector<2000x64xf32>
    %get3A_12 = arith.constant 0 : index
    %get3A_13 = arith.constant 0 : index
    %get3A_14 = vector.load %arg3[%get3A_12, %get3A_13] : memref<2000x64xf32, #tpu.memory_space<vmem>>, vector<2000x64xf32>
    %add3A_15 = arith.addf %add3A, %get3A_14 : vector<2000x64xf32>
    %mul3A = vector.broadcast %get3A_1 : vector<2000x1xf32> to vector<2000x64xf32>
    %mul3A_16 = arith.mulf %add3A_15, %mul3A : vector<2000x64xf32>
    %get3A_17 = arith.constant 0 : index
    %get3A_18 = arith.constant 0 : index
    %get3A_19 = vector.load %arg6[%get3A_17, %get3A_18] : memref<1x128xf32, #tpu.memory_space<vmem>>, vector<1x64xf32>
    %add3A_20 = vector.broadcast %get3A_19 : vector<1x64xf32> to vector<2000x64xf32>
    %add3A_21 = arith.addf %mul3A_16, %add3A_20 : vector<2000x64xf32>
    %max3A = arith.constant 0.000000e+00 : f32
    %max3A_22 = vector.broadcast %max3A : f32 to vector<2000x64xf32>
    %max3A_23 = arith.maximumf %add3A_21, %max3A_22 : vector<2000x64xf32>
    %get3A_24 = arith.constant 0 : index
    %get3A_25 = arith.constant 0 : index
    %get3A_26 = vector.load %arg7[%get3A_24, %get3A_25] : memref<128x256xf32, #tpu.memory_space<vmem>>, vector<64x256xf32>
    %dot_general3A = arith.constant dense<0.000000e+00> : vector<2000x256xf32>
    %dot_general3A_27 = tpu.matmul %max3A_23, %get3A_26, %dot_general3A {dimension_numbers = #tpu.dot_dimension_numbers<[1], [0], [0], [1], [0, 0, 1, 1], [], []>, transpose_lhs_hint = false} : vector<2000x64xf32>, vector<64x256xf32>, vector<2000x256xf32> -> vector<2000x256xf32>
    %get3A_28 = arith.constant 0 : index
    %get3A_29 = arith.constant 0 : index
    %get3A_30 = arith.constant 0 : index
    %get3A_31 = vector.load %arg2[%get3A_28, %get3A_29, %get3A_30] : memref<2x2000x64xf32, #tpu.memory_space<vmem>>, vector<1x2000x64xf32>
    %get3A_32 = vector.shape_cast %get3A_31 : vector<1x2000x64xf32> to vector<2000x64xf32>
    %get3A_33 = arith.constant 1 : index
    %get3A_34 = arith.constant 0 : index
    %get3A_35 = arith.constant 0 : index
    %get3A_36 = vector.load %arg2[%get3A_33, %get3A_34, %get3A_35] : memref<2x2000x64xf32, #tpu.memory_space<vmem>>, vector<1x2000x64xf32>
    %get3A_37 = vector.shape_cast %get3A_36 : vector<1x2000x64xf32> to vector<2000x64xf32>
    %add3A_38 = arith.addf %get3A_32, %get3A_37 : vector<2000x64xf32>
    %get3A_39 = arith.constant 0 : index
    %get3A_40 = arith.constant 0 : index
    %get3A_41 = vector.load %arg4[%get3A_39, %get3A_40] : memref<2000x64xf32, #tpu.memory_space<vmem>>, vector<2000x64xf32>
    %add3A_42 = arith.addf %add3A_38, %get3A_41 : vector<2000x64xf32>
    %mul3A_43 = vector.broadcast %get3A_1 : vector<2000x1xf32> to vector<2000x64xf32>
    %mul3A_44 = arith.mulf %add3A_42, %mul3A_43 : vector<2000x64xf32>
    %get3A_45 = arith.constant 0 : index
    %get3A_46 = arith.constant 64 : index
    %get3A_47 = vector.load %arg6[%get3A_45, %get3A_46] : memref<1x128xf32, #tpu.memory_space<vmem>>, vector<1x64xf32>
    %add3A_48 = vector.broadcast %get3A_47 : vector<1x64xf32> to vector<2000x64xf32>
    %add3A_49 = arith.addf %mul3A_44, %add3A_48 : vector<2000x64xf32>
    %max3A_50 = arith.constant 0.000000e+00 : f32
    %max3A_51 = vector.broadcast %max3A_50 : f32 to vector<2000x64xf32>
    %max3A_52 = arith.maximumf %add3A_49, %max3A_51 : vector<2000x64xf32>
    %get3A_53 = arith.constant 64 : index
    %get3A_54 = arith.constant 0 : index
    %get3A_55 = vector.load %arg7[%get3A_53, %get3A_54] : memref<128x256xf32, #tpu.memory_space<vmem>>, vector<64x256xf32>
    %dot_general3A_56 = arith.constant dense<0.000000e+00> : vector<2000x256xf32>
    %dot_general3A_57 = tpu.matmul %max3A_52, %get3A_55, %dot_general3A_56 {dimension_numbers = #tpu.dot_dimension_numbers<[1], [0], [0], [1], [0, 0, 1, 1], [], []>, transpose_lhs_hint = false} : vector<2000x64xf32>, vector<64x256xf32>, vector<2000x256xf32> -> vector<2000x256xf32>
    %add3A_58 = arith.addf %dot_general3A_27, %dot_general3A_57 : vector<2000x256xf32>
    %mul3A_59 = vector.broadcast %get3A_1 : vector<2000x1xf32> to vector<2000x256xf32>
    %mul3A_60 = arith.mulf %add3A_58, %mul3A_59 : vector<2000x256xf32>
    %slice3A = vector.extract_strided_slice %mul3A_60 {offsets = [0, 0], sizes = [2000, 64], strides = [1, 1]} : vector<2000x256xf32> to vector<2000x64xf32>
    %swap3A = arith.constant 0 : index
    %swap3A_61 = arith.constant 0 : index
    %swap3A_62 = vector.load %arg8[%swap3A, %swap3A_61] : memref<2000x64xf32, #tpu.memory_space<vmem>>, vector<2000x64xf32>
    tpu.vector_store %arg8[%swap3A, %swap3A_61], %slice3A {strides = array<i32>} : memref<2000x64xf32, #tpu.memory_space<vmem>>, vector<2000x64xf32>,
    %slice3A_63 = vector.extract_strided_slice %mul3A_60 {offsets = [0, 64], sizes = [2000, 64], strides = [1, 1]} : vector<2000x256xf32> to vector<2000x64xf32>
    %swap3A_64 = arith.constant 0 : index
    %swap3A_65 = arith.constant 0 : index
    %swap3A_66 = vector.load %arg9[%swap3A_64, %swap3A_65] : memref<2000x64xf32, #tpu.memory_space<vmem>>, vector<2000x64xf32>
    tpu.vector_store %arg9[%swap3A_64, %swap3A_65], %slice3A_63 {strides = array<i32>} : memref<2000x64xf32, #tpu.memory_space<vmem>>, vector<2000x64xf32>,
    %slice3A_67 = vector.extract_strided_slice %mul3A_60 {offsets = [0, 128], sizes = [2000, 64], strides = [1, 1]} : vector<2000x256xf32> to vector<2000x64xf32>
    %swap3A_68 = arith.constant 0 : index
    %swap3A_69 = arith.constant 0 : index
    %swap3A_70 = vector.load %arg10[%swap3A_68, %swap3A_69] : memref<2000x64xf32, #tpu.memory_space<vmem>>, vector<2000x64xf32>
    tpu.vector_store %arg10[%swap3A_68, %swap3A_69], %slice3A_67 {strides = array<i32>} : memref<2000x64xf32, #tpu.memory_space<vmem>>, vector<2000x64xf32>,
    %slice3A_71 = vector.extract_strided_slice %mul3A_60 {offsets = [0, 192], sizes = [2000, 64], strides = [1, 1]} : vector<2000x256xf32> to vector<2000x64xf32>
    %swap3A_72 = arith.constant 0 : index
    %swap3A_73 = arith.constant 0 : index
    %swap3A_74 = vector.load %arg11[%swap3A_72, %swap3A_73] : memref<2000x64xf32, #tpu.memory_space<vmem>>, vector<2000x64xf32>
    tpu.vector_store %arg11[%swap3A_72, %swap3A_73], %slice3A_71 {strides = array<i32>} : memref<2000x64xf32, #tpu.memory_space<vmem>>, vector<2000x64xf32>,
    return
  }
  func.func @transform_0(%arg0: i32) -> (i32, i32, i32) {
    %c0_i32 = arith.constant 0 : i32
    %c0_i32_0 = arith.constant 0 : i32
    %c0_i32_1 = arith.constant 0 : i32
    return %c0_i32, %arg0, %c0_i32_0 : i32, i32, i32
  }
  func.func @transform_1(%arg0: i32) -> (i32, i32, i32) {
    %c0_i32 = arith.constant 0 : i32
    %c0_i32_0 = arith.constant 0 : i32
    %c0_i32_1 = arith.constant 0 : i32
    return %c0_i32, %arg0, %c0_i32_0 : i32, i32, i32
  }
  func.func @transform_2(%arg0: i32) -> (i32, i32) {
    %c0_i32 = arith.constant 0 : i32
    %c0_i32_0 = arith.constant 0 : i32
    return %arg0, %c0_i32 : i32, i32
  }
  func.func @transform_3(%arg0: i32) -> (i32, i32) {
    %c0_i32 = arith.constant 0 : i32
    %c0_i32_0 = arith.constant 0 : i32
    return %arg0, %c0_i32 : i32, i32
  }
  func.func @transform_4(%arg0: i32) -> (i32, i32) {
    %c0_i32 = arith.constant 0 : i32
    %c0_i32_0 = arith.constant 0 : i32
    return %arg0, %c0_i32 : i32, i32
  }
  func.func @transform_5(%arg0: i32) -> (i32, i32) {
    %c0_i32 = arith.constant 0 : i32
    %c0_i32_0 = arith.constant 0 : i32
    %c0_i32_1 = arith.constant 0 : i32
    return %c0_i32, %c0_i32_0 : i32, i32
  }
  func.func @transform_6(%arg0: i32) -> (i32, i32) {
    %c0_i32 = arith.constant 0 : i32
    %c0_i32_0 = arith.constant 0 : i32
    %c0_i32_1 = arith.constant 0 : i32
    return %c0_i32, %c0_i32_0 : i32, i32
  }
  func.func @transform_7(%arg0: i32) -> (i32, i32) {
    %c0_i32 = arith.constant 0 : i32
    %c0_i32_0 = arith.constant 0 : i32
    return %arg0, %c0_i32 : i32, i32
  }
  func.func @transform_8(%arg0: i32) -> (i32, i32) {
    %c0_i32 = arith.constant 0 : i32
    %c0_i32_0 = arith.constant 0 : i32
    return %arg0, %c0_i32 : i32, i32
  }
  func.func @transform_9(%arg0: i32) -> (i32, i32) {
    %c0_i32 = arith.constant 0 : i32
    %c0_i32_0 = arith.constant 0 : i32
    return %arg0, %c0_i32 : i32, i32
  }
  func.func @transform_10(%arg0: i32) -> (i32, i32) {
    %c0_i32 = arith.constant 0 : i32
    %c0_i32_0 = arith.constant 0 : i32
    return %arg0, %c0_i32 : i32, i32
  }
}

module attributes {stable_mosaic.version = 14 : i64} {
  func.func @_tc3_body(%arg0: i32, %arg1: memref<2x2000x64xf32, #tpu.memory_space<vmem>>, %arg2: memref<2x2000x64xf32, #tpu.memory_space<vmem>>, %arg3: memref<2x2000x64xf32, #tpu.memory_space<vmem>>, %arg4: memref<2x2000x64xf32, #tpu.memory_space<vmem>>, %arg5: memref<2000x64xf32, #tpu.memory_space<vmem>>, %arg6: memref<2000x64xf32, #tpu.memory_space<vmem>>, %arg7: memref<2000x64xf32, #tpu.memory_space<vmem>>, %arg8: memref<2000x64xf32, #tpu.memory_space<vmem>>, %arg9: memref<2000x1xf32, #tpu.memory_space<vmem>>, %arg10: memref<1x256xf32, #tpu.memory_space<vmem>>, %arg11: memref<2000x256xf32, #tpu.memory_space<vmem>>) attributes {dimension_semantics = [#tpu.dimension_semantics<arbitrary>], iteration_bounds = array<i64: 5>, scalar_prefetch = 0 : i64, scratch_operands = 0 : i64, tpu.core_type = #tpu.core_type<tc>, window_params = [{transform_indices = @transform_0, window_bounds = array<i64: 2, 2000, 64>}, {transform_indices = @transform_1, window_bounds = array<i64: 2, 2000, 64>}, {transform_indices = @transform_2, window_bounds = array<i64: 2, 2000, 64>}, {transform_indices = @transform_3, window_bounds = array<i64: 2, 2000, 64>}, {transform_indices = @transform_4, window_bounds = array<i64: 2000, 64>}, {transform_indices = @transform_5, window_bounds = array<i64: 2000, 64>}, {transform_indices = @transform_6, window_bounds = array<i64: 2000, 64>}, {transform_indices = @transform_7, window_bounds = array<i64: 2000, 64>}, {transform_indices = @transform_8, window_bounds = array<i64: 2000, 1>}, {pipeline_mode = #tpu.pipeline_mode<synchronous>, transform_indices = @transform_9, window_bounds = array<i64: 1, 256>}, {transform_indices = @transform_10, window_bounds = array<i64: 2000, 256>}]} {
    %get3A = arith.constant 0 : index
    %get3A_0 = arith.constant 0 : index
    %get3A_1 = vector.load %arg9[%get3A, %get3A_0] : memref<2000x1xf32, #tpu.memory_space<vmem>>, vector<2000x1xf32>
    %get3A_2 = arith.constant 0 : index
    %get3A_3 = arith.constant 0 : index
    %get3A_4 = arith.constant 0 : index
    %get3A_5 = vector.load %arg1[%get3A_2, %get3A_3, %get3A_4] : memref<2x2000x64xf32, #tpu.memory_space<vmem>>, vector<1x2000x64xf32>
    %get3A_6 = vector.shape_cast %get3A_5 : vector<1x2000x64xf32> to vector<2000x64xf32>
    %get3A_7 = arith.constant 1 : index
    %get3A_8 = arith.constant 0 : index
    %get3A_9 = arith.constant 0 : index
    %get3A_10 = vector.load %arg1[%get3A_7, %get3A_8, %get3A_9] : memref<2x2000x64xf32, #tpu.memory_space<vmem>>, vector<1x2000x64xf32>
    %get3A_11 = vector.shape_cast %get3A_10 : vector<1x2000x64xf32> to vector<2000x64xf32>
    %add3A = arith.addf %get3A_6, %get3A_11 : vector<2000x64xf32>
    %get3A_12 = arith.constant 0 : index
    %get3A_13 = arith.constant 0 : index
    %get3A_14 = vector.load %arg5[%get3A_12, %get3A_13] : memref<2000x64xf32, #tpu.memory_space<vmem>>, vector<2000x64xf32>
    %add3A_15 = arith.addf %add3A, %get3A_14 : vector<2000x64xf32>
    %mul3A = vector.broadcast %get3A_1 : vector<2000x1xf32> to vector<2000x64xf32>
    %mul3A_16 = arith.mulf %add3A_15, %mul3A : vector<2000x64xf32>
    %get3A_17 = arith.constant 0 : index
    %get3A_18 = arith.constant 0 : index
    %get3A_19 = vector.load %arg10[%get3A_17, %get3A_18] : memref<1x256xf32, #tpu.memory_space<vmem>>, vector<1x64xf32>
    %add3A_20 = vector.broadcast %get3A_19 : vector<1x64xf32> to vector<2000x64xf32>
    %add3A_21 = arith.addf %mul3A_16, %add3A_20 : vector<2000x64xf32>
    %swap3A = arith.constant 0 : index
    %swap3A_22 = arith.constant 0 : index
    %swap3A_23 = vector.load %arg11[%swap3A, %swap3A_22] : memref<2000x256xf32, #tpu.memory_space<vmem>>, vector<2000x64xf32>
    tpu.vector_store %arg11[%swap3A, %swap3A_22], %add3A_21 {strides = array<i32>} : memref<2000x256xf32, #tpu.memory_space<vmem>>, vector<2000x64xf32>,
    %get3A_24 = arith.constant 0 : index
    %get3A_25 = arith.constant 0 : index
    %get3A_26 = arith.constant 0 : index
    %get3A_27 = vector.load %arg2[%get3A_24, %get3A_25, %get3A_26] : memref<2x2000x64xf32, #tpu.memory_space<vmem>>, vector<1x2000x64xf32>
    %get3A_28 = vector.shape_cast %get3A_27 : vector<1x2000x64xf32> to vector<2000x64xf32>
    %get3A_29 = arith.constant 1 : index
    %get3A_30 = arith.constant 0 : index
    %get3A_31 = arith.constant 0 : index
    %get3A_32 = vector.load %arg2[%get3A_29, %get3A_30, %get3A_31] : memref<2x2000x64xf32, #tpu.memory_space<vmem>>, vector<1x2000x64xf32>
    %get3A_33 = vector.shape_cast %get3A_32 : vector<1x2000x64xf32> to vector<2000x64xf32>
    %add3A_34 = arith.addf %get3A_28, %get3A_33 : vector<2000x64xf32>
    %get3A_35 = arith.constant 0 : index
    %get3A_36 = arith.constant 0 : index
    %get3A_37 = vector.load %arg6[%get3A_35, %get3A_36] : memref<2000x64xf32, #tpu.memory_space<vmem>>, vector<2000x64xf32>
    %add3A_38 = arith.addf %add3A_34, %get3A_37 : vector<2000x64xf32>
    %mul3A_39 = vector.broadcast %get3A_1 : vector<2000x1xf32> to vector<2000x64xf32>
    %mul3A_40 = arith.mulf %add3A_38, %mul3A_39 : vector<2000x64xf32>
    %get3A_41 = arith.constant 0 : index
    %get3A_42 = arith.constant 64 : index
    %get3A_43 = vector.load %arg10[%get3A_41, %get3A_42] : memref<1x256xf32, #tpu.memory_space<vmem>>, vector<1x64xf32>
    %add3A_44 = vector.broadcast %get3A_43 : vector<1x64xf32> to vector<2000x64xf32>
    %add3A_45 = arith.addf %mul3A_40, %add3A_44 : vector<2000x64xf32>
    %swap3A_46 = arith.constant 0 : index
    %swap3A_47 = arith.constant 64 : index
    %swap3A_48 = vector.load %arg11[%swap3A_46, %swap3A_47] : memref<2000x256xf32, #tpu.memory_space<vmem>>, vector<2000x64xf32>
    tpu.vector_store %arg11[%swap3A_46, %swap3A_47], %add3A_45 {strides = array<i32>} : memref<2000x256xf32, #tpu.memory_space<vmem>>, vector<2000x64xf32>,
    %get3A_49 = arith.constant 0 : index
    %get3A_50 = arith.constant 0 : index
    %get3A_51 = arith.constant 0 : index
    %get3A_52 = vector.load %arg3[%get3A_49, %get3A_50, %get3A_51] : memref<2x2000x64xf32, #tpu.memory_space<vmem>>, vector<1x2000x64xf32>
    %get3A_53 = vector.shape_cast %get3A_52 : vector<1x2000x64xf32> to vector<2000x64xf32>
    %get3A_54 = arith.constant 1 : index
    %get3A_55 = arith.constant 0 : index
    %get3A_56 = arith.constant 0 : index
    %get3A_57 = vector.load %arg3[%get3A_54, %get3A_55, %get3A_56] : memref<2x2000x64xf32, #tpu.memory_space<vmem>>, vector<1x2000x64xf32>
    %get3A_58 = vector.shape_cast %get3A_57 : vector<1x2000x64xf32> to vector<2000x64xf32>
    %add3A_59 = arith.addf %get3A_53, %get3A_58 : vector<2000x64xf32>
    %get3A_60 = arith.constant 0 : index
    %get3A_61 = arith.constant 0 : index
    %get3A_62 = vector.load %arg7[%get3A_60, %get3A_61] : memref<2000x64xf32, #tpu.memory_space<vmem>>, vector<2000x64xf32>
    %add3A_63 = arith.addf %add3A_59, %get3A_62 : vector<2000x64xf32>
    %mul3A_64 = vector.broadcast %get3A_1 : vector<2000x1xf32> to vector<2000x64xf32>
    %mul3A_65 = arith.mulf %add3A_63, %mul3A_64 : vector<2000x64xf32>
    %get3A_66 = arith.constant 0 : index
    %get3A_67 = arith.constant 128 : index
    %get3A_68 = vector.load %arg10[%get3A_66, %get3A_67] : memref<1x256xf32, #tpu.memory_space<vmem>>, vector<1x64xf32>
    %add3A_69 = vector.broadcast %get3A_68 : vector<1x64xf32> to vector<2000x64xf32>
    %add3A_70 = arith.addf %mul3A_65, %add3A_69 : vector<2000x64xf32>
    %swap3A_71 = arith.constant 0 : index
    %swap3A_72 = arith.constant 128 : index
    %swap3A_73 = vector.load %arg11[%swap3A_71, %swap3A_72] : memref<2000x256xf32, #tpu.memory_space<vmem>>, vector<2000x64xf32>
    tpu.vector_store %arg11[%swap3A_71, %swap3A_72], %add3A_70 {strides = array<i32>} : memref<2000x256xf32, #tpu.memory_space<vmem>>, vector<2000x64xf32>,
    %get3A_74 = arith.constant 0 : index
    %get3A_75 = arith.constant 0 : index
    %get3A_76 = arith.constant 0 : index
    %get3A_77 = vector.load %arg4[%get3A_74, %get3A_75, %get3A_76] : memref<2x2000x64xf32, #tpu.memory_space<vmem>>, vector<1x2000x64xf32>
    %get3A_78 = vector.shape_cast %get3A_77 : vector<1x2000x64xf32> to vector<2000x64xf32>
    %get3A_79 = arith.constant 1 : index
    %get3A_80 = arith.constant 0 : index
    %get3A_81 = arith.constant 0 : index
    %get3A_82 = vector.load %arg4[%get3A_79, %get3A_80, %get3A_81] : memref<2x2000x64xf32, #tpu.memory_space<vmem>>, vector<1x2000x64xf32>
    %get3A_83 = vector.shape_cast %get3A_82 : vector<1x2000x64xf32> to vector<2000x64xf32>
    %add3A_84 = arith.addf %get3A_78, %get3A_83 : vector<2000x64xf32>
    %get3A_85 = arith.constant 0 : index
    %get3A_86 = arith.constant 0 : index
    %get3A_87 = vector.load %arg8[%get3A_85, %get3A_86] : memref<2000x64xf32, #tpu.memory_space<vmem>>, vector<2000x64xf32>
    %add3A_88 = arith.addf %add3A_84, %get3A_87 : vector<2000x64xf32>
    %mul3A_89 = vector.broadcast %get3A_1 : vector<2000x1xf32> to vector<2000x64xf32>
    %mul3A_90 = arith.mulf %add3A_88, %mul3A_89 : vector<2000x64xf32>
    %get3A_91 = arith.constant 0 : index
    %get3A_92 = arith.constant 192 : index
    %get3A_93 = vector.load %arg10[%get3A_91, %get3A_92] : memref<1x256xf32, #tpu.memory_space<vmem>>, vector<1x64xf32>
    %add3A_94 = vector.broadcast %get3A_93 : vector<1x64xf32> to vector<2000x64xf32>
    %add3A_95 = arith.addf %mul3A_90, %add3A_94 : vector<2000x64xf32>
    %swap3A_96 = arith.constant 0 : index
    %swap3A_97 = arith.constant 192 : index
    %swap3A_98 = vector.load %arg11[%swap3A_96, %swap3A_97] : memref<2000x256xf32, #tpu.memory_space<vmem>>, vector<2000x64xf32>
    tpu.vector_store %arg11[%swap3A_96, %swap3A_97], %add3A_95 {strides = array<i32>} : memref<2000x256xf32, #tpu.memory_space<vmem>>, vector<2000x64xf32>,
    return
  }
  func.func @transform_0(%arg0: i32) -> (i32, i32, i32) {
    %c0_i32 = arith.constant 0 : i32
    %c0_i32_0 = arith.constant 0 : i32
    %c0_i32_1 = arith.constant 0 : i32
    return %c0_i32, %arg0, %c0_i32_0 : i32, i32, i32
  }
  func.func @transform_1(%arg0: i32) -> (i32, i32, i32) {
    %c0_i32 = arith.constant 0 : i32
    %c0_i32_0 = arith.constant 0 : i32
    %c0_i32_1 = arith.constant 0 : i32
    return %c0_i32, %arg0, %c0_i32_0 : i32, i32, i32
  }
  func.func @transform_2(%arg0: i32) -> (i32, i32, i32) {
    %c0_i32 = arith.constant 0 : i32
    %c0_i32_0 = arith.constant 0 : i32
    %c0_i32_1 = arith.constant 0 : i32
    return %c0_i32, %arg0, %c0_i32_0 : i32, i32, i32
  }
  func.func @transform_3(%arg0: i32) -> (i32, i32, i32) {
    %c0_i32 = arith.constant 0 : i32
    %c0_i32_0 = arith.constant 0 : i32
    %c0_i32_1 = arith.constant 0 : i32
    return %c0_i32, %arg0, %c0_i32_0 : i32, i32, i32
  }
  func.func @transform_4(%arg0: i32) -> (i32, i32) {
    %c0_i32 = arith.constant 0 : i32
    %c0_i32_0 = arith.constant 0 : i32
    return %arg0, %c0_i32 : i32, i32
  }
  func.func @transform_5(%arg0: i32) -> (i32, i32) {
    %c0_i32 = arith.constant 0 : i32
    %c0_i32_0 = arith.constant 0 : i32
    return %arg0, %c0_i32 : i32, i32
  }
  func.func @transform_6(%arg0: i32) -> (i32, i32) {
    %c0_i32 = arith.constant 0 : i32
    %c0_i32_0 = arith.constant 0 : i32
    return %arg0, %c0_i32 : i32, i32
  }
  func.func @transform_7(%arg0: i32) -> (i32, i32) {
    %c0_i32 = arith.constant 0 : i32
    %c0_i32_0 = arith.constant 0 : i32
    return %arg0, %c0_i32 : i32, i32
  }
  func.func @transform_8(%arg0: i32) -> (i32, i32) {
    %c0_i32 = arith.constant 0 : i32
    %c0_i32_0 = arith.constant 0 : i32
    return %arg0, %c0_i32 : i32, i32
  }
  func.func @transform_9(%arg0: i32) -> (i32, i32) {
    %c0_i32 = arith.constant 0 : i32
    %c0_i32_0 = arith.constant 0 : i32
    %c0_i32_1 = arith.constant 0 : i32
    return %c0_i32, %c0_i32_0 : i32, i32
  }
  func.func @transform_10(%arg0: i32) -> (i32, i32) {
    %c0_i32 = arith.constant 0 : i32
    %c0_i32_0 = arith.constant 0 : i32
    return %arg0, %c0_i32 : i32, i32
  }
}

</mosaic_0001>

<sc_bundles>
// kernel: kernel.11.cloned.1.call-start
scs
__scs_entry_jumppad:
0x0: {  	(pc) =	sbr.rel $0x88, $3  }
0x1: {  	(tag) =	ssettag $0x0;
	lr =	simm.s32 $0x1  }
0x2: {  	[smem:$0x3F9B] =	sst lr;
	_ =	strace $0xD0000000  }
0x3: {  	_ = 	snop  }
0x4: {  	_ = 	snop  }
0x5: {  	_ = 	snop  }
0x6: {  	_ = 	snop  }
0x7: {  	_ = 	snop  }
__scs_overlays_trampoline_lowered:
0x8: {  	[smem:$0x3FAA] =	sst s0  }
0x9: {  	[smem:$0x3FAB] =	sst s1  }
0xa: {  	[smem:$0x3FAC] =	sst s2  }
0xb: {  	[smem:$0x3FAD] =	sst s3  }
0xc: {  	[smem:$0x3FAE] =	sst s4  }
0xd: {  	[smem:$0x3FAF] =	sst s5  }
0xe: {  	[smem:$0x3FB0] =	sst s6  }
0xf: {  	[smem:$0x3FB1] =	sst s7  }
0x10: {  	[smem:$0x3FB2] =	sst s8  }
0x11: {  	[smem:$0x3FB3] =	sst s9;
	s0 =	simm.s32 @!p0 $0x0  }
0x12: {  	s1 =	sld [smem:$0x3F99];
	s0 =	simm.s32 @p0 $0x1  }
0x13: {  	[smem:$0x3FB4] =	sst s0;
	s0 =	simm.s32 @!p1 $0x0  }
0x14: {  	s2 =	sld [smem:$0x3F98];
	s0 =	simm.s32 @p1 $0x1  }
0x15: {  	[smem:$0x3FB5] =	sst s0;
	s0 =	simm.s32 @!p2 $0x0  }
0x16: {  	s3 =	sld [smem:$0x3FDB];
	s0 =	simm.s32 @p2 $0x1  }
0x17: {  	s4 =	simm.s32 $0x1BF5;
	[smem:$0x3FB7] =	sst s0  }
0x18: {  	s0 =	sld [smem:$0x3F9A];
	_ =	swait.ge [sflag:s4], $0x0  }
0x19: {  	s7 =	sld [smem:$0x3F9B]  }
0x1a: {  	s8 =	sadd.s32 $0xFFFFE003, lr  }
0x1b: {  	s9 =	sadd.s32 $0xFFFFFEF7, lr;
	s5 =	simm.s32 $0xFFFFFFFF;
	p2 =	slt.u32 s8, $0xFFFFF086  }
0x1c: {  	p1 =	slt.u32 s9, $0xF7A;
	s5 =	simm.s32 @!p2 $0x0  }
0x1d: {  	s5 =	simm.s32 @p1 $0x1;
	p0 =	seq.s32 s7, s2  }
0x1e: {  	s7 =	smul.u32 @!p0 $0xF7A, s2;
	p2 =	seq.s32 @!p0 s5, $0x0  }
0x1f: {  	s9 =	smul.u32 $0xF7A, s1;
	s8 =	simm.s32 @!p0 $0x1BF5;
	p2 =	por !p2, p0  }
0x20: {  	[sflag:s8] =	ssyncset.s32 @!p0 $0xFFFFF086;
	s6 =	sadd.s32 @!p0 s3, s7;
	s7 =	simm.s32 @!p0 $0x108  }
0x21: {  	s3 =	sadd.s32 s3, s9;
	s6 =	sadd.s32 @!p0 $0x88, s6;
	s7 =	simm.s32 @p2 $0x1082  }
0x22: {  	[simem:s7], [sflag:s8] =	dma.local @!p0 [hbm:s6], $0xF7A  }
0x23: {  	s9 =	sor.u32 $0xD0000000, s2;
	s6 =	simm.s32 $0x108;
	_ =	swait.ge @!p0 [sflag:s8], $0x0  }
0x24: {  	s3 =	sadd.s32 $0x88, s3;
	s6 =	simm.s32 @!p1 $0x1082;
	[sflag:s4] =	ssyncset.s32 $0xFFFFF086  }
0x25: {  	[simem:s6], [sflag:s4] =	dma.local [hbm:s3], $0xF7A  }
0x26: {  	[smem:$0x3F9B] =	sst s1;
	(tag) =	ssettag s2;
	_ =	strace s9  }
0x27: {  	s1 =	sld [smem:$0x3FAB]  }
0x28: {  	s2 =	sld [smem:$0x3FAC]  }
0x29: {  	s4 =	sld [smem:$0x3FAE]  }
0x2a: {  	p0 =	seq.s32 s5, $0x0;
	s5 =	sld [smem:$0x3FAF]  }
0x2b: {  	s6 =	sld [smem:$0x3FB0]  }
0x2c: {  	s7 =	sld [smem:$0x3FB1]  }
0x2d: {  	s3 =	simm.s32 $0x108;
	s8 =	sld [smem:$0x3FB2]  }
0x2e: {  	s3 =	simm.s32 @!p0 $0x1082;
	s9 =	sld [smem:$0x3FB3]  }
0x2f: {  	lr =	sadd.s32 s0, s3;
	s0 =	sld [smem:$0x3FAA]  }
0x30: {  	s3 =	sld [smem:$0x3FAD]  }
0x31: {  	[smem:$0x3FB6] =	sst s10  }
0x32: {  	s10 =	sld [smem:$0x3FB4];
	_ =	sdelay $0x3  }
0x33: {  	p0 =	seq.s32 s10, $0x1;
	s10 =	sld [smem:$0x3FB6];
	_ =	sdelay $0x3  }
0x34: {  	[smem:$0x3FB6] =	sst s10  }
0x35: {  	s10 =	sld [smem:$0x3FB5];
	_ =	sdelay $0x3  }
0x36: {  	p1 =	seq.s32 s10, $0x1;
	s10 =	sld [smem:$0x3FB6];
	_ =	sdelay $0x3  }
0x37: {  	[smem:$0x3FB6] =	sst s10  }
0x38: {  	s10 =	sld [smem:$0x3FB7]  }
0x39: {  	_ = 	snop;
	(pc) =	sbr.ind lr, $3  }
0x3a: {  	_ = 	snop  }
0x3b: {  	_ = 	snop  }
0x3c: {  	p2 =	seq.s32 s10, $0x1;
	s10 =	sld [smem:$0x3FB6]  }
0x3d: {  	_ =	shalt  }
0x3e: {  	_ =	shalt  }
0x3f: {  	_ =	shalt  }
0x40: {  	_ =	shalt  }
0x41: {  	_ =	shalt  }
0x42: {  	_ =	shalt  }
0x43: {  	_ =	shalt  }
0x44: {  	_ =	shalt  }
0x45: {  	_ =	shalt  }
0x46: {  	_ =	shalt  }
0x47: {  	_ =	shalt  }
0x48: {  	_ =	shalt  }
0x49: {  	_ =	shalt  }
0x4a: {  	_ =	shalt  }
0x4b: {  	_ =	shalt  }
0x4c: {  	_ =	shalt  }
0x4d: {  	_ =	shalt  }
0x4e: {  	_ =	shalt  }
0x4f: {  	_ =	shalt  }
0x50: {  	_ =	shalt  }
0x51: {  	_ =	shalt  }
0x52: {  	_ =	shalt  }
0x53: {  	_ =	shalt  }
0x54: {  	_ =	shalt  }
0x55: {  	_ =	shalt  }
0x56: {  	_ =	shalt  }
0x57: {  	_ =	shalt  }
0x58: {  	_ =	shalt  }
0x59: {  	_ =	shalt  }
0x5a: {  	_ =	shalt  }
0x5b: {  	_ =	shalt  }
0x5c: {  	_ =	shalt  }
0x5d: {  	_ =	shalt  }
0x5e: {  	_ =	shalt  }
0x5f: {  	_ =	shalt  }
0x60: {  	_ =	shalt  }
0x61: {  	_ =	shalt  }
0x62: {  	_ =	shalt  }
0x63: {  	_ =	shalt  }
0x64: {  	_ =	shalt  }
0x65: {  	_ =	shalt  }
0x66: {  	_ =	shalt  }
0x67: {  	_ =	shalt  }
0x68: {  	_ =	shalt  }
0x69: {  	_ =	shalt  }
0x6a: {  	_ =	shalt  }
0x6b: {  	_ =	shalt  }
0x6c: {  	_ =	shalt  }
0x6d: {  	_ =	shalt  }
0x6e: {  	_ =	shalt  }
0x6f: {  	_ =	shalt  }
0x70: {  	_ =	shalt  }
0x71: {  	_ =	shalt  }
0x72: {  	_ =	shalt  }
0x73: {  	_ =	shalt  }
0x74: {  	_ =	shalt  }
0x75: {  	_ =	shalt  }
0x76: {  	_ =	shalt  }
0x77: {  	_ =	shalt  }
0x78: {  	_ =	shalt  }
0x79: {  	_ =	shalt  }
0x7a: {  	_ =	shalt  }
0x7b: {  	_ =	shalt  }
0x7c: {  	_ =	shalt  }
0x7d: {  	_ =	shalt  }
0x7e: {  	_ =	shalt  }
0x7f: {  	_ =	shalt  }
0x80: {  	_ =	shalt  }
0x81: {  	_ =	shalt  }
0x82: {  	_ =	shalt  }
0x83: {  	_ =	shalt  }
0x84: {  	_ =	shalt  }
0x85: {  	_ =	shalt  }
0x86: {  	_ =	shalt  }
0x87: {  	_ =	shalt  }
.Lfunc_end0:
.L_simem_size_0:
called_computation.1_lowered:
.L_overlay_start_0:
0x88: {  	s2 =	sld [smem:$0x3FD9]  }
0x89: {  	s3 =	sld [smem:$0x3FFE];
	_ =	sdelay $0x1  }
0x8a: {  	s1 =	srdreg.scid  }
0x8b: {  	s0 =	sand.u32 $0x1, s1  }
0x8c: {  	s17 =	sshll.u32 s0, $0xA;
	s2 =	sadd.s32 s3, s2  }
0x8d: {  	s2 =	sadd.s32 s2, s17  }
0x8e: {  	[smem:$0x3FC2] =	sst s2  }
0x8f: {  	_ = 	snop  }
0x90: {  	s2 =	sld [smem:$0x3FD0];
	(tm) =	ssettm $0x1  }
0x91: {  	s18 =	sld [smem:$0x3FFB];
	_ =	sdelay $0x3  }
0x92: {  	_ =	strace s18  }
0x93: {  	s3 =	sld [smem:$0x3FFC];
	_ =	sdelay $0x3  }
0x94: {  	_ =	strace s3  }
0x95: {  	s3 =	sld [smem:$0x3FFD];
	_ =	sdelay $0x3  }
0x96: {  	_ =	strace s3  }
0x97: {  	_ =	strace $0x8FFFFFFF  }
0x98: {  	s19 =	sld [smem:$0x3FDB];
	_ =	sdelay $0x1  }
0x99: {  	s4 =	simm.s32 $_scs_section_size  }
0x9a: {  	s5 =	simm.s32 $_size__tile_overlayer_lowered;
	s6 =	simm.s32 $_tile_overlayer_lowered  }
0x9b: {  	s22 =	simm.s32 $0x1BFF;
	s21 =	sshll.u32 s6, $0x1;
	s3 =	sadd.s32 s4, s19  }
0x9c: {  	s7 =	simm.s32 $0x0;
	s20 =	sshll.u32 s5, $0x1;
	s5 =	sadd.s32 s21, s3  }
0x9d: {  	[timem:s7], [sflag:s22] =	dma.local [hbm:s5], s20  }
0x9e: {  	_ =	swait.ge [sflag:s22], s20  }
0x9f: {  	s4 =	ssub.s32 $0x0, s20;
	[sflag:s22] =	ssyncset.done $0x0  }
0xa0: {  	[sflag:s22] =	ssyncadd.s32 s4;
	_ =	sdelay $0x1  }
0xa1: {  	s23 =	simm.s32 $0x1B8B  }
0xa2: {  	_ =	swait.ge [sflag:s23], $0x1  }
0xa3: {  	[sflag:s23] =	ssyncset.done $0x0  }
0xa4: {  	s25 =	simm.s32 $0x1B8E;
	s24 =	sld [smem:$0x3FFE];
	[sflag:s23] =	ssyncadd.s32 $0xFFFFFFFF  }
0xa5: {  	s26 =	simm.s32 $execute0_lowered;
	[smem:$0x3FD2] =	sst s25  }
0xa6: {  	s5 =	sshll.u32 s26, $0x1;
	_ =	strace $0x80000049;
	[dreg:$0x1] =	wrdreg $0xFFFFFFFF  }
0xa7: {  	s28 =	simm.s32 $_size_execute0_lowered;
	s3 =	sadd.s32 s3, s5;
	[dreg:$0x0] =	wrdreg $0x0  }
0xa8: {  	s5 =	sshll.u32 s28, $0x1;
	[dreg:$0x2] =	wrdreg s3  }
0xa9: {  	[dreg:$0x3] =	wrdreg s5  }
0xaa: {  	[dreg:$0x4] =	wrdreg $0xC0  }
0xab: {  	_ =	task [dreg:s7], $0x5FFFF  }
0xac: {  	[dreg:$0x1] =	wrdreg $0xFFFFFFFF  }
0xad: {  	[dreg:$0x0] =	wrdreg $0x60  }
0xae: {  	[dreg:$0x2] =	wrdreg s24  }
0xaf: {  	[dreg:$0x3] =	wrdreg s2  }
0xb0: {  	[dreg:$0x4] =	wrdreg $0x90000  }
0xb1: {  	[dreg:$0x5] =	wrdreg $0x9  }
0xb2: {  	_ =	task.clear_ibuf [dreg:s7], $0x6FFFF;
	_ =	strace $0x90000049  }
0xb3: {  	s29 =	simm.s32 $0x9;
	_ =	strace $0x8000004B  }
0xb4: {  	_ =	swait.ge [sflag:s29], $0x1  }
0xb5: {  	[sflag:s29] =	ssyncadd.s32 $0xFFFFFFFF  }
0xb6: {  	_ =	strace $0x9000004B  }
0xb7: {  	_ =	sfence  }
0xb8: {  	s30 =	sld [smem:$0x0];
	_ =	sdelay $0x2  }
0xb9: {  	s31 =	sshll.u32 s1, $0xD;
	s1 =	sshrl.u32 s1, $0x2  }
0xba: {  	s3 =	sand.u32 $0x4000, s31;
	s1 =	sadd.s32 s1, s30  }
0xbb: {  	s0 =	sor.u32 s3, s0;
	s1 =	sshll.u32 s1, $0x11  }
0xbc: {  	s0 =	sor.u32 s1, s0  }
0xbd: {  	s0 =	sadd.s32 $0x8F2B, s0  }
0xbe: {  	[sflag:s0] =	ssyncadd.remote.s32 $0x1  }
0xbf: {  	_ =	sfence.sel $0xFFFF  }
0xc0: {  	[dreg:$0x0] =	wrdreg $0xFFFFFFFF;
	(pc) =	sbr.abs _section_cstart, $3  }
0xc1: {  	[dreg:$0x1] =	wrdreg $0xFFFFFFFF  }
0xc2: {  	_ =	task.clear_ibuf [dreg:s7], $0x2FFFF;
	_ =	strace $0x9FFFFFFF  }
0xc3: {  	(tm) =	ssettm $0x7FFFFFFF  }
tec
execute0_lowered:
.L_overlay_start_1:
0x0: {  	(tag) =	ssettag $0x1  }
0x1: {  	s0 =	srdreg.scid;
	s1 =	rddreg [dreg:$0x0]  }
0x2: {  	s9 =	rddreg [dreg:$0x1];
	s20 =	stileid.u32  }
0x3: {  	s2 =	rddreg [dreg:$0x2];
	s30 =	simm.s32 $0x0;
	s19 =	simm.s32 $0x3  }
0x4: {  	s21 =	simm.s32 $0x5000;
	s22 =	simm.s32 $0x80;
	s23 =	simm.s32 $0x7000  }
0x5: {  	s24 =	simm.s32 $0x1;
	s25 =	simm.s32 $0x2;
	s26 =	simm.s32 $0x4F00  }
0x6: {  	s28 =	simm.s32 $0x4F80;
	s29 =	simm.s32 $0x0;
	s0 =	sand.u32 $0x1, s0  }
0x7: {  	[smem:$0x7FF] =	sst s30;
	s6 =	smul.u32 $0x28000, s20;
	s5 =	sadd.s32 $0xA9C00, s1  }
0x8: {  	s11 =	smul.u32 $0x9C00, s20;
	s12 =	sadd.s32 $0x92400, s2;
	p0 =	seq.s32 s20, $0xF  }
0x9: {  	s3 =	sshll.u32 s0, $0x4;
	s10 =	smul.u32 $0x13880, s0;
	s0 =	ssub.s32 $0x2, s0  }
0xa: {  	_ =	strace $0x8000004A;
	s4 =	sor.u32 s20, s3;
	s8 =	sshrl.u32 s0, $0x1  }
0xb: {  	s31 =	sshrl.u32 s6, $0x2;
	s4 =	smul.u32 $0x500, s4;
	s0 =	ssub.s32 s0, s8  }
0xc: {  	s8 =	sadd.s32 s31, s2;
	s9 =	sadd.s32 s9, s10;
	s14 =	smax.u32 s0, $0x1  }
0xd: {  	s15 =	sadd.s32 $0x2000, s8;
	s16 =	sadd.s32 $0x4000, s8;
	s17 =	sadd.s32 $0x6000, s8  }
0xe: {  	s18 =	sadd.s32 $0x8000, s8;
	s7 =	sadd.s32 s4, s1;
	s4 =	sadd.s32 $0x96200, s1  }
0xf: {  	s1 =	sadd.s32 s10, s1;
	s10 =	sshrl.u32 s11, $0x3;
	s11 =	sadd.s32 s11, s2  }
0x10: {  	v0 =	vimm.f32 $0.0e+00;
	s6 =	sadd.s32 $0x16C00, s7;
	s7 =	sadd.s32 $0x2E00, s7;
	s13 =	sadd.s32 $0xBD600, s1  }
.LBB2_1:
0x11: {  	s0 =	simm.s32 $0x0  }
0x12: {  	[tilespmem:s0], [sflag:$0x3] =	stream.linear.gather [hbm4b:s6+s0], $0x2800, $0x38;
	[tilespmem:$0x13000] =	vst v63  }
0x13: {  	_ =	swait.ge [sflag:s19], $0x2800  }
0x14: {  	[sflag:s19] =	ssyncset.done $0x0  }
0x15: {  	s1 =	simm.s32 $0x2800;
	[sflag:s19] =	ssyncadd.s32 $0xFFFFD800  }
0x16: {  	[tilespmem:s1], [sflag:$0x3] =	stream.linear.gather [hbm4b:s7+s0], $0x2800, $0x38;
	[tilespmem:$0x13000] =	vst v63  }
0x17: {  	_ =	swait.ge [sflag:s19], $0x2800  }
0x18: {  	[sflag:s19] =	ssyncset.done $0x0  }
0x19: {  	s20 =	simm.s32 $0x100;
	s1 =	simm.s32 $0x0;
	[sflag:s19] =	ssyncadd.s32 $0xFFFFD800  }
.LBB2_2:
0x1a: {  	p1 =	sne.s32 s20, $0x7F00;
	[tilespmem:s1+$0x5030] =	vst v0;
	s0 =	smov.u32 s20;
	s20 =	sadd.s32 $0x100, s20  }
.Ltmp0:
0x1b: {  	[tilespmem:s1+$0x5020] =	vst v0;
	(pc) =	sbr.rel @p1 .LBB2_2-.Ltmp0, $3  }
0x1c: {  	[tilespmem:s1+$0x5000] =	vst v0  }
0x1d: {  	[tilespmem:s1+$0x5010] =	vst v0;
	_ =	sdelay $0x1  }
0x1e: {  	s1 =	sshra.s32 s0, $0x2  }
0x1f: {  	[tilespmem:s1+$0x5030] =	vst v0  }
0x20: {  	[tilespmem:s1+$0x5020] =	vst v0  }
0x21: {  	[tilespmem:s1+$0x5000] =	vst v0  }
0x22: {  	[tilespmem:s1+$0x5010] =	vst v0  }
0x23: {  	[spmem:s8] =	stream.linear.scatter [tilespmem:s21], [sflag:$0x3], $0x2000, $0x38;
	[tilespmem:$0x13000] =	vst v63  }
0x24: {  	_ =	swait.ge [sflag:s19], $0x2000  }
0x25: {  	[sflag:s19] =	ssyncset.done $0x0  }
0x26: {  	[sflag:s19] =	ssyncadd.s32 $0xFFFFE000  }
0x27: {  	[spmem:s15] =	stream.linear.scatter [tilespmem:s21], [sflag:$0x3], $0x2000, $0x38;
	[tilespmem:$0x13000] =	vst v63  }
0x28: {  	_ =	swait.ge [sflag:s19], $0x2000  }
0x29: {  	[sflag:s19] =	ssyncset.done $0x0  }
0x2a: {  	[sflag:s19] =	ssyncadd.s32 $0xFFFFE000  }
0x2b: {  	[spmem:s16] =	stream.linear.scatter [tilespmem:s21], [sflag:$0x3], $0x2000, $0x38;
	[tilespmem:$0x13000] =	vst v63  }
0x2c: {  	_ =	swait.ge [sflag:s19], $0x2000  }
0x2d: {  	[sflag:s19] =	ssyncset.done $0x0  }
0x2e: {  	[sflag:s19] =	ssyncadd.s32 $0xFFFFE000  }
0x2f: {  	[spmem:s17] =	stream.linear.scatter [tilespmem:s21], [sflag:$0x3], $0x2000, $0x38;
	[tilespmem:$0x13000] =	vst v63  }
0x30: {  	_ =	swait.ge [sflag:s19], $0x2000  }
0x31: {  	[sflag:s19] =	ssyncset.done $0x0  }
0x32: {  	[sflag:s19] =	ssyncadd.s32 $0xFFFFE000  }
0x33: {  	[spmem:s18] =	stream.linear.scatter [tilespmem:s21], [sflag:$0x3], $0x2000, $0x38;
	[tilespmem:$0x13000] =	vst v63  }
0x34: {  	_ =	swait.ge [sflag:s19], $0x2000  }
0x35: {  	[sflag:s19] =	ssyncset.done $0x0  }
0x36: {  	[sflag:s19] =	ssyncadd.s32 $0xFFFFE000  }
0x37: {  	s0 =	simm.s32 $0x0;
	[bflag:$0x0] =	sbarrier.arrive $0xFFFF  }
0x38: {  	[tilespmem:s21], [sflag:$0x1] =	stream.indirect.gather [hbm4b:s4+s22], $0x40, s0, s22, $0xb8;
	[tilespmem:$0x13000] =	vst v63  }
0x39: {  	_ = 	snop  }
0x3a: {  	[tilespmem:s23], [sflag:$0x2] =	stream.indirect.gather [hbm4b:s4+s22], $0x40, s22, s22, $0xb8;
	[tilespmem:$0x13000] =	vst v63  }
0x3b: {  	_ =	swait.ge [sflag:s24], $0x2000  }
0x3c: {  	[sflag:s24] =	ssyncset.done $0x0  }
0x3d: {  	s20 =	simm.s32 $0x2800;
	[sflag:s24] =	ssyncadd.s32 $0xFFFFE000  }
0x3e: {  	[spmem:s2] =	stream.indirect.scatter.add.f32 [tilespmem:s21], [sflag:$0x3], $0x40, s20, s22, $0xb8;
	[tilespmem:$0x13000] =	vst v63  }
0x3f: {  	_ =	swait.ge [sflag:s19], $0x2000  }
0x40: {  	[sflag:s19] =	ssyncset.done $0x0  }
0x41: {  	s30 =	simm.s32 $0x100;
	[sflag:s19] =	ssyncadd.s32 $0xFFFFE000  }
0x42: {  	[tilespmem:s21], [sflag:$0x1] =	stream.indirect.gather [hbm4b:s4+s22], $0x40, s30, s22, $0xb8;
	[tilespmem:$0x13000] =	vst v63  }
0x43: {  	_ =	swait.ge [sflag:s25], $0x2000  }
0x44: {  	[sflag:s25] =	ssyncset.done $0x0  }
0x45: {  	s31 =	simm.s32 $0x2880;
	[sflag:s25] =	ssyncadd.s32 $0xFFFFE000  }
0x46: {  	[spmem:s2] =	stream.indirect.scatter.add.f32 [tilespmem:s23], [sflag:$0x3], $0x40, s31, s22, $0xb8;
	[tilespmem:$0x13000] =	vst v63  }
0x47: {  	_ =	swait.ge [sflag:s19], $0x2000  }
0x48: {  	[sflag:s19] =	ssyncset.done $0x0  }
0x49: {  	s1 =	simm.s32 $0x400;
	s0 =	simm.s32 $0x180;
	[sflag:s19] =	ssyncadd.s32 $0xFFFFE000  }
.LBB2_4:
0x4a: {  	[tilespmem:s23], [sflag:$0x2] =	stream.indirect.gather [hbm4b:s4+s22], $0x40, s0, s22, $0xb8;
	[tilespmem:$0x13000] =	vst v63  }
0x4b: {  	s0 =	smov.u32 s1  }
0x4c: {  	p1 =	sne.s32 s1, $0x9800;
	s1 =	sadd.s32 $0x400, s1;
	_ =	swait.ge [sflag:s24], $0x2000  }
0x4d: {  	s0 =	sshra.s32 s0, $0x2;
	[sflag:s24] =	ssyncset.done $0x0  }
0x4e: {  	s20 =	sadd.s32 $0x2800, s0;
	[sflag:s24] =	ssyncadd.s32 $0xFFFFE000  }
0x4f: {  	[spmem:s2] =	stream.indirect.scatter.add.f32 [tilespmem:s21], [sflag:$0x3], $0x40, s20, s22, $0xb8;
	[tilespmem:$0x13000] =	vst v63  }
0x50: {  	_ =	swait.ge [sflag:s19], $0x2000  }
0x51: {  	[sflag:s19] =	ssyncset.done $0x0  }
0x52: {  	s20 =	sadd.s32 $0x100, s0;
	[sflag:s19] =	ssyncadd.s32 $0xFFFFE000  }
0x53: {  	[tilespmem:s21], [sflag:$0x1] =	stream.indirect.gather [hbm4b:s4+s22], $0x40, s20, s22, $0xb8;
	[tilespmem:$0x13000] =	vst v63  }
0x54: {  	_ =	swait.ge [sflag:s25], $0x2000  }
0x55: {  	[sflag:s25] =	ssyncset.done $0x0  }
.Ltmp1:
0x56: {  	s20 =	sadd.s32 $0x2880, s0;
	[sflag:s25] =	ssyncadd.s32 $0xFFFFE000;
	(pc) =	sbr.rel @p1 .LBB2_4-.Ltmp1, $4  }
0x57: {  	[spmem:s2] =	stream.indirect.scatter.add.f32 [tilespmem:s23], [sflag:$0x3], $0x40, s20, s22, $0xb8;
	[tilespmem:$0x13000] =	vst v63  }
0x58: {  	_ =	swait.ge [sflag:s19], $0x2000  }
0x59: {  	[sflag:s19] =	ssyncset.done $0x0  }
0x5a: {  	s0 =	sadd.s32 $0x180, s0;
	[sflag:s19] =	ssyncadd.s32 $0xFFFFE000  }
0x5b: {  	[tilespmem:s23], [sflag:$0x2] =	stream.indirect.gather [hbm4b:s4+s22], $0x40, s0, s22, $0xb8;
	[tilespmem:$0x13000] =	vst v63  }
0x5c: {  	_ =	swait.ge [sflag:s24], $0x2000  }
0x5d: {  	[sflag:s24] =	ssyncset.done $0x0  }
0x5e: {  	[sflag:s24] =	ssyncadd.s32 $0xFFFFE000  }
0x5f: {  	[spmem:s2] =	stream.indirect.scatter.add.f32 [tilespmem:s21], [sflag:$0x3], $0x40, s26, s22, $0xb8;
	[tilespmem:$0x13000] =	vst v63  }
0x60: {  	_ =	swait.ge [sflag:s19], $0x2000  }
0x61: {  	[sflag:s19] =	ssyncset.done $0x0  }
0x62: {  	[sflag:s19] =	ssyncadd.s32 $0xFFFFE000  }
0x63: {  	_ =	swait.ge [sflag:s25], $0x2000  }
0x64: {  	[sflag:s25] =	ssyncset.done $0x0  }
0x65: {  	[sflag:s25] =	ssyncadd.s32 $0xFFFFE000  }
0x66: {  	[spmem:s2] =	stream.indirect.scatter.add.f32 [tilespmem:s23], [sflag:$0x3], $0x40, s28, s22, $0xb8;
	[tilespmem:$0x13000] =	vst v63  }
0x67: {  	_ =	swait.ge [sflag:s19], $0x2000  }
0x68: {  	[sflag:s19] =	ssyncset.done $0x0  }
0x69: {  	s0 =	sadd.s32 @p0 $0x12480, s9;
	[sflag:s19] =	ssyncadd.s32 $0xFFFFE000  }
0x6a: {  	s30 =	sshrl.u32 @p0 s12, $0x3;
	s1 =	simm.s32 @p0 $0x1FC3;
	[bflag:$0x0] =	sbarrier.arrive $0xFFFF  }
0x6b: {  	[hbm:s0], [sflag:s1] =	dma.local @p0 [spmem:s30], $0x1400  }
0x6c: {  	s0 =	simm.s32 @p0 $0x3  }
0x6d: {  	_ =	swait.ge @p0 [sflag:s0], $0x1400  }
0x6e: {  	[sflag:s0] =	ssyncset.done @p0 $0x0  }
0x6f: {  	[sflag:s0] =	ssyncadd.s32 @p0 $0xFFFFEC00;
	s0 =	stileid.u32  }
0x70: {  	s20 =	sadd.s32 @!p0 s10, s9;
	s0 =	sshll.u32 @!p0 s0, $0x6  }
0x71: {  	s1 =	sshrl.u32 @!p0 s11, $0x3;
	s31 =	sor.u32 @!p0 $0x1C03, s0;
	s0 =	simm.s32 @!p0 $0x3  }
0x72: {  	[hbm:s20], [sflag:s31] =	dma.local @!p0 [spmem:s1], $0x1380  }
0x73: {  	_ =	swait.ge @!p0 [sflag:s0], $0x1380  }
0x74: {  	[sflag:s0] =	ssyncset.done @!p0 $0x0  }
0x75: {  	[sflag:s0] =	ssyncadd.s32 @!p0 $0xFFFFEC80  }
0x76: {  	s20 =	simm.s32 $0x0;
	s0 =	simm.s32 $0x100;
	[bflag:$0x0] =	sbarrier.arrive $0xFFFF  }
.LBB2_6:
0x77: {  	p1 =	sne.s32 s0, $0x7F00;
	[tilespmem:s20+$0x5030] =	vst v0;
	s3 =	smov.u32 s0;
	s0 =	sadd.s32 $0x100, s0  }
.Ltmp2:
0x78: {  	[tilespmem:s20+$0x5020] =	vst v0;
	(pc) =	sbr.rel @p1 .LBB2_6-.Ltmp2, $3  }
0x79: {  	[tilespmem:s20+$0x5000] =	vst v0  }
0x7a: {  	[tilespmem:s20+$0x5010] =	vst v0;
	_ =	sdelay $0x1  }
0x7b: {  	s20 =	sshra.s32 s3, $0x2  }
0x7c: {  	[tilespmem:s20+$0x5030] =	vst v0  }
0x7d: {  	[tilespmem:s20+$0x5020] =	vst v0  }
0x7e: {  	[tilespmem:s20+$0x5000] =	vst v0  }
0x7f: {  	[tilespmem:s20+$0x5010] =	vst v0  }
0x80: {  	[spmem:s8] =	stream.linear.scatter [tilespmem:s21], [sflag:$0x3], $0x2000, $0x38;
	[tilespmem:$0x13000] =	vst v63  }
0x81: {  	_ =	swait.ge [sflag:s19], $0x2000  }
0x82: {  	[sflag:s19] =	ssyncset.done $0x0  }
0x83: {  	[sflag:s19] =	ssyncadd.s32 $0xFFFFE000  }
0x84: {  	[spmem:s15] =	stream.linear.scatter [tilespmem:s21], [sflag:$0x3], $0x2000, $0x38;
	[tilespmem:$0x13000] =	vst v63  }
0x85: {  	_ =	swait.ge [sflag:s19], $0x2000  }
0x86: {  	[sflag:s19] =	ssyncset.done $0x0  }
0x87: {  	[sflag:s19] =	ssyncadd.s32 $0xFFFFE000  }
0x88: {  	[spmem:s16] =	stream.linear.scatter [tilespmem:s21], [sflag:$0x3], $0x2000, $0x38;
	[tilespmem:$0x13000] =	vst v63  }
0x89: {  	_ =	swait.ge [sflag:s19], $0x2000  }
0x8a: {  	[sflag:s19] =	ssyncset.done $0x0  }
0x8b: {  	[sflag:s19] =	ssyncadd.s32 $0xFFFFE000  }
0x8c: {  	[spmem:s17] =	stream.linear.scatter [tilespmem:s21], [sflag:$0x3], $0x2000, $0x38;
	[tilespmem:$0x13000] =	vst v63  }
0x8d: {  	_ =	swait.ge [sflag:s19], $0x2000  }
0x8e: {  	[sflag:s19] =	ssyncset.done $0x0  }
0x8f: {  	[sflag:s19] =	ssyncadd.s32 $0xFFFFE000  }
0x90: {  	[spmem:s18] =	stream.linear.scatter [tilespmem:s21], [sflag:$0x3], $0x2000, $0x38;
	[tilespmem:$0x13000] =	vst v63  }
0x91: {  	_ =	swait.ge [sflag:s19], $0x2000  }
0x92: {  	[sflag:s19] =	ssyncset.done $0x0  }
0x93: {  	[sflag:s19] =	ssyncadd.s32 $0xFFFFE000  }
0x94: {  	s0 =	simm.s32 $0x0;
	[bflag:$0x0] =	sbarrier.arrive $0xFFFF  }
0x95: {  	[tilespmem:s21], [sflag:$0x1] =	stream.indirect.gather [hbm4b:s5+s22], $0x40, s0, s22, $0xb8;
	[tilespmem:$0x13000] =	vst v63  }
0x96: {  	_ = 	snop  }
0x97: {  	[tilespmem:s23], [sflag:$0x2] =	stream.indirect.gather [hbm4b:s5+s22], $0x40, s22, s22, $0xb8;
	[tilespmem:$0x13000] =	vst v63  }
0x98: {  	_ =	swait.ge [sflag:s24], $0x2000  }
0x99: {  	[sflag:s24] =	ssyncset.done $0x0  }
0x9a: {  	s20 =	simm.s32 $0x2800;
	[sflag:s24] =	ssyncadd.s32 $0xFFFFE000  }
0x9b: {  	[spmem:s2] =	stream.indirect.scatter.add.f32 [tilespmem:s21], [sflag:$0x3], $0x40, s20, s22, $0xb8;
	[tilespmem:$0x13000] =	vst v63  }
0x9c: {  	_ =	swait.ge [sflag:s19], $0x2000  }
0x9d: {  	[sflag:s19] =	ssyncset.done $0x0  }
0x9e: {  	s3 =	simm.s32 $0x100;
	[sflag:s19] =	ssyncadd.s32 $0xFFFFE000  }
0x9f: {  	[tilespmem:s21], [sflag:$0x1] =	stream.indirect.gather [hbm4b:s5+s22], $0x40, s3, s22, $0xb8;
	[tilespmem:$0x13000] =	vst v63  }
0xa0: {  	_ =	swait.ge [sflag:s25], $0x2000  }
0xa1: {  	[sflag:s25] =	ssyncset.done $0x0  }
0xa2: {  	s20 =	simm.s32 $0x2880;
	[sflag:s25] =	ssyncadd.s32 $0xFFFFE000  }
0xa3: {  	[spmem:s2] =	stream.indirect.scatter.add.f32 [tilespmem:s23], [sflag:$0x3], $0x40, s20, s22, $0xb8;
	[tilespmem:$0x13000] =	vst v63  }
0xa4: {  	_ =	swait.ge [sflag:s19], $0x2000  }
0xa5: {  	[sflag:s19] =	ssyncset.done $0x0  }
0xa6: {  	s0 =	simm.s32 $0x180;
	s20 =	simm.s32 $0x400;
	[sflag:s19] =	ssyncadd.s32 $0xFFFFE000  }
.LBB2_8:
0xa7: {  	[tilespmem:s23], [sflag:$0x2] =	stream.indirect.gather [hbm4b:s5+s22], $0x40, s0, s22, $0xb8;
	[tilespmem:$0x13000] =	vst v63  }
0xa8: {  	s0 =	smov.u32 s20  }
0xa9: {  	p1 =	sne.s32 s20, $0x9800;
	s20 =	sadd.s32 $0x400, s20;
	_ =	swait.ge [sflag:s24], $0x2000  }
0xaa: {  	s0 =	sshra.s32 s0, $0x2;
	[sflag:s24] =	ssyncset.done $0x0  }
0xab: {  	s3 =	sadd.s32 $0x2800, s0;
	[sflag:s24] =	ssyncadd.s32 $0xFFFFE000  }
0xac: {  	[spmem:s2] =	stream.indirect.scatter.add.f32 [tilespmem:s21], [sflag:$0x3], $0x40, s3, s22, $0xb8;
	[tilespmem:$0x13000] =	vst v63  }
0xad: {  	_ =	swait.ge [sflag:s19], $0x2000  }
0xae: {  	[sflag:s19] =	ssyncset.done $0x0  }
0xaf: {  	s3 =	sadd.s32 $0x100, s0;
	[sflag:s19] =	ssyncadd.s32 $0xFFFFE000  }
0xb0: {  	[tilespmem:s21], [sflag:$0x1] =	stream.indirect.gather [hbm4b:s5+s22], $0x40, s3, s22, $0xb8;
	[tilespmem:$0x13000] =	vst v63  }
0xb1: {  	_ =	swait.ge [sflag:s25], $0x2000  }
0xb2: {  	[sflag:s25] =	ssyncset.done $0x0  }
.Ltmp3:
0xb3: {  	s3 =	sadd.s32 $0x2880, s0;
	[sflag:s25] =	ssyncadd.s32 $0xFFFFE000;
	(pc) =	sbr.rel @p1 .LBB2_8-.Ltmp3, $4  }
0xb4: {  	[spmem:s2] =	stream.indirect.scatter.add.f32 [tilespmem:s23], [sflag:$0x3], $0x40, s3, s22, $0xb8;
	[tilespmem:$0x13000] =	vst v63  }
0xb5: {  	_ =	swait.ge [sflag:s19], $0x2000  }
0xb6: {  	[sflag:s19] =	ssyncset.done $0x0  }
0xb7: {  	s0 =	sadd.s32 $0x180, s0;
	[sflag:s19] =	ssyncadd.s32 $0xFFFFE000  }
0xb8: {  	[tilespmem:s23], [sflag:$0x2] =	stream.indirect.gather [hbm4b:s5+s22], $0x40, s0, s22, $0xb8;
	[tilespmem:$0x13000] =	vst v63  }
0xb9: {  	_ =	swait.ge [sflag:s24], $0x2000  }
0xba: {  	[sflag:s24] =	ssyncset.done $0x0  }
0xbb: {  	[sflag:s24] =	ssyncadd.s32 $0xFFFFE000  }
0xbc: {  	[spmem:s2] =	stream.indirect.scatter.add.f32 [tilespmem:s21], [sflag:$0x3], $0x40, s26, s22, $0xb8;
	[tilespmem:$0x13000] =	vst v63  }
0xbd: {  	_ =	swait.ge [sflag:s19], $0x2000  }
0xbe: {  	[sflag:s19] =	ssyncset.done $0x0  }
0xbf: {  	[sflag:s19] =	ssyncadd.s32 $0xFFFFE000  }
0xc0: {  	_ =	swait.ge [sflag:s25], $0x2000  }
0xc1: {  	[sflag:s25] =	ssyncset.done $0x0  }
0xc2: {  	[sflag:s25] =	ssyncadd.s32 $0xFFFFE000  }
0xc3: {  	[spmem:s2] =	stream.indirect.scatter.add.f32 [tilespmem:s23], [sflag:$0x3], $0x40, s28, s22, $0xb8;
	[tilespmem:$0x13000] =	vst v63  }
0xc4: {  	_ =	swait.ge [sflag:s19], $0x2000  }
0xc5: {  	[sflag:s19] =	ssyncset.done $0x0  }
0xc6: {  	[sflag:s19] =	ssyncadd.s32 $0xFFFFE000  }
0xc7: {  	s0 =	sadd.s32 @p0 $0x12480, s13;
	s3 =	simm.s32 @p0 $0x1FC3;
	[bflag:$0x0] =	sbarrier.arrive $0xFFFF  }
0xc8: {  	[hbm:s0], [sflag:s3] =	dma.local @p0 [spmem:s30], $0x1400  }
0xc9: {  	s0 =	simm.s32 @p0 $0x3  }
0xca: {  	_ =	swait.ge @p0 [sflag:s0], $0x1400  }
0xcb: {  	[sflag:s0] =	ssyncset.done @p0 $0x0  }
0xcc: {  	s29 =	sadd.s32 $0x1, s29;
	[sflag:s0] =	ssyncadd.s32 @p0 $0xFFFFEC00;
	s0 =	sadd.s32 @!p0 s10, s13  }
0xcd: {  	[hbm:s0], [sflag:s31] =	dma.local @!p0 [spmem:s1], $0x1380  }
0xce: {  	p1 =	sne.s32 s29, s14;
	s0 =	simm.s32 @!p0 $0x3  }
.Ltmp4:
0xcf: {  	_ =	swait.ge @!p0 [sflag:s0], $0x1380;
	(pc) =	sbr.rel @p1 .LBB2_1-.Ltmp4, $3  }
0xd0: {  	[sflag:s0] =	ssyncset.done @!p0 $0x0  }
0xd1: {  	[sflag:s0] =	ssyncadd.s32 @!p0 $0xFFFFEC80  }
0xd2: {  	[bflag:$0x0] =	sbarrier.arrive $0xFFFF;
	_ =	sdelay $0x1  }
0xd3: {  	_ =	sfence.sel $0x180000  }
0xd4: {  	[bflag:$0x0] =	sbarrier.arrive $0xFFFF  }
0xd5: {  	_ =	strace $0x9000004A  }
0xd6: {  	s0 =	stileid.u32;
	[bflag:$0x2] =	sbarrier.arrive $0xFFFF  }
0xd7: {  	p0 =	sne.s32 s0, $0x0;
	s0 =	rddreg [dreg:$0x3]  }
0xd8: {  	s0 =	sadd.s32 @!p0 $0x100000, s0  }
0xd9: {  	[sflag:s0] =	ssyncadd.tile.s32 @!p0 $0x1;
	_ =	shalt  }
.Lfunc_end2:
_tile_overlayer_lowered:
.L_overlay_start_2:
0xda: {  	(tag) =	ssettag $0x2  }
0xdb: {  	s0 =	rddreg [dreg:$0x0];
	s2 =	stileid.u32  }
0xdc: {  	s1 =	rddreg [dreg:$0x1];
	p0 =	sne.s32 s2, $0x0  }
0xdd: {  	s3 =	rddreg [dreg:$0x2];
	[bflag:$0x3] =	sbarrier.arrive $0xFFFF;
	s2 =	simm.s32 @!p0 $0x1C03  }
0xde: {  	[timem:s3], [sflag:s2] =	dma.local @!p0 [hbm:s0], s1  }
0xdf: {  	s0 =	simm.s32 @!p0 $0x3  }
0xe0: {  	_ =	swait.ge @!p0 [sflag:s0], s1  }
0xe1: {  	s1 =	ssub.s32 @!p0 $0x0, s1;
	[sflag:s0] =	ssyncset.done @!p0 $0x0  }
0xe2: {  	[sflag:s0] =	ssyncadd.s32 @!p0 s1  }
0xe3: {  	[bflag:$0x3] =	sbarrier.arrive $0xFFFF  }
0xe4: {  	_ =	shalt  }

// kernel: kernel.14.cloned.1.call-start
scs
__scs_entry_jumppad:
0x0: {  	(pc) =	sbr.rel $0x88, $3  }
0x1: {  	(tag) =	ssettag $0x0;
	lr =	simm.s32 $0x1  }
0x2: {  	[smem:$0x3F9B] =	sst lr;
	_ =	strace $0xD0000000  }
0x3: {  	_ = 	snop  }
0x4: {  	_ = 	snop  }
0x5: {  	_ = 	snop  }
0x6: {  	_ = 	snop  }
0x7: {  	_ = 	snop  }
__scs_overlays_trampoline_lowered:
0x8: {  	[smem:$0x3FAA] =	sst s0  }
0x9: {  	[smem:$0x3FAB] =	sst s1  }
0xa: {  	[smem:$0x3FAC] =	sst s2  }
0xb: {  	[smem:$0x3FAD] =	sst s3  }
0xc: {  	[smem:$0x3FAE] =	sst s4  }
0xd: {  	[smem:$0x3FAF] =	sst s5  }
0xe: {  	[smem:$0x3FB0] =	sst s6  }
0xf: {  	[smem:$0x3FB1] =	sst s7  }
0x10: {  	[smem:$0x3FB2] =	sst s8  }
0x11: {  	[smem:$0x3FB3] =	sst s9;
	s0 =	simm.s32 @!p0 $0x0  }
0x12: {  	s1 =	sld [smem:$0x3F99];
	s0 =	simm.s32 @p0 $0x1  }
0x13: {  	[smem:$0x3FB4] =	sst s0;
	s0 =	simm.s32 @!p1 $0x0  }
0x14: {  	s2 =	sld [smem:$0x3F98];
	s0 =	simm.s32 @p1 $0x1  }
0x15: {  	[smem:$0x3FB5] =	sst s0;
	s0 =	simm.s32 @!p2 $0x0  }
0x16: {  	s3 =	sld [smem:$0x3FDB];
	s0 =	simm.s32 @p2 $0x1  }
0x17: {  	s4 =	simm.s32 $0x1BF5;
	[smem:$0x3FB7] =	sst s0  }
0x18: {  	s0 =	sld [smem:$0x3F9A];
	_ =	swait.ge [sflag:s4], $0x0  }
0x19: {  	s7 =	sld [smem:$0x3F9B]  }
0x1a: {  	s8 =	sadd.s32 $0xFFFFE003, lr  }
0x1b: {  	s9 =	sadd.s32 $0xFFFFFEF7, lr;
	s5 =	simm.s32 $0xFFFFFFFF;
	p2 =	slt.u32 s8, $0xFFFFF086  }
0x1c: {  	p1 =	slt.u32 s9, $0xF7A;
	s5 =	simm.s32 @!p2 $0x0  }
0x1d: {  	s5 =	simm.s32 @p1 $0x1;
	p0 =	seq.s32 s7, s2  }
0x1e: {  	s7 =	smul.u32 @!p0 $0xF7A, s2;
	p2 =	seq.s32 @!p0 s5, $0x0  }
0x1f: {  	s9 =	smul.u32 $0xF7A, s1;
	s8 =	simm.s32 @!p0 $0x1BF5;
	p2 =	por !p2, p0  }
0x20: {  	[sflag:s8] =	ssyncset.s32 @!p0 $0xFFFFF086;
	s6 =	sadd.s32 @!p0 s3, s7;
	s7 =	simm.s32 @!p0 $0x108  }
0x21: {  	s3 =	sadd.s32 s3, s9;
	s6 =	sadd.s32 @!p0 $0x88, s6;
	s7 =	simm.s32 @p2 $0x1082  }
0x22: {  	[simem:s7], [sflag:s8] =	dma.local @!p0 [hbm:s6], $0xF7A  }
0x23: {  	s9 =	sor.u32 $0xD0000000, s2;
	s6 =	simm.s32 $0x108;
	_ =	swait.ge @!p0 [sflag:s8], $0x0  }
0x24: {  	s3 =	sadd.s32 $0x88, s3;
	s6 =	simm.s32 @!p1 $0x1082;
	[sflag:s4] =	ssyncset.s32 $0xFFFFF086  }
0x25: {  	[simem:s6], [sflag:s4] =	dma.local [hbm:s3], $0xF7A  }
0x26: {  	[smem:$0x3F9B] =	sst s1;
	(tag) =	ssettag s2;
	_ =	strace s9  }
0x27: {  	s1 =	sld [smem:$0x3FAB]  }
0x28: {  	s2 =	sld [smem:$0x3FAC]  }
0x29: {  	s4 =	sld [smem:$0x3FAE]  }
0x2a: {  	p0 =	seq.s32 s5, $0x0;
	s5 =	sld [smem:$0x3FAF]  }
0x2b: {  	s6 =	sld [smem:$0x3FB0]  }
0x2c: {  	s7 =	sld [smem:$0x3FB1]  }
0x2d: {  	s3 =	simm.s32 $0x108;
	s8 =	sld [smem:$0x3FB2]  }
0x2e: {  	s3 =	simm.s32 @!p0 $0x1082;
	s9 =	sld [smem:$0x3FB3]  }
0x2f: {  	lr =	sadd.s32 s0, s3;
	s0 =	sld [smem:$0x3FAA]  }
0x30: {  	s3 =	sld [smem:$0x3FAD]  }
0x31: {  	[smem:$0x3FB6] =	sst s10  }
0x32: {  	s10 =	sld [smem:$0x3FB4];
	_ =	sdelay $0x3  }
0x33: {  	p0 =	seq.s32 s10, $0x1;
	s10 =	sld [smem:$0x3FB6];
	_ =	sdelay $0x3  }
0x34: {  	[smem:$0x3FB6] =	sst s10  }
0x35: {  	s10 =	sld [smem:$0x3FB5];
	_ =	sdelay $0x3  }
0x36: {  	p1 =	seq.s32 s10, $0x1;
	s10 =	sld [smem:$0x3FB6];
	_ =	sdelay $0x3  }
0x37: {  	[smem:$0x3FB6] =	sst s10  }
0x38: {  	s10 =	sld [smem:$0x3FB7]  }
0x39: {  	_ = 	snop;
	(pc) =	sbr.ind lr, $3  }
0x3a: {  	_ = 	snop  }
0x3b: {  	_ = 	snop  }
0x3c: {  	p2 =	seq.s32 s10, $0x1;
	s10 =	sld [smem:$0x3FB6]  }
0x3d: {  	_ =	shalt  }
0x3e: {  	_ =	shalt  }
0x3f: {  	_ =	shalt  }
0x40: {  	_ =	shalt  }
0x41: {  	_ =	shalt  }
0x42: {  	_ =	shalt  }
0x43: {  	_ =	shalt  }
0x44: {  	_ =	shalt  }
0x45: {  	_ =	shalt  }
0x46: {  	_ =	shalt  }
0x47: {  	_ =	shalt  }
0x48: {  	_ =	shalt  }
0x49: {  	_ =	shalt  }
0x4a: {  	_ =	shalt  }
0x4b: {  	_ =	shalt  }
0x4c: {  	_ =	shalt  }
0x4d: {  	_ =	shalt  }
0x4e: {  	_ =	shalt  }
0x4f: {  	_ =	shalt  }
0x50: {  	_ =	shalt  }
0x51: {  	_ =	shalt  }
0x52: {  	_ =	shalt  }
0x53: {  	_ =	shalt  }
0x54: {  	_ =	shalt  }
0x55: {  	_ =	shalt  }
0x56: {  	_ =	shalt  }
0x57: {  	_ =	shalt  }
0x58: {  	_ =	shalt  }
0x59: {  	_ =	shalt  }
0x5a: {  	_ =	shalt  }
0x5b: {  	_ =	shalt  }
0x5c: {  	_ =	shalt  }
0x5d: {  	_ =	shalt  }
0x5e: {  	_ =	shalt  }
0x5f: {  	_ =	shalt  }
0x60: {  	_ =	shalt  }
0x61: {  	_ =	shalt  }
0x62: {  	_ =	shalt  }
0x63: {  	_ =	shalt  }
0x64: {  	_ =	shalt  }
0x65: {  	_ =	shalt  }
0x66: {  	_ =	shalt  }
0x67: {  	_ =	shalt  }
0x68: {  	_ =	shalt  }
0x69: {  	_ =	shalt  }
0x6a: {  	_ =	shalt  }
0x6b: {  	_ =	shalt  }
0x6c: {  	_ =	shalt  }
0x6d: {  	_ =	shalt  }
0x6e: {  	_ =	shalt  }
0x6f: {  	_ =	shalt  }
0x70: {  	_ =	shalt  }
0x71: {  	_ =	shalt  }
0x72: {  	_ =	shalt  }
0x73: {  	_ =	shalt  }
0x74: {  	_ =	shalt  }
0x75: {  	_ =	shalt  }
0x76: {  	_ =	shalt  }
0x77: {  	_ =	shalt  }
0x78: {  	_ =	shalt  }
0x79: {  	_ =	shalt  }
0x7a: {  	_ =	shalt  }
0x7b: {  	_ =	shalt  }
0x7c: {  	_ =	shalt  }
0x7d: {  	_ =	shalt  }
0x7e: {  	_ =	shalt  }
0x7f: {  	_ =	shalt  }
0x80: {  	_ =	shalt  }
0x81: {  	_ =	shalt  }
0x82: {  	_ =	shalt  }
0x83: {  	_ =	shalt  }
0x84: {  	_ =	shalt  }
0x85: {  	_ =	shalt  }
0x86: {  	_ =	shalt  }
0x87: {  	_ =	shalt  }
.Lfunc_end0:
.L_simem_size_0:
called_computation.2_lowered:
.L_overlay_start_0:
0x88: {  	s2 =	sld [smem:$0x3FD9]  }
0x89: {  	s3 =	sld [smem:$0x3FFE];
	_ =	sdelay $0x1  }
0x8a: {  	s1 =	srdreg.scid  }
0x8b: {  	s0 =	sand.u32 $0x1, s1  }
0x8c: {  	s17 =	sshll.u32 s0, $0xA;
	s2 =	sadd.s32 s3, s2  }
0x8d: {  	s2 =	sadd.s32 s2, s17  }
0x8e: {  	[smem:$0x3FC2] =	sst s2  }
0x8f: {  	_ = 	snop  }
0x90: {  	s2 =	sld [smem:$0x3FD0];
	(tm) =	ssettm $0x1  }
0x91: {  	s18 =	sld [smem:$0x3FFB];
	_ =	sdelay $0x3  }
0x92: {  	_ =	strace s18  }
0x93: {  	s3 =	sld [smem:$0x3FFC];
	_ =	sdelay $0x3  }
0x94: {  	_ =	strace s3  }
0x95: {  	s3 =	sld [smem:$0x3FFD];
	_ =	sdelay $0x3  }
0x96: {  	_ =	strace s3  }
0x97: {  	_ =	strace $0x8FFFFFFF  }
0x98: {  	s19 =	sld [smem:$0x3FDB];
	_ =	sdelay $0x1  }
0x99: {  	s4 =	simm.s32 $_scs_section_size  }
0x9a: {  	s5 =	simm.s32 $_size__tile_overlayer_lowered;
	s6 =	simm.s32 $_tile_overlayer_lowered  }
0x9b: {  	s22 =	simm.s32 $0x1BFF;
	s21 =	sshll.u32 s6, $0x1;
	s3 =	sadd.s32 s4, s19  }
0x9c: {  	s7 =	simm.s32 $0x0;
	s20 =	sshll.u32 s5, $0x1;
	s5 =	sadd.s32 s21, s3  }
0x9d: {  	[timem:s7], [sflag:s22] =	dma.local [hbm:s5], s20  }
0x9e: {  	_ =	swait.ge [sflag:s22], s20  }
0x9f: {  	s4 =	ssub.s32 $0x0, s20;
	[sflag:s22] =	ssyncset.done $0x0  }
0xa0: {  	[sflag:s22] =	ssyncadd.s32 s4;
	_ =	sdelay $0x1  }
0xa1: {  	s23 =	simm.s32 $0x1B8B  }
0xa2: {  	_ =	swait.ge [sflag:s23], $0x1  }
0xa3: {  	[sflag:s23] =	ssyncset.done $0x0  }
0xa4: {  	s25 =	simm.s32 $0x1B8E;
	s24 =	sld [smem:$0x3FFE];
	[sflag:s23] =	ssyncadd.s32 $0xFFFFFFFF  }
0xa5: {  	s26 =	simm.s32 $execute0_lowered;
	[smem:$0x3FD2] =	sst s25  }
0xa6: {  	s5 =	sshll.u32 s26, $0x1;
	_ =	strace $0x8000004C;
	[dreg:$0x1] =	wrdreg $0xFFFFFFFF  }
0xa7: {  	s28 =	simm.s32 $_size_execute0_lowered;
	s3 =	sadd.s32 s3, s5;
	[dreg:$0x0] =	wrdreg $0x0  }
0xa8: {  	s5 =	sshll.u32 s28, $0x1;
	[dreg:$0x2] =	wrdreg s3  }
0xa9: {  	[dreg:$0x3] =	wrdreg s5  }
0xaa: {  	[dreg:$0x4] =	wrdreg $0xC0  }
0xab: {  	_ =	task [dreg:s7], $0x5FFFF  }
0xac: {  	[dreg:$0x1] =	wrdreg $0xFFFFFFFF  }
0xad: {  	[dreg:$0x0] =	wrdreg $0x60  }
0xae: {  	[dreg:$0x2] =	wrdreg s24  }
0xaf: {  	[dreg:$0x3] =	wrdreg s2  }
0xb0: {  	[dreg:$0x4] =	wrdreg $0x90000  }
0xb1: {  	[dreg:$0x5] =	wrdreg $0x9  }
0xb2: {  	_ =	task.clear_ibuf [dreg:s7], $0x6FFFF;
	_ =	strace $0x9000004C  }
0xb3: {  	s29 =	simm.s32 $0x9;
	_ =	strace $0x8000004E  }
0xb4: {  	_ =	swait.ge [sflag:s29], $0x1  }
0xb5: {  	[sflag:s29] =	ssyncadd.s32 $0xFFFFFFFF  }
0xb6: {  	_ =	strace $0x9000004E  }
0xb7: {  	_ =	sfence  }
0xb8: {  	s30 =	sld [smem:$0x0];
	_ =	sdelay $0x2  }
0xb9: {  	s31 =	sshll.u32 s1, $0xD;
	s1 =	sshrl.u32 s1, $0x2  }
0xba: {  	s3 =	sand.u32 $0x4000, s31;
	s1 =	sadd.s32 s1, s30  }
0xbb: {  	s0 =	sor.u32 s3, s0;
	s1 =	sshll.u32 s1, $0x11  }
0xbc: {  	s0 =	sor.u32 s1, s0  }
0xbd: {  	s0 =	sadd.s32 $0x8F2B, s0  }
0xbe: {  	[sflag:s0] =	ssyncadd.remote.s32 $0x1  }
0xbf: {  	_ =	sfence.sel $0xFFFF  }
0xc0: {  	[dreg:$0x0] =	wrdreg $0xFFFFFFFF;
	(pc) =	sbr.abs _section_cstart, $3  }
0xc1: {  	[dreg:$0x1] =	wrdreg $0xFFFFFFFF  }
0xc2: {  	_ =	task.clear_ibuf [dreg:s7], $0x2FFFF;
	_ =	strace $0x9FFFFFFF  }
0xc3: {  	(tm) =	ssettm $0x7FFFFFFF  }
tec
execute0_lowered:
.L_overlay_start_1:
0x0: {  	(tag) =	ssettag $0x1  }
0x1: {  	s0 =	rddreg [dreg:$0x0]  }
0x2: {  	s1 =	srdreg.scid;
	s3 =	rddreg [dreg:$0x1]  }
0x3: {  	s2 =	rddreg [dreg:$0x2];
	s14 =	stileid.u32;
	s5 =	simm.s32 $0x0  }
0x4: {  	s28 =	simm.s32 $0x7000;
	s29 =	simm.s32 $0x1;
	s30 =	simm.s32 $0x2  }
0x5: {  	s31 =	simm.s32 $0x4F00;
	s1 =	sand.u32 $0x1, s1;
	[smem:$0x7FF] =	sst s5  }
0x6: {  	s5 =	sadd.s32 $0x5B800, s0;
	s6 =	sadd.s32 $0x6F200, s0;
	s11 =	smul.u32 $0x28000, s14  }
0x7: {  	s7 =	sadd.s32 $0x82C00, s0;
	s13 =	smul.u32 $0x9C00, s14;
	s26 =	sadd.s32 $0x92400, s2  }
0x8: {  	p0 =	seq.s32 s14, $0xF;
	s4 =	sshll.u32 s1, $0x4;
	_ =	strace $0x8000004D  }
0x9: {  	s9 =	smul.u32 $0x13880, s1;
	s1 =	ssub.s32 $0x2, s1;
	[dreg:$0x7] =	wrdreg s26  }
0xa: {  	s26 =	simm.s32 $0x80;
	s4 =	sor.u32 s14, s4;
	s10 =	sshrl.u32 s1, $0x1  }
0xb: {  	s24 =	sshrl.u32 s11, $0x2;
	s12 =	sshrl.u32 s13, $0x3;
	s25 =	sadd.s32 s13, s2  }
0xc: {  	s4 =	smul.u32 $0x500, s4;
	s1 =	ssub.s32 s1, s10;
	s10 =	sadd.s32 s24, s2  }
0xd: {  	s11 =	sadd.s32 s3, s9;
	[dreg:$0x6] =	wrdreg s25;
	s25 =	simm.s32 $0x5000  }
0xe: {  	s24 =	simm.s32 $0x0;
	s18 =	smax.u32 s1, $0x1;
	s19 =	sadd.s32 $0x2000, s10  }
0xf: {  	s20 =	sadd.s32 $0x4000, s10;
	s21 =	sadd.s32 $0x6000, s10;
	s22 =	sadd.s32 $0x8000, s10  }
0x10: {  	s8 =	sadd.s32 s4, s0;
	s4 =	sadd.s32 $0x47E00, s0;
	s0 =	sadd.s32 s9, s0  }
0x11: {  	s23 =	sadd.s32 $0x16C00, s8;
	s8 =	sadd.s32 $0x2E00, s8;
	s15 =	sadd.s32 $0x96600, s0  }
0x12: {  	s16 =	sadd.s32 $0xBD800, s0;
	s17 =	sadd.s32 $0xE4A00, s0;
	[dreg:$0x4] =	wrdreg s23  }
0x13: {  	v0 =	vimm.f32 $0.0e+00;
	s0 =	simm.s32 $0x4F80;
	[dreg:$0x5] =	wrdreg s8;
	s23 =	simm.s32 $0x3  }
.LBB2_1:
0x14: {  	s1 =	simm.s32 $0x0;
	s3 =	rddreg [dreg:$0x4]  }
0x15: {  	[tilespmem:s1], [sflag:$0x3] =	stream.linear.gather [hbm4b:s3+s1], $0x2800, $0x38;
	[tilespmem:$0x13000] =	vst v63  }
0x16: {  	_ =	swait.ge [sflag:s23], $0x2800  }
0x17: {  	[sflag:s23] =	ssyncset.done $0x0  }
0x18: {  	s8 =	simm.s32 $0x2800;
	s14 =	rddreg [dreg:$0x5];
	[sflag:s23] =	ssyncadd.s32 $0xFFFFD800  }
0x19: {  	[tilespmem:s8], [sflag:$0x3] =	stream.linear.gather [hbm4b:s14+s1], $0x2800, $0x38;
	[tilespmem:$0x13000] =	vst v63  }
0x1a: {  	_ =	swait.ge [sflag:s23], $0x2800  }
0x1b: {  	[sflag:s23] =	ssyncset.done $0x0  }
0x1c: {  	s3 =	simm.s32 $0x100;
	s1 =	simm.s32 $0x0;
	[sflag:s23] =	ssyncadd.s32 $0xFFFFD800  }
.LBB2_2:
0x1d: {  	p1 =	sne.s32 s3, $0x7F00;
	[tilespmem:s1+$0x5030] =	vst v0;
	s8 =	smov.u32 s3;
	s3 =	sadd.s32 $0x100, s3  }
.Ltmp0:
0x1e: {  	[tilespmem:s1+$0x5020] =	vst v0;
	(pc) =	sbr.rel @p1 .LBB2_2-.Ltmp0, $3  }
0x1f: {  	[tilespmem:s1+$0x5000] =	vst v0  }
0x20: {  	[tilespmem:s1+$0x5010] =	vst v0;
	_ =	sdelay $0x1  }
0x21: {  	s1 =	sshra.s32 s8, $0x2  }
0x22: {  	[tilespmem:s1+$0x5030] =	vst v0  }
0x23: {  	[tilespmem:s1+$0x5020] =	vst v0  }
0x24: {  	[tilespmem:s1+$0x5000] =	vst v0  }
0x25: {  	[tilespmem:s1+$0x5010] =	vst v0  }
0x26: {  	[spmem:s10] =	stream.linear.scatter [tilespmem:s25], [sflag:$0x3], $0x2000, $0x38;
	[tilespmem:$0x13000] =	vst v63  }
0x27: {  	_ =	swait.ge [sflag:s23], $0x2000  }
0x28: {  	[sflag:s23] =	ssyncset.done $0x0  }
0x29: {  	[sflag:s23] =	ssyncadd.s32 $0xFFFFE000  }
0x2a: {  	[spmem:s19] =	stream.linear.scatter [tilespmem:s25], [sflag:$0x3], $0x2000, $0x38;
	[tilespmem:$0x13000] =	vst v63  }
0x2b: {  	_ =	swait.ge [sflag:s23], $0x2000  }
0x2c: {  	[sflag:s23] =	ssyncset.done $0x0  }
0x2d: {  	[sflag:s23] =	ssyncadd.s32 $0xFFFFE000  }
0x2e: {  	[spmem:s20] =	stream.linear.scatter [tilespmem:s25], [sflag:$0x3], $0x2000, $0x38;
	[tilespmem:$0x13000] =	vst v63  }
0x2f: {  	_ =	swait.ge [sflag:s23], $0x2000  }
0x30: {  	[sflag:s23] =	ssyncset.done $0x0  }
0x31: {  	[sflag:s23] =	ssyncadd.s32 $0xFFFFE000  }
0x32: {  	[spmem:s21] =	stream.linear.scatter [tilespmem:s25], [sflag:$0x3], $0x2000, $0x38;
	[tilespmem:$0x13000] =	vst v63  }
0x33: {  	_ =	swait.ge [sflag:s23], $0x2000  }
0x34: {  	[sflag:s23] =	ssyncset.done $0x0  }
0x35: {  	[sflag:s23] =	ssyncadd.s32 $0xFFFFE000  }
0x36: {  	[spmem:s22] =	stream.linear.scatter [tilespmem:s25], [sflag:$0x3], $0x2000, $0x38;
	[tilespmem:$0x13000] =	vst v63  }
0x37: {  	_ =	swait.ge [sflag:s23], $0x2000  }
0x38: {  	[sflag:s23] =	ssyncset.done $0x0  }
0x39: {  	[sflag:s23] =	ssyncadd.s32 $0xFFFFE000  }
0x3a: {  	s8 =	simm.s32 $0x0;
	[bflag:$0x0] =	sbarrier.arrive $0xFFFF  }
0x3b: {  	[tilespmem:s25], [sflag:$0x1] =	stream.indirect.gather [hbm4b:s4+s26], $0x40, s8, s26, $0xb8;
	[tilespmem:$0x13000] =	vst v63  }
0x3c: {  	_ = 	snop  }
0x3d: {  	[tilespmem:s28], [sflag:$0x2] =	stream.indirect.gather [hbm4b:s4+s26], $0x40, s26, s26, $0xb8;
	[tilespmem:$0x13000] =	vst v63  }
0x3e: {  	_ =	swait.ge [sflag:s29], $0x2000  }
0x3f: {  	[sflag:s29] =	ssyncset.done $0x0  }
0x40: {  	s9 =	simm.s32 $0x2800;
	[sflag:s29] =	ssyncadd.s32 $0xFFFFE000  }
0x41: {  	[spmem:s2] =	stream.indirect.scatter.add.f32 [tilespmem:s25], [sflag:$0x3], $0x40, s9, s26, $0xb8;
	[tilespmem:$0x13000] =	vst v63  }
0x42: {  	_ =	swait.ge [sflag:s23], $0x2000  }
0x43: {  	[sflag:s23] =	ssyncset.done $0x0  }
0x44: {  	s13 =	simm.s32 $0x100;
	[sflag:s23] =	ssyncadd.s32 $0xFFFFE000  }
0x45: {  	[tilespmem:s25], [sflag:$0x1] =	stream.indirect.gather [hbm4b:s4+s26], $0x40, s13, s26, $0xb8;
	[tilespmem:$0x13000] =	vst v63  }
0x46: {  	_ =	swait.ge [sflag:s30], $0x2000  }
0x47: {  	[sflag:s30] =	ssyncset.done $0x0  }
0x48: {  	s14 =	simm.s32 $0x2880;
	[sflag:s30] =	ssyncadd.s32 $0xFFFFE000  }
0x49: {  	[spmem:s2] =	stream.indirect.scatter.add.f32 [tilespmem:s28], [sflag:$0x3], $0x40, s14, s26, $0xb8;
	[tilespmem:$0x13000] =	vst v63  }
0x4a: {  	_ =	swait.ge [sflag:s23], $0x2000  }
0x4b: {  	[sflag:s23] =	ssyncset.done $0x0  }
0x4c: {  	s1 =	simm.s32 $0x400;
	s3 =	simm.s32 $0x180;
	[sflag:s23] =	ssyncadd.s32 $0xFFFFE000  }
.LBB2_4:
0x4d: {  	[tilespmem:s28], [sflag:$0x2] =	stream.indirect.gather [hbm4b:s4+s26], $0x40, s3, s26, $0xb8;
	[tilespmem:$0x13000] =	vst v63  }
0x4e: {  	s3 =	smov.u32 s1  }
0x4f: {  	p1 =	sne.s32 s1, $0x9800;
	s1 =	sadd.s32 $0x400, s1;
	_ =	swait.ge [sflag:s29], $0x2000  }
0x50: {  	s3 =	sshra.s32 s3, $0x2;
	[sflag:s29] =	ssyncset.done $0x0  }
0x51: {  	s8 =	sadd.s32 $0x2800, s3;
	[sflag:s29] =	ssyncadd.s32 $0xFFFFE000  }
0x52: {  	[spmem:s2] =	stream.indirect.scatter.add.f32 [tilespmem:s25], [sflag:$0x3], $0x40, s8, s26, $0xb8;
	[tilespmem:$0x13000] =	vst v63  }
0x53: {  	_ =	swait.ge [sflag:s23], $0x2000  }
0x54: {  	[sflag:s23] =	ssyncset.done $0x0  }
0x55: {  	s8 =	sadd.s32 $0x100, s3;
	[sflag:s23] =	ssyncadd.s32 $0xFFFFE000  }
0x56: {  	[tilespmem:s25], [sflag:$0x1] =	stream.indirect.gather [hbm4b:s4+s26], $0x40, s8, s26, $0xb8;
	[tilespmem:$0x13000] =	vst v63  }
0x57: {  	_ =	swait.ge [sflag:s30], $0x2000  }
0x58: {  	[sflag:s30] =	ssyncset.done $0x0  }
.Ltmp1:
0x59: {  	s8 =	sadd.s32 $0x2880, s3;
	[sflag:s30] =	ssyncadd.s32 $0xFFFFE000;
	(pc) =	sbr.rel @p1 .LBB2_4-.Ltmp1, $4  }
0x5a: {  	[spmem:s2] =	stream.indirect.scatter.add.f32 [tilespmem:s28], [sflag:$0x3], $0x40, s8, s26, $0xb8;
	[tilespmem:$0x13000] =	vst v63  }
0x5b: {  	_ =	swait.ge [sflag:s23], $0x2000  }
0x5c: {  	[sflag:s23] =	ssyncset.done $0x0  }
0x5d: {  	s3 =	sadd.s32 $0x180, s3;
	[sflag:s23] =	ssyncadd.s32 $0xFFFFE000  }
0x5e: {  	[tilespmem:s28], [sflag:$0x2] =	stream.indirect.gather [hbm4b:s4+s26], $0x40, s3, s26, $0xb8;
	[tilespmem:$0x13000] =	vst v63  }
0x5f: {  	_ =	swait.ge [sflag:s29], $0x2000  }
0x60: {  	[sflag:s29] =	ssyncset.done $0x0  }
0x61: {  	[sflag:s29] =	ssyncadd.s32 $0xFFFFE000  }
0x62: {  	[spmem:s2] =	stream.indirect.scatter.add.f32 [tilespmem:s25], [sflag:$0x3], $0x40, s31, s26, $0xb8;
	[tilespmem:$0x13000] =	vst v63  }
0x63: {  	_ =	swait.ge [sflag:s23], $0x2000  }
0x64: {  	[sflag:s23] =	ssyncset.done $0x0  }
0x65: {  	[sflag:s23] =	ssyncadd.s32 $0xFFFFE000  }
0x66: {  	_ =	swait.ge [sflag:s30], $0x2000  }
0x67: {  	[sflag:s30] =	ssyncset.done $0x0  }
0x68: {  	[sflag:s30] =	ssyncadd.s32 $0xFFFFE000  }
0x69: {  	[spmem:s2] =	stream.indirect.scatter.add.f32 [tilespmem:s28], [sflag:$0x3], $0x40, s0, s26, $0xb8;
	[tilespmem:$0x13000] =	vst v63  }
0x6a: {  	_ =	swait.ge [sflag:s23], $0x2000  }
0x6b: {  	[sflag:s23] =	ssyncset.done $0x0  }
0x6c: {  	[sflag:s23] =	ssyncadd.s32 $0xFFFFE000  }
0x6d: {  	[bflag:$0x0] =	sbarrier.arrive $0xFFFF  }
0x6e: {  	s1 =	rddreg [dreg:$0x7]  }
0x6f: {  	s3 =	sadd.s32 @p0 $0x12480, s11;
	s8 =	simm.s32 @p0 $0x1FC3;
	s1 =	sshrl.u32 @p0 s1, $0x3  }
0x70: {  	[hbm:s3], [sflag:s8] =	dma.local @p0 [spmem:s1], $0x1400  }
0x71: {  	s3 =	simm.s32 @p0 $0x3  }
0x72: {  	_ =	swait.ge @p0 [sflag:s3], $0x1400  }
0x73: {  	[sflag:s3] =	ssyncset.done @p0 $0x0  }
0x74: {  	[sflag:s3] =	ssyncadd.s32 @p0 $0xFFFFEC00;
	s3 =	stileid.u32  }
0x75: {  	s8 =	rddreg [dreg:$0x6];
	s3 =	sshll.u32 @!p0 s3, $0x6  }
0x76: {  	s9 =	sadd.s32 @!p0 s12, s11;
	s8 =	sshrl.u32 @!p0 s8, $0x3;
	s3 =	sor.u32 @!p0 $0x1C03, s3  }
0x77: {  	[hbm:s9], [sflag:s3] =	dma.local @!p0 [spmem:s8], $0x1380  }
0x78: {  	s9 =	simm.s32 @!p0 $0x3  }
0x79: {  	_ =	swait.ge @!p0 [sflag:s9], $0x1380  }
0x7a: {  	[sflag:s9] =	ssyncset.done @!p0 $0x0  }
0x7b: {  	[sflag:s9] =	ssyncadd.s32 @!p0 $0xFFFFEC80  }
0x7c: {  	s13 =	simm.s32 $0x100;
	s9 =	simm.s32 $0x0;
	[bflag:$0x0] =	sbarrier.arrive $0xFFFF  }
.LBB2_6:
0x7d: {  	p1 =	sne.s32 s13, $0x7F00;
	[tilespmem:s9+$0x5030] =	vst v0;
	s14 =	smov.u32 s13;
	s13 =	sadd.s32 $0x100, s13  }
.Ltmp2:
0x7e: {  	[tilespmem:s9+$0x5020] =	vst v0;
	(pc) =	sbr.rel @p1 .LBB2_6-.Ltmp2, $3  }
0x7f: {  	[tilespmem:s9+$0x5000] =	vst v0  }
0x80: {  	[tilespmem:s9+$0x5010] =	vst v0;
	_ =	sdelay $0x1  }
0x81: {  	s9 =	sshra.s32 s14, $0x2  }
0x82: {  	[tilespmem:s9+$0x5030] =	vst v0  }
0x83: {  	[tilespmem:s9+$0x5020] =	vst v0  }
0x84: {  	[tilespmem:s9+$0x5000] =	vst v0  }
0x85: {  	[tilespmem:s9+$0x5010] =	vst v0  }
0x86: {  	[spmem:s10] =	stream.linear.scatter [tilespmem:s25], [sflag:$0x3], $0x2000, $0x38;
	[tilespmem:$0x13000] =	vst v63  }
0x87: {  	_ =	swait.ge [sflag:s23], $0x2000  }
0x88: {  	[sflag:s23] =	ssyncset.done $0x0  }
0x89: {  	[sflag:s23] =	ssyncadd.s32 $0xFFFFE000  }
0x8a: {  	[spmem:s19] =	stream.linear.scatter [tilespmem:s25], [sflag:$0x3], $0x2000, $0x38;
	[tilespmem:$0x13000] =	vst v63  }
0x8b: {  	_ =	swait.ge [sflag:s23], $0x2000  }
0x8c: {  	[sflag:s23] =	ssyncset.done $0x0  }
0x8d: {  	[sflag:s23] =	ssyncadd.s32 $0xFFFFE000  }
0x8e: {  	[spmem:s20] =	stream.linear.scatter [tilespmem:s25], [sflag:$0x3], $0x2000, $0x38;
	[tilespmem:$0x13000] =	vst v63  }
0x8f: {  	_ =	swait.ge [sflag:s23], $0x2000  }
0x90: {  	[sflag:s23] =	ssyncset.done $0x0  }
0x91: {  	[sflag:s23] =	ssyncadd.s32 $0xFFFFE000  }
0x92: {  	[spmem:s21] =	stream.linear.scatter [tilespmem:s25], [sflag:$0x3], $0x2000, $0x38;
	[tilespmem:$0x13000] =	vst v63  }
0x93: {  	_ =	swait.ge [sflag:s23], $0x2000  }
0x94: {  	[sflag:s23] =	ssyncset.done $0x0  }
0x95: {  	[sflag:s23] =	ssyncadd.s32 $0xFFFFE000  }
0x96: {  	[spmem:s22] =	stream.linear.scatter [tilespmem:s25], [sflag:$0x3], $0x2000, $0x38;
	[tilespmem:$0x13000] =	vst v63  }
0x97: {  	_ =	swait.ge [sflag:s23], $0x2000  }
0x98: {  	[sflag:s23] =	ssyncset.done $0x0  }
0x99: {  	[sflag:s23] =	ssyncadd.s32 $0xFFFFE000  }
0x9a: {  	s13 =	simm.s32 $0x0;
	[bflag:$0x0] =	sbarrier.arrive $0xFFFF  }
0x9b: {  	[tilespmem:s25], [sflag:$0x1] =	stream.indirect.gather [hbm4b:s5+s26], $0x40, s13, s26, $0xb8;
	[tilespmem:$0x13000] =	vst v63  }
0x9c: {  	_ = 	snop  }
0x9d: {  	[tilespmem:s28], [sflag:$0x2] =	stream.indirect.gather [hbm4b:s5+s26], $0x40, s26, s26, $0xb8;
	[tilespmem:$0x13000] =	vst v63  }
0x9e: {  	_ =	swait.ge [sflag:s29], $0x2000  }
0x9f: {  	[sflag:s29] =	ssyncset.done $0x0  }
0xa0: {  	s14 =	simm.s32 $0x2800;
	[sflag:s29] =	ssyncadd.s32 $0xFFFFE000  }
0xa1: {  	[spmem:s2] =	stream.indirect.scatter.add.f32 [tilespmem:s25], [sflag:$0x3], $0x40, s14, s26, $0xb8;
	[tilespmem:$0x13000] =	vst v63  }
0xa2: {  	_ =	swait.ge [sflag:s23], $0x2000  }
0xa3: {  	[sflag:s23] =	ssyncset.done $0x0  }
0xa4: {  	s13 =	simm.s32 $0x100;
	[sflag:s23] =	ssyncadd.s32 $0xFFFFE000  }
0xa5: {  	[tilespmem:s25], [sflag:$0x1] =	stream.indirect.gather [hbm4b:s5+s26], $0x40, s13, s26, $0xb8;
	[tilespmem:$0x13000] =	vst v63  }
0xa6: {  	_ =	swait.ge [sflag:s30], $0x2000  }
0xa7: {  	[sflag:s30] =	ssyncset.done $0x0  }
0xa8: {  	s14 =	simm.s32 $0x2880;
	[sflag:s30] =	ssyncadd.s32 $0xFFFFE000  }
0xa9: {  	[spmem:s2] =	stream.indirect.scatter.add.f32 [tilespmem:s28], [sflag:$0x3], $0x40, s14, s26, $0xb8;
	[tilespmem:$0x13000] =	vst v63  }
0xaa: {  	_ =	swait.ge [sflag:s23], $0x2000  }
0xab: {  	[sflag:s23] =	ssyncset.done $0x0  }
0xac: {  	s9 =	simm.s32 $0x400;
	s13 =	simm.s32 $0x180;
	[sflag:s23] =	ssyncadd.s32 $0xFFFFE000  }
.LBB2_8:
0xad: {  	[tilespmem:s28], [sflag:$0x2] =	stream.indirect.gather [hbm4b:s5+s26], $0x40, s13, s26, $0xb8;
	[tilespmem:$0x13000] =	vst v63  }
0xae: {  	s13 =	smov.u32 s9  }
0xaf: {  	p1 =	sne.s32 s9, $0x9800;
	s9 =	sadd.s32 $0x400, s9;
	_ =	swait.ge [sflag:s29], $0x2000  }
0xb0: {  	s13 =	sshra.s32 s13, $0x2;
	[sflag:s29] =	ssyncset.done $0x0  }
0xb1: {  	s14 =	sadd.s32 $0x2800, s13;
	[sflag:s29] =	ssyncadd.s32 $0xFFFFE000  }
0xb2: {  	[spmem:s2] =	stream.indirect.scatter.add.f32 [tilespmem:s25], [sflag:$0x3], $0x40, s14, s26, $0xb8;
	[tilespmem:$0x13000] =	vst v63  }
0xb3: {  	_ =	swait.ge [sflag:s23], $0x2000  }
0xb4: {  	[sflag:s23] =	ssyncset.done $0x0  }
0xb5: {  	s14 =	sadd.s32 $0x100, s13;
	[sflag:s23] =	ssyncadd.s32 $0xFFFFE000  }
0xb6: {  	[tilespmem:s25], [sflag:$0x1] =	stream.indirect.gather [hbm4b:s5+s26], $0x40, s14, s26, $0xb8;
	[tilespmem:$0x13000] =	vst v63  }
0xb7: {  	_ =	swait.ge [sflag:s30], $0x2000  }
0xb8: {  	[sflag:s30] =	ssyncset.done $0x0  }
.Ltmp3:
0xb9: {  	s14 =	sadd.s32 $0x2880, s13;
	[sflag:s30] =	ssyncadd.s32 $0xFFFFE000;
	(pc) =	sbr.rel @p1 .LBB2_8-.Ltmp3, $4  }
0xba: {  	[spmem:s2] =	stream.indirect.scatter.add.f32 [tilespmem:s28], [sflag:$0x3], $0x40, s14, s26, $0xb8;
	[tilespmem:$0x13000] =	vst v63  }
0xbb: {  	_ =	swait.ge [sflag:s23], $0x2000  }
0xbc: {  	[sflag:s23] =	ssyncset.done $0x0  }
0xbd: {  	s13 =	sadd.s32 $0x180, s13;
	[sflag:s23] =	ssyncadd.s32 $0xFFFFE000  }
0xbe: {  	[tilespmem:s28], [sflag:$0x2] =	stream.indirect.gather [hbm4b:s5+s26], $0x40, s13, s26, $0xb8;
	[tilespmem:$0x13000] =	vst v63  }
0xbf: {  	_ =	swait.ge [sflag:s29], $0x2000  }
0xc0: {  	[sflag:s29] =	ssyncset.done $0x0  }
0xc1: {  	[sflag:s29] =	ssyncadd.s32 $0xFFFFE000  }
0xc2: {  	[spmem:s2] =	stream.indirect.scatter.add.f32 [tilespmem:s25], [sflag:$0x3], $0x40, s31, s26, $0xb8;
	[tilespmem:$0x13000] =	vst v63  }
0xc3: {  	_ =	swait.ge [sflag:s23], $0x2000  }
0xc4: {  	[sflag:s23] =	ssyncset.done $0x0  }
0xc5: {  	[sflag:s23] =	ssyncadd.s32 $0xFFFFE000  }
0xc6: {  	_ =	swait.ge [sflag:s30], $0x2000  }
0xc7: {  	[sflag:s30] =	ssyncset.done $0x0  }
0xc8: {  	[sflag:s30] =	ssyncadd.s32 $0xFFFFE000  }
0xc9: {  	[spmem:s2] =	stream.indirect.scatter.add.f32 [tilespmem:s28], [sflag:$0x3], $0x40, s0, s26, $0xb8;
	[tilespmem:$0x13000] =	vst v63  }
0xca: {  	_ =	swait.ge [sflag:s23], $0x2000  }
0xcb: {  	[sflag:s23] =	ssyncset.done $0x0  }
0xcc: {  	[sflag:s23] =	ssyncadd.s32 $0xFFFFE000  }
0xcd: {  	s9 =	sadd.s32 @p0 $0x12480, s15;
	s13 =	simm.s32 @p0 $0x1FC3;
	[bflag:$0x0] =	sbarrier.arrive $0xFFFF  }
0xce: {  	[hbm:s9], [sflag:s13] =	dma.local @p0 [spmem:s1], $0x1400  }
0xcf: {  	s9 =	simm.s32 @p0 $0x3  }
0xd0: {  	_ =	swait.ge @p0 [sflag:s9], $0x1400  }
0xd1: {  	[sflag:s9] =	ssyncset.done @p0 $0x0  }
0xd2: {  	[sflag:s9] =	ssyncadd.s32 @p0 $0xFFFFEC00;
	s9 =	sadd.s32 @!p0 s12, s15  }
0xd3: {  	[hbm:s9], [sflag:s3] =	dma.local @!p0 [spmem:s8], $0x1380  }
0xd4: {  	s9 =	simm.s32 @!p0 $0x3  }
0xd5: {  	_ =	swait.ge @!p0 [sflag:s9], $0x1380  }
0xd6: {  	[sflag:s9] =	ssyncset.done @!p0 $0x0  }
0xd7: {  	[sflag:s9] =	ssyncadd.s32 @!p0 $0xFFFFEC80  }
0xd8: {  	s13 =	simm.s32 $0x100;
	s9 =	simm.s32 $0x0;
	[bflag:$0x0] =	sbarrier.arrive $0xFFFF  }
.LBB2_10:
0xd9: {  	p1 =	sne.s32 s13, $0x7F00;
	[tilespmem:s9+$0x5030] =	vst v0;
	s14 =	smov.u32 s13;
	s13 =	sadd.s32 $0x100, s13  }
.Ltmp4:
0xda: {  	[tilespmem:s9+$0x5020] =	vst v0;
	(pc) =	sbr.rel @p1 .LBB2_10-.Ltmp4, $3  }
0xdb: {  	[tilespmem:s9+$0x5000] =	vst v0  }
0xdc: {  	[tilespmem:s9+$0x5010] =	vst v0;
	_ =	sdelay $0x1  }
0xdd: {  	s9 =	sshra.s32 s14, $0x2  }
0xde: {  	[tilespmem:s9+$0x5030] =	vst v0  }
0xdf: {  	[tilespmem:s9+$0x5020] =	vst v0  }
0xe0: {  	[tilespmem:s9+$0x5000] =	vst v0  }
0xe1: {  	[tilespmem:s9+$0x5010] =	vst v0  }
0xe2: {  	[spmem:s10] =	stream.linear.scatter [tilespmem:s25], [sflag:$0x3], $0x2000, $0x38;
	[tilespmem:$0x13000] =	vst v63  }
0xe3: {  	_ =	swait.ge [sflag:s23], $0x2000  }
0xe4: {  	[sflag:s23] =	ssyncset.done $0x0  }
0xe5: {  	[sflag:s23] =	ssyncadd.s32 $0xFFFFE000  }
0xe6: {  	[spmem:s19] =	stream.linear.scatter [tilespmem:s25], [sflag:$0x3], $0x2000, $0x38;
	[tilespmem:$0x13000] =	vst v63  }
0xe7: {  	_ =	swait.ge [sflag:s23], $0x2000  }
0xe8: {  	[sflag:s23] =	ssyncset.done $0x0  }
0xe9: {  	[sflag:s23] =	ssyncadd.s32 $0xFFFFE000  }
0xea: {  	[spmem:s20] =	stream.linear.scatter [tilespmem:s25], [sflag:$0x3], $0x2000, $0x38;
	[tilespmem:$0x13000] =	vst v63  }
0xeb: {  	_ =	swait.ge [sflag:s23], $0x2000  }
0xec: {  	[sflag:s23] =	ssyncset.done $0x0  }
0xed: {  	[sflag:s23] =	ssyncadd.s32 $0xFFFFE000  }
0xee: {  	[spmem:s21] =	stream.linear.scatter [tilespmem:s25], [sflag:$0x3], $0x2000, $0x38;
	[tilespmem:$0x13000] =	vst v63  }
0xef: {  	_ =	swait.ge [sflag:s23], $0x2000  }
0xf0: {  	[sflag:s23] =	ssyncset.done $0x0  }
0xf1: {  	[sflag:s23] =	ssyncadd.s32 $0xFFFFE000  }
0xf2: {  	[spmem:s22] =	stream.linear.scatter [tilespmem:s25], [sflag:$0x3], $0x2000, $0x38;
	[tilespmem:$0x13000] =	vst v63  }
0xf3: {  	_ =	swait.ge [sflag:s23], $0x2000  }
0xf4: {  	[sflag:s23] =	ssyncset.done $0x0  }
0xf5: {  	[sflag:s23] =	ssyncadd.s32 $0xFFFFE000  }
0xf6: {  	s13 =	simm.s32 $0x0;
	[bflag:$0x0] =	sbarrier.arrive $0xFFFF  }
0xf7: {  	[tilespmem:s25], [sflag:$0x1] =	stream.indirect.gather [hbm4b:s6+s26], $0x40, s13, s26, $0xb8;
	[tilespmem:$0x13000] =	vst v63  }
0xf8: {  	_ = 	snop  }
0xf9: {  	[tilespmem:s28], [sflag:$0x2] =	stream.indirect.gather [hbm4b:s6+s26], $0x40, s26, s26, $0xb8;
	[tilespmem:$0x13000] =	vst v63  }
0xfa: {  	_ =	swait.ge [sflag:s29], $0x2000  }
0xfb: {  	[sflag:s29] =	ssyncset.done $0x0  }
0xfc: {  	s14 =	simm.s32 $0x2800;
	[sflag:s29] =	ssyncadd.s32 $0xFFFFE000  }
0xfd: {  	[spmem:s2] =	stream.indirect.scatter.add.f32 [tilespmem:s25], [sflag:$0x3], $0x40, s14, s26, $0xb8;
	[tilespmem:$0x13000] =	vst v63  }
0xfe: {  	_ =	swait.ge [sflag:s23], $0x2000  }
0xff: {  	[sflag:s23] =	ssyncset.done $0x0  }
0x100: {  	s13 =	simm.s32 $0x100;
	[sflag:s23] =	ssyncadd.s32 $0xFFFFE000  }
0x101: {  	[tilespmem:s25], [sflag:$0x1] =	stream.indirect.gather [hbm4b:s6+s26], $0x40, s13, s26, $0xb8;
	[tilespmem:$0x13000] =	vst v63  }
0x102: {  	_ =	swait.ge [sflag:s30], $0x2000  }
0x103: {  	[sflag:s30] =	ssyncset.done $0x0  }
0x104: {  	s14 =	simm.s32 $0x2880;
	[sflag:s30] =	ssyncadd.s32 $0xFFFFE000  }
0x105: {  	[spmem:s2] =	stream.indirect.scatter.add.f32 [tilespmem:s28], [sflag:$0x3], $0x40, s14, s26, $0xb8;
	[tilespmem:$0x13000] =	vst v63  }
0x106: {  	_ =	swait.ge [sflag:s23], $0x2000  }
0x107: {  	[sflag:s23] =	ssyncset.done $0x0  }
0x108: {  	s9 =	simm.s32 $0x400;
	s13 =	simm.s32 $0x180;
	[sflag:s23] =	ssyncadd.s32 $0xFFFFE000  }
.LBB2_12:
0x109: {  	[tilespmem:s28], [sflag:$0x2] =	stream.indirect.gather [hbm4b:s6+s26], $0x40, s13, s26, $0xb8;
	[tilespmem:$0x13000] =	vst v63  }
0x10a: {  	s13 =	smov.u32 s9  }
0x10b: {  	p1 =	sne.s32 s9, $0x9800;
	s9 =	sadd.s32 $0x400, s9;
	_ =	swait.ge [sflag:s29], $0x2000  }
0x10c: {  	s13 =	sshra.s32 s13, $0x2;
	[sflag:s29] =	ssyncset.done $0x0  }
0x10d: {  	s14 =	sadd.s32 $0x2800, s13;
	[sflag:s29] =	ssyncadd.s32 $0xFFFFE000  }
0x10e: {  	[spmem:s2] =	stream.indirect.scatter.add.f32 [tilespmem:s25], [sflag:$0x3], $0x40, s14, s26, $0xb8;
	[tilespmem:$0x13000] =	vst v63  }
0x10f: {  	_ =	swait.ge [sflag:s23], $0x2000  }
0x110: {  	[sflag:s23] =	ssyncset.done $0x0  }
0x111: {  	s14 =	sadd.s32 $0x100, s13;
	[sflag:s23] =	ssyncadd.s32 $0xFFFFE000  }
0x112: {  	[tilespmem:s25], [sflag:$0x1] =	stream.indirect.gather [hbm4b:s6+s26], $0x40, s14, s26, $0xb8;
	[tilespmem:$0x13000] =	vst v63  }
0x113: {  	_ =	swait.ge [sflag:s30], $0x2000  }
0x114: {  	[sflag:s30] =	ssyncset.done $0x0  }
.Ltmp5:
0x115: {  	s14 =	sadd.s32 $0x2880, s13;
	[sflag:s30] =	ssyncadd.s32 $0xFFFFE000;
	(pc) =	sbr.rel @p1 .LBB2_12-.Ltmp5, $4  }
0x116: {  	[spmem:s2] =	stream.indirect.scatter.add.f32 [tilespmem:s28], [sflag:$0x3], $0x40, s14, s26, $0xb8;
	[tilespmem:$0x13000] =	vst v63  }
0x117: {  	_ =	swait.ge [sflag:s23], $0x2000  }
0x118: {  	[sflag:s23] =	ssyncset.done $0x0  }
0x119: {  	s13 =	sadd.s32 $0x180, s13;
	[sflag:s23] =	ssyncadd.s32 $0xFFFFE000  }
0x11a: {  	[tilespmem:s28], [sflag:$0x2] =	stream.indirect.gather [hbm4b:s6+s26], $0x40, s13, s26, $0xb8;
	[tilespmem:$0x13000] =	vst v63  }
0x11b: {  	_ =	swait.ge [sflag:s29], $0x2000  }
0x11c: {  	[sflag:s29] =	ssyncset.done $0x0  }
0x11d: {  	[sflag:s29] =	ssyncadd.s32 $0xFFFFE000  }
0x11e: {  	[spmem:s2] =	stream.indirect.scatter.add.f32 [tilespmem:s25], [sflag:$0x3], $0x40, s31, s26, $0xb8;
	[tilespmem:$0x13000] =	vst v63  }
0x11f: {  	_ =	swait.ge [sflag:s23], $0x2000  }
0x120: {  	[sflag:s23] =	ssyncset.done $0x0  }
0x121: {  	[sflag:s23] =	ssyncadd.s32 $0xFFFFE000  }
0x122: {  	_ =	swait.ge [sflag:s30], $0x2000  }
0x123: {  	[sflag:s30] =	ssyncset.done $0x0  }
0x124: {  	[sflag:s30] =	ssyncadd.s32 $0xFFFFE000  }
0x125: {  	[spmem:s2] =	stream.indirect.scatter.add.f32 [tilespmem:s28], [sflag:$0x3], $0x40, s0, s26, $0xb8;
	[tilespmem:$0x13000] =	vst v63  }
0x126: {  	_ =	swait.ge [sflag:s23], $0x2000  }
0x127: {  	[sflag:s23] =	ssyncset.done $0x0  }
0x128: {  	[sflag:s23] =	ssyncadd.s32 $0xFFFFE000  }
0x129: {  	s9 =	sadd.s32 @p0 $0x12480, s16;
	s13 =	simm.s32 @p0 $0x1FC3;
	[bflag:$0x0] =	sbarrier.arrive $0xFFFF  }
0x12a: {  	[hbm:s9], [sflag:s13] =	dma.local @p0 [spmem:s1], $0x1400  }
0x12b: {  	s9 =	simm.s32 @p0 $0x3  }
0x12c: {  	_ =	swait.ge @p0 [sflag:s9], $0x1400  }
0x12d: {  	[sflag:s9] =	ssyncset.done @p0 $0x0  }
0x12e: {  	[sflag:s9] =	ssyncadd.s32 @p0 $0xFFFFEC00;
	s9 =	sadd.s32 @!p0 s12, s16  }
0x12f: {  	[hbm:s9], [sflag:s3] =	dma.local @!p0 [spmem:s8], $0x1380  }
0x130: {  	s9 =	simm.s32 @!p0 $0x3  }
0x131: {  	_ =	swait.ge @!p0 [sflag:s9], $0x1380  }
0x132: {  	[sflag:s9] =	ssyncset.done @!p0 $0x0  }
0x133: {  	[sflag:s9] =	ssyncadd.s32 @!p0 $0xFFFFEC80  }
0x134: {  	s13 =	simm.s32 $0x100;
	s9 =	simm.s32 $0x0;
	[bflag:$0x0] =	sbarrier.arrive $0xFFFF  }
.LBB2_14:
0x135: {  	p1 =	sne.s32 s13, $0x7F00;
	[tilespmem:s9+$0x5030] =	vst v0;
	s14 =	smov.u32 s13;
	s13 =	sadd.s32 $0x100, s13  }
.Ltmp6:
0x136: {  	[tilespmem:s9+$0x5020] =	vst v0;
	(pc) =	sbr.rel @p1 .LBB2_14-.Ltmp6, $3  }
0x137: {  	[tilespmem:s9+$0x5000] =	vst v0  }
0x138: {  	[tilespmem:s9+$0x5010] =	vst v0;
	_ =	sdelay $0x1  }
0x139: {  	s9 =	sshra.s32 s14, $0x2  }
0x13a: {  	[tilespmem:s9+$0x5030] =	vst v0  }
0x13b: {  	[tilespmem:s9+$0x5020] =	vst v0  }
0x13c: {  	[tilespmem:s9+$0x5000] =	vst v0  }
0x13d: {  	[tilespmem:s9+$0x5010] =	vst v0  }
0x13e: {  	[spmem:s10] =	stream.linear.scatter [tilespmem:s25], [sflag:$0x3], $0x2000, $0x38;
	[tilespmem:$0x13000] =	vst v63  }
0x13f: {  	_ =	swait.ge [sflag:s23], $0x2000  }
0x140: {  	[sflag:s23] =	ssyncset.done $0x0  }
0x141: {  	[sflag:s23] =	ssyncadd.s32 $0xFFFFE000  }
0x142: {  	[spmem:s19] =	stream.linear.scatter [tilespmem:s25], [sflag:$0x3], $0x2000, $0x38;
	[tilespmem:$0x13000] =	vst v63  }
0x143: {  	_ =	swait.ge [sflag:s23], $0x2000  }
0x144: {  	[sflag:s23] =	ssyncset.done $0x0  }
0x145: {  	[sflag:s23] =	ssyncadd.s32 $0xFFFFE000  }
0x146: {  	[spmem:s20] =	stream.linear.scatter [tilespmem:s25], [sflag:$0x3], $0x2000, $0x38;
	[tilespmem:$0x13000] =	vst v63  }
0x147: {  	_ =	swait.ge [sflag:s23], $0x2000  }
0x148: {  	[sflag:s23] =	ssyncset.done $0x0  }
0x149: {  	[sflag:s23] =	ssyncadd.s32 $0xFFFFE000  }
0x14a: {  	[spmem:s21] =	stream.linear.scatter [tilespmem:s25], [sflag:$0x3], $0x2000, $0x38;
	[tilespmem:$0x13000] =	vst v63  }
0x14b: {  	_ =	swait.ge [sflag:s23], $0x2000  }
0x14c: {  	[sflag:s23] =	ssyncset.done $0x0  }
0x14d: {  	[sflag:s23] =	ssyncadd.s32 $0xFFFFE000  }
0x14e: {  	[spmem:s22] =	stream.linear.scatter [tilespmem:s25], [sflag:$0x3], $0x2000, $0x38;
	[tilespmem:$0x13000] =	vst v63  }
0x14f: {  	_ =	swait.ge [sflag:s23], $0x2000  }
0x150: {  	[sflag:s23] =	ssyncset.done $0x0  }
0x151: {  	[sflag:s23] =	ssyncadd.s32 $0xFFFFE000  }
0x152: {  	s13 =	simm.s32 $0x0;
	[bflag:$0x0] =	sbarrier.arrive $0xFFFF  }
0x153: {  	[tilespmem:s25], [sflag:$0x1] =	stream.indirect.gather [hbm4b:s7+s26], $0x40, s13, s26, $0xb8;
	[tilespmem:$0x13000] =	vst v63  }
0x154: {  	_ = 	snop  }
0x155: {  	[tilespmem:s28], [sflag:$0x2] =	stream.indirect.gather [hbm4b:s7+s26], $0x40, s26, s26, $0xb8;
	[tilespmem:$0x13000] =	vst v63  }
0x156: {  	_ =	swait.ge [sflag:s29], $0x2000  }
0x157: {  	[sflag:s29] =	ssyncset.done $0x0  }
0x158: {  	s14 =	simm.s32 $0x2800;
	[sflag:s29] =	ssyncadd.s32 $0xFFFFE000  }
0x159: {  	[spmem:s2] =	stream.indirect.scatter.add.f32 [tilespmem:s25], [sflag:$0x3], $0x40, s14, s26, $0xb8;
	[tilespmem:$0x13000] =	vst v63  }
0x15a: {  	_ =	swait.ge [sflag:s23], $0x2000  }
0x15b: {  	[sflag:s23] =	ssyncset.done $0x0  }
0x15c: {  	s13 =	simm.s32 $0x100;
	[sflag:s23] =	ssyncadd.s32 $0xFFFFE000  }
0x15d: {  	[tilespmem:s25], [sflag:$0x1] =	stream.indirect.gather [hbm4b:s7+s26], $0x40, s13, s26, $0xb8;
	[tilespmem:$0x13000] =	vst v63  }
0x15e: {  	_ =	swait.ge [sflag:s30], $0x2000  }
0x15f: {  	[sflag:s30] =	ssyncset.done $0x0  }
0x160: {  	s14 =	simm.s32 $0x2880;
	[sflag:s30] =	ssyncadd.s32 $0xFFFFE000  }
0x161: {  	[spmem:s2] =	stream.indirect.scatter.add.f32 [tilespmem:s28], [sflag:$0x3], $0x40, s14, s26, $0xb8;
	[tilespmem:$0x13000] =	vst v63  }
0x162: {  	_ =	swait.ge [sflag:s23], $0x2000  }
0x163: {  	[sflag:s23] =	ssyncset.done $0x0  }
0x164: {  	s9 =	simm.s32 $0x400;
	s13 =	simm.s32 $0x180;
	[sflag:s23] =	ssyncadd.s32 $0xFFFFE000  }
.LBB2_16:
0x165: {  	[tilespmem:s28], [sflag:$0x2] =	stream.indirect.gather [hbm4b:s7+s26], $0x40, s13, s26, $0xb8;
	[tilespmem:$0x13000] =	vst v63  }
0x166: {  	s13 =	smov.u32 s9  }
0x167: {  	p1 =	sne.s32 s9, $0x9800;
	s9 =	sadd.s32 $0x400, s9;
	_ =	swait.ge [sflag:s29], $0x2000  }
0x168: {  	s13 =	sshra.s32 s13, $0x2;
	[sflag:s29] =	ssyncset.done $0x0  }
0x169: {  	s14 =	sadd.s32 $0x2800, s13;
	[sflag:s29] =	ssyncadd.s32 $0xFFFFE000  }
0x16a: {  	[spmem:s2] =	stream.indirect.scatter.add.f32 [tilespmem:s25], [sflag:$0x3], $0x40, s14, s26, $0xb8;
	[tilespmem:$0x13000] =	vst v63  }
0x16b: {  	_ =	swait.ge [sflag:s23], $0x2000  }
0x16c: {  	[sflag:s23] =	ssyncset.done $0x0  }
0x16d: {  	s14 =	sadd.s32 $0x100, s13;
	[sflag:s23] =	ssyncadd.s32 $0xFFFFE000  }
0x16e: {  	[tilespmem:s25], [sflag:$0x1] =	stream.indirect.gather [hbm4b:s7+s26], $0x40, s14, s26, $0xb8;
	[tilespmem:$0x13000] =	vst v63  }
0x16f: {  	_ =	swait.ge [sflag:s30], $0x2000  }
0x170: {  	[sflag:s30] =	ssyncset.done $0x0  }
.Ltmp7:
0x171: {  	s14 =	sadd.s32 $0x2880, s13;
	[sflag:s30] =	ssyncadd.s32 $0xFFFFE000;
	(pc) =	sbr.rel @p1 .LBB2_16-.Ltmp7, $4  }
0x172: {  	[spmem:s2] =	stream.indirect.scatter.add.f32 [tilespmem:s28], [sflag:$0x3], $0x40, s14, s26, $0xb8;
	[tilespmem:$0x13000] =	vst v63  }
0x173: {  	_ =	swait.ge [sflag:s23], $0x2000  }
0x174: {  	[sflag:s23] =	ssyncset.done $0x0  }
0x175: {  	s13 =	sadd.s32 $0x180, s13;
	[sflag:s23] =	ssyncadd.s32 $0xFFFFE000  }
0x176: {  	[tilespmem:s28], [sflag:$0x2] =	stream.indirect.gather [hbm4b:s7+s26], $0x40, s13, s26, $0xb8;
	[tilespmem:$0x13000] =	vst v63  }
0x177: {  	_ =	swait.ge [sflag:s29], $0x2000  }
0x178: {  	[sflag:s29] =	ssyncset.done $0x0  }
0x179: {  	[sflag:s29] =	ssyncadd.s32 $0xFFFFE000  }
0x17a: {  	[spmem:s2] =	stream.indirect.scatter.add.f32 [tilespmem:s25], [sflag:$0x3], $0x40, s31, s26, $0xb8;
	[tilespmem:$0x13000] =	vst v63  }
0x17b: {  	_ =	swait.ge [sflag:s23], $0x2000  }
0x17c: {  	[sflag:s23] =	ssyncset.done $0x0  }
0x17d: {  	[sflag:s23] =	ssyncadd.s32 $0xFFFFE000  }
0x17e: {  	_ =	swait.ge [sflag:s30], $0x2000  }
0x17f: {  	[sflag:s30] =	ssyncset.done $0x0  }
0x180: {  	[sflag:s30] =	ssyncadd.s32 $0xFFFFE000  }
0x181: {  	[spmem:s2] =	stream.indirect.scatter.add.f32 [tilespmem:s28], [sflag:$0x3], $0x40, s0, s26, $0xb8;
	[tilespmem:$0x13000] =	vst v63  }
0x182: {  	_ =	swait.ge [sflag:s23], $0x2000  }
0x183: {  	[sflag:s23] =	ssyncset.done $0x0  }
0x184: {  	[sflag:s23] =	ssyncadd.s32 $0xFFFFE000  }
0x185: {  	s9 =	sadd.s32 @p0 $0x12480, s17;
	s13 =	simm.s32 @p0 $0x1FC3;
	[bflag:$0x0] =	sbarrier.arrive $0xFFFF  }
0x186: {  	[hbm:s9], [sflag:s13] =	dma.local @p0 [spmem:s1], $0x1400  }
0x187: {  	s1 =	simm.s32 @p0 $0x3  }
0x188: {  	_ =	swait.ge @p0 [sflag:s1], $0x1400  }
0x189: {  	[sflag:s1] =	ssyncset.done @p0 $0x0  }
0x18a: {  	s24 =	sadd.s32 $0x1, s24;
	[sflag:s1] =	ssyncadd.s32 @p0 $0xFFFFEC00;
	s1 =	sadd.s32 @!p0 s12, s17  }
0x18b: {  	[hbm:s1], [sflag:s3] =	dma.local @!p0 [spmem:s8], $0x1380  }
0x18c: {  	p1 =	sne.s32 s24, s18;
	s1 =	simm.s32 @!p0 $0x3  }
.Ltmp8:
0x18d: {  	_ =	swait.ge @!p0 [sflag:s1], $0x1380;
	(pc) =	sbr.rel @p1 .LBB2_1-.Ltmp8, $3  }
0x18e: {  	[sflag:s1] =	ssyncset.done @!p0 $0x0  }
0x18f: {  	[sflag:s1] =	ssyncadd.s32 @!p0 $0xFFFFEC80  }
0x190: {  	[bflag:$0x0] =	sbarrier.arrive $0xFFFF;
	_ =	sdelay $0x1  }
0x191: {  	_ =	sfence.sel $0x180000  }
0x192: {  	[bflag:$0x0] =	sbarrier.arrive $0xFFFF  }
0x193: {  	_ =	strace $0x9000004D  }
0x194: {  	s0 =	stileid.u32;
	[bflag:$0x2] =	sbarrier.arrive $0xFFFF  }
0x195: {  	p0 =	sne.s32 s0, $0x0;
	s0 =	rddreg [dreg:$0x3]  }
0x196: {  	s0 =	sadd.s32 @!p0 $0x100000, s0  }
0x197: {  	[sflag:s0] =	ssyncadd.tile.s32 @!p0 $0x1;
	_ =	shalt  }
.Lfunc_end2:
_tile_overlayer_lowered:
.L_overlay_start_2:
0x198: {  	(tag) =	ssettag $0x2  }
0x199: {  	s0 =	rddreg [dreg:$0x0];
	s2 =	stileid.u32  }
0x19a: {  	s1 =	rddreg [dreg:$0x1];
	p0 =	sne.s32 s2, $0x0  }
0x19b: {  	s3 =	rddreg [dreg:$0x2];
	[bflag:$0x3] =	sbarrier.arrive $0xFFFF;
	s2 =	simm.s32 @!p0 $0x1C03  }
0x19c: {  	[timem:s3], [sflag:s2] =	dma.local @!p0 [hbm:s0], s1  }
0x19d: {  	s0 =	simm.s32 @!p0 $0x3  }
0x19e: {  	_ =	swait.ge @!p0 [sflag:s0], s1  }
0x19f: {  	s1 =	ssub.s32 @!p0 $0x0, s1;
	[sflag:s0] =	ssyncset.done @!p0 $0x0  }
0x1a0: {  	[sflag:s0] =	ssyncadd.s32 @!p0 s1  }
0x1a1: {  	[bflag:$0x3] =	sbarrier.arrive $0xFFFF  }
0x1a2: {  	_ =	shalt  }

// kernel: kernel.8.cloned.1.call-start
scs
__scs_entry_jumppad:
0x0: {  	(pc) =	sbr.rel $0x88, $3  }
0x1: {  	(tag) =	ssettag $0x0;
	lr =	simm.s32 $0x1  }
0x2: {  	[smem:$0x3F9B] =	sst lr;
	_ =	strace $0xD0000000  }
0x3: {  	_ = 	snop  }
0x4: {  	_ = 	snop  }
0x5: {  	_ = 	snop  }
0x6: {  	_ = 	snop  }
0x7: {  	_ = 	snop  }
__scs_overlays_trampoline_lowered:
0x8: {  	[smem:$0x3FAA] =	sst s0  }
0x9: {  	[smem:$0x3FAB] =	sst s1  }
0xa: {  	[smem:$0x3FAC] =	sst s2  }
0xb: {  	[smem:$0x3FAD] =	sst s3  }
0xc: {  	[smem:$0x3FAE] =	sst s4  }
0xd: {  	[smem:$0x3FAF] =	sst s5  }
0xe: {  	[smem:$0x3FB0] =	sst s6  }
0xf: {  	[smem:$0x3FB1] =	sst s7  }
0x10: {  	[smem:$0x3FB2] =	sst s8  }
0x11: {  	[smem:$0x3FB3] =	sst s9;
	s0 =	simm.s32 @!p0 $0x0  }
0x12: {  	s1 =	sld [smem:$0x3F99];
	s0 =	simm.s32 @p0 $0x1  }
0x13: {  	[smem:$0x3FB4] =	sst s0;
	s0 =	simm.s32 @!p1 $0x0  }
0x14: {  	s2 =	sld [smem:$0x3F98];
	s0 =	simm.s32 @p1 $0x1  }
0x15: {  	[smem:$0x3FB5] =	sst s0;
	s0 =	simm.s32 @!p2 $0x0  }
0x16: {  	s3 =	sld [smem:$0x3FDB];
	s0 =	simm.s32 @p2 $0x1  }
0x17: {  	s4 =	simm.s32 $0x1BF5;
	[smem:$0x3FB7] =	sst s0  }
0x18: {  	s0 =	sld [smem:$0x3F9A];
	_ =	swait.ge [sflag:s4], $0x0  }
0x19: {  	s7 =	sld [smem:$0x3F9B]  }
0x1a: {  	s8 =	sadd.s32 $0xFFFFE003, lr  }
0x1b: {  	s9 =	sadd.s32 $0xFFFFFEF7, lr;
	s5 =	simm.s32 $0xFFFFFFFF;
	p2 =	slt.u32 s8, $0xFFFFF086  }
0x1c: {  	p1 =	slt.u32 s9, $0xF7A;
	s5 =	simm.s32 @!p2 $0x0  }
0x1d: {  	s5 =	simm.s32 @p1 $0x1;
	p0 =	seq.s32 s7, s2  }
0x1e: {  	s7 =	smul.u32 @!p0 $0xF7A, s2;
	p2 =	seq.s32 @!p0 s5, $0x0  }
0x1f: {  	s9 =	smul.u32 $0xF7A, s1;
	s8 =	simm.s32 @!p0 $0x1BF5;
	p2 =	por !p2, p0  }
0x20: {  	[sflag:s8] =	ssyncset.s32 @!p0 $0xFFFFF086;
	s6 =	sadd.s32 @!p0 s3, s7;
	s7 =	simm.s32 @!p0 $0x108  }
0x21: {  	s3 =	sadd.s32 s3, s9;
	s6 =	sadd.s32 @!p0 $0x88, s6;
	s7 =	simm.s32 @p2 $0x1082  }
0x22: {  	[simem:s7], [sflag:s8] =	dma.local @!p0 [hbm:s6], $0xF7A  }
0x23: {  	s9 =	sor.u32 $0xD0000000, s2;
	s6 =	simm.s32 $0x108;
	_ =	swait.ge @!p0 [sflag:s8], $0x0  }
0x24: {  	s3 =	sadd.s32 $0x88, s3;
	s6 =	simm.s32 @!p1 $0x1082;
	[sflag:s4] =	ssyncset.s32 $0xFFFFF086  }
0x25: {  	[simem:s6], [sflag:s4] =	dma.local [hbm:s3], $0xF7A  }
0x26: {  	[smem:$0x3F9B] =	sst s1;
	(tag) =	ssettag s2;
	_ =	strace s9  }
0x27: {  	s1 =	sld [smem:$0x3FAB]  }
0x28: {  	s2 =	sld [smem:$0x3FAC]  }
0x29: {  	s4 =	sld [smem:$0x3FAE]  }
0x2a: {  	p0 =	seq.s32 s5, $0x0;
	s5 =	sld [smem:$0x3FAF]  }
0x2b: {  	s6 =	sld [smem:$0x3FB0]  }
0x2c: {  	s7 =	sld [smem:$0x3FB1]  }
0x2d: {  	s3 =	simm.s32 $0x108;
	s8 =	sld [smem:$0x3FB2]  }
0x2e: {  	s3 =	simm.s32 @!p0 $0x1082;
	s9 =	sld [smem:$0x3FB3]  }
0x2f: {  	lr =	sadd.s32 s0, s3;
	s0 =	sld [smem:$0x3FAA]  }
0x30: {  	s3 =	sld [smem:$0x3FAD]  }
0x31: {  	[smem:$0x3FB6] =	sst s10  }
0x32: {  	s10 =	sld [smem:$0x3FB4];
	_ =	sdelay $0x3  }
0x33: {  	p0 =	seq.s32 s10, $0x1;
	s10 =	sld [smem:$0x3FB6];
	_ =	sdelay $0x3  }
0x34: {  	[smem:$0x3FB6] =	sst s10  }
0x35: {  	s10 =	sld [smem:$0x3FB5];
	_ =	sdelay $0x3  }
0x36: {  	p1 =	seq.s32 s10, $0x1;
	s10 =	sld [smem:$0x3FB6];
	_ =	sdelay $0x3  }
0x37: {  	[smem:$0x3FB6] =	sst s10  }
0x38: {  	s10 =	sld [smem:$0x3FB7]  }
0x39: {  	_ = 	snop;
	(pc) =	sbr.ind lr, $3  }
0x3a: {  	_ = 	snop  }
0x3b: {  	_ = 	snop  }
0x3c: {  	p2 =	seq.s32 s10, $0x1;
	s10 =	sld [smem:$0x3FB6]  }
0x3d: {  	_ =	shalt  }
0x3e: {  	_ =	shalt  }
0x3f: {  	_ =	shalt  }
0x40: {  	_ =	shalt  }
0x41: {  	_ =	shalt  }
0x42: {  	_ =	shalt  }
0x43: {  	_ =	shalt  }
0x44: {  	_ =	shalt  }
0x45: {  	_ =	shalt  }
0x46: {  	_ =	shalt  }
0x47: {  	_ =	shalt  }
0x48: {  	_ =	shalt  }
0x49: {  	_ =	shalt  }
0x4a: {  	_ =	shalt  }
0x4b: {  	_ =	shalt  }
0x4c: {  	_ =	shalt  }
0x4d: {  	_ =	shalt  }
0x4e: {  	_ =	shalt  }
0x4f: {  	_ =	shalt  }
0x50: {  	_ =	shalt  }
0x51: {  	_ =	shalt  }
0x52: {  	_ =	shalt  }
0x53: {  	_ =	shalt  }
0x54: {  	_ =	shalt  }
0x55: {  	_ =	shalt  }
0x56: {  	_ =	shalt  }
0x57: {  	_ =	shalt  }
0x58: {  	_ =	shalt  }
0x59: {  	_ =	shalt  }
0x5a: {  	_ =	shalt  }
0x5b: {  	_ =	shalt  }
0x5c: {  	_ =	shalt  }
0x5d: {  	_ =	shalt  }
0x5e: {  	_ =	shalt  }
0x5f: {  	_ =	shalt  }
0x60: {  	_ =	shalt  }
0x61: {  	_ =	shalt  }
0x62: {  	_ =	shalt  }
0x63: {  	_ =	shalt  }
0x64: {  	_ =	shalt  }
0x65: {  	_ =	shalt  }
0x66: {  	_ =	shalt  }
0x67: {  	_ =	shalt  }
0x68: {  	_ =	shalt  }
0x69: {  	_ =	shalt  }
0x6a: {  	_ =	shalt  }
0x6b: {  	_ =	shalt  }
0x6c: {  	_ =	shalt  }
0x6d: {  	_ =	shalt  }
0x6e: {  	_ =	shalt  }
0x6f: {  	_ =	shalt  }
0x70: {  	_ =	shalt  }
0x71: {  	_ =	shalt  }
0x72: {  	_ =	shalt  }
0x73: {  	_ =	shalt  }
0x74: {  	_ =	shalt  }
0x75: {  	_ =	shalt  }
0x76: {  	_ =	shalt  }
0x77: {  	_ =	shalt  }
0x78: {  	_ =	shalt  }
0x79: {  	_ =	shalt  }
0x7a: {  	_ =	shalt  }
0x7b: {  	_ =	shalt  }
0x7c: {  	_ =	shalt  }
0x7d: {  	_ =	shalt  }
0x7e: {  	_ =	shalt  }
0x7f: {  	_ =	shalt  }
0x80: {  	_ =	shalt  }
0x81: {  	_ =	shalt  }
0x82: {  	_ =	shalt  }
0x83: {  	_ =	shalt  }
0x84: {  	_ =	shalt  }
0x85: {  	_ =	shalt  }
0x86: {  	_ =	shalt  }
0x87: {  	_ =	shalt  }
.Lfunc_end0:
.L_simem_size_0:
called_computation_lowered:
.L_overlay_start_0:
0x88: {  	s2 =	sld [smem:$0x3FD9]  }
0x89: {  	s3 =	sld [smem:$0x3FFE];
	_ =	sdelay $0x1  }
0x8a: {  	s1 =	srdreg.scid  }
0x8b: {  	s0 =	sand.u32 $0x1, s1  }
0x8c: {  	s16 =	sshll.u32 s0, $0xA;
	s2 =	sadd.s32 s3, s2  }
0x8d: {  	s2 =	sadd.s32 s2, s16  }
0x8e: {  	[smem:$0x3FC2] =	sst s2  }
0x8f: {  	_ = 	snop  }
0x90: {  	(tm) =	ssettm $0x1  }
0x91: {  	s17 =	sld [smem:$0x3FFB];
	_ =	sdelay $0x3  }
0x92: {  	_ =	strace s17  }
0x93: {  	s2 =	sld [smem:$0x3FFC];
	_ =	sdelay $0x3  }
0x94: {  	_ =	strace s2  }
0x95: {  	s2 =	sld [smem:$0x3FFD];
	_ =	sdelay $0x3  }
0x96: {  	_ =	strace s2  }
0x97: {  	_ =	strace $0x8FFFFFFF  }
0x98: {  	s18 =	sld [smem:$0x3FDB];
	_ =	sdelay $0x1  }
0x99: {  	s19 =	simm.s32 $_scs_section_size  }
0x9a: {  	s4 =	simm.s32 $_size__tile_overlayer_lowered;
	s5 =	simm.s32 $_tile_overlayer_lowered  }
0x9b: {  	s22 =	simm.s32 $0x1BFF;
	s21 =	sshll.u32 s5, $0x1;
	s2 =	sadd.s32 s19, s18  }
0x9c: {  	s6 =	simm.s32 $0x0;
	s20 =	sshll.u32 s4, $0x1;
	s4 =	sadd.s32 s21, s2  }
0x9d: {  	[timem:s6], [sflag:s22] =	dma.local [hbm:s4], s20  }
0x9e: {  	_ =	swait.ge [sflag:s22], s20  }
0x9f: {  	s3 =	ssub.s32 $0x0, s20;
	[sflag:s22] =	ssyncset.done $0x0  }
0xa0: {  	[sflag:s22] =	ssyncadd.s32 s3;
	_ =	sdelay $0x1  }
0xa1: {  	s23 =	simm.s32 $0x1B8B  }
0xa2: {  	_ =	swait.ge [sflag:s23], $0x1  }
0xa3: {  	[sflag:s23] =	ssyncset.done $0x0  }
0xa4: {  	s25 =	simm.s32 $0x1B8E;
	s24 =	sld [smem:$0x3FFE];
	[sflag:s23] =	ssyncadd.s32 $0xFFFFFFFF  }
0xa5: {  	s26 =	simm.s32 $execute0_lowered;
	[smem:$0x3FD2] =	sst s25  }
0xa6: {  	s4 =	sshll.u32 s26, $0x1;
	_ =	strace $0x80000046;
	[dreg:$0x1] =	wrdreg $0xFFFFFFFF  }
0xa7: {  	s28 =	simm.s32 $_size_execute0_lowered;
	s2 =	sadd.s32 s2, s4;
	[dreg:$0x0] =	wrdreg $0x0  }
0xa8: {  	s4 =	sshll.u32 s28, $0x1;
	[dreg:$0x2] =	wrdreg s2  }
0xa9: {  	[dreg:$0x3] =	wrdreg s4  }
0xaa: {  	[dreg:$0x4] =	wrdreg $0xC0  }
0xab: {  	_ =	task [dreg:s6], $0x5FFFF  }
0xac: {  	[dreg:$0x1] =	wrdreg $0xFFFFFFFF  }
0xad: {  	[dreg:$0x0] =	wrdreg $0x60  }
0xae: {  	[dreg:$0x2] =	wrdreg s24  }
0xaf: {  	[dreg:$0x3] =	wrdreg $0x30000  }
0xb0: {  	[dreg:$0x4] =	wrdreg $0x9  }
0xb1: {  	_ =	task.clear_ibuf [dreg:s6], $0x5FFFF;
	_ =	strace $0x90000046  }
0xb2: {  	s29 =	simm.s32 $0x9;
	_ =	strace $0x80000048  }
0xb3: {  	_ =	swait.ge [sflag:s29], $0x1  }
0xb4: {  	[sflag:s29] =	ssyncadd.s32 $0xFFFFFFFF  }
0xb5: {  	_ =	strace $0x90000048  }
0xb6: {  	_ =	sfence  }
0xb7: {  	s30 =	sld [smem:$0x0];
	_ =	sdelay $0x2  }
0xb8: {  	s31 =	sshll.u32 s1, $0xD;
	s1 =	sshrl.u32 s1, $0x2  }
0xb9: {  	s3 =	sand.u32 $0x4000, s31;
	s1 =	sadd.s32 s1, s30  }
0xba: {  	s0 =	sor.u32 s3, s0;
	s1 =	sshll.u32 s1, $0x11  }
0xbb: {  	s0 =	sor.u32 s1, s0  }
0xbc: {  	s0 =	sadd.s32 $0x8F2B, s0  }
0xbd: {  	[sflag:s0] =	ssyncadd.remote.s32 $0x1  }
0xbe: {  	_ =	sfence.sel $0xFFFF  }
0xbf: {  	[dreg:$0x0] =	wrdreg $0xFFFFFFFF;
	(pc) =	sbr.abs _section_cstart, $3  }
0xc0: {  	[dreg:$0x1] =	wrdreg $0xFFFFFFFF  }
0xc1: {  	_ =	task.clear_ibuf [dreg:s6], $0x2FFFF;
	_ =	strace $0x9FFFFFFF  }
0xc2: {  	(tm) =	ssettm $0x7FFFFFFF  }
0xc3: {  	_ =	shalt  }
tec
execute0_lowered:
.L_overlay_start_1:
0x0: {  	(tag) =	ssettag $0x1  }
0x1: {  	s0 =	srdreg.scid;
	s4 =	rddreg [dreg:$0x0]  }
0x2: {  	s2 =	rddreg [dreg:$0x1];
	s1 =	stileid.u32  }
0x3: {  	s3 =	simm.s32 $0x0;
	s11 =	simm.s32 $0x1;
	s12 =	simm.s32 $0x2800  }
0x4: {  	s13 =	simm.s32 $0x80;
	s5 =	sand.u32 $0x1, s0;
	s0 =	rddreg [dreg:$0x2]  }
0x5: {  	s19 =	simm.s32 $0x0;
	[smem:$0x7FF] =	sst s3;
	s8 =	smul.u32 $0xA000, s1  }
0x6: {  	s9 =	smul.u32 $0x2700, s1;
	s15 =	sadd.s32 $0x24900, s2;
	p0 =	seq.s32 s1, $0xF  }
0x7: {  	s6 =	sshll.u32 s5, $0x4;
	_ =	strace $0x80000047;
	s7 =	smul.u32 $0x4E20, s5  }
0x8: {  	s5 =	ssub.s32 $0x2, s5;
	s15 =	sshrl.u32 @p0 s15, $0x3;
	s6 =	sor.u32 s1, s6  }
0x9: {  	s30 =	sshrl.u32 s5, $0x1;
	s31 =	sshrl.u32 s8, $0x2;
	s17 =	sshrl.u32 s9, $0x3  }
0xa: {  	s18 =	sadd.s32 s9, s2;
	s6 =	smul.u32 $0x500, s6;
	s7 =	sadd.s32 s7, s4  }
0xb: {  	s10 =	ssub.s32 s5, s30;
	s5 =	sadd.s32 s31, s2;
	s18 =	sshrl.u32 @!p0 s18, $0x3  }
0xc: {  	s16 =	sadd.s32 $0xCE00, s7;
	s7 =	sadd.s32 $0x800, s5;
	s8 =	sadd.s32 $0x1000, s5  }
0xd: {  	s9 =	sadd.s32 $0x1800, s5;
	s6 =	sadd.s32 s6, s4;
	s14 =	sadd.s32 @p0 $0x4920, s16  }
0xe: {  	s16 =	sadd.s32 @!p0 s17, s16;
	s17 =	sshll.u32 @!p0 s1, $0x6;
	s4 =	sadd.s32 $0x2E00, s6  }
0xf: {  	v0 =	vimm.f32 $0.0e+00;
	v1 =	vimm.f32 $1.000000000e+00;
	s6 =	smax.u32 s10, $0x1;
	s10 =	sadd.s32 $0x2000, s5;
	s17 =	sor.u32 @!p0 $0x1C01, s17  }
.LBB2_1:
0x10: {  	[tilespmem:s3], [sflag:$0x1] =	stream.linear.gather [hbm4b:s4+s3], $0x2800, $0x38;
	[tilespmem:$0x5800] =	vst v63  }
0x11: {  	_ =	swait.ge [sflag:s11], $0x2800  }
0x12: {  	[sflag:s11] =	ssyncset.done $0x0  }
0x13: {  	s20 =	simm.s32 $0x40;
	s21 =	simm.s32 $0x0;
	[sflag:s11] =	ssyncadd.s32 $0xFFFFD800  }
.LBB2_2:
0x14: {  	p1 =	sne.s32 s20, $0x1FC0;
	[tilespmem:s21+$0x2800] =	vst v0;
	s21 =	smov.u32 s20;
	s20 =	sadd.s32 $0x40, s20  }
.Ltmp0:
0x15: {  	(pc) =	sbr.rel @p1 .LBB2_2-.Ltmp0, $2  }
0x16: {  	_ =	sdelay $0x2  }
0x17: {  	s21 =	sshra.s32 s21, $0x2  }
0x18: {  	[tilespmem:s21+$0x2800] =	vst v0  }
0x19: {  	[spmem:s5] =	stream.linear.scatter [tilespmem:s12], [sflag:$0x1], $0x800, $0x38;
	[tilespmem:$0x5800] =	vst v63  }
0x1a: {  	_ =	swait.ge [sflag:s11], $0x800  }
0x1b: {  	[sflag:s11] =	ssyncset.done $0x0  }
0x1c: {  	[sflag:s11] =	ssyncadd.s32 $0xFFFFF800  }
0x1d: {  	[spmem:s7] =	stream.linear.scatter [tilespmem:s12], [sflag:$0x1], $0x800, $0x38;
	[tilespmem:$0x5800] =	vst v63  }
0x1e: {  	_ =	swait.ge [sflag:s11], $0x800  }
0x1f: {  	[sflag:s11] =	ssyncset.done $0x0  }
0x20: {  	[sflag:s11] =	ssyncadd.s32 $0xFFFFF800  }
0x21: {  	[spmem:s8] =	stream.linear.scatter [tilespmem:s12], [sflag:$0x1], $0x800, $0x38;
	[tilespmem:$0x5800] =	vst v63  }
0x22: {  	_ =	swait.ge [sflag:s11], $0x800  }
0x23: {  	[sflag:s11] =	ssyncset.done $0x0  }
0x24: {  	[sflag:s11] =	ssyncadd.s32 $0xFFFFF800  }
0x25: {  	[spmem:s9] =	stream.linear.scatter [tilespmem:s12], [sflag:$0x1], $0x800, $0x38;
	[tilespmem:$0x5800] =	vst v63  }
0x26: {  	_ =	swait.ge [sflag:s11], $0x800  }
0x27: {  	[sflag:s11] =	ssyncset.done $0x0  }
0x28: {  	[sflag:s11] =	ssyncadd.s32 $0xFFFFF800  }
0x29: {  	[spmem:s10] =	stream.linear.scatter [tilespmem:s12], [sflag:$0x1], $0x800, $0x38;
	[tilespmem:$0x5800] =	vst v63  }
0x2a: {  	_ =	swait.ge [sflag:s11], $0x800  }
0x2b: {  	[sflag:s11] =	ssyncset.done $0x0  }
0x2c: {  	[sflag:s11] =	ssyncadd.s32 $0xFFFFF800  }
0x2d: {  	s20 =	simm.s32 $0x40;
	s21 =	simm.s32 $0x0;
	[bflag:$0x0] =	sbarrier.arrive $0xFFFF  }
.LBB2_4:
0x2e: {  	p1 =	sne.s32 s20, $0x1FC0;
	[tilespmem:s21+$0x2800] =	vst v1;
	s21 =	smov.u32 s20;
	s20 =	sadd.s32 $0x40, s20  }
.Ltmp1:
0x2f: {  	(pc) =	sbr.rel @p1 .LBB2_4-.Ltmp1, $2  }
0x30: {  	_ =	sdelay $0x2  }
0x31: {  	s21 =	sshra.s32 s21, $0x2  }
0x32: {  	[tilespmem:s21+$0x2800] =	vst v1;
	s20 =	simm.s32 $0x0  }
0x33: {  	[spmem:s2] =	stream.indirect.scatter.add.f32 [tilespmem:s12], [sflag:$0x1], $0x10, s20, s13, $0xb8;
	[tilespmem:$0x5800] =	vst v63  }
0x34: {  	_ =	swait.ge [sflag:s11], $0x800  }
0x35: {  	s20 =	simm.s32 $0x200;
	[sflag:s11] =	ssyncset.done $0x0  }
.LBB2_6:
0x36: {  	s21 =	sshra.s32 s20, $0x2;
	[sflag:s11] =	ssyncadd.s32 $0xFFFFF800;
	p1 =	sne.s32 s20, $0x9E00  }
0x37: {  	[spmem:s2] =	stream.indirect.scatter.add.f32 [tilespmem:s12], [sflag:$0x1], $0x10, s21, s13, $0xb8;
	[tilespmem:$0x5800] =	vst v63  }
.Ltmp2:
0x38: {  	_ = 	snop;
	(pc) =	sbr.rel @p1 .LBB2_6-.Ltmp2, $4  }
0x39: {  	_ = 	snop  }
0x3a: {  	s20 =	sadd.s32 $0x200, s20  }
0x3b: {  	_ =	swait.ge [sflag:s11], $0x800  }
0x3c: {  	[sflag:s11] =	ssyncset.done $0x0  }
0x3d: {  	[sflag:s11] =	ssyncadd.s32 $0xFFFFF800  }
0x3e: {  	s20 =	simm.s32 @p0 $0x1FC1;
	[bflag:$0x0] =	sbarrier.arrive $0xFFFF  }
0x3f: {  	[hbm:s14], [sflag:s20] =	dma.local @p0 [spmem:s15], $0x500  }
0x40: {  	s20 =	simm.s32 @p0 $0x1  }
0x41: {  	s19 =	sadd.s32 $0x1, s19;
	_ =	swait.ge @p0 [sflag:s20], $0x500  }
0x42: {  	p1 =	sne.s32 s19, s6;
	[sflag:s20] =	ssyncset.done @p0 $0x0  }
.Ltmp3:
0x43: {  	[sflag:s20] =	ssyncadd.s32 @p0 $0xFFFFFB00;
	s20 =	simm.s32 @!p0 $0x1;
	(pc) =	sbr.rel @p1 .LBB2_1-.Ltmp3, $4  }
0x44: {  	[hbm:s16], [sflag:s17] =	dma.local @!p0 [spmem:s18], $0x4E0  }
0x45: {  	_ =	swait.ge @!p0 [sflag:s20], $0x4E0  }
0x46: {  	[sflag:s20] =	ssyncset.done @!p0 $0x0  }
0x47: {  	[sflag:s20] =	ssyncadd.s32 @!p0 $0xFFFFFB20  }
0x48: {  	_ =	sfence.sel $0x180000  }
0x49: {  	[bflag:$0x0] =	sbarrier.arrive $0xFFFF  }
0x4a: {  	p0 =	sne.s32 s1, $0x0;
	_ =	strace $0x90000047  }
0x4b: {  	s0 =	sadd.s32 @!p0 $0x100000, s0;
	[bflag:$0x2] =	sbarrier.arrive $0xFFFF  }
0x4c: {  	[sflag:s0] =	ssyncadd.tile.s32 @!p0 $0x1;
	_ =	shalt  }
.Lfunc_end2:
_tile_overlayer_lowered:
.L_overlay_start_2:
0x4d: {  	(tag) =	ssettag $0x2  }
0x4e: {  	s0 =	rddreg [dreg:$0x0];
	s2 =	stileid.u32  }
0x4f: {  	s1 =	rddreg [dreg:$0x1];
	p0 =	sne.s32 s2, $0x0  }
0x50: {  	s3 =	rddreg [dreg:$0x2];
	[bflag:$0x3] =	sbarrier.arrive $0xFFFF;
	s2 =	simm.s32 @!p0 $0x1C01  }
0x51: {  	[timem:s3], [sflag:s2] =	dma.local @!p0 [hbm:s0], s1  }
0x52: {  	s0 =	simm.s32 @!p0 $0x1  }
0x53: {  	_ =	swait.ge @!p0 [sflag:s0], s1  }
0x54: {  	s1 =	ssub.s32 @!p0 $0x0, s1;
	[sflag:s0] =	ssyncset.done @!p0 $0x0  }
0x55: {  	[sflag:s0] =	ssyncadd.s32 @!p0 s1  }
0x56: {  	[bflag:$0x3] =	sbarrier.arrive $0xFFFF  }
0x57: {  	_ =	shalt  }

</sc_bundles>
